<compile_context>
chip_gen: v7x
topology: tpu7x:2x2x1
jax: 0.10.2.dev20260603
libtpu: 0.0.44.dev20260713+nightly
codegen_flags: <defaults>
</compile_context>

<pallas_src>
import functools

import jax
import jax.numpy as jnp
from jax import lax
from jax.experimental import pallas as pl
from jax.experimental.pallas import tpu as pltpu
from jax.experimental.pallas import tpu_sc as plsc

_NC, _NS = 2, 16
_NW = _NC * _NS
_CH = 128
_H = 128



def _worker_id():
    return lax.axis_index("s") * _NC + lax.axis_index("c")


def _make_node_gather(np_rows, n_chunks):
    per_w = np_rows // _NW

    @functools.partial(
        pl.kernel,
        out_type=jax.ShapeDtypeStruct((np_rows, _H), jnp.float32),
        mesh=plsc.VectorSubcoreMesh(core_axis_name="c", subcore_axis_name="s"),
        scratch_types=[
            [pltpu.VMEM((_CH,), jnp.int32)] * n_chunks,
            [pltpu.VMEM((_CH, _H), jnp.float32)] * n_chunks,
            pltpu.SemaphoreType.DMA,
        ],
    )
    def node_gather(idx_hbm, table_hbm, out_hbm, idx_vs, rows_vs, sem):
        base = _worker_id() * per_w
        for j in range(n_chunks):
            pltpu.sync_copy(idx_hbm.at[pl.ds(base + j * _CH, _CH)], idx_vs[j])
        descs = [
            pltpu.async_copy(table_hbm.at[idx_vs[j]], rows_vs[j], sem)
            for j in range(n_chunks)
        ]
        for j in range(n_chunks):
            descs[j].wait()
            pltpu.sync_copy(rows_vs[j], out_hbm.at[pl.ds(base + j * _CH, _CH)])

    return node_gather


def _make_edge_pass(nacc, ew, nn, width):
    rows_per_sub = nacc // _NS
    zero_chunks = [_CH] * (rows_per_sub // _CH)
    if rows_per_sub % _CH:
        zero_chunks.append(rows_per_sub % _CH)
    ewc = ew + _CH + 16
    trash = ew + _CH

    def edge_pass(gidx_hbm, didx_hbm, t_hbm, agg_out,
                  cg_v, cd_v, gx_v, dx_v, rows_v, agg_sh, sem):
        core = lax.axis_index("c")
        sid = lax.axis_index("s")
        w = _worker_id()

        def zero_row(i, _):
            for j in range(width // 16):
                rows_v[i, pl.ds(j * 16, 16)] = jnp.zeros((16,), jnp.float32)
            return 0

        lax.fori_loop(0, _CH, zero_row, 0)
        off = sid * rows_per_sub
        for zc in zero_chunks:
            pltpu.sync_copy(rows_v.at[pl.ds(0, zc)], agg_sh.at[pl.ds(off, zc)])
            off = off + zc

        pltpu.sync_copy(gidx_hbm.at[pl.ds(w * ew, ew)], cg_v.at[pl.ds(0, ew)])
        pltpu.sync_copy(didx_hbm.at[pl.ds(w * ew, ew)], cd_v.at[pl.ds(0, ew)])

        lanes = lax.iota(jnp.int32, 16)

        def compact(i, cnt):
            d = cd_v[pl.ds(i * 16, 16)]
            g = cg_v[pl.ds(i * 16, 16)]
            m = d < nn
            cs = plsc.cumsum(m.astype(jnp.int32))
            pos = jnp.where(m, cnt + cs - 1, trash + lanes)
            plsc.store_scatter(cd_v, [pos], d)
            plsc.store_scatter(cg_v, [pos], g)
            return cnt + jnp.max(cs)

        count = lax.fori_loop(0, ew // 16, compact, jnp.int32(0))

        for j in range(_CH // 16):
            cd_v[pl.ds(count + j * 16, 16)] = jnp.full((16,), nn, jnp.int32)
            cg_v[pl.ds(count + j * 16, 16)] = jnp.zeros((16,), jnp.int32)
        n_chunks = (count + _CH - 1) // _CH
        plsc.subcore_barrier()

        def chunk(i, _):
            for j in range(_CH // 16):
                gx_v[pl.ds(j * 16, 16)] = cg_v[pl.ds(i * _CH + j * 16, 16)]
                dx_v[pl.ds(j * 16, 16)] = cd_v[pl.ds(i * _CH + j * 16, 16)]
            pltpu.async_copy(t_hbm.at[gx_v], rows_v, sem).wait()
            pltpu.sync_copy(rows_v, agg_sh.at[dx_v], add=True)
            return 0

        lax.fori_loop(0, n_chunks, chunk, 0)
        plsc.subcore_barrier()

        off = sid * rows_per_sub
        for zc in zero_chunks:
            pltpu.sync_copy(agg_sh.at[pl.ds(off, zc)],
                            agg_out.at[core, pl.ds(off, zc)])
            off = off + zc

    return pl.kernel(
        edge_pass,
        out_type=jax.ShapeDtypeStruct((_NC, nacc, width), jnp.float32),
        mesh=plsc.VectorSubcoreMesh(core_axis_name="c", subcore_axis_name="s"),
        compiler_params=pltpu.CompilerParams(needs_layout_passes=False),
        scratch_types=[
            pltpu.VMEM((ewc,), jnp.int32),
            pltpu.VMEM((ewc,), jnp.int32),
            pltpu.VMEM((_CH,), jnp.int32),
            pltpu.VMEM((_CH,), jnp.int32),
            pltpu.VMEM((_CH, width), jnp.float32),
            pltpu.VMEM_SHARED((nacc, width), jnp.float32),
            pltpu.SemaphoreType.DMA,
        ],
    )


def _make_deg_pass(nacc, ew, nn):
    rows_per_sub = nacc // _NS
    zero_chunks = [_CH] * (rows_per_sub // _CH)
    if rows_per_sub % _CH:
        zero_chunks.append(rows_per_sub % _CH)
    ewc = ew + _CH + 16
    trash = ew + _CH

    def deg_pass(didx_hbm, deg_out, cd_v, dx_v, rows_v, deg_sh, sem):
        core = lax.axis_index("c")
        sid = lax.axis_index("s")
        w = _worker_id()

        def zero_row(i, _):
            for j in range(_H // 16):
                rows_v[i, pl.ds(j * 16, 16)] = jnp.zeros((16,), jnp.float32)
            return 0

        lax.fori_loop(0, _CH, zero_row, 0)
        off = sid * rows_per_sub
        for zc in zero_chunks:
            pltpu.sync_copy(rows_v.at[pl.ds(0, zc)], deg_sh.at[pl.ds(off, zc)])
            off = off + zc

        def ones_row(i, _):
            for j in range(_H // 16):
                rows_v[i, pl.ds(j * 16, 16)] = jnp.ones((16,), jnp.float32)
            return 0

        lax.fori_loop(0, _CH, ones_row, 0)

        pltpu.sync_copy(didx_hbm.at[pl.ds(w * ew, ew)], cd_v.at[pl.ds(0, ew)])
        lanes = lax.iota(jnp.int32, 16)

        def compact(i, cnt):
            d = cd_v[pl.ds(i * 16, 16)]
            m = d < nn
            cs = plsc.cumsum(m.astype(jnp.int32))
            pos = jnp.where(m, cnt + cs - 1, trash + lanes)
            plsc.store_scatter(cd_v, [pos], d)
            return cnt + jnp.max(cs)

        count = lax.fori_loop(0, ew // 16, compact, jnp.int32(0))
        for j in range(_CH // 16):
            cd_v[pl.ds(count + j * 16, 16)] = jnp.full((16,), nn, jnp.int32)
        n_chunks = (count + _CH - 1) // _CH
        plsc.subcore_barrier()

        def chunk(i, _):
            for j in range(_CH // 16):
                dx_v[pl.ds(j * 16, 16)] = cd_v[pl.ds(i * _CH + j * 16, 16)]
            pltpu.sync_copy(rows_v, deg_sh.at[dx_v], add=True)
            return 0

        lax.fori_loop(0, n_chunks, chunk, 0)
        plsc.subcore_barrier()

        off = sid * rows_per_sub
        for zc in zero_chunks:
            pltpu.sync_copy(deg_sh.at[pl.ds(off, zc)],
                            deg_out.at[core, pl.ds(off, zc)])
            off = off + zc

    return pl.kernel(
        deg_pass,
        out_type=jax.ShapeDtypeStruct((_NC, nacc, _H), jnp.float32),
        mesh=plsc.VectorSubcoreMesh(core_axis_name="c", subcore_axis_name="s"),
        compiler_params=pltpu.CompilerParams(needs_layout_passes=False),
        scratch_types=[
            pltpu.VMEM((ewc,), jnp.int32),
            pltpu.VMEM((_CH,), jnp.int32),
            pltpu.VMEM((_CH, _H), jnp.float32),
            pltpu.VMEM_SHARED((nacc, _H), jnp.float32),
            pltpu.SemaphoreType.DMA,
        ],
    )



_TR = 400


def _inproj_body(ce_ref, kid_ref, kemb_ref, w_ref, b_ref, o_ref):
    kk = kemb_ref.shape[0]
    oh = (kid_ref[...] == lax.broadcasted_iota(jnp.int32, (_TR, kk), 1))
    ke = jnp.dot(oh.astype(jnp.float32), kemb_ref[...],
                 preferred_element_type=jnp.float32)
    x = ce_ref[...] + ke
    o_ref[...] = lax.dot_general(
        x, w_ref[...], (((1,), (1,)), ((), ())),
        preferred_element_type=jnp.float32) + b_ref[...]


def _relmm_body(x_ref, w_ref, o_ref):
    o_ref[...] = lax.dot_general(
        x_ref[...], w_ref[0], (((1,), (1,)), ((), ())),
        preferred_element_type=jnp.float32)


def _post_body(x_ref, p0_ref, p1_ref, inv_ref, w_ref, b_ref, o_ref):
    agg = (p0_ref[...] + p1_ref[...]) * inv_ref[...]
    h = lax.dot_general(
        x_ref[...], w_ref[...], (((1,), (1,)), ((), ())),
        preferred_element_type=jnp.float32)
    o_ref[...] = jnp.maximum(h + b_ref[...] + agg, 0.0)




def kernel(pkg_node_concept_ids, pkg_node_kind_ids, pkg_node_mask,
           pkg_edge_index, pkg_edge_type, concept_embedding, kind_embedding,
           W_in, b_in, self_W, self_b, rel_W):
    B, N = pkg_node_concept_ids.shape
    H = concept_embedding.shape[1]
    L, R = rel_W.shape[0], rel_W.shape[1]
    E = pkg_edge_type.shape[0]
    NN = B * N
    NT = NN // _TR

    n_chunks_g = -(-NN // (_NW * _CH))
    NP = n_chunks_g * _NW * _CH
    cid = pkg_node_concept_ids.reshape(NN).astype(jnp.int32)
    cid = jnp.concatenate([cid, jnp.zeros((NP - NN,), jnp.int32)])
    ce = _make_node_gather(NP, n_chunks_g)(cid, concept_embedding)[:NN]

    kid = pkg_node_kind_ids.reshape(NN, 1).astype(jnp.int32)
    x = pl.pallas_call(
        _inproj_body,
        grid=(NT,),
        in_specs=[
            pl.BlockSpec((_TR, H), lambda i: (i, 0)),
            pl.BlockSpec((_TR, 1), lambda i: (i, 0)),
            pl.BlockSpec(kind_embedding.shape, lambda i: (0, 0)),
            pl.BlockSpec((H, H), lambda i: (0, 0)),
            pl.BlockSpec((1, H), lambda i: (0, 0)),
        ],
        out_specs=pl.BlockSpec((_TR, H), lambda i: (i, 0)),
        out_shape=jax.ShapeDtypeStruct((NN, H), jnp.float32),
    )(ce, kid, kind_embedding, W_in, b_in.reshape(1, H))

    src = pkg_edge_index[0].astype(jnp.int32)
    dst = pkg_edge_index[1].astype(jnp.int32)
    et = pkg_edge_type.astype(jnp.int32)
    valid = (src // N) == (dst // N)
    gidx = jnp.where(valid, et * NN + src, 0)
    didx = jnp.where(valid, dst, NN)

    n_chunks_e = -(-E // (_NW * _CH))
    EW = n_chunks_e * _CH
    EP = EW * _NW
    gidx = jnp.concatenate([gidx, jnp.zeros((EP - E,), jnp.int32)])
    didx = jnp.concatenate([didx, jnp.full((EP - E,), NN, jnp.int32)])

    NACC = 8 * _NS * (-(-(NN + 1) // (8 * _NS)))
    edge_pass = _make_edge_pass(NACC, EW, NN, H)

    degp = _make_deg_pass(NACC, EW, NN)(didx)
    deg = degp[0, :NN, 0] + degp[1, :NN, 0]
    inv = (1.0 / jnp.clip(deg, 1.0, None)).reshape(NN, 1)

    relmm = pl.pallas_call(
        _relmm_body,
        grid=(R, NT),
        in_specs=[
            pl.BlockSpec((_TR, H), lambda r, i: (i, 0)),
            pl.BlockSpec((1, H, H), lambda r, i: (r, 0, 0)),
        ],
        out_specs=pl.BlockSpec((_TR, H), lambda r, i: (r * NT + i, 0)),
        out_shape=jax.ShapeDtypeStruct((R * NN, H), jnp.float32),
    )

    post = pl.pallas_call(
        _post_body,
        grid=(NT,),
        in_specs=[
            pl.BlockSpec((_TR, H), lambda i: (i, 0)),
            pl.BlockSpec((_TR, H), lambda i: (i, 0)),
            pl.BlockSpec((_TR, H), lambda i: (i, 0)),
            pl.BlockSpec((_TR, 1), lambda i: (i, 0)),
            pl.BlockSpec((H, H), lambda i: (0, 0)),
            pl.BlockSpec((1, H), lambda i: (0, 0)),
        ],
        out_specs=pl.BlockSpec((_TR, H), lambda i: (i, 0)),
        out_shape=jax.ShapeDtypeStruct((NN, H), jnp.float32),
    )

    for l in range(L):
        t = relmm(x, rel_W[l])
        aggp = edge_pass(gidx, didx, t)
        x = post(x, aggp[0, :NN, :H], aggp[1, :NN, :H], inv,
                 self_W[l], self_b[l].reshape(1, H))

    return x.reshape(B, N, H)

# --- scband reference (transcript-rebuilt; emitter-appended) ---
"""Pipeline reference for scband-pkgencoder-72756745994394 (READ-ONLY COPY).

The authoritative reference and input builder live on the scoring server;
editing this copy changes nothing except your own understanding.
"""

import jax, jax.numpy as jnp
import numpy as np

B, N, H, V, KKIND, R, L, E = 8, 1250, 128, 100000, 8, 8, 2, 320000


def setup_inputs(seed: int = 0):
    key = jax.random.key(seed)
    ks = jax.random.split(key, 10)
    pkg_node_concept_ids = jax.random.randint(ks[0], (B, N), 0, V)
    pkg_node_kind_ids = jax.random.randint(ks[1], (B, N), 0, KKIND)
    pkg_node_mask = jnp.ones((B, N), dtype=bool)
    pkg_edge_index = jax.random.randint(ks[2], (2, E), 0, B * N)
    pkg_edge_type = jax.random.randint(ks[3], (E,), 0, R)
    concept_embedding = jax.random.normal(ks[4], (V, H), dtype=jnp.float32) * 0.02
    concept_embedding = concept_embedding.at[0].set(0.0)  # padding_idx=0
    kind_embedding = jax.random.normal(ks[5], (KKIND, H), dtype=jnp.float32) * 0.02
    W_in = jax.random.normal(ks[6], (H, H), dtype=jnp.float32) * 0.05
    b_in = jnp.zeros((H,), dtype=jnp.float32)
    self_W = jax.random.normal(ks[7], (L, H, H), dtype=jnp.float32) * 0.05
    self_b = jnp.zeros((L, H), dtype=jnp.float32)
    rel_W = jax.random.normal(ks[8], (L, R, H, H), dtype=jnp.float32) * 0.05
    return {
        "pkg_node_concept_ids": pkg_node_concept_ids,
        "pkg_node_kind_ids": pkg_node_kind_ids,
        "pkg_node_mask": pkg_node_mask,
        "pkg_edge_index": pkg_edge_index,
        "pkg_edge_type": pkg_edge_type,
        "concept_embedding": concept_embedding,
        "kind_embedding": kind_embedding,
        "W_in": W_in,
        "b_in": b_in,
        "self_W": self_W,
        "self_b": self_b,
        "rel_W": rel_W,
    }


def reference(pkg_node_concept_ids, pkg_node_kind_ids, pkg_node_mask, pkg_edge_index, pkg_edge_type, concept_embedding, kind_embedding, W_in, b_in, self_W, self_b, rel_W):
    ei = pkg_edge_index
    et = pkg_edge_type
    # embedding lookups (gathers) + input projection; dropout=0.0 -> identity
    node_embed = concept_embedding[pkg_node_concept_ids] + kind_embedding[pkg_node_kind_ids]
    node_embed = node_embed @ W_in.T + b_in
    node_embed = node_embed * pkg_node_mask[..., None].astype(node_embed.dtype)
    encoded = jnp.zeros_like(node_embed)
    num_layers = self_W.shape[0]
    num_rel = rel_W.shape[1]
    cnt = pkg_node_mask.shape[1]
    for b in range(node_embed.shape[0]):
        offset = b * cnt
        em = (ei[0] >= offset) & (ei[0] < offset + cnt) & (ei[1] >= offset) & (ei[1] < offset + cnt)
        src_all = jnp.where(em, ei[0] - offset, 0)
        dst_all = jnp.where(em, ei[1] - offset, 0)
        local = node_embed[b]
        for l in range(num_layers):
            agg = jnp.zeros_like(local)
            deg = jnp.zeros((cnt, 1), dtype=local.dtype)
            for r in range(num_rel):
                rm = em & (et == r)
                w = rm.astype(local.dtype)[:, None]
                msgs = (local[src_all] @ rel_W[l, r].T) * w
                agg = agg.at[dst_all].add(msgs)
                deg = deg.at[dst_all].add(w)
            agg = agg / jnp.clip(deg, 1.0, None)
            local = jax.nn.relu(local @ self_W[l].T + self_b[l] + agg)
        encoded = encoded.at[b].set(local)
    return encoded

if __name__ == "__main__":
    import jax
    _d = setup_inputs()
    print(jax.jit(kernel)(*tuple(_d.values())))

</pallas_src>

<mosaic_0001>
#map = affine_map<(d0, d1) -> (0)>
#map1 = affine_map<(d0, d1) -> (0, 0, 0)>
module attributes {stable_mosaic.version = 14 : i64} {
  func.func @deg_pass(%arg0: i32, %arg1: i32, %arg2: memref<323584xi32, #tpu.memory_space<hbm>>, %arg3: memref<2x10112x128xf32, #tpu.memory_space<hbm>>, %arg4: memref<10256xi32, #tpu.memory_space<vmem>>, %arg5: memref<128xi32, #tpu.memory_space<vmem>>, %arg6: memref<128x128xf32, #tpu.memory_space<vmem>>, %arg7: memref<10112x128xf32, #tpu.memory_space<vmem_shared>>, %arg8: memref<!tpu.dma_semaphore, #tpu.memory_space<semaphore_mem>>) attributes {dimension_semantics = [#tpu.dimension_semantics<core_parallel>, #tpu.dimension_semantics<subcore_parallel>], iteration_bounds = array<i64: 2, 16>, scalar_prefetch = 0 : i64, scratch_operands = 5 : i64, tpu.core_type = #tpu.core_type<sc_vector_subcore>, window_params = [{transform_indices = #map}, {transform_indices = #map1}]} {
    %mul3A = arith.constant 2 : i32
    %mul3A_0 = arith.muli %arg1, %mul3A : i32
    %add3A = arith.addi %mul3A_0, %arg0 : i32
    %scan3A = arith.constant 0 : i32
    %scan3A_1 = arith.constant 0 : i32
    %scan3A_2 = arith.constant 128 : i32
    %scan3A_3 = arith.addi %scan3A_1, %scan3A_2 : i32
    %scan3A_4 = arith.constant 1 : i32
    %scan3A_5 = scf.for %scan3A_125 = %scan3A_1 to %scan3A_3 step %scan3A_4 iter_args(%scan3A_126 = %scan3A) -> (i32)  : i32 {
      %broadcast_in_dim3A_127 = arith.constant 0.000000e+00 : f32
      %broadcast_in_dim3A_128 = vector.broadcast %broadcast_in_dim3A_127 : f32 to vector<16xf32>
      %swap3A_129 = arith.index_cast %scan3A_125 : i32 to index
      %swap3A_130 = arith.constant 0 : index
      %swap3A_131 = tpu.vector_load %arg6[%swap3A_129, %swap3A_130] {strides = array<i32>} : memref<128x128xf32, #tpu.memory_space<vmem>>, vector<16xf32>,
      tpu.vector_store %arg6[%swap3A_129, %swap3A_130], %broadcast_in_dim3A_128 {strides = array<i32>} : memref<128x128xf32, #tpu.memory_space<vmem>>, vector<16xf32>,
      %broadcast_in_dim3A_132 = arith.constant 0.000000e+00 : f32
      %broadcast_in_dim3A_133 = vector.broadcast %broadcast_in_dim3A_132 : f32 to vector<16xf32>
      %swap3A_134 = arith.index_cast %scan3A_125 : i32 to index
      %swap3A_135 = arith.constant 16 : index
      %swap3A_136 = tpu.vector_load %arg6[%swap3A_134, %swap3A_135] {strides = array<i32>} : memref<128x128xf32, #tpu.memory_space<vmem>>, vector<16xf32>,
      tpu.vector_store %arg6[%swap3A_134, %swap3A_135], %broadcast_in_dim3A_133 {strides = array<i32>} : memref<128x128xf32, #tpu.memory_space<vmem>>, vector<16xf32>,
      %broadcast_in_dim3A_137 = arith.constant 0.000000e+00 : f32
      %broadcast_in_dim3A_138 = vector.broadcast %broadcast_in_dim3A_137 : f32 to vector<16xf32>
      %swap3A_139 = arith.index_cast %scan3A_125 : i32 to index
      %swap3A_140 = arith.constant 32 : index
      %swap3A_141 = tpu.vector_load %arg6[%swap3A_139, %swap3A_140] {strides = array<i32>} : memref<128x128xf32, #tpu.memory_space<vmem>>, vector<16xf32>,
      tpu.vector_store %arg6[%swap3A_139, %swap3A_140], %broadcast_in_dim3A_138 {strides = array<i32>} : memref<128x128xf32, #tpu.memory_space<vmem>>, vector<16xf32>,
      %broadcast_in_dim3A_142 = arith.constant 0.000000e+00 : f32
      %broadcast_in_dim3A_143 = vector.broadcast %broadcast_in_dim3A_142 : f32 to vector<16xf32>
      %swap3A_144 = arith.index_cast %scan3A_125 : i32 to index
      %swap3A_145 = arith.constant 48 : index
      %swap3A_146 = tpu.vector_load %arg6[%swap3A_144, %swap3A_145] {strides = array<i32>} : memref<128x128xf32, #tpu.memory_space<vmem>>, vector<16xf32>,
      tpu.vector_store %arg6[%swap3A_144, %swap3A_145], %broadcast_in_dim3A_143 {strides = array<i32>} : memref<128x128xf32, #tpu.memory_space<vmem>>, vector<16xf32>,
      %broadcast_in_dim3A_147 = arith.constant 0.000000e+00 : f32
      %broadcast_in_dim3A_148 = vector.broadcast %broadcast_in_dim3A_147 : f32 to vector<16xf32>
      %swap3A_149 = arith.index_cast %scan3A_125 : i32 to index
      %swap3A_150 = arith.constant 64 : index
      %swap3A_151 = tpu.vector_load %arg6[%swap3A_149, %swap3A_150] {strides = array<i32>} : memref<128x128xf32, #tpu.memory_space<vmem>>, vector<16xf32>,
      tpu.vector_store %arg6[%swap3A_149, %swap3A_150], %broadcast_in_dim3A_148 {strides = array<i32>} : memref<128x128xf32, #tpu.memory_space<vmem>>, vector<16xf32>,
      %broadcast_in_dim3A_152 = arith.constant 0.000000e+00 : f32
      %broadcast_in_dim3A_153 = vector.broadcast %broadcast_in_dim3A_152 : f32 to vector<16xf32>
      %swap3A_154 = arith.index_cast %scan3A_125 : i32 to index
      %swap3A_155 = arith.constant 80 : index
      %swap3A_156 = tpu.vector_load %arg6[%swap3A_154, %swap3A_155] {strides = array<i32>} : memref<128x128xf32, #tpu.memory_space<vmem>>, vector<16xf32>,
      tpu.vector_store %arg6[%swap3A_154, %swap3A_155], %broadcast_in_dim3A_153 {strides = array<i32>} : memref<128x128xf32, #tpu.memory_space<vmem>>, vector<16xf32>,
      %broadcast_in_dim3A_157 = arith.constant 0.000000e+00 : f32
      %broadcast_in_dim3A_158 = vector.broadcast %broadcast_in_dim3A_157 : f32 to vector<16xf32>
      %swap3A_159 = arith.index_cast %scan3A_125 : i32 to index
      %swap3A_160 = arith.constant 96 : index
      %swap3A_161 = tpu.vector_load %arg6[%swap3A_159, %swap3A_160] {strides = array<i32>} : memref<128x128xf32, #tpu.memory_space<vmem>>, vector<16xf32>,
      tpu.vector_store %arg6[%swap3A_159, %swap3A_160], %broadcast_in_dim3A_158 {strides = array<i32>} : memref<128x128xf32, #tpu.memory_space<vmem>>, vector<16xf32>,
      %broadcast_in_dim3A_162 = arith.constant 0.000000e+00 : f32
      %broadcast_in_dim3A_163 = vector.broadcast %broadcast_in_dim3A_162 : f32 to vector<16xf32>
      %swap3A_164 = arith.index_cast %scan3A_125 : i32 to index
      %swap3A_165 = arith.constant 112 : index
      %swap3A_166 = tpu.vector_load %arg6[%swap3A_164, %swap3A_165] {strides = array<i32>} : memref<128x128xf32, #tpu.memory_space<vmem>>, vector<16xf32>,
      tpu.vector_store %arg6[%swap3A_164, %swap3A_165], %broadcast_in_dim3A_163 {strides = array<i32>} : memref<128x128xf32, #tpu.memory_space<vmem>>, vector<16xf32>,
      %scan3A_167 = arith.constant 0 : i32
      scf.yield %scan3A_167 : i32
    }
    %scan3A_6 = arith.constant 128 : i32
    %mul3A_7 = arith.constant 632 : i32
    %mul3A_8 = arith.muli %arg1, %mul3A_7 : i32
    "tpu.region"() ({
      %run_scoped3A = tpu.sem_alloc : memref<!tpu.dma_semaphore, #tpu.memory_space<semaphore_mem>>
      %dma_start3A = arith.constant 0 : i32
      %dma_start3A_125 = arith.constant 0 : i32
      %dma_start3A_126 = tpu.memref_slice %arg6[%dma_start3A, %dma_start3A_125] : memref<128x128xf32, #tpu.memory_space<vmem>> -> memref<128x128xf32, #tpu.memory_space<vmem>>
      %dma_start3A_127 = arith.constant 0 : i32
      %dma_start3A_128 = tpu.memref_slice %arg7[%mul3A_8, %dma_start3A_127] : memref<10112x128xf32, #tpu.memory_space<vmem_shared>> -> memref<128x128xf32, #tpu.memory_space<vmem_shared>>
      %dma_start3A_129 = arith.constant 0 : i32
      %dma_start3A_130 = tpu.memref_slice %arg7[%mul3A_8, %dma_start3A_129] : memref<10112x128xf32, #tpu.memory_space<vmem_shared>> -> memref<128x128xf32, #tpu.memory_space<vmem_shared>>
      %dma_start3A_131 = arith.constant 0 : i32
      %dma_start3A_132 = arith.constant 0 : i32
      %dma_start3A_133 = tpu.memref_slice %arg6[%dma_start3A_131, %dma_start3A_132] : memref<128x128xf32, #tpu.memory_space<vmem>> -> memref<128x128xf32, #tpu.memory_space<vmem>>
      tpu.enqueue_dma source(%dma_start3A_133 : memref<128x128xf32, #tpu.memory_space<vmem>>) target(%dma_start3A_130 : memref<128x128xf32, #tpu.memory_space<vmem_shared>>) target_semaphore(%run_scoped3A : memref<!tpu.dma_semaphore, #tpu.memory_space<semaphore_mem>>)
      %dma_wait3A = arith.constant 0 : i32
      %dma_wait3A_134 = arith.constant 0 : i32
      %dma_wait3A_135 = tpu.memref_slice %arg6[%dma_wait3A, %dma_wait3A_134] : memref<128x128xf32, #tpu.memory_space<vmem>> -> memref<128x128xf32, #tpu.memory_space<vmem>>
      %dma_wait3A_136 = arith.constant 0 : i32
      %dma_wait3A_137 = tpu.memref_slice %arg7[%mul3A_8, %dma_wait3A_136] : memref<10112x128xf32, #tpu.memory_space<vmem_shared>> -> memref<128x128xf32, #tpu.memory_space<vmem_shared>>
      %dma_wait3A_138 = arith.constant 0 : i32
      %dma_wait3A_139 = tpu.memref_slice %arg7[%mul3A_8, %dma_wait3A_138] : memref<10112x128xf32, #tpu.memory_space<vmem_shared>> -> memref<128x128xf32, #tpu.memory_space<vmem_shared>>
      %dma_wait3A_140 = arith.constant 0 : i32
      %dma_wait3A_141 = arith.constant 0 : i32
      %dma_wait3A_142 = tpu.memref_slice %arg6[%dma_wait3A_140, %dma_wait3A_141] : memref<128x128xf32, #tpu.memory_space<vmem>> -> memref<128x128xf32, #tpu.memory_space<vmem>>
      tpu.wait_dma2 semaphore(%run_scoped3A : memref<!tpu.dma_semaphore, #tpu.memory_space<semaphore_mem>>) src(%dma_wait3A_142 : memref<128x128xf32, #tpu.memory_space<vmem>>) dst(%dma_wait3A_139 : memref<128x128xf32, #tpu.memory_space<vmem_shared>>)
      tpu.yield
    }) : () -> ()
    %add3A_9 = arith.constant 128 : i32
    %add3A_10 = arith.addi %mul3A_8, %add3A_9 : i32
    "tpu.region"() ({
      %run_scoped3A = tpu.sem_alloc : memref<!tpu.dma_semaphore, #tpu.memory_space<semaphore_mem>>
      %dma_start3A = arith.constant 0 : i32
      %dma_start3A_125 = arith.constant 0 : i32
      %dma_start3A_126 = tpu.memref_slice %arg6[%dma_start3A, %dma_start3A_125] : memref<128x128xf32, #tpu.memory_space<vmem>> -> memref<128x128xf32, #tpu.memory_space<vmem>>
      %dma_start3A_127 = arith.constant 0 : i32
      %dma_start3A_128 = tpu.memref_slice %arg7[%add3A_10, %dma_start3A_127] : memref<10112x128xf32, #tpu.memory_space<vmem_shared>> -> memref<128x128xf32, #tpu.memory_space<vmem_shared>>
      %dma_start3A_129 = arith.constant 0 : i32
      %dma_start3A_130 = tpu.memref_slice %arg7[%add3A_10, %dma_start3A_129] : memref<10112x128xf32, #tpu.memory_space<vmem_shared>> -> memref<128x128xf32, #tpu.memory_space<vmem_shared>>
      %dma_start3A_131 = arith.constant 0 : i32
      %dma_start3A_132 = arith.constant 0 : i32
      %dma_start3A_133 = tpu.memref_slice %arg6[%dma_start3A_131, %dma_start3A_132] : memref<128x128xf32, #tpu.memory_space<vmem>> -> memref<128x128xf32, #tpu.memory_space<vmem>>
      tpu.enqueue_dma source(%dma_start3A_133 : memref<128x128xf32, #tpu.memory_space<vmem>>) target(%dma_start3A_130 : memref<128x128xf32, #tpu.memory_space<vmem_shared>>) target_semaphore(%run_scoped3A : memref<!tpu.dma_semaphore, #tpu.memory_space<semaphore_mem>>)
      %dma_wait3A = arith.constant 0 : i32
      %dma_wait3A_134 = arith.constant 0 : i32
      %dma_wait3A_135 = tpu.memref_slice %arg6[%dma_wait3A, %dma_wait3A_134] : memref<128x128xf32, #tpu.memory_space<vmem>> -> memref<128x128xf32, #tpu.memory_space<vmem>>
      %dma_wait3A_136 = arith.constant 0 : i32
      %dma_wait3A_137 = tpu.memref_slice %arg7[%add3A_10, %dma_wait3A_136] : memref<10112x128xf32, #tpu.memory_space<vmem_shared>> -> memref<128x128xf32, #tpu.memory_space<vmem_shared>>
      %dma_wait3A_138 = arith.constant 0 : i32
      %dma_wait3A_139 = tpu.memref_slice %arg7[%add3A_10, %dma_wait3A_138] : memref<10112x128xf32, #tpu.memory_space<vmem_shared>> -> memref<128x128xf32, #tpu.memory_space<vmem_shared>>
      %dma_wait3A_140 = arith.constant 0 : i32
      %dma_wait3A_141 = arith.constant 0 : i32
      %dma_wait3A_142 = tpu.memref_slice %arg6[%dma_wait3A_140, %dma_wait3A_141] : memref<128x128xf32, #tpu.memory_space<vmem>> -> memref<128x128xf32, #tpu.memory_space<vmem>>
      tpu.wait_dma2 semaphore(%run_scoped3A : memref<!tpu.dma_semaphore, #tpu.memory_space<semaphore_mem>>) src(%dma_wait3A_142 : memref<128x128xf32, #tpu.memory_space<vmem>>) dst(%dma_wait3A_139 : memref<128x128xf32, #tpu.memory_space<vmem_shared>>)
      tpu.yield
    }) : () -> ()
    %add3A_11 = arith.constant 128 : i32
    %add3A_12 = arith.addi %add3A_10, %add3A_11 : i32
    "tpu.region"() ({
      %run_scoped3A = tpu.sem_alloc : memref<!tpu.dma_semaphore, #tpu.memory_space<semaphore_mem>>
      %dma_start3A = arith.constant 0 : i32
      %dma_start3A_125 = arith.constant 0 : i32
      %dma_start3A_126 = tpu.memref_slice %arg6[%dma_start3A, %dma_start3A_125] : memref<128x128xf32, #tpu.memory_space<vmem>> -> memref<128x128xf32, #tpu.memory_space<vmem>>
      %dma_start3A_127 = arith.constant 0 : i32
      %dma_start3A_128 = tpu.memref_slice %arg7[%add3A_12, %dma_start3A_127] : memref<10112x128xf32, #tpu.memory_space<vmem_shared>> -> memref<128x128xf32, #tpu.memory_space<vmem_shared>>
      %dma_start3A_129 = arith.constant 0 : i32
      %dma_start3A_130 = tpu.memref_slice %arg7[%add3A_12, %dma_start3A_129] : memref<10112x128xf32, #tpu.memory_space<vmem_shared>> -> memref<128x128xf32, #tpu.memory_space<vmem_shared>>
      %dma_start3A_131 = arith.constant 0 : i32
      %dma_start3A_132 = arith.constant 0 : i32
      %dma_start3A_133 = tpu.memref_slice %arg6[%dma_start3A_131, %dma_start3A_132] : memref<128x128xf32, #tpu.memory_space<vmem>> -> memref<128x128xf32, #tpu.memory_space<vmem>>
      tpu.enqueue_dma source(%dma_start3A_133 : memref<128x128xf32, #tpu.memory_space<vmem>>) target(%dma_start3A_130 : memref<128x128xf32, #tpu.memory_space<vmem_shared>>) target_semaphore(%run_scoped3A : memref<!tpu.dma_semaphore, #tpu.memory_space<semaphore_mem>>)
      %dma_wait3A = arith.constant 0 : i32
      %dma_wait3A_134 = arith.constant 0 : i32
      %dma_wait3A_135 = tpu.memref_slice %arg6[%dma_wait3A, %dma_wait3A_134] : memref<128x128xf32, #tpu.memory_space<vmem>> -> memref<128x128xf32, #tpu.memory_space<vmem>>
      %dma_wait3A_136 = arith.constant 0 : i32
      %dma_wait3A_137 = tpu.memref_slice %arg7[%add3A_12, %dma_wait3A_136] : memref<10112x128xf32, #tpu.memory_space<vmem_shared>> -> memref<128x128xf32, #tpu.memory_space<vmem_shared>>
      %dma_wait3A_138 = arith.constant 0 : i32
      %dma_wait3A_139 = tpu.memref_slice %arg7[%add3A_12, %dma_wait3A_138] : memref<10112x128xf32, #tpu.memory_space<vmem_shared>> -> memref<128x128xf32, #tpu.memory_space<vmem_shared>>
      %dma_wait3A_140 = arith.constant 0 : i32
      %dma_wait3A_141 = arith.constant 0 : i32
      %dma_wait3A_142 = tpu.memref_slice %arg6[%dma_wait3A_140, %dma_wait3A_141] : memref<128x128xf32, #tpu.memory_space<vmem>> -> memref<128x128xf32, #tpu.memory_space<vmem>>
      tpu.wait_dma2 semaphore(%run_scoped3A : memref<!tpu.dma_semaphore, #tpu.memory_space<semaphore_mem>>) src(%dma_wait3A_142 : memref<128x128xf32, #tpu.memory_space<vmem>>) dst(%dma_wait3A_139 : memref<128x128xf32, #tpu.memory_space<vmem_shared>>)
      tpu.yield
    }) : () -> ()
    %add3A_13 = arith.constant 128 : i32
    %add3A_14 = arith.addi %add3A_12, %add3A_13 : i32
    "tpu.region"() ({
      %run_scoped3A = tpu.sem_alloc : memref<!tpu.dma_semaphore, #tpu.memory_space<semaphore_mem>>
      %dma_start3A = arith.constant 0 : i32
      %dma_start3A_125 = arith.constant 0 : i32
      %dma_start3A_126 = tpu.memref_slice %arg6[%dma_start3A, %dma_start3A_125] : memref<128x128xf32, #tpu.memory_space<vmem>> -> memref<128x128xf32, #tpu.memory_space<vmem>>
      %dma_start3A_127 = arith.constant 0 : i32
      %dma_start3A_128 = tpu.memref_slice %arg7[%add3A_14, %dma_start3A_127] : memref<10112x128xf32, #tpu.memory_space<vmem_shared>> -> memref<128x128xf32, #tpu.memory_space<vmem_shared>>
      %dma_start3A_129 = arith.constant 0 : i32
      %dma_start3A_130 = tpu.memref_slice %arg7[%add3A_14, %dma_start3A_129] : memref<10112x128xf32, #tpu.memory_space<vmem_shared>> -> memref<128x128xf32, #tpu.memory_space<vmem_shared>>
      %dma_start3A_131 = arith.constant 0 : i32
      %dma_start3A_132 = arith.constant 0 : i32
      %dma_start3A_133 = tpu.memref_slice %arg6[%dma_start3A_131, %dma_start3A_132] : memref<128x128xf32, #tpu.memory_space<vmem>> -> memref<128x128xf32, #tpu.memory_space<vmem>>
      tpu.enqueue_dma source(%dma_start3A_133 : memref<128x128xf32, #tpu.memory_space<vmem>>) target(%dma_start3A_130 : memref<128x128xf32, #tpu.memory_space<vmem_shared>>) target_semaphore(%run_scoped3A : memref<!tpu.dma_semaphore, #tpu.memory_space<semaphore_mem>>)
      %dma_wait3A = arith.constant 0 : i32
      %dma_wait3A_134 = arith.constant 0 : i32
      %dma_wait3A_135 = tpu.memref_slice %arg6[%dma_wait3A, %dma_wait3A_134] : memref<128x128xf32, #tpu.memory_space<vmem>> -> memref<128x128xf32, #tpu.memory_space<vmem>>
      %dma_wait3A_136 = arith.constant 0 : i32
      %dma_wait3A_137 = tpu.memref_slice %arg7[%add3A_14, %dma_wait3A_136] : memref<10112x128xf32, #tpu.memory_space<vmem_shared>> -> memref<128x128xf32, #tpu.memory_space<vmem_shared>>
      %dma_wait3A_138 = arith.constant 0 : i32
      %dma_wait3A_139 = tpu.memref_slice %arg7[%add3A_14, %dma_wait3A_138] : memref<10112x128xf32, #tpu.memory_space<vmem_shared>> -> memref<128x128xf32, #tpu.memory_space<vmem_shared>>
      %dma_wait3A_140 = arith.constant 0 : i32
      %dma_wait3A_141 = arith.constant 0 : i32
      %dma_wait3A_142 = tpu.memref_slice %arg6[%dma_wait3A_140, %dma_wait3A_141] : memref<128x128xf32, #tpu.memory_space<vmem>> -> memref<128x128xf32, #tpu.memory_space<vmem>>
      tpu.wait_dma2 semaphore(%run_scoped3A : memref<!tpu.dma_semaphore, #tpu.memory_space<semaphore_mem>>) src(%dma_wait3A_142 : memref<128x128xf32, #tpu.memory_space<vmem>>) dst(%dma_wait3A_139 : memref<128x128xf32, #tpu.memory_space<vmem_shared>>)
      tpu.yield
    }) : () -> ()
    %add3A_15 = arith.constant 128 : i32
    %add3A_16 = arith.addi %add3A_14, %add3A_15 : i32
    "tpu.region"() ({
      %run_scoped3A = tpu.sem_alloc : memref<!tpu.dma_semaphore, #tpu.memory_space<semaphore_mem>>
      %dma_start3A = arith.constant 0 : i32
      %dma_start3A_125 = arith.constant 0 : i32
      %dma_start3A_126 = tpu.memref_slice %arg6[%dma_start3A, %dma_start3A_125] : memref<128x128xf32, #tpu.memory_space<vmem>> -> memref<120x128xf32, #tpu.memory_space<vmem>>
      %dma_start3A_127 = arith.constant 0 : i32
      %dma_start3A_128 = tpu.memref_slice %arg7[%add3A_16, %dma_start3A_127] : memref<10112x128xf32, #tpu.memory_space<vmem_shared>> -> memref<120x128xf32, #tpu.memory_space<vmem_shared>>
      %dma_start3A_129 = arith.constant 0 : i32
      %dma_start3A_130 = tpu.memref_slice %arg7[%add3A_16, %dma_start3A_129] : memref<10112x128xf32, #tpu.memory_space<vmem_shared>> -> memref<120x128xf32, #tpu.memory_space<vmem_shared>>
      %dma_start3A_131 = arith.constant 0 : i32
      %dma_start3A_132 = arith.constant 0 : i32
      %dma_start3A_133 = tpu.memref_slice %arg6[%dma_start3A_131, %dma_start3A_132] : memref<128x128xf32, #tpu.memory_space<vmem>> -> memref<120x128xf32, #tpu.memory_space<vmem>>
      tpu.enqueue_dma source(%dma_start3A_133 : memref<120x128xf32, #tpu.memory_space<vmem>>) target(%dma_start3A_130 : memref<120x128xf32, #tpu.memory_space<vmem_shared>>) target_semaphore(%run_scoped3A : memref<!tpu.dma_semaphore, #tpu.memory_space<semaphore_mem>>)
      %dma_wait3A = arith.constant 0 : i32
      %dma_wait3A_134 = arith.constant 0 : i32
      %dma_wait3A_135 = tpu.memref_slice %arg6[%dma_wait3A, %dma_wait3A_134] : memref<128x128xf32, #tpu.memory_space<vmem>> -> memref<120x128xf32, #tpu.memory_space<vmem>>
      %dma_wait3A_136 = arith.constant 0 : i32
      %dma_wait3A_137 = tpu.memref_slice %arg7[%add3A_16, %dma_wait3A_136] : memref<10112x128xf32, #tpu.memory_space<vmem_shared>> -> memref<120x128xf32, #tpu.memory_space<vmem_shared>>
      %dma_wait3A_138 = arith.constant 0 : i32
      %dma_wait3A_139 = tpu.memref_slice %arg7[%add3A_16, %dma_wait3A_138] : memref<10112x128xf32, #tpu.memory_space<vmem_shared>> -> memref<120x128xf32, #tpu.memory_space<vmem_shared>>
      %dma_wait3A_140 = arith.constant 0 : i32
      %dma_wait3A_141 = arith.constant 0 : i32
      %dma_wait3A_142 = tpu.memref_slice %arg6[%dma_wait3A_140, %dma_wait3A_141] : memref<128x128xf32, #tpu.memory_space<vmem>> -> memref<120x128xf32, #tpu.memory_space<vmem>>
      tpu.wait_dma2 semaphore(%run_scoped3A : memref<!tpu.dma_semaphore, #tpu.memory_space<semaphore_mem>>) src(%dma_wait3A_142 : memref<120x128xf32, #tpu.memory_space<vmem>>) dst(%dma_wait3A_139 : memref<120x128xf32, #tpu.memory_space<vmem_shared>>)
      tpu.yield
    }) : () -> ()
    %add3A_17 = arith.constant 120 : i32
    %add3A_18 = arith.addi %add3A_16, %add3A_17 : i32
    %scan3A_19 = arith.constant 0 : i32
    %scan3A_20 = arith.constant 0 : i32
    %scan3A_21 = arith.constant 128 : i32
    %scan3A_22 = arith.addi %scan3A_20, %scan3A_21 : i32
    %scan3A_23 = arith.constant 1 : i32
    %scan3A_24 = scf.for %scan3A_125 = %scan3A_20 to %scan3A_22 step %scan3A_23 iter_args(%scan3A_126 = %scan3A_19) -> (i32)  : i32 {
      %broadcast_in_dim3A_127 = arith.constant 1.000000e+00 : f32
      %broadcast_in_dim3A_128 = vector.broadcast %broadcast_in_dim3A_127 : f32 to vector<16xf32>
      %swap3A_129 = arith.index_cast %scan3A_125 : i32 to index
      %swap3A_130 = arith.constant 0 : index
      %swap3A_131 = tpu.vector_load %arg6[%swap3A_129, %swap3A_130] {strides = array<i32>} : memref<128x128xf32, #tpu.memory_space<vmem>>, vector<16xf32>,
      tpu.vector_store %arg6[%swap3A_129, %swap3A_130], %broadcast_in_dim3A_128 {strides = array<i32>} : memref<128x128xf32, #tpu.memory_space<vmem>>, vector<16xf32>,
      %broadcast_in_dim3A_132 = arith.constant 1.000000e+00 : f32
      %broadcast_in_dim3A_133 = vector.broadcast %broadcast_in_dim3A_132 : f32 to vector<16xf32>
      %swap3A_134 = arith.index_cast %scan3A_125 : i32 to index
      %swap3A_135 = arith.constant 16 : index
      %swap3A_136 = tpu.vector_load %arg6[%swap3A_134, %swap3A_135] {strides = array<i32>} : memref<128x128xf32, #tpu.memory_space<vmem>>, vector<16xf32>,
      tpu.vector_store %arg6[%swap3A_134, %swap3A_135], %broadcast_in_dim3A_133 {strides = array<i32>} : memref<128x128xf32, #tpu.memory_space<vmem>>, vector<16xf32>,
      %broadcast_in_dim3A_137 = arith.constant 1.000000e+00 : f32
      %broadcast_in_dim3A_138 = vector.broadcast %broadcast_in_dim3A_137 : f32 to vector<16xf32>
      %swap3A_139 = arith.index_cast %scan3A_125 : i32 to index
      %swap3A_140 = arith.constant 32 : index
      %swap3A_141 = tpu.vector_load %arg6[%swap3A_139, %swap3A_140] {strides = array<i32>} : memref<128x128xf32, #tpu.memory_space<vmem>>, vector<16xf32>,
      tpu.vector_store %arg6[%swap3A_139, %swap3A_140], %broadcast_in_dim3A_138 {strides = array<i32>} : memref<128x128xf32, #tpu.memory_space<vmem>>, vector<16xf32>,
      %broadcast_in_dim3A_142 = arith.constant 1.000000e+00 : f32
      %broadcast_in_dim3A_143 = vector.broadcast %broadcast_in_dim3A_142 : f32 to vector<16xf32>
      %swap3A_144 = arith.index_cast %scan3A_125 : i32 to index
      %swap3A_145 = arith.constant 48 : index
      %swap3A_146 = tpu.vector_load %arg6[%swap3A_144, %swap3A_145] {strides = array<i32>} : memref<128x128xf32, #tpu.memory_space<vmem>>, vector<16xf32>,
      tpu.vector_store %arg6[%swap3A_144, %swap3A_145], %broadcast_in_dim3A_143 {strides = array<i32>} : memref<128x128xf32, #tpu.memory_space<vmem>>, vector<16xf32>,
      %broadcast_in_dim3A_147 = arith.constant 1.000000e+00 : f32
      %broadcast_in_dim3A_148 = vector.broadcast %broadcast_in_dim3A_147 : f32 to vector<16xf32>
      %swap3A_149 = arith.index_cast %scan3A_125 : i32 to index
      %swap3A_150 = arith.constant 64 : index
      %swap3A_151 = tpu.vector_load %arg6[%swap3A_149, %swap3A_150] {strides = array<i32>} : memref<128x128xf32, #tpu.memory_space<vmem>>, vector<16xf32>,
      tpu.vector_store %arg6[%swap3A_149, %swap3A_150], %broadcast_in_dim3A_148 {strides = array<i32>} : memref<128x128xf32, #tpu.memory_space<vmem>>, vector<16xf32>,
      %broadcast_in_dim3A_152 = arith.constant 1.000000e+00 : f32
      %broadcast_in_dim3A_153 = vector.broadcast %broadcast_in_dim3A_152 : f32 to vector<16xf32>
      %swap3A_154 = arith.index_cast %scan3A_125 : i32 to index
      %swap3A_155 = arith.constant 80 : index
      %swap3A_156 = tpu.vector_load %arg6[%swap3A_154, %swap3A_155] {strides = array<i32>} : memref<128x128xf32, #tpu.memory_space<vmem>>, vector<16xf32>,
      tpu.vector_store %arg6[%swap3A_154, %swap3A_155], %broadcast_in_dim3A_153 {strides = array<i32>} : memref<128x128xf32, #tpu.memory_space<vmem>>, vector<16xf32>,
      %broadcast_in_dim3A_157 = arith.constant 1.000000e+00 : f32
      %broadcast_in_dim3A_158 = vector.broadcast %broadcast_in_dim3A_157 : f32 to vector<16xf32>
      %swap3A_159 = arith.index_cast %scan3A_125 : i32 to index
      %swap3A_160 = arith.constant 96 : index
      %swap3A_161 = tpu.vector_load %arg6[%swap3A_159, %swap3A_160] {strides = array<i32>} : memref<128x128xf32, #tpu.memory_space<vmem>>, vector<16xf32>,
      tpu.vector_store %arg6[%swap3A_159, %swap3A_160], %broadcast_in_dim3A_158 {strides = array<i32>} : memref<128x128xf32, #tpu.memory_space<vmem>>, vector<16xf32>,
      %broadcast_in_dim3A_162 = arith.constant 1.000000e+00 : f32
      %broadcast_in_dim3A_163 = vector.broadcast %broadcast_in_dim3A_162 : f32 to vector<16xf32>
      %swap3A_164 = arith.index_cast %scan3A_125 : i32 to index
      %swap3A_165 = arith.constant 112 : index
      %swap3A_166 = tpu.vector_load %arg6[%swap3A_164, %swap3A_165] {strides = array<i32>} : memref<128x128xf32, #tpu.memory_space<vmem>>, vector<16xf32>,
      tpu.vector_store %arg6[%swap3A_164, %swap3A_165], %broadcast_in_dim3A_163 {strides = array<i32>} : memref<128x128xf32, #tpu.memory_space<vmem>>, vector<16xf32>,
      %scan3A_167 = arith.constant 0 : i32
      scf.yield %scan3A_167 : i32
    }
    %scan3A_25 = arith.constant 128 : i32
    %mul3A_26 = arith.constant 10112 : i32
    %mul3A_27 = arith.muli %add3A, %mul3A_26 : i32
    "tpu.region"() ({
      %run_scoped3A = tpu.sem_alloc : memref<!tpu.dma_semaphore, #tpu.memory_space<semaphore_mem>>
      %dma_start3A = arith.constant 0 : i32
      %dma_start3A_125 = tpu.memref_slice %arg4[%dma_start3A] : memref<10256xi32, #tpu.memory_space<vmem>> -> memref<10112xi32, #tpu.memory_space<vmem>>
      %dma_start3A_126 = tpu.memref_slice %arg2[%mul3A_27] : memref<323584xi32, #tpu.memory_space<hbm>> -> memref<10112xi32, #tpu.memory_space<hbm>>
      %dma_start3A_127 = arith.constant 0 : i32
      %dma_start3A_128 = tpu.memref_slice %arg4[%dma_start3A_127] : memref<10256xi32, #tpu.memory_space<vmem>> -> memref<10112xi32, #tpu.memory_space<vmem>>
      %dma_start3A_129 = tpu.memref_slice %arg2[%mul3A_27] : memref<323584xi32, #tpu.memory_space<hbm>> -> memref<10112xi32, #tpu.memory_space<hbm>>
      tpu.enqueue_dma source(%dma_start3A_129 : memref<10112xi32, #tpu.memory_space<hbm>>) target(%dma_start3A_128 : memref<10112xi32, #tpu.memory_space<vmem>>) target_semaphore(%run_scoped3A : memref<!tpu.dma_semaphore, #tpu.memory_space<semaphore_mem>>)
      %dma_wait3A = arith.constant 0 : i32
      %dma_wait3A_130 = tpu.memref_slice %arg4[%dma_wait3A] : memref<10256xi32, #tpu.memory_space<vmem>> -> memref<10112xi32, #tpu.memory_space<vmem>>
      %dma_wait3A_131 = tpu.memref_slice %arg2[%mul3A_27] : memref<323584xi32, #tpu.memory_space<hbm>> -> memref<10112xi32, #tpu.memory_space<hbm>>
      %dma_wait3A_132 = arith.constant 0 : i32
      %dma_wait3A_133 = tpu.memref_slice %arg4[%dma_wait3A_132] : memref<10256xi32, #tpu.memory_space<vmem>> -> memref<10112xi32, #tpu.memory_space<vmem>>
      %dma_wait3A_134 = tpu.memref_slice %arg2[%mul3A_27] : memref<323584xi32, #tpu.memory_space<hbm>> -> memref<10112xi32, #tpu.memory_space<hbm>>
      tpu.wait_dma2 semaphore(%run_scoped3A : memref<!tpu.dma_semaphore, #tpu.memory_space<semaphore_mem>>) src(%dma_wait3A_134 : memref<10112xi32, #tpu.memory_space<hbm>>) dst(%dma_wait3A_133 : memref<10112xi32, #tpu.memory_space<vmem>>)
      tpu.yield
    }) : () -> ()
    %iota3A = tpu.iota {dimensions = array<i32: 0>} : vector<16xi32>
    %scan3A_28 = arith.constant 0 : i32
    %scan3A_29 = arith.constant 0 : i32
    %scan3A_30 = arith.constant 632 : i32
    %scan3A_31 = arith.addi %scan3A_29, %scan3A_30 : i32
    %scan3A_32 = arith.constant 1 : i32
    %scan3A_33 = scf.for %scan3A_125 = %scan3A_29 to %scan3A_31 step %scan3A_32 iter_args(%scan3A_126 = %scan3A_28) -> (i32)  : i32 {
      %mul3A_127 = arith.constant 16 : i32
      %mul3A_128 = arith.muli %scan3A_125, %mul3A_127 : i32
      %get3A = arith.index_cast %mul3A_128 : i32 to index
      %get3A_129 = tpu.vector_load %arg4[%get3A] {strides = array<i32>} : memref<10256xi32, #tpu.memory_space<vmem>>, vector<16xi32>,
      %lt3A = arith.constant 10000 : i32
      %lt3A_130 = vector.broadcast %lt3A : i32 to vector<16xi32>
      %lt3A_131 = arith.cmpi slt, %get3A_129, %lt3A_130 : vector<16xi32>
      %convert_element_type3A = arith.extui %lt3A_131 : vector<16xi1> to vector<16xi32>
      %broadcast_in_dim3A_132 = arith.constant true
      %broadcast_in_dim3A_133 = vector.broadcast %broadcast_in_dim3A_132 : i1 to vector<16xi1>
      %masked_cumsum3A = tpu.scan <sum>, %convert_element_type3A masked %broadcast_in_dim3A_133 : vector<16xi32>, vector<16xi1> -> vector<16xi32>
      %add3A_134 = vector.broadcast %scan3A_126 : i32 to vector<16xi32>
      %add3A_135 = arith.addi %add3A_134, %masked_cumsum3A : vector<16xi32>
      %sub3A_136 = arith.constant 1 : i32
      %sub3A_137 = vector.broadcast %sub3A_136 : i32 to vector<16xi32>
      %sub3A_138 = arith.subi %add3A_135, %sub3A_137 : vector<16xi32>
      %add3A_139 = arith.constant 10240 : i32
      %add3A_140 = vector.broadcast %add3A_139 : i32 to vector<16xi32>
      %add3A_141 = arith.addi %add3A_140, %iota3A : vector<16xi32>
      %select_n3A_142 = arith.select %lt3A_131, %sub3A_138, %add3A_141 : vector<16xi1>, vector<16xi32>
      tpu.vector_store_idx %arg4[%select_n3A_142], %get3A_129 : memref<10256xi32, #tpu.memory_space<vmem>>[vector<16xi32>], vector<16xi32>,
      %reduce_max3A = arith.constant true
      %reduce_max3A_143 = vector.broadcast %reduce_max3A : i1 to vector<16xi1>
      %reduce_max3A_144 = arith.constant -2147483648 : i32
      %reduce_max3A_145 = vector.broadcast %reduce_max3A_144 : i32 to vector<16xi32>
      %reduce_max3A_146 = arith.xori %masked_cumsum3A, %reduce_max3A_145 : vector<16xi32>
      %reduce_max3A_147 = tpu.scan <max>, %reduce_max3A_146 masked %reduce_max3A_143 : vector<16xi32>, vector<16xi1> -> vector<16xi32>
      %reduce_max3A_148 = arith.xori %reduce_max3A_147, %reduce_max3A_145 : vector<16xi32>
      %reduce_max3A_149 = vector.extract %reduce_max3A_148[15] : i32 from vector<16xi32>
      %add3A_150 = arith.addi %scan3A_126, %reduce_max3A_149 : i32
      scf.yield %add3A_150 : i32
    }
    %scan3A_34 = arith.constant 632 : i32
    %broadcast_in_dim3A = arith.constant 10000 : i32
    %broadcast_in_dim3A_35 = vector.broadcast %broadcast_in_dim3A : i32 to vector<16xi32>
    %add3A_36 = arith.constant 0 : i32
    %add3A_37 = arith.addi %scan3A_33, %add3A_36 : i32
    %swap3A = arith.index_cast %add3A_37 : i32 to index
    %swap3A_38 = tpu.vector_load %arg4[%swap3A] {strides = array<i32>} : memref<10256xi32, #tpu.memory_space<vmem>>, vector<16xi32>,
    tpu.vector_store %arg4[%swap3A], %broadcast_in_dim3A_35 {strides = array<i32>} : memref<10256xi32, #tpu.memory_space<vmem>>, vector<16xi32>,
    %broadcast_in_dim3A_39 = arith.constant 10000 : i32
    %broadcast_in_dim3A_40 = vector.broadcast %broadcast_in_dim3A_39 : i32 to vector<16xi32>
    %add3A_41 = arith.constant 16 : i32
    %add3A_42 = arith.addi %scan3A_33, %add3A_41 : i32
    %swap3A_43 = arith.index_cast %add3A_42 : i32 to index
    %swap3A_44 = tpu.vector_load %arg4[%swap3A_43] {strides = array<i32>} : memref<10256xi32, #tpu.memory_space<vmem>>, vector<16xi32>,
    tpu.vector_store %arg4[%swap3A_43], %broadcast_in_dim3A_40 {strides = array<i32>} : memref<10256xi32, #tpu.memory_space<vmem>>, vector<16xi32>,
    %broadcast_in_dim3A_45 = arith.constant 10000 : i32
    %broadcast_in_dim3A_46 = vector.broadcast %broadcast_in_dim3A_45 : i32 to vector<16xi32>
    %add3A_47 = arith.constant 32 : i32
    %add3A_48 = arith.addi %scan3A_33, %add3A_47 : i32
    %swap3A_49 = arith.index_cast %add3A_48 : i32 to index
    %swap3A_50 = tpu.vector_load %arg4[%swap3A_49] {strides = array<i32>} : memref<10256xi32, #tpu.memory_space<vmem>>, vector<16xi32>,
    tpu.vector_store %arg4[%swap3A_49], %broadcast_in_dim3A_46 {strides = array<i32>} : memref<10256xi32, #tpu.memory_space<vmem>>, vector<16xi32>,
    %broadcast_in_dim3A_51 = arith.constant 10000 : i32
    %broadcast_in_dim3A_52 = vector.broadcast %broadcast_in_dim3A_51 : i32 to vector<16xi32>
    %add3A_53 = arith.constant 48 : i32
    %add3A_54 = arith.addi %scan3A_33, %add3A_53 : i32
    %swap3A_55 = arith.index_cast %add3A_54 : i32 to index
    %swap3A_56 = tpu.vector_load %arg4[%swap3A_55] {strides = array<i32>} : memref<10256xi32, #tpu.memory_space<vmem>>, vector<16xi32>,
    tpu.vector_store %arg4[%swap3A_55], %broadcast_in_dim3A_52 {strides = array<i32>} : memref<10256xi32, #tpu.memory_space<vmem>>, vector<16xi32>,
    %broadcast_in_dim3A_57 = arith.constant 10000 : i32
    %broadcast_in_dim3A_58 = vector.broadcast %broadcast_in_dim3A_57 : i32 to vector<16xi32>
    %add3A_59 = arith.constant 64 : i32
    %add3A_60 = arith.addi %scan3A_33, %add3A_59 : i32
    %swap3A_61 = arith.index_cast %add3A_60 : i32 to index
    %swap3A_62 = tpu.vector_load %arg4[%swap3A_61] {strides = array<i32>} : memref<10256xi32, #tpu.memory_space<vmem>>, vector<16xi32>,
    tpu.vector_store %arg4[%swap3A_61], %broadcast_in_dim3A_58 {strides = array<i32>} : memref<10256xi32, #tpu.memory_space<vmem>>, vector<16xi32>,
    %broadcast_in_dim3A_63 = arith.constant 10000 : i32
    %broadcast_in_dim3A_64 = vector.broadcast %broadcast_in_dim3A_63 : i32 to vector<16xi32>
    %add3A_65 = arith.constant 80 : i32
    %add3A_66 = arith.addi %scan3A_33, %add3A_65 : i32
    %swap3A_67 = arith.index_cast %add3A_66 : i32 to index
    %swap3A_68 = tpu.vector_load %arg4[%swap3A_67] {strides = array<i32>} : memref<10256xi32, #tpu.memory_space<vmem>>, vector<16xi32>,
    tpu.vector_store %arg4[%swap3A_67], %broadcast_in_dim3A_64 {strides = array<i32>} : memref<10256xi32, #tpu.memory_space<vmem>>, vector<16xi32>,
    %broadcast_in_dim3A_69 = arith.constant 10000 : i32
    %broadcast_in_dim3A_70 = vector.broadcast %broadcast_in_dim3A_69 : i32 to vector<16xi32>
    %add3A_71 = arith.constant 96 : i32
    %add3A_72 = arith.addi %scan3A_33, %add3A_71 : i32
    %swap3A_73 = arith.index_cast %add3A_72 : i32 to index
    %swap3A_74 = tpu.vector_load %arg4[%swap3A_73] {strides = array<i32>} : memref<10256xi32, #tpu.memory_space<vmem>>, vector<16xi32>,
    tpu.vector_store %arg4[%swap3A_73], %broadcast_in_dim3A_70 {strides = array<i32>} : memref<10256xi32, #tpu.memory_space<vmem>>, vector<16xi32>,
    %broadcast_in_dim3A_75 = arith.constant 10000 : i32
    %broadcast_in_dim3A_76 = vector.broadcast %broadcast_in_dim3A_75 : i32 to vector<16xi32>
    %add3A_77 = arith.constant 112 : i32
    %add3A_78 = arith.addi %scan3A_33, %add3A_77 : i32
    %swap3A_79 = arith.index_cast %add3A_78 : i32 to index
    %swap3A_80 = tpu.vector_load %arg4[%swap3A_79] {strides = array<i32>} : memref<10256xi32, #tpu.memory_space<vmem>>, vector<16xi32>,
    tpu.vector_store %arg4[%swap3A_79], %broadcast_in_dim3A_76 {strides = array<i32>} : memref<10256xi32, #tpu.memory_space<vmem>>, vector<16xi32>,
    %add3A_81 = arith.constant 128 : i32
    %add3A_82 = arith.addi %scan3A_33, %add3A_81 : i32
    %sub3A = arith.constant 1 : i32
    %sub3A_83 = arith.subi %add3A_82, %sub3A : i32
    %jit3A = arith.constant 128 : i32
    %div3A = arith.divsi %sub3A_83, %jit3A : i32
    %sign3A = arith.constant 0 : i32
    %sign3A_84 = arith.cmpi sgt, %sub3A_83, %sign3A : i32
    %sign3A_85 = arith.extui %sign3A_84 : i1 to i32
    %sign3A_86 = arith.constant 0 : i32
    %sign3A_87 = arith.cmpi slt, %sub3A_83, %sign3A_86 : i32
    %sign3A_88 = arith.extui %sign3A_87 : i1 to i32
    %sign3A_89 = arith.subi %sign3A_85, %sign3A_88 : i32
    %sign3A_90 = arith.constant 0 : i32
    %sign3A_91 = arith.cmpi sgt, %jit3A, %sign3A_90 : i32
    %sign3A_92 = arith.extui %sign3A_91 : i1 to i32
    %sign3A_93 = arith.constant 0 : i32
    %sign3A_94 = arith.cmpi slt, %jit3A, %sign3A_93 : i32
    %sign3A_95 = arith.extui %sign3A_94 : i1 to i32
    %sign3A_96 = arith.subi %sign3A_92, %sign3A_95 : i32
    %ne3A = arith.cmpi ne, %sign3A_89, %sign3A_96 : i32
    %rem3A = arith.remsi %sub3A_83, %jit3A : i32
    %ne3A_97 = arith.constant 0 : i32
    %ne3A_98 = arith.cmpi ne, %rem3A, %ne3A_97 : i32
    %and3A = arith.andi %ne3A, %ne3A_98 : i1
    %sub3A_99 = arith.constant 1 : i32
    %sub3A_100 = arith.subi %div3A, %sub3A_99 : i32
    %select_n3A = arith.select %and3A, %sub3A_100, %div3A : i32
    %barrier3A = arith.constant 0 : index
    tpu.barrier barrier_id(%barrier3A)
    %while3A = arith.constant 0 : i32
    %while3A_101 = arith.constant 0 : i32
    %while3A_102 = arith.subi %select_n3A, %while3A : i32
    %while3A_103 = arith.addi %while3A, %while3A_102 : i32
    %while3A_104 = arith.constant 1 : i32
    %while3A_105 = arith.divsi %while3A_102, %while3A_104 : i32
    %while3A_106 = arith.muli %while3A_105, %while3A_104 : i32
    %while3A_107 = arith.addi %while3A, %while3A_106 : i32
    %while3A_108 = arith.constant 1 : i32
    %while3A_109 = scf.for %while3A_125 = %while3A to %while3A_107 step %while3A_108 iter_args(%while3A_126 = %while3A_101) -> (i32)  : i32 {
      %mul3A_127 = arith.constant 128 : i32
      %mul3A_128 = arith.muli %while3A_125, %mul3A_127 : i32
      %add3A_129 = arith.constant 0 : i32
      %add3A_130 = arith.addi %mul3A_128, %add3A_129 : i32
      %get3A = arith.index_cast %add3A_130 : i32 to index
      %get3A_131 = tpu.vector_load %arg4[%get3A] {strides = array<i32>} : memref<10256xi32, #tpu.memory_space<vmem>>, vector<16xi32>,
      %swap3A_132 = arith.constant 0 : index
      %swap3A_133 = tpu.vector_load %arg5[%swap3A_132] {strides = array<i32>} : memref<128xi32, #tpu.memory_space<vmem>>, vector<16xi32>,
      tpu.vector_store %arg5[%swap3A_132], %get3A_131 {strides = array<i32>} : memref<128xi32, #tpu.memory_space<vmem>>, vector<16xi32>,
      %mul3A_134 = arith.constant 128 : i32
      %mul3A_135 = arith.muli %while3A_125, %mul3A_134 : i32
      %add3A_136 = arith.constant 16 : i32
      %add3A_137 = arith.addi %mul3A_135, %add3A_136 : i32
      %get3A_138 = arith.index_cast %add3A_137 : i32 to index
      %get3A_139 = tpu.vector_load %arg4[%get3A_138] {strides = array<i32>} : memref<10256xi32, #tpu.memory_space<vmem>>, vector<16xi32>,
      %swap3A_140 = arith.constant 16 : index
      %swap3A_141 = tpu.vector_load %arg5[%swap3A_140] {strides = array<i32>} : memref<128xi32, #tpu.memory_space<vmem>>, vector<16xi32>,
      tpu.vector_store %arg5[%swap3A_140], %get3A_139 {strides = array<i32>} : memref<128xi32, #tpu.memory_space<vmem>>, vector<16xi32>,
      %mul3A_142 = arith.constant 128 : i32
      %mul3A_143 = arith.muli %while3A_125, %mul3A_142 : i32
      %add3A_144 = arith.constant 32 : i32
      %add3A_145 = arith.addi %mul3A_143, %add3A_144 : i32
      %get3A_146 = arith.index_cast %add3A_145 : i32 to index
      %get3A_147 = tpu.vector_load %arg4[%get3A_146] {strides = array<i32>} : memref<10256xi32, #tpu.memory_space<vmem>>, vector<16xi32>,
      %swap3A_148 = arith.constant 32 : index
      %swap3A_149 = tpu.vector_load %arg5[%swap3A_148] {strides = array<i32>} : memref<128xi32, #tpu.memory_space<vmem>>, vector<16xi32>,
      tpu.vector_store %arg5[%swap3A_148], %get3A_147 {strides = array<i32>} : memref<128xi32, #tpu.memory_space<vmem>>, vector<16xi32>,
      %mul3A_150 = arith.constant 128 : i32
      %mul3A_151 = arith.muli %while3A_125, %mul3A_150 : i32
      %add3A_152 = arith.constant 48 : i32
      %add3A_153 = arith.addi %mul3A_151, %add3A_152 : i32
      %get3A_154 = arith.index_cast %add3A_153 : i32 to index
      %get3A_155 = tpu.vector_load %arg4[%get3A_154] {strides = array<i32>} : memref<10256xi32, #tpu.memory_space<vmem>>, vector<16xi32>,
      %swap3A_156 = arith.constant 48 : index
      %swap3A_157 = tpu.vector_load %arg5[%swap3A_156] {strides = array<i32>} : memref<128xi32, #tpu.memory_space<vmem>>, vector<16xi32>,
      tpu.vector_store %arg5[%swap3A_156], %get3A_155 {strides = array<i32>} : memref<128xi32, #tpu.memory_space<vmem>>, vector<16xi32>,
      %mul3A_158 = arith.constant 128 : i32
      %mul3A_159 = arith.muli %while3A_125, %mul3A_158 : i32
      %add3A_160 = arith.constant 64 : i32
      %add3A_161 = arith.addi %mul3A_159, %add3A_160 : i32
      %get3A_162 = arith.index_cast %add3A_161 : i32 to index
      %get3A_163 = tpu.vector_load %arg4[%get3A_162] {strides = array<i32>} : memref<10256xi32, #tpu.memory_space<vmem>>, vector<16xi32>,
      %swap3A_164 = arith.constant 64 : index
      %swap3A_165 = tpu.vector_load %arg5[%swap3A_164] {strides = array<i32>} : memref<128xi32, #tpu.memory_space<vmem>>, vector<16xi32>,
      tpu.vector_store %arg5[%swap3A_164], %get3A_163 {strides = array<i32>} : memref<128xi32, #tpu.memory_space<vmem>>, vector<16xi32>,
      %mul3A_166 = arith.constant 128 : i32
      %mul3A_167 = arith.muli %while3A_125, %mul3A_166 : i32
      %add3A_168 = arith.constant 80 : i32
      %add3A_169 = arith.addi %mul3A_167, %add3A_168 : i32
      %get3A_170 = arith.index_cast %add3A_169 : i32 to index
      %get3A_171 = tpu.vector_load %arg4[%get3A_170] {strides = array<i32>} : memref<10256xi32, #tpu.memory_space<vmem>>, vector<16xi32>,
      %swap3A_172 = arith.constant 80 : index
      %swap3A_173 = tpu.vector_load %arg5[%swap3A_172] {strides = array<i32>} : memref<128xi32, #tpu.memory_space<vmem>>, vector<16xi32>,
      tpu.vector_store %arg5[%swap3A_172], %get3A_171 {strides = array<i32>} : memref<128xi32, #tpu.memory_space<vmem>>, vector<16xi32>,
      %mul3A_174 = arith.constant 128 : i32
      %mul3A_175 = arith.muli %while3A_125, %mul3A_174 : i32
      %add3A_176 = arith.constant 96 : i32
      %add3A_177 = arith.addi %mul3A_175, %add3A_176 : i32
      %get3A_178 = arith.index_cast %add3A_177 : i32 to index
      %get3A_179 = tpu.vector_load %arg4[%get3A_178] {strides = array<i32>} : memref<10256xi32, #tpu.memory_space<vmem>>, vector<16xi32>,
      %swap3A_180 = arith.constant 96 : index
      %swap3A_181 = tpu.vector_load %arg5[%swap3A_180] {strides = array<i32>} : memref<128xi32, #tpu.memory_space<vmem>>, vector<16xi32>,
      tpu.vector_store %arg5[%swap3A_180], %get3A_179 {strides = array<i32>} : memref<128xi32, #tpu.memory_space<vmem>>, vector<16xi32>,
      %mul3A_182 = arith.constant 128 : i32
      %mul3A_183 = arith.muli %while3A_125, %mul3A_182 : i32
      %add3A_184 = arith.constant 112 : i32
      %add3A_185 = arith.addi %mul3A_183, %add3A_184 : i32
      %get3A_186 = arith.index_cast %add3A_185 : i32 to index
      %get3A_187 = tpu.vector_load %arg4[%get3A_186] {strides = array<i32>} : memref<10256xi32, #tpu.memory_space<vmem>>, vector<16xi32>,
      %swap3A_188 = arith.constant 112 : index
      %swap3A_189 = tpu.vector_load %arg5[%swap3A_188] {strides = array<i32>} : memref<128xi32, #tpu.memory_space<vmem>>, vector<16xi32>,
      tpu.vector_store %arg5[%swap3A_188], %get3A_187 {strides = array<i32>} : memref<128xi32, #tpu.memory_space<vmem>>, vector<16xi32>,
      "tpu.region"() ({
        %run_scoped3A = tpu.sem_alloc : memref<!tpu.dma_semaphore, #tpu.memory_space<semaphore_mem>>
        %dma_start3A = arith.constant 0 : i32
        %dma_start3A_191 = arith.constant 0 : i32
        %dma_start3A_192 = tpu.memref_slice %arg7[%dma_start3A, %dma_start3A_191] : memref<10112x128xf32, #tpu.memory_space<vmem_shared>> -> memref<10112x128xf32, #tpu.memory_space<vmem_shared>>
        tpu.enqueue_indirect_dma source(%arg6 : memref<128x128xf32, #tpu.memory_space<vmem>>) target(%dma_start3A_192 : memref<10112x128xf32, #tpu.memory_space<vmem_shared>>) offsets(%arg5 : memref<128xi32, #tpu.memory_space<vmem>>) semaphore(%run_scoped3A : memref<!tpu.dma_semaphore, #tpu.memory_space<semaphore_mem>>) {add = true}
        %dma_wait3A = arith.constant 0 : i32
        %dma_wait3A_193 = arith.constant 0 : i32
        %dma_wait3A_194 = tpu.memref_slice %arg7[%dma_wait3A, %dma_wait3A_193] : memref<10112x128xf32, #tpu.memory_space<vmem_shared>> -> memref<10112x128xf32, #tpu.memory_space<vmem_shared>>
        tpu.wait_indirect_dma semaphore(%run_scoped3A : memref<!tpu.dma_semaphore, #tpu.memory_space<semaphore_mem>>) src(%arg6 : memref<128x128xf32, #tpu.memory_space<vmem>>) dst(%dma_wait3A_194 : memref<10112x128xf32, #tpu.memory_space<vmem_shared>>)
        tpu.yield
      }) : () -> ()
      %while3A_190 = arith.constant 0 : i32
      scf.yield %while3A_190 : i32
    }
    %while3A_110 = arith.constant 1 : i32
    %while3A_111 = scf.for %while3A_125 = %while3A_107 to %while3A_103 step %while3A_110 iter_args(%while3A_126 = %while3A_109) -> (i32)  : i32 {
      %mul3A_127 = arith.constant 128 : i32
      %mul3A_128 = arith.muli %while3A_125, %mul3A_127 : i32
      %add3A_129 = arith.constant 0 : i32
      %add3A_130 = arith.addi %mul3A_128, %add3A_129 : i32
      %get3A = arith.index_cast %add3A_130 : i32 to index
      %get3A_131 = tpu.vector_load %arg4[%get3A] {strides = array<i32>} : memref<10256xi32, #tpu.memory_space<vmem>>, vector<16xi32>,
      %swap3A_132 = arith.constant 0 : index
      %swap3A_133 = tpu.vector_load %arg5[%swap3A_132] {strides = array<i32>} : memref<128xi32, #tpu.memory_space<vmem>>, vector<16xi32>,
      tpu.vector_store %arg5[%swap3A_132], %get3A_131 {strides = array<i32>} : memref<128xi32, #tpu.memory_space<vmem>>, vector<16xi32>,
      %mul3A_134 = arith.constant 128 : i32
      %mul3A_135 = arith.muli %while3A_125, %mul3A_134 : i32
      %add3A_136 = arith.constant 16 : i32
      %add3A_137 = arith.addi %mul3A_135, %add3A_136 : i32
      %get3A_138 = arith.index_cast %add3A_137 : i32 to index
      %get3A_139 = tpu.vector_load %arg4[%get3A_138] {strides = array<i32>} : memref<10256xi32, #tpu.memory_space<vmem>>, vector<16xi32>,
      %swap3A_140 = arith.constant 16 : index
      %swap3A_141 = tpu.vector_load %arg5[%swap3A_140] {strides = array<i32>} : memref<128xi32, #tpu.memory_space<vmem>>, vector<16xi32>,
      tpu.vector_store %arg5[%swap3A_140], %get3A_139 {strides = array<i32>} : memref<128xi32, #tpu.memory_space<vmem>>, vector<16xi32>,
      %mul3A_142 = arith.constant 128 : i32
      %mul3A_143 = arith.muli %while3A_125, %mul3A_142 : i32
      %add3A_144 = arith.constant 32 : i32
      %add3A_145 = arith.addi %mul3A_143, %add3A_144 : i32
      %get3A_146 = arith.index_cast %add3A_145 : i32 to index
      %get3A_147 = tpu.vector_load %arg4[%get3A_146] {strides = array<i32>} : memref<10256xi32, #tpu.memory_space<vmem>>, vector<16xi32>,
      %swap3A_148 = arith.constant 32 : index
      %swap3A_149 = tpu.vector_load %arg5[%swap3A_148] {strides = array<i32>} : memref<128xi32, #tpu.memory_space<vmem>>, vector<16xi32>,
      tpu.vector_store %arg5[%swap3A_148], %get3A_147 {strides = array<i32>} : memref<128xi32, #tpu.memory_space<vmem>>, vector<16xi32>,
      %mul3A_150 = arith.constant 128 : i32
      %mul3A_151 = arith.muli %while3A_125, %mul3A_150 : i32
      %add3A_152 = arith.constant 48 : i32
      %add3A_153 = arith.addi %mul3A_151, %add3A_152 : i32
      %get3A_154 = arith.index_cast %add3A_153 : i32 to index
      %get3A_155 = tpu.vector_load %arg4[%get3A_154] {strides = array<i32>} : memref<10256xi32, #tpu.memory_space<vmem>>, vector<16xi32>,
      %swap3A_156 = arith.constant 48 : index
      %swap3A_157 = tpu.vector_load %arg5[%swap3A_156] {strides = array<i32>} : memref<128xi32, #tpu.memory_space<vmem>>, vector<16xi32>,
      tpu.vector_store %arg5[%swap3A_156], %get3A_155 {strides = array<i32>} : memref<128xi32, #tpu.memory_space<vmem>>, vector<16xi32>,
      %mul3A_158 = arith.constant 128 : i32
      %mul3A_159 = arith.muli %while3A_125, %mul3A_158 : i32
      %add3A_160 = arith.constant 64 : i32
      %add3A_161 = arith.addi %mul3A_159, %add3A_160 : i32
      %get3A_162 = arith.index_cast %add3A_161 : i32 to index
      %get3A_163 = tpu.vector_load %arg4[%get3A_162] {strides = array<i32>} : memref<10256xi32, #tpu.memory_space<vmem>>, vector<16xi32>,
      %swap3A_164 = arith.constant 64 : index
      %swap3A_165 = tpu.vector_load %arg5[%swap3A_164] {strides = array<i32>} : memref<128xi32, #tpu.memory_space<vmem>>, vector<16xi32>,
      tpu.vector_store %arg5[%swap3A_164], %get3A_163 {strides = array<i32>} : memref<128xi32, #tpu.memory_space<vmem>>, vector<16xi32>,
      %mul3A_166 = arith.constant 128 : i32
      %mul3A_167 = arith.muli %while3A_125, %mul3A_166 : i32
      %add3A_168 = arith.constant 80 : i32
      %add3A_169 = arith.addi %mul3A_167, %add3A_168 : i32
      %get3A_170 = arith.index_cast %add3A_169 : i32 to index
      %get3A_171 = tpu.vector_load %arg4[%get3A_170] {strides = array<i32>} : memref<10256xi32, #tpu.memory_space<vmem>>, vector<16xi32>,
      %swap3A_172 = arith.constant 80 : index
      %swap3A_173 = tpu.vector_load %arg5[%swap3A_172] {strides = array<i32>} : memref<128xi32, #tpu.memory_space<vmem>>, vector<16xi32>,
      tpu.vector_store %arg5[%swap3A_172], %get3A_171 {strides = array<i32>} : memref<128xi32, #tpu.memory_space<vmem>>, vector<16xi32>,
      %mul3A_174 = arith.constant 128 : i32
      %mul3A_175 = arith.muli %while3A_125, %mul3A_174 : i32
      %add3A_176 = arith.constant 96 : i32
      %add3A_177 = arith.addi %mul3A_175, %add3A_176 : i32
      %get3A_178 = arith.index_cast %add3A_177 : i32 to index
      %get3A_179 = tpu.vector_load %arg4[%get3A_178] {strides = array<i32>} : memref<10256xi32, #tpu.memory_space<vmem>>, vector<16xi32>,
      %swap3A_180 = arith.constant 96 : index
      %swap3A_181 = tpu.vector_load %arg5[%swap3A_180] {strides = array<i32>} : memref<128xi32, #tpu.memory_space<vmem>>, vector<16xi32>,
      tpu.vector_store %arg5[%swap3A_180], %get3A_179 {strides = array<i32>} : memref<128xi32, #tpu.memory_space<vmem>>, vector<16xi32>,
      %mul3A_182 = arith.constant 128 : i32
      %mul3A_183 = arith.muli %while3A_125, %mul3A_182 : i32
      %add3A_184 = arith.constant 112 : i32
      %add3A_185 = arith.addi %mul3A_183, %add3A_184 : i32
      %get3A_186 = arith.index_cast %add3A_185 : i32 to index
      %get3A_187 = tpu.vector_load %arg4[%get3A_186] {strides = array<i32>} : memref<10256xi32, #tpu.memory_space<vmem>>, vector<16xi32>,
      %swap3A_188 = arith.constant 112 : index
      %swap3A_189 = tpu.vector_load %arg5[%swap3A_188] {strides = array<i32>} : memref<128xi32, #tpu.memory_space<vmem>>, vector<16xi32>,
      tpu.vector_store %arg5[%swap3A_188], %get3A_187 {strides = array<i32>} : memref<128xi32, #tpu.memory_space<vmem>>, vector<16xi32>,
      "tpu.region"() ({
        %run_scoped3A = tpu.sem_alloc : memref<!tpu.dma_semaphore, #tpu.memory_space<semaphore_mem>>
        %dma_start3A = arith.constant 0 : i32
        %dma_start3A_191 = arith.constant 0 : i32
        %dma_start3A_192 = tpu.memref_slice %arg7[%dma_start3A, %dma_start3A_191] : memref<10112x128xf32, #tpu.memory_space<vmem_shared>> -> memref<10112x128xf32, #tpu.memory_space<vmem_shared>>
        tpu.enqueue_indirect_dma source(%arg6 : memref<128x128xf32, #tpu.memory_space<vmem>>) target(%dma_start3A_192 : memref<10112x128xf32, #tpu.memory_space<vmem_shared>>) offsets(%arg5 : memref<128xi32, #tpu.memory_space<vmem>>) semaphore(%run_scoped3A : memref<!tpu.dma_semaphore, #tpu.memory_space<semaphore_mem>>) {add = true}
        %dma_wait3A = arith.constant 0 : i32
        %dma_wait3A_193 = arith.constant 0 : i32
        %dma_wait3A_194 = tpu.memref_slice %arg7[%dma_wait3A, %dma_wait3A_193] : memref<10112x128xf32, #tpu.memory_space<vmem_shared>> -> memref<10112x128xf32, #tpu.memory_space<vmem_shared>>
        tpu.wait_indirect_dma semaphore(%run_scoped3A : memref<!tpu.dma_semaphore, #tpu.memory_space<semaphore_mem>>) src(%arg6 : memref<128x128xf32, #tpu.memory_space<vmem>>) dst(%dma_wait3A_194 : memref<10112x128xf32, #tpu.memory_space<vmem_shared>>)
        tpu.yield
      }) : () -> ()
      %while3A_190 = arith.constant 0 : i32
      scf.yield %while3A_190 : i32
    }
    %barrier3A_112 = arith.constant 0 : index
    tpu.barrier barrier_id(%barrier3A_112)
    %mul3A_113 = arith.constant 632 : i32
    %mul3A_114 = arith.muli %arg1, %mul3A_113 : i32
    "tpu.region"() ({
      %run_scoped3A = tpu.sem_alloc : memref<!tpu.dma_semaphore, #tpu.memory_space<semaphore_mem>>
      %dma_start3A = arith.constant 0 : i32
      %dma_start3A_125 = tpu.memref_slice %arg3[%arg0, %mul3A_114, %dma_start3A] : memref<2x10112x128xf32, #tpu.memory_space<hbm>> -> memref<1x128x128xf32, #tpu.memory_space<hbm>>
      %dma_start3A_126 = tpu.memref_squeeze %dma_start3A_125 : memref<1x128x128xf32, #tpu.memory_space<hbm>> -> memref<128x128xf32, #tpu.memory_space<hbm>>
      %dma_start3A_127 = arith.constant 0 : i32
      %dma_start3A_128 = tpu.memref_slice %arg7[%mul3A_114, %dma_start3A_127] : memref<10112x128xf32, #tpu.memory_space<vmem_shared>> -> memref<128x128xf32, #tpu.memory_space<vmem_shared>>
      tpu.enqueue_dma source(%dma_start3A_128 : memref<128x128xf32, #tpu.memory_space<vmem_shared>>) target(%dma_start3A_126 : memref<128x128xf32, #tpu.memory_space<hbm>>) target_semaphore(%run_scoped3A : memref<!tpu.dma_semaphore, #tpu.memory_space<semaphore_mem>>)
      %dma_wait3A = arith.constant 0 : i32
      %dma_wait3A_129 = tpu.memref_slice %arg3[%arg0, %mul3A_114, %dma_wait3A] : memref<2x10112x128xf32, #tpu.memory_space<hbm>> -> memref<1x128x128xf32, #tpu.memory_space<hbm>>
      %dma_wait3A_130 = tpu.memref_squeeze %dma_wait3A_129 : memref<1x128x128xf32, #tpu.memory_space<hbm>> -> memref<128x128xf32, #tpu.memory_space<hbm>>
      %dma_wait3A_131 = arith.constant 0 : i32
      %dma_wait3A_132 = tpu.memref_slice %arg7[%mul3A_114, %dma_wait3A_131] : memref<10112x128xf32, #tpu.memory_space<vmem_shared>> -> memref<128x128xf32, #tpu.memory_space<vmem_shared>>
      tpu.wait_dma2 semaphore(%run_scoped3A : memref<!tpu.dma_semaphore, #tpu.memory_space<semaphore_mem>>) src(%dma_wait3A_132 : memref<128x128xf32, #tpu.memory_space<vmem_shared>>) dst(%dma_wait3A_130 : memref<128x128xf32, #tpu.memory_space<hbm>>)
      tpu.yield
    }) : () -> ()
    %add3A_115 = arith.constant 128 : i32
    %add3A_116 = arith.addi %mul3A_114, %add3A_115 : i32
    "tpu.region"() ({
      %run_scoped3A = tpu.sem_alloc : memref<!tpu.dma_semaphore, #tpu.memory_space<semaphore_mem>>
      %dma_start3A = arith.constant 0 : i32
      %dma_start3A_125 = tpu.memref_slice %arg3[%arg0, %add3A_116, %dma_start3A] : memref<2x10112x128xf32, #tpu.memory_space<hbm>> -> memref<1x128x128xf32, #tpu.memory_space<hbm>>
      %dma_start3A_126 = tpu.memref_squeeze %dma_start3A_125 : memref<1x128x128xf32, #tpu.memory_space<hbm>> -> memref<128x128xf32, #tpu.memory_space<hbm>>
      %dma_start3A_127 = arith.constant 0 : i32
      %dma_start3A_128 = tpu.memref_slice %arg7[%add3A_116, %dma_start3A_127] : memref<10112x128xf32, #tpu.memory_space<vmem_shared>> -> memref<128x128xf32, #tpu.memory_space<vmem_shared>>
      tpu.enqueue_dma source(%dma_start3A_128 : memref<128x128xf32, #tpu.memory_space<vmem_shared>>) target(%dma_start3A_126 : memref<128x128xf32, #tpu.memory_space<hbm>>) target_semaphore(%run_scoped3A : memref<!tpu.dma_semaphore, #tpu.memory_space<semaphore_mem>>)
      %dma_wait3A = arith.constant 0 : i32
      %dma_wait3A_129 = tpu.memref_slice %arg3[%arg0, %add3A_116, %dma_wait3A] : memref<2x10112x128xf32, #tpu.memory_space<hbm>> -> memref<1x128x128xf32, #tpu.memory_space<hbm>>
      %dma_wait3A_130 = tpu.memref_squeeze %dma_wait3A_129 : memref<1x128x128xf32, #tpu.memory_space<hbm>> -> memref<128x128xf32, #tpu.memory_space<hbm>>
      %dma_wait3A_131 = arith.constant 0 : i32
      %dma_wait3A_132 = tpu.memref_slice %arg7[%add3A_116, %dma_wait3A_131] : memref<10112x128xf32, #tpu.memory_space<vmem_shared>> -> memref<128x128xf32, #tpu.memory_space<vmem_shared>>
      tpu.wait_dma2 semaphore(%run_scoped3A : memref<!tpu.dma_semaphore, #tpu.memory_space<semaphore_mem>>) src(%dma_wait3A_132 : memref<128x128xf32, #tpu.memory_space<vmem_shared>>) dst(%dma_wait3A_130 : memref<128x128xf32, #tpu.memory_space<hbm>>)
      tpu.yield
    }) : () -> ()
    %add3A_117 = arith.constant 128 : i32
    %add3A_118 = arith.addi %add3A_116, %add3A_117 : i32
    "tpu.region"() ({
      %run_scoped3A = tpu.sem_alloc : memref<!tpu.dma_semaphore, #tpu.memory_space<semaphore_mem>>
      %dma_start3A = arith.constant 0 : i32
      %dma_start3A_125 = tpu.memref_slice %arg3[%arg0, %add3A_118, %dma_start3A] : memref<2x10112x128xf32, #tpu.memory_space<hbm>> -> memref<1x128x128xf32, #tpu.memory_space<hbm>>
      %dma_start3A_126 = tpu.memref_squeeze %dma_start3A_125 : memref<1x128x128xf32, #tpu.memory_space<hbm>> -> memref<128x128xf32, #tpu.memory_space<hbm>>
      %dma_start3A_127 = arith.constant 0 : i32
      %dma_start3A_128 = tpu.memref_slice %arg7[%add3A_118, %dma_start3A_127] : memref<10112x128xf32, #tpu.memory_space<vmem_shared>> -> memref<128x128xf32, #tpu.memory_space<vmem_shared>>
      tpu.enqueue_dma source(%dma_start3A_128 : memref<128x128xf32, #tpu.memory_space<vmem_shared>>) target(%dma_start3A_126 : memref<128x128xf32, #tpu.memory_space<hbm>>) target_semaphore(%run_scoped3A : memref<!tpu.dma_semaphore, #tpu.memory_space<semaphore_mem>>)
      %dma_wait3A = arith.constant 0 : i32
      %dma_wait3A_129 = tpu.memref_slice %arg3[%arg0, %add3A_118, %dma_wait3A] : memref<2x10112x128xf32, #tpu.memory_space<hbm>> -> memref<1x128x128xf32, #tpu.memory_space<hbm>>
      %dma_wait3A_130 = tpu.memref_squeeze %dma_wait3A_129 : memref<1x128x128xf32, #tpu.memory_space<hbm>> -> memref<128x128xf32, #tpu.memory_space<hbm>>
      %dma_wait3A_131 = arith.constant 0 : i32
      %dma_wait3A_132 = tpu.memref_slice %arg7[%add3A_118, %dma_wait3A_131] : memref<10112x128xf32, #tpu.memory_space<vmem_shared>> -> memref<128x128xf32, #tpu.memory_space<vmem_shared>>
      tpu.wait_dma2 semaphore(%run_scoped3A : memref<!tpu.dma_semaphore, #tpu.memory_space<semaphore_mem>>) src(%dma_wait3A_132 : memref<128x128xf32, #tpu.memory_space<vmem_shared>>) dst(%dma_wait3A_130 : memref<128x128xf32, #tpu.memory_space<hbm>>)
      tpu.yield
    }) : () -> ()
    %add3A_119 = arith.constant 128 : i32
    %add3A_120 = arith.addi %add3A_118, %add3A_119 : i32
    "tpu.region"() ({
      %run_scoped3A = tpu.sem_alloc : memref<!tpu.dma_semaphore, #tpu.memory_space<semaphore_mem>>
      %dma_start3A = arith.constant 0 : i32
      %dma_start3A_125 = tpu.memref_slice %arg3[%arg0, %add3A_120, %dma_start3A] : memref<2x10112x128xf32, #tpu.memory_space<hbm>> -> memref<1x128x128xf32, #tpu.memory_space<hbm>>
      %dma_start3A_126 = tpu.memref_squeeze %dma_start3A_125 : memref<1x128x128xf32, #tpu.memory_space<hbm>> -> memref<128x128xf32, #tpu.memory_space<hbm>>
      %dma_start3A_127 = arith.constant 0 : i32
      %dma_start3A_128 = tpu.memref_slice %arg7[%add3A_120, %dma_start3A_127] : memref<10112x128xf32, #tpu.memory_space<vmem_shared>> -> memref<128x128xf32, #tpu.memory_space<vmem_shared>>
      tpu.enqueue_dma source(%dma_start3A_128 : memref<128x128xf32, #tpu.memory_space<vmem_shared>>) target(%dma_start3A_126 : memref<128x128xf32, #tpu.memory_space<hbm>>) target_semaphore(%run_scoped3A : memref<!tpu.dma_semaphore, #tpu.memory_space<semaphore_mem>>)
      %dma_wait3A = arith.constant 0 : i32
      %dma_wait3A_129 = tpu.memref_slice %arg3[%arg0, %add3A_120, %dma_wait3A] : memref<2x10112x128xf32, #tpu.memory_space<hbm>> -> memref<1x128x128xf32, #tpu.memory_space<hbm>>
      %dma_wait3A_130 = tpu.memref_squeeze %dma_wait3A_129 : memref<1x128x128xf32, #tpu.memory_space<hbm>> -> memref<128x128xf32, #tpu.memory_space<hbm>>
      %dma_wait3A_131 = arith.constant 0 : i32
      %dma_wait3A_132 = tpu.memref_slice %arg7[%add3A_120, %dma_wait3A_131] : memref<10112x128xf32, #tpu.memory_space<vmem_shared>> -> memref<128x128xf32, #tpu.memory_space<vmem_shared>>
      tpu.wait_dma2 semaphore(%run_scoped3A : memref<!tpu.dma_semaphore, #tpu.memory_space<semaphore_mem>>) src(%dma_wait3A_132 : memref<128x128xf32, #tpu.memory_space<vmem_shared>>) dst(%dma_wait3A_130 : memref<128x128xf32, #tpu.memory_space<hbm>>)
      tpu.yield
    }) : () -> ()
    %add3A_121 = arith.constant 128 : i32
    %add3A_122 = arith.addi %add3A_120, %add3A_121 : i32
    "tpu.region"() ({
      %run_scoped3A = tpu.sem_alloc : memref<!tpu.dma_semaphore, #tpu.memory_space<semaphore_mem>>
      %dma_start3A = arith.constant 0 : i32
      %dma_start3A_125 = tpu.memref_slice %arg3[%arg0, %add3A_122, %dma_start3A] : memref<2x10112x128xf32, #tpu.memory_space<hbm>> -> memref<1x120x128xf32, #tpu.memory_space<hbm>>
      %dma_start3A_126 = tpu.memref_squeeze %dma_start3A_125 : memref<1x120x128xf32, #tpu.memory_space<hbm>> -> memref<120x128xf32, #tpu.memory_space<hbm>>
      %dma_start3A_127 = arith.constant 0 : i32
      %dma_start3A_128 = tpu.memref_slice %arg7[%add3A_122, %dma_start3A_127] : memref<10112x128xf32, #tpu.memory_space<vmem_shared>> -> memref<120x128xf32, #tpu.memory_space<vmem_shared>>
      tpu.enqueue_dma source(%dma_start3A_128 : memref<120x128xf32, #tpu.memory_space<vmem_shared>>) target(%dma_start3A_126 : memref<120x128xf32, #tpu.memory_space<hbm>>) target_semaphore(%run_scoped3A : memref<!tpu.dma_semaphore, #tpu.memory_space<semaphore_mem>>)
      %dma_wait3A = arith.constant 0 : i32
      %dma_wait3A_129 = tpu.memref_slice %arg3[%arg0, %add3A_122, %dma_wait3A] : memref<2x10112x128xf32, #tpu.memory_space<hbm>> -> memref<1x120x128xf32, #tpu.memory_space<hbm>>
      %dma_wait3A_130 = tpu.memref_squeeze %dma_wait3A_129 : memref<1x120x128xf32, #tpu.memory_space<hbm>> -> memref<120x128xf32, #tpu.memory_space<hbm>>
      %dma_wait3A_131 = arith.constant 0 : i32
      %dma_wait3A_132 = tpu.memref_slice %arg7[%add3A_122, %dma_wait3A_131] : memref<10112x128xf32, #tpu.memory_space<vmem_shared>> -> memref<120x128xf32, #tpu.memory_space<vmem_shared>>
      tpu.wait_dma2 semaphore(%run_scoped3A : memref<!tpu.dma_semaphore, #tpu.memory_space<semaphore_mem>>) src(%dma_wait3A_132 : memref<120x128xf32, #tpu.memory_space<vmem_shared>>) dst(%dma_wait3A_130 : memref<120x128xf32, #tpu.memory_space<hbm>>)
      tpu.yield
    }) : () -> ()
    %add3A_123 = arith.constant 120 : i32
    %add3A_124 = arith.addi %add3A_122, %add3A_123 : i32
    return
  }
}

#map = affine_map<(d0, d1) -> (0)>
#map1 = affine_map<(d0, d1) -> (0, 0)>
#map2 = affine_map<(d0, d1) -> (0, 0, 0)>
module attributes {stable_mosaic.version = 14 : i64} {
  func.func @edge_pass(%arg0: i32, %arg1: i32, %arg2: memref<323584xi32, #tpu.memory_space<hbm>>, %arg3: memref<323584xi32, #tpu.memory_space<hbm>>, %arg4: memref<80000x128xf32, #tpu.memory_space<hbm>>, %arg5: memref<2x10112x128xf32, #tpu.memory_space<hbm>>, %arg6: memref<10256xi32, #tpu.memory_space<vmem>>, %arg7: memref<10256xi32, #tpu.memory_space<vmem>>, %arg8: memref<128xi32, #tpu.memory_space<vmem>>, %arg9: memref<128xi32, #tpu.memory_space<vmem>>, %arg10: memref<128x128xf32, #tpu.memory_space<vmem>>, %arg11: memref<10112x128xf32, #tpu.memory_space<vmem_shared>>, %arg12: memref<!tpu.dma_semaphore, #tpu.memory_space<semaphore_mem>>) attributes {dimension_semantics = [#tpu.dimension_semantics<core_parallel>, #tpu.dimension_semantics<subcore_parallel>], iteration_bounds = array<i64: 2, 16>, scalar_prefetch = 0 : i64, scratch_operands = 7 : i64, tpu.core_type = #tpu.core_type<sc_vector_subcore>, window_params = [{transform_indices = #map}, {transform_indices = #map}, {transform_indices = #map1}, {transform_indices = #map2}]} {
    %mul3A = arith.constant 2 : i32
    %mul3A_0 = arith.muli %arg1, %mul3A : i32
    %add3A = arith.addi %mul3A_0, %arg0 : i32
    %scan3A = arith.constant 0 : i32
    %scan3A_1 = arith.constant 0 : i32
    %scan3A_2 = arith.constant 128 : i32
    %scan3A_3 = arith.addi %scan3A_1, %scan3A_2 : i32
    %scan3A_4 = arith.constant 1 : i32
    %scan3A_5 = scf.for %scan3A_168 = %scan3A_1 to %scan3A_3 step %scan3A_4 iter_args(%scan3A_169 = %scan3A) -> (i32)  : i32 {
      %broadcast_in_dim3A_170 = arith.constant 0.000000e+00 : f32
      %broadcast_in_dim3A_171 = vector.broadcast %broadcast_in_dim3A_170 : f32 to vector<16xf32>
      %swap3A_172 = arith.index_cast %scan3A_168 : i32 to index
      %swap3A_173 = arith.constant 0 : index
      %swap3A_174 = tpu.vector_load %arg10[%swap3A_172, %swap3A_173] {strides = array<i32>} : memref<128x128xf32, #tpu.memory_space<vmem>>, vector<16xf32>,
      tpu.vector_store %arg10[%swap3A_172, %swap3A_173], %broadcast_in_dim3A_171 {strides = array<i32>} : memref<128x128xf32, #tpu.memory_space<vmem>>, vector<16xf32>,
      %broadcast_in_dim3A_175 = arith.constant 0.000000e+00 : f32
      %broadcast_in_dim3A_176 = vector.broadcast %broadcast_in_dim3A_175 : f32 to vector<16xf32>
      %swap3A_177 = arith.index_cast %scan3A_168 : i32 to index
      %swap3A_178 = arith.constant 16 : index
      %swap3A_179 = tpu.vector_load %arg10[%swap3A_177, %swap3A_178] {strides = array<i32>} : memref<128x128xf32, #tpu.memory_space<vmem>>, vector<16xf32>,
      tpu.vector_store %arg10[%swap3A_177, %swap3A_178], %broadcast_in_dim3A_176 {strides = array<i32>} : memref<128x128xf32, #tpu.memory_space<vmem>>, vector<16xf32>,
      %broadcast_in_dim3A_180 = arith.constant 0.000000e+00 : f32
      %broadcast_in_dim3A_181 = vector.broadcast %broadcast_in_dim3A_180 : f32 to vector<16xf32>
      %swap3A_182 = arith.index_cast %scan3A_168 : i32 to index
      %swap3A_183 = arith.constant 32 : index
      %swap3A_184 = tpu.vector_load %arg10[%swap3A_182, %swap3A_183] {strides = array<i32>} : memref<128x128xf32, #tpu.memory_space<vmem>>, vector<16xf32>,
      tpu.vector_store %arg10[%swap3A_182, %swap3A_183], %broadcast_in_dim3A_181 {strides = array<i32>} : memref<128x128xf32, #tpu.memory_space<vmem>>, vector<16xf32>,
      %broadcast_in_dim3A_185 = arith.constant 0.000000e+00 : f32
      %broadcast_in_dim3A_186 = vector.broadcast %broadcast_in_dim3A_185 : f32 to vector<16xf32>
      %swap3A_187 = arith.index_cast %scan3A_168 : i32 to index
      %swap3A_188 = arith.constant 48 : index
      %swap3A_189 = tpu.vector_load %arg10[%swap3A_187, %swap3A_188] {strides = array<i32>} : memref<128x128xf32, #tpu.memory_space<vmem>>, vector<16xf32>,
      tpu.vector_store %arg10[%swap3A_187, %swap3A_188], %broadcast_in_dim3A_186 {strides = array<i32>} : memref<128x128xf32, #tpu.memory_space<vmem>>, vector<16xf32>,
      %broadcast_in_dim3A_190 = arith.constant 0.000000e+00 : f32
      %broadcast_in_dim3A_191 = vector.broadcast %broadcast_in_dim3A_190 : f32 to vector<16xf32>
      %swap3A_192 = arith.index_cast %scan3A_168 : i32 to index
      %swap3A_193 = arith.constant 64 : index
      %swap3A_194 = tpu.vector_load %arg10[%swap3A_192, %swap3A_193] {strides = array<i32>} : memref<128x128xf32, #tpu.memory_space<vmem>>, vector<16xf32>,
      tpu.vector_store %arg10[%swap3A_192, %swap3A_193], %broadcast_in_dim3A_191 {strides = array<i32>} : memref<128x128xf32, #tpu.memory_space<vmem>>, vector<16xf32>,
      %broadcast_in_dim3A_195 = arith.constant 0.000000e+00 : f32
      %broadcast_in_dim3A_196 = vector.broadcast %broadcast_in_dim3A_195 : f32 to vector<16xf32>
      %swap3A_197 = arith.index_cast %scan3A_168 : i32 to index
      %swap3A_198 = arith.constant 80 : index
      %swap3A_199 = tpu.vector_load %arg10[%swap3A_197, %swap3A_198] {strides = array<i32>} : memref<128x128xf32, #tpu.memory_space<vmem>>, vector<16xf32>,
      tpu.vector_store %arg10[%swap3A_197, %swap3A_198], %broadcast_in_dim3A_196 {strides = array<i32>} : memref<128x128xf32, #tpu.memory_space<vmem>>, vector<16xf32>,
      %broadcast_in_dim3A_200 = arith.constant 0.000000e+00 : f32
      %broadcast_in_dim3A_201 = vector.broadcast %broadcast_in_dim3A_200 : f32 to vector<16xf32>
      %swap3A_202 = arith.index_cast %scan3A_168 : i32 to index
      %swap3A_203 = arith.constant 96 : index
      %swap3A_204 = tpu.vector_load %arg10[%swap3A_202, %swap3A_203] {strides = array<i32>} : memref<128x128xf32, #tpu.memory_space<vmem>>, vector<16xf32>,
      tpu.vector_store %arg10[%swap3A_202, %swap3A_203], %broadcast_in_dim3A_201 {strides = array<i32>} : memref<128x128xf32, #tpu.memory_space<vmem>>, vector<16xf32>,
      %broadcast_in_dim3A_205 = arith.constant 0.000000e+00 : f32
      %broadcast_in_dim3A_206 = vector.broadcast %broadcast_in_dim3A_205 : f32 to vector<16xf32>
      %swap3A_207 = arith.index_cast %scan3A_168 : i32 to index
      %swap3A_208 = arith.constant 112 : index
      %swap3A_209 = tpu.vector_load %arg10[%swap3A_207, %swap3A_208] {strides = array<i32>} : memref<128x128xf32, #tpu.memory_space<vmem>>, vector<16xf32>,
      tpu.vector_store %arg10[%swap3A_207, %swap3A_208], %broadcast_in_dim3A_206 {strides = array<i32>} : memref<128x128xf32, #tpu.memory_space<vmem>>, vector<16xf32>,
      %scan3A_210 = arith.constant 0 : i32
      scf.yield %scan3A_210 : i32
    }
    %scan3A_6 = arith.constant 128 : i32
    %mul3A_7 = arith.constant 632 : i32
    %mul3A_8 = arith.muli %arg1, %mul3A_7 : i32
    "tpu.region"() ({
      %run_scoped3A = tpu.sem_alloc : memref<!tpu.dma_semaphore, #tpu.memory_space<semaphore_mem>>
      %dma_start3A = arith.constant 0 : i32
      %dma_start3A_168 = arith.constant 0 : i32
      %dma_start3A_169 = tpu.memref_slice %arg10[%dma_start3A, %dma_start3A_168] : memref<128x128xf32, #tpu.memory_space<vmem>> -> memref<128x128xf32, #tpu.memory_space<vmem>>
      %dma_start3A_170 = arith.constant 0 : i32
      %dma_start3A_171 = tpu.memref_slice %arg11[%mul3A_8, %dma_start3A_170] : memref<10112x128xf32, #tpu.memory_space<vmem_shared>> -> memref<128x128xf32, #tpu.memory_space<vmem_shared>>
      %dma_start3A_172 = arith.constant 0 : i32
      %dma_start3A_173 = tpu.memref_slice %arg11[%mul3A_8, %dma_start3A_172] : memref<10112x128xf32, #tpu.memory_space<vmem_shared>> -> memref<128x128xf32, #tpu.memory_space<vmem_shared>>
      %dma_start3A_174 = arith.constant 0 : i32
      %dma_start3A_175 = arith.constant 0 : i32
      %dma_start3A_176 = tpu.memref_slice %arg10[%dma_start3A_174, %dma_start3A_175] : memref<128x128xf32, #tpu.memory_space<vmem>> -> memref<128x128xf32, #tpu.memory_space<vmem>>
      tpu.enqueue_dma source(%dma_start3A_176 : memref<128x128xf32, #tpu.memory_space<vmem>>) target(%dma_start3A_173 : memref<128x128xf32, #tpu.memory_space<vmem_shared>>) target_semaphore(%run_scoped3A : memref<!tpu.dma_semaphore, #tpu.memory_space<semaphore_mem>>)
      %dma_wait3A = arith.constant 0 : i32
      %dma_wait3A_177 = arith.constant 0 : i32
      %dma_wait3A_178 = tpu.memref_slice %arg10[%dma_wait3A, %dma_wait3A_177] : memref<128x128xf32, #tpu.memory_space<vmem>> -> memref<128x128xf32, #tpu.memory_space<vmem>>
      %dma_wait3A_179 = arith.constant 0 : i32
      %dma_wait3A_180 = tpu.memref_slice %arg11[%mul3A_8, %dma_wait3A_179] : memref<10112x128xf32, #tpu.memory_space<vmem_shared>> -> memref<128x128xf32, #tpu.memory_space<vmem_shared>>
      %dma_wait3A_181 = arith.constant 0 : i32
      %dma_wait3A_182 = tpu.memref_slice %arg11[%mul3A_8, %dma_wait3A_181] : memref<10112x128xf32, #tpu.memory_space<vmem_shared>> -> memref<128x128xf32, #tpu.memory_space<vmem_shared>>
      %dma_wait3A_183 = arith.constant 0 : i32
      %dma_wait3A_184 = arith.constant 0 : i32
      %dma_wait3A_185 = tpu.memref_slice %arg10[%dma_wait3A_183, %dma_wait3A_184] : memref<128x128xf32, #tpu.memory_space<vmem>> -> memref<128x128xf32, #tpu.memory_space<vmem>>
      tpu.wait_dma2 semaphore(%run_scoped3A : memref<!tpu.dma_semaphore, #tpu.memory_space<semaphore_mem>>) src(%dma_wait3A_185 : memref<128x128xf32, #tpu.memory_space<vmem>>) dst(%dma_wait3A_182 : memref<128x128xf32, #tpu.memory_space<vmem_shared>>)
      tpu.yield
    }) : () -> ()
    %add3A_9 = arith.constant 128 : i32
    %add3A_10 = arith.addi %mul3A_8, %add3A_9 : i32
    "tpu.region"() ({
      %run_scoped3A = tpu.sem_alloc : memref<!tpu.dma_semaphore, #tpu.memory_space<semaphore_mem>>
      %dma_start3A = arith.constant 0 : i32
      %dma_start3A_168 = arith.constant 0 : i32
      %dma_start3A_169 = tpu.memref_slice %arg10[%dma_start3A, %dma_start3A_168] : memref<128x128xf32, #tpu.memory_space<vmem>> -> memref<128x128xf32, #tpu.memory_space<vmem>>
      %dma_start3A_170 = arith.constant 0 : i32
      %dma_start3A_171 = tpu.memref_slice %arg11[%add3A_10, %dma_start3A_170] : memref<10112x128xf32, #tpu.memory_space<vmem_shared>> -> memref<128x128xf32, #tpu.memory_space<vmem_shared>>
      %dma_start3A_172 = arith.constant 0 : i32
      %dma_start3A_173 = tpu.memref_slice %arg11[%add3A_10, %dma_start3A_172] : memref<10112x128xf32, #tpu.memory_space<vmem_shared>> -> memref<128x128xf32, #tpu.memory_space<vmem_shared>>
      %dma_start3A_174 = arith.constant 0 : i32
      %dma_start3A_175 = arith.constant 0 : i32
      %dma_start3A_176 = tpu.memref_slice %arg10[%dma_start3A_174, %dma_start3A_175] : memref<128x128xf32, #tpu.memory_space<vmem>> -> memref<128x128xf32, #tpu.memory_space<vmem>>
      tpu.enqueue_dma source(%dma_start3A_176 : memref<128x128xf32, #tpu.memory_space<vmem>>) target(%dma_start3A_173 : memref<128x128xf32, #tpu.memory_space<vmem_shared>>) target_semaphore(%run_scoped3A : memref<!tpu.dma_semaphore, #tpu.memory_space<semaphore_mem>>)
      %dma_wait3A = arith.constant 0 : i32
      %dma_wait3A_177 = arith.constant 0 : i32
      %dma_wait3A_178 = tpu.memref_slice %arg10[%dma_wait3A, %dma_wait3A_177] : memref<128x128xf32, #tpu.memory_space<vmem>> -> memref<128x128xf32, #tpu.memory_space<vmem>>
      %dma_wait3A_179 = arith.constant 0 : i32
      %dma_wait3A_180 = tpu.memref_slice %arg11[%add3A_10, %dma_wait3A_179] : memref<10112x128xf32, #tpu.memory_space<vmem_shared>> -> memref<128x128xf32, #tpu.memory_space<vmem_shared>>
      %dma_wait3A_181 = arith.constant 0 : i32
      %dma_wait3A_182 = tpu.memref_slice %arg11[%add3A_10, %dma_wait3A_181] : memref<10112x128xf32, #tpu.memory_space<vmem_shared>> -> memref<128x128xf32, #tpu.memory_space<vmem_shared>>
      %dma_wait3A_183 = arith.constant 0 : i32
      %dma_wait3A_184 = arith.constant 0 : i32
      %dma_wait3A_185 = tpu.memref_slice %arg10[%dma_wait3A_183, %dma_wait3A_184] : memref<128x128xf32, #tpu.memory_space<vmem>> -> memref<128x128xf32, #tpu.memory_space<vmem>>
      tpu.wait_dma2 semaphore(%run_scoped3A : memref<!tpu.dma_semaphore, #tpu.memory_space<semaphore_mem>>) src(%dma_wait3A_185 : memref<128x128xf32, #tpu.memory_space<vmem>>) dst(%dma_wait3A_182 : memref<128x128xf32, #tpu.memory_space<vmem_shared>>)
      tpu.yield
    }) : () -> ()
    %add3A_11 = arith.constant 128 : i32
    %add3A_12 = arith.addi %add3A_10, %add3A_11 : i32
    "tpu.region"() ({
      %run_scoped3A = tpu.sem_alloc : memref<!tpu.dma_semaphore, #tpu.memory_space<semaphore_mem>>
      %dma_start3A = arith.constant 0 : i32
      %dma_start3A_168 = arith.constant 0 : i32
      %dma_start3A_169 = tpu.memref_slice %arg10[%dma_start3A, %dma_start3A_168] : memref<128x128xf32, #tpu.memory_space<vmem>> -> memref<128x128xf32, #tpu.memory_space<vmem>>
      %dma_start3A_170 = arith.constant 0 : i32
      %dma_start3A_171 = tpu.memref_slice %arg11[%add3A_12, %dma_start3A_170] : memref<10112x128xf32, #tpu.memory_space<vmem_shared>> -> memref<128x128xf32, #tpu.memory_space<vmem_shared>>
      %dma_start3A_172 = arith.constant 0 : i32
      %dma_start3A_173 = tpu.memref_slice %arg11[%add3A_12, %dma_start3A_172] : memref<10112x128xf32, #tpu.memory_space<vmem_shared>> -> memref<128x128xf32, #tpu.memory_space<vmem_shared>>
      %dma_start3A_174 = arith.constant 0 : i32
      %dma_start3A_175 = arith.constant 0 : i32
      %dma_start3A_176 = tpu.memref_slice %arg10[%dma_start3A_174, %dma_start3A_175] : memref<128x128xf32, #tpu.memory_space<vmem>> -> memref<128x128xf32, #tpu.memory_space<vmem>>
      tpu.enqueue_dma source(%dma_start3A_176 : memref<128x128xf32, #tpu.memory_space<vmem>>) target(%dma_start3A_173 : memref<128x128xf32, #tpu.memory_space<vmem_shared>>) target_semaphore(%run_scoped3A : memref<!tpu.dma_semaphore, #tpu.memory_space<semaphore_mem>>)
      %dma_wait3A = arith.constant 0 : i32
      %dma_wait3A_177 = arith.constant 0 : i32
      %dma_wait3A_178 = tpu.memref_slice %arg10[%dma_wait3A, %dma_wait3A_177] : memref<128x128xf32, #tpu.memory_space<vmem>> -> memref<128x128xf32, #tpu.memory_space<vmem>>
      %dma_wait3A_179 = arith.constant 0 : i32
      %dma_wait3A_180 = tpu.memref_slice %arg11[%add3A_12, %dma_wait3A_179] : memref<10112x128xf32, #tpu.memory_space<vmem_shared>> -> memref<128x128xf32, #tpu.memory_space<vmem_shared>>
      %dma_wait3A_181 = arith.constant 0 : i32
      %dma_wait3A_182 = tpu.memref_slice %arg11[%add3A_12, %dma_wait3A_181] : memref<10112x128xf32, #tpu.memory_space<vmem_shared>> -> memref<128x128xf32, #tpu.memory_space<vmem_shared>>
      %dma_wait3A_183 = arith.constant 0 : i32
      %dma_wait3A_184 = arith.constant 0 : i32
      %dma_wait3A_185 = tpu.memref_slice %arg10[%dma_wait3A_183, %dma_wait3A_184] : memref<128x128xf32, #tpu.memory_space<vmem>> -> memref<128x128xf32, #tpu.memory_space<vmem>>
      tpu.wait_dma2 semaphore(%run_scoped3A : memref<!tpu.dma_semaphore, #tpu.memory_space<semaphore_mem>>) src(%dma_wait3A_185 : memref<128x128xf32, #tpu.memory_space<vmem>>) dst(%dma_wait3A_182 : memref<128x128xf32, #tpu.memory_space<vmem_shared>>)
      tpu.yield
    }) : () -> ()
    %add3A_13 = arith.constant 128 : i32
    %add3A_14 = arith.addi %add3A_12, %add3A_13 : i32
    "tpu.region"() ({
      %run_scoped3A = tpu.sem_alloc : memref<!tpu.dma_semaphore, #tpu.memory_space<semaphore_mem>>
      %dma_start3A = arith.constant 0 : i32
      %dma_start3A_168 = arith.constant 0 : i32
      %dma_start3A_169 = tpu.memref_slice %arg10[%dma_start3A, %dma_start3A_168] : memref<128x128xf32, #tpu.memory_space<vmem>> -> memref<128x128xf32, #tpu.memory_space<vmem>>
      %dma_start3A_170 = arith.constant 0 : i32
      %dma_start3A_171 = tpu.memref_slice %arg11[%add3A_14, %dma_start3A_170] : memref<10112x128xf32, #tpu.memory_space<vmem_shared>> -> memref<128x128xf32, #tpu.memory_space<vmem_shared>>
      %dma_start3A_172 = arith.constant 0 : i32
      %dma_start3A_173 = tpu.memref_slice %arg11[%add3A_14, %dma_start3A_172] : memref<10112x128xf32, #tpu.memory_space<vmem_shared>> -> memref<128x128xf32, #tpu.memory_space<vmem_shared>>
      %dma_start3A_174 = arith.constant 0 : i32
      %dma_start3A_175 = arith.constant 0 : i32
      %dma_start3A_176 = tpu.memref_slice %arg10[%dma_start3A_174, %dma_start3A_175] : memref<128x128xf32, #tpu.memory_space<vmem>> -> memref<128x128xf32, #tpu.memory_space<vmem>>
      tpu.enqueue_dma source(%dma_start3A_176 : memref<128x128xf32, #tpu.memory_space<vmem>>) target(%dma_start3A_173 : memref<128x128xf32, #tpu.memory_space<vmem_shared>>) target_semaphore(%run_scoped3A : memref<!tpu.dma_semaphore, #tpu.memory_space<semaphore_mem>>)
      %dma_wait3A = arith.constant 0 : i32
      %dma_wait3A_177 = arith.constant 0 : i32
      %dma_wait3A_178 = tpu.memref_slice %arg10[%dma_wait3A, %dma_wait3A_177] : memref<128x128xf32, #tpu.memory_space<vmem>> -> memref<128x128xf32, #tpu.memory_space<vmem>>
      %dma_wait3A_179 = arith.constant 0 : i32
      %dma_wait3A_180 = tpu.memref_slice %arg11[%add3A_14, %dma_wait3A_179] : memref<10112x128xf32, #tpu.memory_space<vmem_shared>> -> memref<128x128xf32, #tpu.memory_space<vmem_shared>>
      %dma_wait3A_181 = arith.constant 0 : i32
      %dma_wait3A_182 = tpu.memref_slice %arg11[%add3A_14, %dma_wait3A_181] : memref<10112x128xf32, #tpu.memory_space<vmem_shared>> -> memref<128x128xf32, #tpu.memory_space<vmem_shared>>
      %dma_wait3A_183 = arith.constant 0 : i32
      %dma_wait3A_184 = arith.constant 0 : i32
      %dma_wait3A_185 = tpu.memref_slice %arg10[%dma_wait3A_183, %dma_wait3A_184] : memref<128x128xf32, #tpu.memory_space<vmem>> -> memref<128x128xf32, #tpu.memory_space<vmem>>
      tpu.wait_dma2 semaphore(%run_scoped3A : memref<!tpu.dma_semaphore, #tpu.memory_space<semaphore_mem>>) src(%dma_wait3A_185 : memref<128x128xf32, #tpu.memory_space<vmem>>) dst(%dma_wait3A_182 : memref<128x128xf32, #tpu.memory_space<vmem_shared>>)
      tpu.yield
    }) : () -> ()
    %add3A_15 = arith.constant 128 : i32
    %add3A_16 = arith.addi %add3A_14, %add3A_15 : i32
    "tpu.region"() ({
      %run_scoped3A = tpu.sem_alloc : memref<!tpu.dma_semaphore, #tpu.memory_space<semaphore_mem>>
      %dma_start3A = arith.constant 0 : i32
      %dma_start3A_168 = arith.constant 0 : i32
      %dma_start3A_169 = tpu.memref_slice %arg10[%dma_start3A, %dma_start3A_168] : memref<128x128xf32, #tpu.memory_space<vmem>> -> memref<120x128xf32, #tpu.memory_space<vmem>>
      %dma_start3A_170 = arith.constant 0 : i32
      %dma_start3A_171 = tpu.memref_slice %arg11[%add3A_16, %dma_start3A_170] : memref<10112x128xf32, #tpu.memory_space<vmem_shared>> -> memref<120x128xf32, #tpu.memory_space<vmem_shared>>
      %dma_start3A_172 = arith.constant 0 : i32
      %dma_start3A_173 = tpu.memref_slice %arg11[%add3A_16, %dma_start3A_172] : memref<10112x128xf32, #tpu.memory_space<vmem_shared>> -> memref<120x128xf32, #tpu.memory_space<vmem_shared>>
      %dma_start3A_174 = arith.constant 0 : i32
      %dma_start3A_175 = arith.constant 0 : i32
      %dma_start3A_176 = tpu.memref_slice %arg10[%dma_start3A_174, %dma_start3A_175] : memref<128x128xf32, #tpu.memory_space<vmem>> -> memref<120x128xf32, #tpu.memory_space<vmem>>
      tpu.enqueue_dma source(%dma_start3A_176 : memref<120x128xf32, #tpu.memory_space<vmem>>) target(%dma_start3A_173 : memref<120x128xf32, #tpu.memory_space<vmem_shared>>) target_semaphore(%run_scoped3A : memref<!tpu.dma_semaphore, #tpu.memory_space<semaphore_mem>>)
      %dma_wait3A = arith.constant 0 : i32
      %dma_wait3A_177 = arith.constant 0 : i32
      %dma_wait3A_178 = tpu.memref_slice %arg10[%dma_wait3A, %dma_wait3A_177] : memref<128x128xf32, #tpu.memory_space<vmem>> -> memref<120x128xf32, #tpu.memory_space<vmem>>
      %dma_wait3A_179 = arith.constant 0 : i32
      %dma_wait3A_180 = tpu.memref_slice %arg11[%add3A_16, %dma_wait3A_179] : memref<10112x128xf32, #tpu.memory_space<vmem_shared>> -> memref<120x128xf32, #tpu.memory_space<vmem_shared>>
      %dma_wait3A_181 = arith.constant 0 : i32
      %dma_wait3A_182 = tpu.memref_slice %arg11[%add3A_16, %dma_wait3A_181] : memref<10112x128xf32, #tpu.memory_space<vmem_shared>> -> memref<120x128xf32, #tpu.memory_space<vmem_shared>>
      %dma_wait3A_183 = arith.constant 0 : i32
      %dma_wait3A_184 = arith.constant 0 : i32
      %dma_wait3A_185 = tpu.memref_slice %arg10[%dma_wait3A_183, %dma_wait3A_184] : memref<128x128xf32, #tpu.memory_space<vmem>> -> memref<120x128xf32, #tpu.memory_space<vmem>>
      tpu.wait_dma2 semaphore(%run_scoped3A : memref<!tpu.dma_semaphore, #tpu.memory_space<semaphore_mem>>) src(%dma_wait3A_185 : memref<120x128xf32, #tpu.memory_space<vmem>>) dst(%dma_wait3A_182 : memref<120x128xf32, #tpu.memory_space<vmem_shared>>)
      tpu.yield
    }) : () -> ()
    %add3A_17 = arith.constant 120 : i32
    %add3A_18 = arith.addi %add3A_16, %add3A_17 : i32
    %mul3A_19 = arith.constant 10112 : i32
    %mul3A_20 = arith.muli %add3A, %mul3A_19 : i32
    "tpu.region"() ({
      %run_scoped3A = tpu.sem_alloc : memref<!tpu.dma_semaphore, #tpu.memory_space<semaphore_mem>>
      %dma_start3A = arith.constant 0 : i32
      %dma_start3A_168 = tpu.memref_slice %arg6[%dma_start3A] : memref<10256xi32, #tpu.memory_space<vmem>> -> memref<10112xi32, #tpu.memory_space<vmem>>
      %dma_start3A_169 = tpu.memref_slice %arg2[%mul3A_20] : memref<323584xi32, #tpu.memory_space<hbm>> -> memref<10112xi32, #tpu.memory_space<hbm>>
      %dma_start3A_170 = arith.constant 0 : i32
      %dma_start3A_171 = tpu.memref_slice %arg6[%dma_start3A_170] : memref<10256xi32, #tpu.memory_space<vmem>> -> memref<10112xi32, #tpu.memory_space<vmem>>
      %dma_start3A_172 = tpu.memref_slice %arg2[%mul3A_20] : memref<323584xi32, #tpu.memory_space<hbm>> -> memref<10112xi32, #tpu.memory_space<hbm>>
      tpu.enqueue_dma source(%dma_start3A_172 : memref<10112xi32, #tpu.memory_space<hbm>>) target(%dma_start3A_171 : memref<10112xi32, #tpu.memory_space<vmem>>) target_semaphore(%run_scoped3A : memref<!tpu.dma_semaphore, #tpu.memory_space<semaphore_mem>>)
      %dma_wait3A = arith.constant 0 : i32
      %dma_wait3A_173 = tpu.memref_slice %arg6[%dma_wait3A] : memref<10256xi32, #tpu.memory_space<vmem>> -> memref<10112xi32, #tpu.memory_space<vmem>>
      %dma_wait3A_174 = tpu.memref_slice %arg2[%mul3A_20] : memref<323584xi32, #tpu.memory_space<hbm>> -> memref<10112xi32, #tpu.memory_space<hbm>>
      %dma_wait3A_175 = arith.constant 0 : i32
      %dma_wait3A_176 = tpu.memref_slice %arg6[%dma_wait3A_175] : memref<10256xi32, #tpu.memory_space<vmem>> -> memref<10112xi32, #tpu.memory_space<vmem>>
      %dma_wait3A_177 = tpu.memref_slice %arg2[%mul3A_20] : memref<323584xi32, #tpu.memory_space<hbm>> -> memref<10112xi32, #tpu.memory_space<hbm>>
      tpu.wait_dma2 semaphore(%run_scoped3A : memref<!tpu.dma_semaphore, #tpu.memory_space<semaphore_mem>>) src(%dma_wait3A_177 : memref<10112xi32, #tpu.memory_space<hbm>>) dst(%dma_wait3A_176 : memref<10112xi32, #tpu.memory_space<vmem>>)
      tpu.yield
    }) : () -> ()
    %mul3A_21 = arith.constant 10112 : i32
    %mul3A_22 = arith.muli %add3A, %mul3A_21 : i32
    "tpu.region"() ({
      %run_scoped3A = tpu.sem_alloc : memref<!tpu.dma_semaphore, #tpu.memory_space<semaphore_mem>>
      %dma_start3A = arith.constant 0 : i32
      %dma_start3A_168 = tpu.memref_slice %arg7[%dma_start3A] : memref<10256xi32, #tpu.memory_space<vmem>> -> memref<10112xi32, #tpu.memory_space<vmem>>
      %dma_start3A_169 = tpu.memref_slice %arg3[%mul3A_22] : memref<323584xi32, #tpu.memory_space<hbm>> -> memref<10112xi32, #tpu.memory_space<hbm>>
      %dma_start3A_170 = arith.constant 0 : i32
      %dma_start3A_171 = tpu.memref_slice %arg7[%dma_start3A_170] : memref<10256xi32, #tpu.memory_space<vmem>> -> memref<10112xi32, #tpu.memory_space<vmem>>
      %dma_start3A_172 = tpu.memref_slice %arg3[%mul3A_22] : memref<323584xi32, #tpu.memory_space<hbm>> -> memref<10112xi32, #tpu.memory_space<hbm>>
      tpu.enqueue_dma source(%dma_start3A_172 : memref<10112xi32, #tpu.memory_space<hbm>>) target(%dma_start3A_171 : memref<10112xi32, #tpu.memory_space<vmem>>) target_semaphore(%run_scoped3A : memref<!tpu.dma_semaphore, #tpu.memory_space<semaphore_mem>>)
      %dma_wait3A = arith.constant 0 : i32
      %dma_wait3A_173 = tpu.memref_slice %arg7[%dma_wait3A] : memref<10256xi32, #tpu.memory_space<vmem>> -> memref<10112xi32, #tpu.memory_space<vmem>>
      %dma_wait3A_174 = tpu.memref_slice %arg3[%mul3A_22] : memref<323584xi32, #tpu.memory_space<hbm>> -> memref<10112xi32, #tpu.memory_space<hbm>>
      %dma_wait3A_175 = arith.constant 0 : i32
      %dma_wait3A_176 = tpu.memref_slice %arg7[%dma_wait3A_175] : memref<10256xi32, #tpu.memory_space<vmem>> -> memref<10112xi32, #tpu.memory_space<vmem>>
      %dma_wait3A_177 = tpu.memref_slice %arg3[%mul3A_22] : memref<323584xi32, #tpu.memory_space<hbm>> -> memref<10112xi32, #tpu.memory_space<hbm>>
      tpu.wait_dma2 semaphore(%run_scoped3A : memref<!tpu.dma_semaphore, #tpu.memory_space<semaphore_mem>>) src(%dma_wait3A_177 : memref<10112xi32, #tpu.memory_space<hbm>>) dst(%dma_wait3A_176 : memref<10112xi32, #tpu.memory_space<vmem>>)
      tpu.yield
    }) : () -> ()
    %iota3A = tpu.iota {dimensions = array<i32: 0>} : vector<16xi32>
    %scan3A_23 = arith.constant 0 : i32
    %scan3A_24 = arith.constant 0 : i32
    %scan3A_25 = arith.constant 632 : i32
    %scan3A_26 = arith.addi %scan3A_24, %scan3A_25 : i32
    %scan3A_27 = arith.constant 1 : i32
    %scan3A_28 = scf.for %scan3A_168 = %scan3A_24 to %scan3A_26 step %scan3A_27 iter_args(%scan3A_169 = %scan3A_23) -> (i32)  : i32 {
      %mul3A_170 = arith.constant 16 : i32
      %mul3A_171 = arith.muli %scan3A_168, %mul3A_170 : i32
      %get3A = arith.index_cast %mul3A_171 : i32 to index
      %get3A_172 = tpu.vector_load %arg7[%get3A] {strides = array<i32>} : memref<10256xi32, #tpu.memory_space<vmem>>, vector<16xi32>,
      %mul3A_173 = arith.constant 16 : i32
      %mul3A_174 = arith.muli %scan3A_168, %mul3A_173 : i32
      %get3A_175 = arith.index_cast %mul3A_174 : i32 to index
      %get3A_176 = tpu.vector_load %arg6[%get3A_175] {strides = array<i32>} : memref<10256xi32, #tpu.memory_space<vmem>>, vector<16xi32>,
      %lt3A = arith.constant 10000 : i32
      %lt3A_177 = vector.broadcast %lt3A : i32 to vector<16xi32>
      %lt3A_178 = arith.cmpi slt, %get3A_172, %lt3A_177 : vector<16xi32>
      %convert_element_type3A = arith.extui %lt3A_178 : vector<16xi1> to vector<16xi32>
      %broadcast_in_dim3A_179 = arith.constant true
      %broadcast_in_dim3A_180 = vector.broadcast %broadcast_in_dim3A_179 : i1 to vector<16xi1>
      %masked_cumsum3A = tpu.scan <sum>, %convert_element_type3A masked %broadcast_in_dim3A_180 : vector<16xi32>, vector<16xi1> -> vector<16xi32>
      %add3A_181 = vector.broadcast %scan3A_169 : i32 to vector<16xi32>
      %add3A_182 = arith.addi %add3A_181, %masked_cumsum3A : vector<16xi32>
      %sub3A_183 = arith.constant 1 : i32
      %sub3A_184 = vector.broadcast %sub3A_183 : i32 to vector<16xi32>
      %sub3A_185 = arith.subi %add3A_182, %sub3A_184 : vector<16xi32>
      %add3A_186 = arith.constant 10240 : i32
      %add3A_187 = vector.broadcast %add3A_186 : i32 to vector<16xi32>
      %add3A_188 = arith.addi %add3A_187, %iota3A : vector<16xi32>
      %select_n3A_189 = arith.select %lt3A_178, %sub3A_185, %add3A_188 : vector<16xi1>, vector<16xi32>
      tpu.vector_store_idx %arg7[%select_n3A_189], %get3A_172 : memref<10256xi32, #tpu.memory_space<vmem>>[vector<16xi32>], vector<16xi32>,
      tpu.vector_store_idx %arg6[%select_n3A_189], %get3A_176 : memref<10256xi32, #tpu.memory_space<vmem>>[vector<16xi32>], vector<16xi32>,
      %reduce_max3A = arith.constant true
      %reduce_max3A_190 = vector.broadcast %reduce_max3A : i1 to vector<16xi1>
      %reduce_max3A_191 = arith.constant -2147483648 : i32
      %reduce_max3A_192 = vector.broadcast %reduce_max3A_191 : i32 to vector<16xi32>
      %reduce_max3A_193 = arith.xori %masked_cumsum3A, %reduce_max3A_192 : vector<16xi32>
      %reduce_max3A_194 = tpu.scan <max>, %reduce_max3A_193 masked %reduce_max3A_190 : vector<16xi32>, vector<16xi1> -> vector<16xi32>
      %reduce_max3A_195 = arith.xori %reduce_max3A_194, %reduce_max3A_192 : vector<16xi32>
      %reduce_max3A_196 = vector.extract %reduce_max3A_195[15] : i32 from vector<16xi32>
      %add3A_197 = arith.addi %scan3A_169, %reduce_max3A_196 : i32
      scf.yield %add3A_197 : i32
    }
    %scan3A_29 = arith.constant 632 : i32
    %broadcast_in_dim3A = arith.constant 10000 : i32
    %broadcast_in_dim3A_30 = vector.broadcast %broadcast_in_dim3A : i32 to vector<16xi32>
    %add3A_31 = arith.constant 0 : i32
    %add3A_32 = arith.addi %scan3A_28, %add3A_31 : i32
    %swap3A = arith.index_cast %add3A_32 : i32 to index
    %swap3A_33 = tpu.vector_load %arg7[%swap3A] {strides = array<i32>} : memref<10256xi32, #tpu.memory_space<vmem>>, vector<16xi32>,
    tpu.vector_store %arg7[%swap3A], %broadcast_in_dim3A_30 {strides = array<i32>} : memref<10256xi32, #tpu.memory_space<vmem>>, vector<16xi32>,
    %broadcast_in_dim3A_34 = arith.constant 0 : i32
    %broadcast_in_dim3A_35 = vector.broadcast %broadcast_in_dim3A_34 : i32 to vector<16xi32>
    %add3A_36 = arith.constant 0 : i32
    %add3A_37 = arith.addi %scan3A_28, %add3A_36 : i32
    %swap3A_38 = arith.index_cast %add3A_37 : i32 to index
    %swap3A_39 = tpu.vector_load %arg6[%swap3A_38] {strides = array<i32>} : memref<10256xi32, #tpu.memory_space<vmem>>, vector<16xi32>,
    tpu.vector_store %arg6[%swap3A_38], %broadcast_in_dim3A_35 {strides = array<i32>} : memref<10256xi32, #tpu.memory_space<vmem>>, vector<16xi32>,
    %broadcast_in_dim3A_40 = arith.constant 10000 : i32
    %broadcast_in_dim3A_41 = vector.broadcast %broadcast_in_dim3A_40 : i32 to vector<16xi32>
    %add3A_42 = arith.constant 16 : i32
    %add3A_43 = arith.addi %scan3A_28, %add3A_42 : i32
    %swap3A_44 = arith.index_cast %add3A_43 : i32 to index
    %swap3A_45 = tpu.vector_load %arg7[%swap3A_44] {strides = array<i32>} : memref<10256xi32, #tpu.memory_space<vmem>>, vector<16xi32>,
    tpu.vector_store %arg7[%swap3A_44], %broadcast_in_dim3A_41 {strides = array<i32>} : memref<10256xi32, #tpu.memory_space<vmem>>, vector<16xi32>,
    %broadcast_in_dim3A_46 = arith.constant 0 : i32
    %broadcast_in_dim3A_47 = vector.broadcast %broadcast_in_dim3A_46 : i32 to vector<16xi32>
    %add3A_48 = arith.constant 16 : i32
    %add3A_49 = arith.addi %scan3A_28, %add3A_48 : i32
    %swap3A_50 = arith.index_cast %add3A_49 : i32 to index
    %swap3A_51 = tpu.vector_load %arg6[%swap3A_50] {strides = array<i32>} : memref<10256xi32, #tpu.memory_space<vmem>>, vector<16xi32>,
    tpu.vector_store %arg6[%swap3A_50], %broadcast_in_dim3A_47 {strides = array<i32>} : memref<10256xi32, #tpu.memory_space<vmem>>, vector<16xi32>,
    %broadcast_in_dim3A_52 = arith.constant 10000 : i32
    %broadcast_in_dim3A_53 = vector.broadcast %broadcast_in_dim3A_52 : i32 to vector<16xi32>
    %add3A_54 = arith.constant 32 : i32
    %add3A_55 = arith.addi %scan3A_28, %add3A_54 : i32
    %swap3A_56 = arith.index_cast %add3A_55 : i32 to index
    %swap3A_57 = tpu.vector_load %arg7[%swap3A_56] {strides = array<i32>} : memref<10256xi32, #tpu.memory_space<vmem>>, vector<16xi32>,
    tpu.vector_store %arg7[%swap3A_56], %broadcast_in_dim3A_53 {strides = array<i32>} : memref<10256xi32, #tpu.memory_space<vmem>>, vector<16xi32>,
    %broadcast_in_dim3A_58 = arith.constant 0 : i32
    %broadcast_in_dim3A_59 = vector.broadcast %broadcast_in_dim3A_58 : i32 to vector<16xi32>
    %add3A_60 = arith.constant 32 : i32
    %add3A_61 = arith.addi %scan3A_28, %add3A_60 : i32
    %swap3A_62 = arith.index_cast %add3A_61 : i32 to index
    %swap3A_63 = tpu.vector_load %arg6[%swap3A_62] {strides = array<i32>} : memref<10256xi32, #tpu.memory_space<vmem>>, vector<16xi32>,
    tpu.vector_store %arg6[%swap3A_62], %broadcast_in_dim3A_59 {strides = array<i32>} : memref<10256xi32, #tpu.memory_space<vmem>>, vector<16xi32>,
    %broadcast_in_dim3A_64 = arith.constant 10000 : i32
    %broadcast_in_dim3A_65 = vector.broadcast %broadcast_in_dim3A_64 : i32 to vector<16xi32>
    %add3A_66 = arith.constant 48 : i32
    %add3A_67 = arith.addi %scan3A_28, %add3A_66 : i32
    %swap3A_68 = arith.index_cast %add3A_67 : i32 to index
    %swap3A_69 = tpu.vector_load %arg7[%swap3A_68] {strides = array<i32>} : memref<10256xi32, #tpu.memory_space<vmem>>, vector<16xi32>,
    tpu.vector_store %arg7[%swap3A_68], %broadcast_in_dim3A_65 {strides = array<i32>} : memref<10256xi32, #tpu.memory_space<vmem>>, vector<16xi32>,
    %broadcast_in_dim3A_70 = arith.constant 0 : i32
    %broadcast_in_dim3A_71 = vector.broadcast %broadcast_in_dim3A_70 : i32 to vector<16xi32>
    %add3A_72 = arith.constant 48 : i32
    %add3A_73 = arith.addi %scan3A_28, %add3A_72 : i32
    %swap3A_74 = arith.index_cast %add3A_73 : i32 to index
    %swap3A_75 = tpu.vector_load %arg6[%swap3A_74] {strides = array<i32>} : memref<10256xi32, #tpu.memory_space<vmem>>, vector<16xi32>,
    tpu.vector_store %arg6[%swap3A_74], %broadcast_in_dim3A_71 {strides = array<i32>} : memref<10256xi32, #tpu.memory_space<vmem>>, vector<16xi32>,
    %broadcast_in_dim3A_76 = arith.constant 10000 : i32
    %broadcast_in_dim3A_77 = vector.broadcast %broadcast_in_dim3A_76 : i32 to vector<16xi32>
    %add3A_78 = arith.constant 64 : i32
    %add3A_79 = arith.addi %scan3A_28, %add3A_78 : i32
    %swap3A_80 = arith.index_cast %add3A_79 : i32 to index
    %swap3A_81 = tpu.vector_load %arg7[%swap3A_80] {strides = array<i32>} : memref<10256xi32, #tpu.memory_space<vmem>>, vector<16xi32>,
    tpu.vector_store %arg7[%swap3A_80], %broadcast_in_dim3A_77 {strides = array<i32>} : memref<10256xi32, #tpu.memory_space<vmem>>, vector<16xi32>,
    %broadcast_in_dim3A_82 = arith.constant 0 : i32
    %broadcast_in_dim3A_83 = vector.broadcast %broadcast_in_dim3A_82 : i32 to vector<16xi32>
    %add3A_84 = arith.constant 64 : i32
    %add3A_85 = arith.addi %scan3A_28, %add3A_84 : i32
    %swap3A_86 = arith.index_cast %add3A_85 : i32 to index
    %swap3A_87 = tpu.vector_load %arg6[%swap3A_86] {strides = array<i32>} : memref<10256xi32, #tpu.memory_space<vmem>>, vector<16xi32>,
    tpu.vector_store %arg6[%swap3A_86], %broadcast_in_dim3A_83 {strides = array<i32>} : memref<10256xi32, #tpu.memory_space<vmem>>, vector<16xi32>,
    %broadcast_in_dim3A_88 = arith.constant 10000 : i32
    %broadcast_in_dim3A_89 = vector.broadcast %broadcast_in_dim3A_88 : i32 to vector<16xi32>
    %add3A_90 = arith.constant 80 : i32
    %add3A_91 = arith.addi %scan3A_28, %add3A_90 : i32
    %swap3A_92 = arith.index_cast %add3A_91 : i32 to index
    %swap3A_93 = tpu.vector_load %arg7[%swap3A_92] {strides = array<i32>} : memref<10256xi32, #tpu.memory_space<vmem>>, vector<16xi32>,
    tpu.vector_store %arg7[%swap3A_92], %broadcast_in_dim3A_89 {strides = array<i32>} : memref<10256xi32, #tpu.memory_space<vmem>>, vector<16xi32>,
    %broadcast_in_dim3A_94 = arith.constant 0 : i32
    %broadcast_in_dim3A_95 = vector.broadcast %broadcast_in_dim3A_94 : i32 to vector<16xi32>
    %add3A_96 = arith.constant 80 : i32
    %add3A_97 = arith.addi %scan3A_28, %add3A_96 : i32
    %swap3A_98 = arith.index_cast %add3A_97 : i32 to index
    %swap3A_99 = tpu.vector_load %arg6[%swap3A_98] {strides = array<i32>} : memref<10256xi32, #tpu.memory_space<vmem>>, vector<16xi32>,
    tpu.vector_store %arg6[%swap3A_98], %broadcast_in_dim3A_95 {strides = array<i32>} : memref<10256xi32, #tpu.memory_space<vmem>>, vector<16xi32>,
    %broadcast_in_dim3A_100 = arith.constant 10000 : i32
    %broadcast_in_dim3A_101 = vector.broadcast %broadcast_in_dim3A_100 : i32 to vector<16xi32>
    %add3A_102 = arith.constant 96 : i32
    %add3A_103 = arith.addi %scan3A_28, %add3A_102 : i32
    %swap3A_104 = arith.index_cast %add3A_103 : i32 to index
    %swap3A_105 = tpu.vector_load %arg7[%swap3A_104] {strides = array<i32>} : memref<10256xi32, #tpu.memory_space<vmem>>, vector<16xi32>,
    tpu.vector_store %arg7[%swap3A_104], %broadcast_in_dim3A_101 {strides = array<i32>} : memref<10256xi32, #tpu.memory_space<vmem>>, vector<16xi32>,
    %broadcast_in_dim3A_106 = arith.constant 0 : i32
    %broadcast_in_dim3A_107 = vector.broadcast %broadcast_in_dim3A_106 : i32 to vector<16xi32>
    %add3A_108 = arith.constant 96 : i32
    %add3A_109 = arith.addi %scan3A_28, %add3A_108 : i32
    %swap3A_110 = arith.index_cast %add3A_109 : i32 to index
    %swap3A_111 = tpu.vector_load %arg6[%swap3A_110] {strides = array<i32>} : memref<10256xi32, #tpu.memory_space<vmem>>, vector<16xi32>,
    tpu.vector_store %arg6[%swap3A_110], %broadcast_in_dim3A_107 {strides = array<i32>} : memref<10256xi32, #tpu.memory_space<vmem>>, vector<16xi32>,
    %broadcast_in_dim3A_112 = arith.constant 10000 : i32
    %broadcast_in_dim3A_113 = vector.broadcast %broadcast_in_dim3A_112 : i32 to vector<16xi32>
    %add3A_114 = arith.constant 112 : i32
    %add3A_115 = arith.addi %scan3A_28, %add3A_114 : i32
    %swap3A_116 = arith.index_cast %add3A_115 : i32 to index
    %swap3A_117 = tpu.vector_load %arg7[%swap3A_116] {strides = array<i32>} : memref<10256xi32, #tpu.memory_space<vmem>>, vector<16xi32>,
    tpu.vector_store %arg7[%swap3A_116], %broadcast_in_dim3A_113 {strides = array<i32>} : memref<10256xi32, #tpu.memory_space<vmem>>, vector<16xi32>,
    %broadcast_in_dim3A_118 = arith.constant 0 : i32
    %broadcast_in_dim3A_119 = vector.broadcast %broadcast_in_dim3A_118 : i32 to vector<16xi32>
    %add3A_120 = arith.constant 112 : i32
    %add3A_121 = arith.addi %scan3A_28, %add3A_120 : i32
    %swap3A_122 = arith.index_cast %add3A_121 : i32 to index
    %swap3A_123 = tpu.vector_load %arg6[%swap3A_122] {strides = array<i32>} : memref<10256xi32, #tpu.memory_space<vmem>>, vector<16xi32>,
    tpu.vector_store %arg6[%swap3A_122], %broadcast_in_dim3A_119 {strides = array<i32>} : memref<10256xi32, #tpu.memory_space<vmem>>, vector<16xi32>,
    %add3A_124 = arith.constant 128 : i32
    %add3A_125 = arith.addi %scan3A_28, %add3A_124 : i32
    %sub3A = arith.constant 1 : i32
    %sub3A_126 = arith.subi %add3A_125, %sub3A : i32
    %jit3A = arith.constant 128 : i32
    %div3A = arith.divsi %sub3A_126, %jit3A : i32
    %sign3A = arith.constant 0 : i32
    %sign3A_127 = arith.cmpi sgt, %sub3A_126, %sign3A : i32
    %sign3A_128 = arith.extui %sign3A_127 : i1 to i32
    %sign3A_129 = arith.constant 0 : i32
    %sign3A_130 = arith.cmpi slt, %sub3A_126, %sign3A_129 : i32
    %sign3A_131 = arith.extui %sign3A_130 : i1 to i32
    %sign3A_132 = arith.subi %sign3A_128, %sign3A_131 : i32
    %sign3A_133 = arith.constant 0 : i32
    %sign3A_134 = arith.cmpi sgt, %jit3A, %sign3A_133 : i32
    %sign3A_135 = arith.extui %sign3A_134 : i1 to i32
    %sign3A_136 = arith.constant 0 : i32
    %sign3A_137 = arith.cmpi slt, %jit3A, %sign3A_136 : i32
    %sign3A_138 = arith.extui %sign3A_137 : i1 to i32
    %sign3A_139 = arith.subi %sign3A_135, %sign3A_138 : i32
    %ne3A = arith.cmpi ne, %sign3A_132, %sign3A_139 : i32
    %rem3A = arith.remsi %sub3A_126, %jit3A : i32
    %ne3A_140 = arith.constant 0 : i32
    %ne3A_141 = arith.cmpi ne, %rem3A, %ne3A_140 : i32
    %and3A = arith.andi %ne3A, %ne3A_141 : i1
    %sub3A_142 = arith.constant 1 : i32
    %sub3A_143 = arith.subi %div3A, %sub3A_142 : i32
    %select_n3A = arith.select %and3A, %sub3A_143, %div3A : i32
    %barrier3A = arith.constant 0 : index
    tpu.barrier barrier_id(%barrier3A)
    %while3A = arith.constant 0 : i32
    %while3A_144 = arith.constant 0 : i32
    %while3A_145 = arith.subi %select_n3A, %while3A : i32
    %while3A_146 = arith.addi %while3A, %while3A_145 : i32
    %while3A_147 = arith.constant 1 : i32
    %while3A_148 = arith.divsi %while3A_145, %while3A_147 : i32
    %while3A_149 = arith.muli %while3A_148, %while3A_147 : i32
    %while3A_150 = arith.addi %while3A, %while3A_149 : i32
    %while3A_151 = arith.constant 1 : i32
    %while3A_152 = scf.for %while3A_168 = %while3A to %while3A_150 step %while3A_151 iter_args(%while3A_169 = %while3A_144) -> (i32)  : i32 {
      %mul3A_170 = arith.constant 128 : i32
      %mul3A_171 = arith.muli %while3A_168, %mul3A_170 : i32
      %add3A_172 = arith.constant 0 : i32
      %add3A_173 = arith.addi %mul3A_171, %add3A_172 : i32
      %get3A = arith.index_cast %add3A_173 : i32 to index
      %get3A_174 = tpu.vector_load %arg6[%get3A] {strides = array<i32>} : memref<10256xi32, #tpu.memory_space<vmem>>, vector<16xi32>,
      %swap3A_175 = arith.constant 0 : index
      %swap3A_176 = tpu.vector_load %arg8[%swap3A_175] {strides = array<i32>} : memref<128xi32, #tpu.memory_space<vmem>>, vector<16xi32>,
      tpu.vector_store %arg8[%swap3A_175], %get3A_174 {strides = array<i32>} : memref<128xi32, #tpu.memory_space<vmem>>, vector<16xi32>,
      %mul3A_177 = arith.constant 128 : i32
      %mul3A_178 = arith.muli %while3A_168, %mul3A_177 : i32
      %add3A_179 = arith.constant 0 : i32
      %add3A_180 = arith.addi %mul3A_178, %add3A_179 : i32
      %get3A_181 = arith.index_cast %add3A_180 : i32 to index
      %get3A_182 = tpu.vector_load %arg7[%get3A_181] {strides = array<i32>} : memref<10256xi32, #tpu.memory_space<vmem>>, vector<16xi32>,
      %swap3A_183 = arith.constant 0 : index
      %swap3A_184 = tpu.vector_load %arg9[%swap3A_183] {strides = array<i32>} : memref<128xi32, #tpu.memory_space<vmem>>, vector<16xi32>,
      tpu.vector_store %arg9[%swap3A_183], %get3A_182 {strides = array<i32>} : memref<128xi32, #tpu.memory_space<vmem>>, vector<16xi32>,
      %mul3A_185 = arith.constant 128 : i32
      %mul3A_186 = arith.muli %while3A_168, %mul3A_185 : i32
      %add3A_187 = arith.constant 16 : i32
      %add3A_188 = arith.addi %mul3A_186, %add3A_187 : i32
      %get3A_189 = arith.index_cast %add3A_188 : i32 to index
      %get3A_190 = tpu.vector_load %arg6[%get3A_189] {strides = array<i32>} : memref<10256xi32, #tpu.memory_space<vmem>>, vector<16xi32>,
      %swap3A_191 = arith.constant 16 : index
      %swap3A_192 = tpu.vector_load %arg8[%swap3A_191] {strides = array<i32>} : memref<128xi32, #tpu.memory_space<vmem>>, vector<16xi32>,
      tpu.vector_store %arg8[%swap3A_191], %get3A_190 {strides = array<i32>} : memref<128xi32, #tpu.memory_space<vmem>>, vector<16xi32>,
      %mul3A_193 = arith.constant 128 : i32
      %mul3A_194 = arith.muli %while3A_168, %mul3A_193 : i32
      %add3A_195 = arith.constant 16 : i32
      %add3A_196 = arith.addi %mul3A_194, %add3A_195 : i32
      %get3A_197 = arith.index_cast %add3A_196 : i32 to index
      %get3A_198 = tpu.vector_load %arg7[%get3A_197] {strides = array<i32>} : memref<10256xi32, #tpu.memory_space<vmem>>, vector<16xi32>,
      %swap3A_199 = arith.constant 16 : index
      %swap3A_200 = tpu.vector_load %arg9[%swap3A_199] {strides = array<i32>} : memref<128xi32, #tpu.memory_space<vmem>>, vector<16xi32>,
      tpu.vector_store %arg9[%swap3A_199], %get3A_198 {strides = array<i32>} : memref<128xi32, #tpu.memory_space<vmem>>, vector<16xi32>,
      %mul3A_201 = arith.constant 128 : i32
      %mul3A_202 = arith.muli %while3A_168, %mul3A_201 : i32
      %add3A_203 = arith.constant 32 : i32
      %add3A_204 = arith.addi %mul3A_202, %add3A_203 : i32
      %get3A_205 = arith.index_cast %add3A_204 : i32 to index
      %get3A_206 = tpu.vector_load %arg6[%get3A_205] {strides = array<i32>} : memref<10256xi32, #tpu.memory_space<vmem>>, vector<16xi32>,
      %swap3A_207 = arith.constant 32 : index
      %swap3A_208 = tpu.vector_load %arg8[%swap3A_207] {strides = array<i32>} : memref<128xi32, #tpu.memory_space<vmem>>, vector<16xi32>,
      tpu.vector_store %arg8[%swap3A_207], %get3A_206 {strides = array<i32>} : memref<128xi32, #tpu.memory_space<vmem>>, vector<16xi32>,
      %mul3A_209 = arith.constant 128 : i32
      %mul3A_210 = arith.muli %while3A_168, %mul3A_209 : i32
      %add3A_211 = arith.constant 32 : i32
      %add3A_212 = arith.addi %mul3A_210, %add3A_211 : i32
      %get3A_213 = arith.index_cast %add3A_212 : i32 to index
      %get3A_214 = tpu.vector_load %arg7[%get3A_213] {strides = array<i32>} : memref<10256xi32, #tpu.memory_space<vmem>>, vector<16xi32>,
      %swap3A_215 = arith.constant 32 : index
      %swap3A_216 = tpu.vector_load %arg9[%swap3A_215] {strides = array<i32>} : memref<128xi32, #tpu.memory_space<vmem>>, vector<16xi32>,
      tpu.vector_store %arg9[%swap3A_215], %get3A_214 {strides = array<i32>} : memref<128xi32, #tpu.memory_space<vmem>>, vector<16xi32>,
      %mul3A_217 = arith.constant 128 : i32
      %mul3A_218 = arith.muli %while3A_168, %mul3A_217 : i32
      %add3A_219 = arith.constant 48 : i32
      %add3A_220 = arith.addi %mul3A_218, %add3A_219 : i32
      %get3A_221 = arith.index_cast %add3A_220 : i32 to index
      %get3A_222 = tpu.vector_load %arg6[%get3A_221] {strides = array<i32>} : memref<10256xi32, #tpu.memory_space<vmem>>, vector<16xi32>,
      %swap3A_223 = arith.constant 48 : index
      %swap3A_224 = tpu.vector_load %arg8[%swap3A_223] {strides = array<i32>} : memref<128xi32, #tpu.memory_space<vmem>>, vector<16xi32>,
      tpu.vector_store %arg8[%swap3A_223], %get3A_222 {strides = array<i32>} : memref<128xi32, #tpu.memory_space<vmem>>, vector<16xi32>,
      %mul3A_225 = arith.constant 128 : i32
      %mul3A_226 = arith.muli %while3A_168, %mul3A_225 : i32
      %add3A_227 = arith.constant 48 : i32
      %add3A_228 = arith.addi %mul3A_226, %add3A_227 : i32
      %get3A_229 = arith.index_cast %add3A_228 : i32 to index
      %get3A_230 = tpu.vector_load %arg7[%get3A_229] {strides = array<i32>} : memref<10256xi32, #tpu.memory_space<vmem>>, vector<16xi32>,
      %swap3A_231 = arith.constant 48 : index
      %swap3A_232 = tpu.vector_load %arg9[%swap3A_231] {strides = array<i32>} : memref<128xi32, #tpu.memory_space<vmem>>, vector<16xi32>,
      tpu.vector_store %arg9[%swap3A_231], %get3A_230 {strides = array<i32>} : memref<128xi32, #tpu.memory_space<vmem>>, vector<16xi32>,
      %mul3A_233 = arith.constant 128 : i32
      %mul3A_234 = arith.muli %while3A_168, %mul3A_233 : i32
      %add3A_235 = arith.constant 64 : i32
      %add3A_236 = arith.addi %mul3A_234, %add3A_235 : i32
      %get3A_237 = arith.index_cast %add3A_236 : i32 to index
      %get3A_238 = tpu.vector_load %arg6[%get3A_237] {strides = array<i32>} : memref<10256xi32, #tpu.memory_space<vmem>>, vector<16xi32>,
      %swap3A_239 = arith.constant 64 : index
      %swap3A_240 = tpu.vector_load %arg8[%swap3A_239] {strides = array<i32>} : memref<128xi32, #tpu.memory_space<vmem>>, vector<16xi32>,
      tpu.vector_store %arg8[%swap3A_239], %get3A_238 {strides = array<i32>} : memref<128xi32, #tpu.memory_space<vmem>>, vector<16xi32>,
      %mul3A_241 = arith.constant 128 : i32
      %mul3A_242 = arith.muli %while3A_168, %mul3A_241 : i32
      %add3A_243 = arith.constant 64 : i32
      %add3A_244 = arith.addi %mul3A_242, %add3A_243 : i32
      %get3A_245 = arith.index_cast %add3A_244 : i32 to index
      %get3A_246 = tpu.vector_load %arg7[%get3A_245] {strides = array<i32>} : memref<10256xi32, #tpu.memory_space<vmem>>, vector<16xi32>,
      %swap3A_247 = arith.constant 64 : index
      %swap3A_248 = tpu.vector_load %arg9[%swap3A_247] {strides = array<i32>} : memref<128xi32, #tpu.memory_space<vmem>>, vector<16xi32>,
      tpu.vector_store %arg9[%swap3A_247], %get3A_246 {strides = array<i32>} : memref<128xi32, #tpu.memory_space<vmem>>, vector<16xi32>,
      %mul3A_249 = arith.constant 128 : i32
      %mul3A_250 = arith.muli %while3A_168, %mul3A_249 : i32
      %add3A_251 = arith.constant 80 : i32
      %add3A_252 = arith.addi %mul3A_250, %add3A_251 : i32
      %get3A_253 = arith.index_cast %add3A_252 : i32 to index
      %get3A_254 = tpu.vector_load %arg6[%get3A_253] {strides = array<i32>} : memref<10256xi32, #tpu.memory_space<vmem>>, vector<16xi32>,
      %swap3A_255 = arith.constant 80 : index
      %swap3A_256 = tpu.vector_load %arg8[%swap3A_255] {strides = array<i32>} : memref<128xi32, #tpu.memory_space<vmem>>, vector<16xi32>,
      tpu.vector_store %arg8[%swap3A_255], %get3A_254 {strides = array<i32>} : memref<128xi32, #tpu.memory_space<vmem>>, vector<16xi32>,
      %mul3A_257 = arith.constant 128 : i32
      %mul3A_258 = arith.muli %while3A_168, %mul3A_257 : i32
      %add3A_259 = arith.constant 80 : i32
      %add3A_260 = arith.addi %mul3A_258, %add3A_259 : i32
      %get3A_261 = arith.index_cast %add3A_260 : i32 to index
      %get3A_262 = tpu.vector_load %arg7[%get3A_261] {strides = array<i32>} : memref<10256xi32, #tpu.memory_space<vmem>>, vector<16xi32>,
      %swap3A_263 = arith.constant 80 : index
      %swap3A_264 = tpu.vector_load %arg9[%swap3A_263] {strides = array<i32>} : memref<128xi32, #tpu.memory_space<vmem>>, vector<16xi32>,
      tpu.vector_store %arg9[%swap3A_263], %get3A_262 {strides = array<i32>} : memref<128xi32, #tpu.memory_space<vmem>>, vector<16xi32>,
      %mul3A_265 = arith.constant 128 : i32
      %mul3A_266 = arith.muli %while3A_168, %mul3A_265 : i32
      %add3A_267 = arith.constant 96 : i32
      %add3A_268 = arith.addi %mul3A_266, %add3A_267 : i32
      %get3A_269 = arith.index_cast %add3A_268 : i32 to index
      %get3A_270 = tpu.vector_load %arg6[%get3A_269] {strides = array<i32>} : memref<10256xi32, #tpu.memory_space<vmem>>, vector<16xi32>,
      %swap3A_271 = arith.constant 96 : index
      %swap3A_272 = tpu.vector_load %arg8[%swap3A_271] {strides = array<i32>} : memref<128xi32, #tpu.memory_space<vmem>>, vector<16xi32>,
      tpu.vector_store %arg8[%swap3A_271], %get3A_270 {strides = array<i32>} : memref<128xi32, #tpu.memory_space<vmem>>, vector<16xi32>,
      %mul3A_273 = arith.constant 128 : i32
      %mul3A_274 = arith.muli %while3A_168, %mul3A_273 : i32
      %add3A_275 = arith.constant 96 : i32
      %add3A_276 = arith.addi %mul3A_274, %add3A_275 : i32
      %get3A_277 = arith.index_cast %add3A_276 : i32 to index
      %get3A_278 = tpu.vector_load %arg7[%get3A_277] {strides = array<i32>} : memref<10256xi32, #tpu.memory_space<vmem>>, vector<16xi32>,
      %swap3A_279 = arith.constant 96 : index
      %swap3A_280 = tpu.vector_load %arg9[%swap3A_279] {strides = array<i32>} : memref<128xi32, #tpu.memory_space<vmem>>, vector<16xi32>,
      tpu.vector_store %arg9[%swap3A_279], %get3A_278 {strides = array<i32>} : memref<128xi32, #tpu.memory_space<vmem>>, vector<16xi32>,
      %mul3A_281 = arith.constant 128 : i32
      %mul3A_282 = arith.muli %while3A_168, %mul3A_281 : i32
      %add3A_283 = arith.constant 112 : i32
      %add3A_284 = arith.addi %mul3A_282, %add3A_283 : i32
      %get3A_285 = arith.index_cast %add3A_284 : i32 to index
      %get3A_286 = tpu.vector_load %arg6[%get3A_285] {strides = array<i32>} : memref<10256xi32, #tpu.memory_space<vmem>>, vector<16xi32>,
      %swap3A_287 = arith.constant 112 : index
      %swap3A_288 = tpu.vector_load %arg8[%swap3A_287] {strides = array<i32>} : memref<128xi32, #tpu.memory_space<vmem>>, vector<16xi32>,
      tpu.vector_store %arg8[%swap3A_287], %get3A_286 {strides = array<i32>} : memref<128xi32, #tpu.memory_space<vmem>>, vector<16xi32>,
      %mul3A_289 = arith.constant 128 : i32
      %mul3A_290 = arith.muli %while3A_168, %mul3A_289 : i32
      %add3A_291 = arith.constant 112 : i32
      %add3A_292 = arith.addi %mul3A_290, %add3A_291 : i32
      %get3A_293 = arith.index_cast %add3A_292 : i32 to index
      %get3A_294 = tpu.vector_load %arg7[%get3A_293] {strides = array<i32>} : memref<10256xi32, #tpu.memory_space<vmem>>, vector<16xi32>,
      %swap3A_295 = arith.constant 112 : index
      %swap3A_296 = tpu.vector_load %arg9[%swap3A_295] {strides = array<i32>} : memref<128xi32, #tpu.memory_space<vmem>>, vector<16xi32>,
      tpu.vector_store %arg9[%swap3A_295], %get3A_294 {strides = array<i32>} : memref<128xi32, #tpu.memory_space<vmem>>, vector<16xi32>,
      %dma_start3A = arith.constant 0 : i32
      %dma_start3A_297 = arith.constant 0 : i32
      %dma_start3A_298 = tpu.memref_slice %arg4[%dma_start3A, %dma_start3A_297] : memref<80000x128xf32, #tpu.memory_space<hbm>> -> memref<80000x128xf32, #tpu.memory_space<hbm>>
      tpu.enqueue_indirect_dma source(%dma_start3A_298 : memref<80000x128xf32, #tpu.memory_space<hbm>>) target(%arg10 : memref<128x128xf32, #tpu.memory_space<vmem>>) offsets(%arg8 : memref<128xi32, #tpu.memory_space<vmem>>) semaphore(%arg12 : memref<!tpu.dma_semaphore, #tpu.memory_space<semaphore_mem>>)
      %dma_wait3A = arith.constant 0 : i32
      %dma_wait3A_299 = arith.constant 0 : i32
      %dma_wait3A_300 = tpu.memref_slice %arg4[%dma_wait3A, %dma_wait3A_299] : memref<80000x128xf32, #tpu.memory_space<hbm>> -> memref<80000x128xf32, #tpu.memory_space<hbm>>
      tpu.wait_indirect_dma semaphore(%arg12 : memref<!tpu.dma_semaphore, #tpu.memory_space<semaphore_mem>>) src(%dma_wait3A_300 : memref<80000x128xf32, #tpu.memory_space<hbm>>) dst(%arg10 : memref<128x128xf32, #tpu.memory_space<vmem>>)
      "tpu.region"() ({
        %run_scoped3A = tpu.sem_alloc : memref<!tpu.dma_semaphore, #tpu.memory_space<semaphore_mem>>
        %dma_start3A_302 = arith.constant 0 : i32
        %dma_start3A_303 = arith.constant 0 : i32
        %dma_start3A_304 = tpu.memref_slice %arg11[%dma_start3A_302, %dma_start3A_303] : memref<10112x128xf32, #tpu.memory_space<vmem_shared>> -> memref<10112x128xf32, #tpu.memory_space<vmem_shared>>
        tpu.enqueue_indirect_dma source(%arg10 : memref<128x128xf32, #tpu.memory_space<vmem>>) target(%dma_start3A_304 : memref<10112x128xf32, #tpu.memory_space<vmem_shared>>) offsets(%arg9 : memref<128xi32, #tpu.memory_space<vmem>>) semaphore(%run_scoped3A : memref<!tpu.dma_semaphore, #tpu.memory_space<semaphore_mem>>) {add = true}
        %dma_wait3A_305 = arith.constant 0 : i32
        %dma_wait3A_306 = arith.constant 0 : i32
        %dma_wait3A_307 = tpu.memref_slice %arg11[%dma_wait3A_305, %dma_wait3A_306] : memref<10112x128xf32, #tpu.memory_space<vmem_shared>> -> memref<10112x128xf32, #tpu.memory_space<vmem_shared>>
        tpu.wait_indirect_dma semaphore(%run_scoped3A : memref<!tpu.dma_semaphore, #tpu.memory_space<semaphore_mem>>) src(%arg10 : memref<128x128xf32, #tpu.memory_space<vmem>>) dst(%dma_wait3A_307 : memref<10112x128xf32, #tpu.memory_space<vmem_shared>>)
        tpu.yield
      }) : () -> ()
      %while3A_301 = arith.constant 0 : i32
      scf.yield %while3A_301 : i32
    }
    %while3A_153 = arith.constant 1 : i32
    %while3A_154 = scf.for %while3A_168 = %while3A_150 to %while3A_146 step %while3A_153 iter_args(%while3A_169 = %while3A_152) -> (i32)  : i32 {
      %mul3A_170 = arith.constant 128 : i32
      %mul3A_171 = arith.muli %while3A_168, %mul3A_170 : i32
      %add3A_172 = arith.constant 0 : i32
      %add3A_173 = arith.addi %mul3A_171, %add3A_172 : i32
      %get3A = arith.index_cast %add3A_173 : i32 to index
      %get3A_174 = tpu.vector_load %arg6[%get3A] {strides = array<i32>} : memref<10256xi32, #tpu.memory_space<vmem>>, vector<16xi32>,
      %swap3A_175 = arith.constant 0 : index
      %swap3A_176 = tpu.vector_load %arg8[%swap3A_175] {strides = array<i32>} : memref<128xi32, #tpu.memory_space<vmem>>, vector<16xi32>,
      tpu.vector_store %arg8[%swap3A_175], %get3A_174 {strides = array<i32>} : memref<128xi32, #tpu.memory_space<vmem>>, vector<16xi32>,
      %mul3A_177 = arith.constant 128 : i32
      %mul3A_178 = arith.muli %while3A_168, %mul3A_177 : i32
      %add3A_179 = arith.constant 0 : i32
      %add3A_180 = arith.addi %mul3A_178, %add3A_179 : i32
      %get3A_181 = arith.index_cast %add3A_180 : i32 to index
      %get3A_182 = tpu.vector_load %arg7[%get3A_181] {strides = array<i32>} : memref<10256xi32, #tpu.memory_space<vmem>>, vector<16xi32>,
      %swap3A_183 = arith.constant 0 : index
      %swap3A_184 = tpu.vector_load %arg9[%swap3A_183] {strides = array<i32>} : memref<128xi32, #tpu.memory_space<vmem>>, vector<16xi32>,
      tpu.vector_store %arg9[%swap3A_183], %get3A_182 {strides = array<i32>} : memref<128xi32, #tpu.memory_space<vmem>>, vector<16xi32>,
      %mul3A_185 = arith.constant 128 : i32
      %mul3A_186 = arith.muli %while3A_168, %mul3A_185 : i32
      %add3A_187 = arith.constant 16 : i32
      %add3A_188 = arith.addi %mul3A_186, %add3A_187 : i32
      %get3A_189 = arith.index_cast %add3A_188 : i32 to index
      %get3A_190 = tpu.vector_load %arg6[%get3A_189] {strides = array<i32>} : memref<10256xi32, #tpu.memory_space<vmem>>, vector<16xi32>,
      %swap3A_191 = arith.constant 16 : index
      %swap3A_192 = tpu.vector_load %arg8[%swap3A_191] {strides = array<i32>} : memref<128xi32, #tpu.memory_space<vmem>>, vector<16xi32>,
      tpu.vector_store %arg8[%swap3A_191], %get3A_190 {strides = array<i32>} : memref<128xi32, #tpu.memory_space<vmem>>, vector<16xi32>,
      %mul3A_193 = arith.constant 128 : i32
      %mul3A_194 = arith.muli %while3A_168, %mul3A_193 : i32
      %add3A_195 = arith.constant 16 : i32
      %add3A_196 = arith.addi %mul3A_194, %add3A_195 : i32
      %get3A_197 = arith.index_cast %add3A_196 : i32 to index
      %get3A_198 = tpu.vector_load %arg7[%get3A_197] {strides = array<i32>} : memref<10256xi32, #tpu.memory_space<vmem>>, vector<16xi32>,
      %swap3A_199 = arith.constant 16 : index
      %swap3A_200 = tpu.vector_load %arg9[%swap3A_199] {strides = array<i32>} : memref<128xi32, #tpu.memory_space<vmem>>, vector<16xi32>,
      tpu.vector_store %arg9[%swap3A_199], %get3A_198 {strides = array<i32>} : memref<128xi32, #tpu.memory_space<vmem>>, vector<16xi32>,
      %mul3A_201 = arith.constant 128 : i32
      %mul3A_202 = arith.muli %while3A_168, %mul3A_201 : i32
      %add3A_203 = arith.constant 32 : i32
      %add3A_204 = arith.addi %mul3A_202, %add3A_203 : i32
      %get3A_205 = arith.index_cast %add3A_204 : i32 to index
      %get3A_206 = tpu.vector_load %arg6[%get3A_205] {strides = array<i32>} : memref<10256xi32, #tpu.memory_space<vmem>>, vector<16xi32>,
      %swap3A_207 = arith.constant 32 : index
      %swap3A_208 = tpu.vector_load %arg8[%swap3A_207] {strides = array<i32>} : memref<128xi32, #tpu.memory_space<vmem>>, vector<16xi32>,
      tpu.vector_store %arg8[%swap3A_207], %get3A_206 {strides = array<i32>} : memref<128xi32, #tpu.memory_space<vmem>>, vector<16xi32>,
      %mul3A_209 = arith.constant 128 : i32
      %mul3A_210 = arith.muli %while3A_168, %mul3A_209 : i32
      %add3A_211 = arith.constant 32 : i32
      %add3A_212 = arith.addi %mul3A_210, %add3A_211 : i32
      %get3A_213 = arith.index_cast %add3A_212 : i32 to index
      %get3A_214 = tpu.vector_load %arg7[%get3A_213] {strides = array<i32>} : memref<10256xi32, #tpu.memory_space<vmem>>, vector<16xi32>,
      %swap3A_215 = arith.constant 32 : index
      %swap3A_216 = tpu.vector_load %arg9[%swap3A_215] {strides = array<i32>} : memref<128xi32, #tpu.memory_space<vmem>>, vector<16xi32>,
      tpu.vector_store %arg9[%swap3A_215], %get3A_214 {strides = array<i32>} : memref<128xi32, #tpu.memory_space<vmem>>, vector<16xi32>,
      %mul3A_217 = arith.constant 128 : i32
      %mul3A_218 = arith.muli %while3A_168, %mul3A_217 : i32
      %add3A_219 = arith.constant 48 : i32
      %add3A_220 = arith.addi %mul3A_218, %add3A_219 : i32
      %get3A_221 = arith.index_cast %add3A_220 : i32 to index
      %get3A_222 = tpu.vector_load %arg6[%get3A_221] {strides = array<i32>} : memref<10256xi32, #tpu.memory_space<vmem>>, vector<16xi32>,
      %swap3A_223 = arith.constant 48 : index
      %swap3A_224 = tpu.vector_load %arg8[%swap3A_223] {strides = array<i32>} : memref<128xi32, #tpu.memory_space<vmem>>, vector<16xi32>,
      tpu.vector_store %arg8[%swap3A_223], %get3A_222 {strides = array<i32>} : memref<128xi32, #tpu.memory_space<vmem>>, vector<16xi32>,
      %mul3A_225 = arith.constant 128 : i32
      %mul3A_226 = arith.muli %while3A_168, %mul3A_225 : i32
      %add3A_227 = arith.constant 48 : i32
      %add3A_228 = arith.addi %mul3A_226, %add3A_227 : i32
      %get3A_229 = arith.index_cast %add3A_228 : i32 to index
      %get3A_230 = tpu.vector_load %arg7[%get3A_229] {strides = array<i32>} : memref<10256xi32, #tpu.memory_space<vmem>>, vector<16xi32>,
      %swap3A_231 = arith.constant 48 : index
      %swap3A_232 = tpu.vector_load %arg9[%swap3A_231] {strides = array<i32>} : memref<128xi32, #tpu.memory_space<vmem>>, vector<16xi32>,
      tpu.vector_store %arg9[%swap3A_231], %get3A_230 {strides = array<i32>} : memref<128xi32, #tpu.memory_space<vmem>>, vector<16xi32>,
      %mul3A_233 = arith.constant 128 : i32
      %mul3A_234 = arith.muli %while3A_168, %mul3A_233 : i32
      %add3A_235 = arith.constant 64 : i32
      %add3A_236 = arith.addi %mul3A_234, %add3A_235 : i32
      %get3A_237 = arith.index_cast %add3A_236 : i32 to index
      %get3A_238 = tpu.vector_load %arg6[%get3A_237] {strides = array<i32>} : memref<10256xi32, #tpu.memory_space<vmem>>, vector<16xi32>,
      %swap3A_239 = arith.constant 64 : index
      %swap3A_240 = tpu.vector_load %arg8[%swap3A_239] {strides = array<i32>} : memref<128xi32, #tpu.memory_space<vmem>>, vector<16xi32>,
      tpu.vector_store %arg8[%swap3A_239], %get3A_238 {strides = array<i32>} : memref<128xi32, #tpu.memory_space<vmem>>, vector<16xi32>,
      %mul3A_241 = arith.constant 128 : i32
      %mul3A_242 = arith.muli %while3A_168, %mul3A_241 : i32
      %add3A_243 = arith.constant 64 : i32
      %add3A_244 = arith.addi %mul3A_242, %add3A_243 : i32
      %get3A_245 = arith.index_cast %add3A_244 : i32 to index
      %get3A_246 = tpu.vector_load %arg7[%get3A_245] {strides = array<i32>} : memref<10256xi32, #tpu.memory_space<vmem>>, vector<16xi32>,
      %swap3A_247 = arith.constant 64 : index
      %swap3A_248 = tpu.vector_load %arg9[%swap3A_247] {strides = array<i32>} : memref<128xi32, #tpu.memory_space<vmem>>, vector<16xi32>,
      tpu.vector_store %arg9[%swap3A_247], %get3A_246 {strides = array<i32>} : memref<128xi32, #tpu.memory_space<vmem>>, vector<16xi32>,
      %mul3A_249 = arith.constant 128 : i32
      %mul3A_250 = arith.muli %while3A_168, %mul3A_249 : i32
      %add3A_251 = arith.constant 80 : i32
      %add3A_252 = arith.addi %mul3A_250, %add3A_251 : i32
      %get3A_253 = arith.index_cast %add3A_252 : i32 to index
      %get3A_254 = tpu.vector_load %arg6[%get3A_253] {strides = array<i32>} : memref<10256xi32, #tpu.memory_space<vmem>>, vector<16xi32>,
      %swap3A_255 = arith.constant 80 : index
      %swap3A_256 = tpu.vector_load %arg8[%swap3A_255] {strides = array<i32>} : memref<128xi32, #tpu.memory_space<vmem>>, vector<16xi32>,
      tpu.vector_store %arg8[%swap3A_255], %get3A_254 {strides = array<i32>} : memref<128xi32, #tpu.memory_space<vmem>>, vector<16xi32>,
      %mul3A_257 = arith.constant 128 : i32
      %mul3A_258 = arith.muli %while3A_168, %mul3A_257 : i32
      %add3A_259 = arith.constant 80 : i32
      %add3A_260 = arith.addi %mul3A_258, %add3A_259 : i32
      %get3A_261 = arith.index_cast %add3A_260 : i32 to index
      %get3A_262 = tpu.vector_load %arg7[%get3A_261] {strides = array<i32>} : memref<10256xi32, #tpu.memory_space<vmem>>, vector<16xi32>,
      %swap3A_263 = arith.constant 80 : index
      %swap3A_264 = tpu.vector_load %arg9[%swap3A_263] {strides = array<i32>} : memref<128xi32, #tpu.memory_space<vmem>>, vector<16xi32>,
      tpu.vector_store %arg9[%swap3A_263], %get3A_262 {strides = array<i32>} : memref<128xi32, #tpu.memory_space<vmem>>, vector<16xi32>,
      %mul3A_265 = arith.constant 128 : i32
      %mul3A_266 = arith.muli %while3A_168, %mul3A_265 : i32
      %add3A_267 = arith.constant 96 : i32
      %add3A_268 = arith.addi %mul3A_266, %add3A_267 : i32
      %get3A_269 = arith.index_cast %add3A_268 : i32 to index
      %get3A_270 = tpu.vector_load %arg6[%get3A_269] {strides = array<i32>} : memref<10256xi32, #tpu.memory_space<vmem>>, vector<16xi32>,
      %swap3A_271 = arith.constant 96 : index
      %swap3A_272 = tpu.vector_load %arg8[%swap3A_271] {strides = array<i32>} : memref<128xi32, #tpu.memory_space<vmem>>, vector<16xi32>,
      tpu.vector_store %arg8[%swap3A_271], %get3A_270 {strides = array<i32>} : memref<128xi32, #tpu.memory_space<vmem>>, vector<16xi32>,
      %mul3A_273 = arith.constant 128 : i32
      %mul3A_274 = arith.muli %while3A_168, %mul3A_273 : i32
      %add3A_275 = arith.constant 96 : i32
      %add3A_276 = arith.addi %mul3A_274, %add3A_275 : i32
      %get3A_277 = arith.index_cast %add3A_276 : i32 to index
      %get3A_278 = tpu.vector_load %arg7[%get3A_277] {strides = array<i32>} : memref<10256xi32, #tpu.memory_space<vmem>>, vector<16xi32>,
      %swap3A_279 = arith.constant 96 : index
      %swap3A_280 = tpu.vector_load %arg9[%swap3A_279] {strides = array<i32>} : memref<128xi32, #tpu.memory_space<vmem>>, vector<16xi32>,
      tpu.vector_store %arg9[%swap3A_279], %get3A_278 {strides = array<i32>} : memref<128xi32, #tpu.memory_space<vmem>>, vector<16xi32>,
      %mul3A_281 = arith.constant 128 : i32
      %mul3A_282 = arith.muli %while3A_168, %mul3A_281 : i32
      %add3A_283 = arith.constant 112 : i32
      %add3A_284 = arith.addi %mul3A_282, %add3A_283 : i32
      %get3A_285 = arith.index_cast %add3A_284 : i32 to index
      %get3A_286 = tpu.vector_load %arg6[%get3A_285] {strides = array<i32>} : memref<10256xi32, #tpu.memory_space<vmem>>, vector<16xi32>,
      %swap3A_287 = arith.constant 112 : index
      %swap3A_288 = tpu.vector_load %arg8[%swap3A_287] {strides = array<i32>} : memref<128xi32, #tpu.memory_space<vmem>>, vector<16xi32>,
      tpu.vector_store %arg8[%swap3A_287], %get3A_286 {strides = array<i32>} : memref<128xi32, #tpu.memory_space<vmem>>, vector<16xi32>,
      %mul3A_289 = arith.constant 128 : i32
      %mul3A_290 = arith.muli %while3A_168, %mul3A_289 : i32
      %add3A_291 = arith.constant 112 : i32
      %add3A_292 = arith.addi %mul3A_290, %add3A_291 : i32
      %get3A_293 = arith.index_cast %add3A_292 : i32 to index
      %get3A_294 = tpu.vector_load %arg7[%get3A_293] {strides = array<i32>} : memref<10256xi32, #tpu.memory_space<vmem>>, vector<16xi32>,
      %swap3A_295 = arith.constant 112 : index
      %swap3A_296 = tpu.vector_load %arg9[%swap3A_295] {strides = array<i32>} : memref<128xi32, #tpu.memory_space<vmem>>, vector<16xi32>,
      tpu.vector_store %arg9[%swap3A_295], %get3A_294 {strides = array<i32>} : memref<128xi32, #tpu.memory_space<vmem>>, vector<16xi32>,
      %dma_start3A = arith.constant 0 : i32
      %dma_start3A_297 = arith.constant 0 : i32
      %dma_start3A_298 = tpu.memref_slice %arg4[%dma_start3A, %dma_start3A_297] : memref<80000x128xf32, #tpu.memory_space<hbm>> -> memref<80000x128xf32, #tpu.memory_space<hbm>>
      tpu.enqueue_indirect_dma source(%dma_start3A_298 : memref<80000x128xf32, #tpu.memory_space<hbm>>) target(%arg10 : memref<128x128xf32, #tpu.memory_space<vmem>>) offsets(%arg8 : memref<128xi32, #tpu.memory_space<vmem>>) semaphore(%arg12 : memref<!tpu.dma_semaphore, #tpu.memory_space<semaphore_mem>>)
      %dma_wait3A = arith.constant 0 : i32
      %dma_wait3A_299 = arith.constant 0 : i32
      %dma_wait3A_300 = tpu.memref_slice %arg4[%dma_wait3A, %dma_wait3A_299] : memref<80000x128xf32, #tpu.memory_space<hbm>> -> memref<80000x128xf32, #tpu.memory_space<hbm>>
      tpu.wait_indirect_dma semaphore(%arg12 : memref<!tpu.dma_semaphore, #tpu.memory_space<semaphore_mem>>) src(%dma_wait3A_300 : memref<80000x128xf32, #tpu.memory_space<hbm>>) dst(%arg10 : memref<128x128xf32, #tpu.memory_space<vmem>>)
      "tpu.region"() ({
        %run_scoped3A = tpu.sem_alloc : memref<!tpu.dma_semaphore, #tpu.memory_space<semaphore_mem>>
        %dma_start3A_302 = arith.constant 0 : i32
        %dma_start3A_303 = arith.constant 0 : i32
        %dma_start3A_304 = tpu.memref_slice %arg11[%dma_start3A_302, %dma_start3A_303] : memref<10112x128xf32, #tpu.memory_space<vmem_shared>> -> memref<10112x128xf32, #tpu.memory_space<vmem_shared>>
        tpu.enqueue_indirect_dma source(%arg10 : memref<128x128xf32, #tpu.memory_space<vmem>>) target(%dma_start3A_304 : memref<10112x128xf32, #tpu.memory_space<vmem_shared>>) offsets(%arg9 : memref<128xi32, #tpu.memory_space<vmem>>) semaphore(%run_scoped3A : memref<!tpu.dma_semaphore, #tpu.memory_space<semaphore_mem>>) {add = true}
        %dma_wait3A_305 = arith.constant 0 : i32
        %dma_wait3A_306 = arith.constant 0 : i32
        %dma_wait3A_307 = tpu.memref_slice %arg11[%dma_wait3A_305, %dma_wait3A_306] : memref<10112x128xf32, #tpu.memory_space<vmem_shared>> -> memref<10112x128xf32, #tpu.memory_space<vmem_shared>>
        tpu.wait_indirect_dma semaphore(%run_scoped3A : memref<!tpu.dma_semaphore, #tpu.memory_space<semaphore_mem>>) src(%arg10 : memref<128x128xf32, #tpu.memory_space<vmem>>) dst(%dma_wait3A_307 : memref<10112x128xf32, #tpu.memory_space<vmem_shared>>)
        tpu.yield
      }) : () -> ()
      %while3A_301 = arith.constant 0 : i32
      scf.yield %while3A_301 : i32
    }
    %barrier3A_155 = arith.constant 0 : index
    tpu.barrier barrier_id(%barrier3A_155)
    %mul3A_156 = arith.constant 632 : i32
    %mul3A_157 = arith.muli %arg1, %mul3A_156 : i32
    "tpu.region"() ({
      %run_scoped3A = tpu.sem_alloc : memref<!tpu.dma_semaphore, #tpu.memory_space<semaphore_mem>>
      %dma_start3A = arith.constant 0 : i32
      %dma_start3A_168 = tpu.memref_slice %arg5[%arg0, %mul3A_157, %dma_start3A] : memref<2x10112x128xf32, #tpu.memory_space<hbm>> -> memref<1x128x128xf32, #tpu.memory_space<hbm>>
      %dma_start3A_169 = tpu.memref_squeeze %dma_start3A_168 : memref<1x128x128xf32, #tpu.memory_space<hbm>> -> memref<128x128xf32, #tpu.memory_space<hbm>>
      %dma_start3A_170 = arith.constant 0 : i32
      %dma_start3A_171 = tpu.memref_slice %arg11[%mul3A_157, %dma_start3A_170] : memref<10112x128xf32, #tpu.memory_space<vmem_shared>> -> memref<128x128xf32, #tpu.memory_space<vmem_shared>>
      tpu.enqueue_dma source(%dma_start3A_171 : memref<128x128xf32, #tpu.memory_space<vmem_shared>>) target(%dma_start3A_169 : memref<128x128xf32, #tpu.memory_space<hbm>>) target_semaphore(%run_scoped3A : memref<!tpu.dma_semaphore, #tpu.memory_space<semaphore_mem>>)
      %dma_wait3A = arith.constant 0 : i32
      %dma_wait3A_172 = tpu.memref_slice %arg5[%arg0, %mul3A_157, %dma_wait3A] : memref<2x10112x128xf32, #tpu.memory_space<hbm>> -> memref<1x128x128xf32, #tpu.memory_space<hbm>>
      %dma_wait3A_173 = tpu.memref_squeeze %dma_wait3A_172 : memref<1x128x128xf32, #tpu.memory_space<hbm>> -> memref<128x128xf32, #tpu.memory_space<hbm>>
      %dma_wait3A_174 = arith.constant 0 : i32
      %dma_wait3A_175 = tpu.memref_slice %arg11[%mul3A_157, %dma_wait3A_174] : memref<10112x128xf32, #tpu.memory_space<vmem_shared>> -> memref<128x128xf32, #tpu.memory_space<vmem_shared>>
      tpu.wait_dma2 semaphore(%run_scoped3A : memref<!tpu.dma_semaphore, #tpu.memory_space<semaphore_mem>>) src(%dma_wait3A_175 : memref<128x128xf32, #tpu.memory_space<vmem_shared>>) dst(%dma_wait3A_173 : memref<128x128xf32, #tpu.memory_space<hbm>>)
      tpu.yield
    }) : () -> ()
    %add3A_158 = arith.constant 128 : i32
    %add3A_159 = arith.addi %mul3A_157, %add3A_158 : i32
    "tpu.region"() ({
      %run_scoped3A = tpu.sem_alloc : memref<!tpu.dma_semaphore, #tpu.memory_space<semaphore_mem>>
      %dma_start3A = arith.constant 0 : i32
      %dma_start3A_168 = tpu.memref_slice %arg5[%arg0, %add3A_159, %dma_start3A] : memref<2x10112x128xf32, #tpu.memory_space<hbm>> -> memref<1x128x128xf32, #tpu.memory_space<hbm>>
      %dma_start3A_169 = tpu.memref_squeeze %dma_start3A_168 : memref<1x128x128xf32, #tpu.memory_space<hbm>> -> memref<128x128xf32, #tpu.memory_space<hbm>>
      %dma_start3A_170 = arith.constant 0 : i32
      %dma_start3A_171 = tpu.memref_slice %arg11[%add3A_159, %dma_start3A_170] : memref<10112x128xf32, #tpu.memory_space<vmem_shared>> -> memref<128x128xf32, #tpu.memory_space<vmem_shared>>
      tpu.enqueue_dma source(%dma_start3A_171 : memref<128x128xf32, #tpu.memory_space<vmem_shared>>) target(%dma_start3A_169 : memref<128x128xf32, #tpu.memory_space<hbm>>) target_semaphore(%run_scoped3A : memref<!tpu.dma_semaphore, #tpu.memory_space<semaphore_mem>>)
      %dma_wait3A = arith.constant 0 : i32
      %dma_wait3A_172 = tpu.memref_slice %arg5[%arg0, %add3A_159, %dma_wait3A] : memref<2x10112x128xf32, #tpu.memory_space<hbm>> -> memref<1x128x128xf32, #tpu.memory_space<hbm>>
      %dma_wait3A_173 = tpu.memref_squeeze %dma_wait3A_172 : memref<1x128x128xf32, #tpu.memory_space<hbm>> -> memref<128x128xf32, #tpu.memory_space<hbm>>
      %dma_wait3A_174 = arith.constant 0 : i32
      %dma_wait3A_175 = tpu.memref_slice %arg11[%add3A_159, %dma_wait3A_174] : memref<10112x128xf32, #tpu.memory_space<vmem_shared>> -> memref<128x128xf32, #tpu.memory_space<vmem_shared>>
      tpu.wait_dma2 semaphore(%run_scoped3A : memref<!tpu.dma_semaphore, #tpu.memory_space<semaphore_mem>>) src(%dma_wait3A_175 : memref<128x128xf32, #tpu.memory_space<vmem_shared>>) dst(%dma_wait3A_173 : memref<128x128xf32, #tpu.memory_space<hbm>>)
      tpu.yield
    }) : () -> ()
    %add3A_160 = arith.constant 128 : i32
    %add3A_161 = arith.addi %add3A_159, %add3A_160 : i32
    "tpu.region"() ({
      %run_scoped3A = tpu.sem_alloc : memref<!tpu.dma_semaphore, #tpu.memory_space<semaphore_mem>>
      %dma_start3A = arith.constant 0 : i32
      %dma_start3A_168 = tpu.memref_slice %arg5[%arg0, %add3A_161, %dma_start3A] : memref<2x10112x128xf32, #tpu.memory_space<hbm>> -> memref<1x128x128xf32, #tpu.memory_space<hbm>>
      %dma_start3A_169 = tpu.memref_squeeze %dma_start3A_168 : memref<1x128x128xf32, #tpu.memory_space<hbm>> -> memref<128x128xf32, #tpu.memory_space<hbm>>
      %dma_start3A_170 = arith.constant 0 : i32
      %dma_start3A_171 = tpu.memref_slice %arg11[%add3A_161, %dma_start3A_170] : memref<10112x128xf32, #tpu.memory_space<vmem_shared>> -> memref<128x128xf32, #tpu.memory_space<vmem_shared>>
      tpu.enqueue_dma source(%dma_start3A_171 : memref<128x128xf32, #tpu.memory_space<vmem_shared>>) target(%dma_start3A_169 : memref<128x128xf32, #tpu.memory_space<hbm>>) target_semaphore(%run_scoped3A : memref<!tpu.dma_semaphore, #tpu.memory_space<semaphore_mem>>)
      %dma_wait3A = arith.constant 0 : i32
      %dma_wait3A_172 = tpu.memref_slice %arg5[%arg0, %add3A_161, %dma_wait3A] : memref<2x10112x128xf32, #tpu.memory_space<hbm>> -> memref<1x128x128xf32, #tpu.memory_space<hbm>>
      %dma_wait3A_173 = tpu.memref_squeeze %dma_wait3A_172 : memref<1x128x128xf32, #tpu.memory_space<hbm>> -> memref<128x128xf32, #tpu.memory_space<hbm>>
      %dma_wait3A_174 = arith.constant 0 : i32
      %dma_wait3A_175 = tpu.memref_slice %arg11[%add3A_161, %dma_wait3A_174] : memref<10112x128xf32, #tpu.memory_space<vmem_shared>> -> memref<128x128xf32, #tpu.memory_space<vmem_shared>>
      tpu.wait_dma2 semaphore(%run_scoped3A : memref<!tpu.dma_semaphore, #tpu.memory_space<semaphore_mem>>) src(%dma_wait3A_175 : memref<128x128xf32, #tpu.memory_space<vmem_shared>>) dst(%dma_wait3A_173 : memref<128x128xf32, #tpu.memory_space<hbm>>)
      tpu.yield
    }) : () -> ()
    %add3A_162 = arith.constant 128 : i32
    %add3A_163 = arith.addi %add3A_161, %add3A_162 : i32
    "tpu.region"() ({
      %run_scoped3A = tpu.sem_alloc : memref<!tpu.dma_semaphore, #tpu.memory_space<semaphore_mem>>
      %dma_start3A = arith.constant 0 : i32
      %dma_start3A_168 = tpu.memref_slice %arg5[%arg0, %add3A_163, %dma_start3A] : memref<2x10112x128xf32, #tpu.memory_space<hbm>> -> memref<1x128x128xf32, #tpu.memory_space<hbm>>
      %dma_start3A_169 = tpu.memref_squeeze %dma_start3A_168 : memref<1x128x128xf32, #tpu.memory_space<hbm>> -> memref<128x128xf32, #tpu.memory_space<hbm>>
      %dma_start3A_170 = arith.constant 0 : i32
      %dma_start3A_171 = tpu.memref_slice %arg11[%add3A_163, %dma_start3A_170] : memref<10112x128xf32, #tpu.memory_space<vmem_shared>> -> memref<128x128xf32, #tpu.memory_space<vmem_shared>>
      tpu.enqueue_dma source(%dma_start3A_171 : memref<128x128xf32, #tpu.memory_space<vmem_shared>>) target(%dma_start3A_169 : memref<128x128xf32, #tpu.memory_space<hbm>>) target_semaphore(%run_scoped3A : memref<!tpu.dma_semaphore, #tpu.memory_space<semaphore_mem>>)
      %dma_wait3A = arith.constant 0 : i32
      %dma_wait3A_172 = tpu.memref_slice %arg5[%arg0, %add3A_163, %dma_wait3A] : memref<2x10112x128xf32, #tpu.memory_space<hbm>> -> memref<1x128x128xf32, #tpu.memory_space<hbm>>
      %dma_wait3A_173 = tpu.memref_squeeze %dma_wait3A_172 : memref<1x128x128xf32, #tpu.memory_space<hbm>> -> memref<128x128xf32, #tpu.memory_space<hbm>>
      %dma_wait3A_174 = arith.constant 0 : i32
      %dma_wait3A_175 = tpu.memref_slice %arg11[%add3A_163, %dma_wait3A_174] : memref<10112x128xf32, #tpu.memory_space<vmem_shared>> -> memref<128x128xf32, #tpu.memory_space<vmem_shared>>
      tpu.wait_dma2 semaphore(%run_scoped3A : memref<!tpu.dma_semaphore, #tpu.memory_space<semaphore_mem>>) src(%dma_wait3A_175 : memref<128x128xf32, #tpu.memory_space<vmem_shared>>) dst(%dma_wait3A_173 : memref<128x128xf32, #tpu.memory_space<hbm>>)
      tpu.yield
    }) : () -> ()
    %add3A_164 = arith.constant 128 : i32
    %add3A_165 = arith.addi %add3A_163, %add3A_164 : i32
    "tpu.region"() ({
      %run_scoped3A = tpu.sem_alloc : memref<!tpu.dma_semaphore, #tpu.memory_space<semaphore_mem>>
      %dma_start3A = arith.constant 0 : i32
      %dma_start3A_168 = tpu.memref_slice %arg5[%arg0, %add3A_165, %dma_start3A] : memref<2x10112x128xf32, #tpu.memory_space<hbm>> -> memref<1x120x128xf32, #tpu.memory_space<hbm>>
      %dma_start3A_169 = tpu.memref_squeeze %dma_start3A_168 : memref<1x120x128xf32, #tpu.memory_space<hbm>> -> memref<120x128xf32, #tpu.memory_space<hbm>>
      %dma_start3A_170 = arith.constant 0 : i32
      %dma_start3A_171 = tpu.memref_slice %arg11[%add3A_165, %dma_start3A_170] : memref<10112x128xf32, #tpu.memory_space<vmem_shared>> -> memref<120x128xf32, #tpu.memory_space<vmem_shared>>
      tpu.enqueue_dma source(%dma_start3A_171 : memref<120x128xf32, #tpu.memory_space<vmem_shared>>) target(%dma_start3A_169 : memref<120x128xf32, #tpu.memory_space<hbm>>) target_semaphore(%run_scoped3A : memref<!tpu.dma_semaphore, #tpu.memory_space<semaphore_mem>>)
      %dma_wait3A = arith.constant 0 : i32
      %dma_wait3A_172 = tpu.memref_slice %arg5[%arg0, %add3A_165, %dma_wait3A] : memref<2x10112x128xf32, #tpu.memory_space<hbm>> -> memref<1x120x128xf32, #tpu.memory_space<hbm>>
      %dma_wait3A_173 = tpu.memref_squeeze %dma_wait3A_172 : memref<1x120x128xf32, #tpu.memory_space<hbm>> -> memref<120x128xf32, #tpu.memory_space<hbm>>
      %dma_wait3A_174 = arith.constant 0 : i32
      %dma_wait3A_175 = tpu.memref_slice %arg11[%add3A_165, %dma_wait3A_174] : memref<10112x128xf32, #tpu.memory_space<vmem_shared>> -> memref<120x128xf32, #tpu.memory_space<vmem_shared>>
      tpu.wait_dma2 semaphore(%run_scoped3A : memref<!tpu.dma_semaphore, #tpu.memory_space<semaphore_mem>>) src(%dma_wait3A_175 : memref<120x128xf32, #tpu.memory_space<vmem_shared>>) dst(%dma_wait3A_173 : memref<120x128xf32, #tpu.memory_space<hbm>>)
      tpu.yield
    }) : () -> ()
    %add3A_166 = arith.constant 120 : i32
    %add3A_167 = arith.addi %add3A_165, %add3A_166 : i32
    return
  }
}

#map = affine_map<(d0, d1) -> (0)>
#map1 = affine_map<(d0, d1) -> (0, 0)>
module attributes {stable_mosaic.version = 14 : i64} {
  func.func @node_gather(%arg0: i32, %arg1: i32, %arg2: memref<12288xi32, #tpu.memory_space<hbm>>, %arg3: memref<100000x128xf32, #tpu.memory_space<hbm>>, %arg4: memref<12288x128xf32, #tpu.memory_space<hbm>>, %arg5: memref<128xi32, #tpu.memory_space<vmem>>, %arg6: memref<128xi32, #tpu.memory_space<vmem>>, %arg7: memref<128xi32, #tpu.memory_space<vmem>>, %arg8: memref<128x128xf32, #tpu.memory_space<vmem>>, %arg9: memref<128x128xf32, #tpu.memory_space<vmem>>, %arg10: memref<128x128xf32, #tpu.memory_space<vmem>>, %arg11: memref<!tpu.dma_semaphore, #tpu.memory_space<semaphore_mem>>) attributes {dimension_semantics = [#tpu.dimension_semantics<core_parallel>, #tpu.dimension_semantics<subcore_parallel>], iteration_bounds = array<i64: 2, 16>, scalar_prefetch = 0 : i64, scratch_operands = 7 : i64, tpu.core_type = #tpu.core_type<sc_vector_subcore>, window_params = [{transform_indices = #map}, {transform_indices = #map1}, {transform_indices = #map1}]} {
    %mul3A = arith.constant 2 : i32
    %mul3A_0 = arith.muli %arg1, %mul3A : i32
    %add3A = arith.addi %mul3A_0, %arg0 : i32
    %mul3A_1 = arith.constant 384 : i32
    %mul3A_2 = arith.muli %add3A, %mul3A_1 : i32
    %add3A_3 = arith.constant 0 : i32
    %add3A_4 = arith.addi %mul3A_2, %add3A_3 : i32
    "tpu.region"() ({
      %run_scoped3A = tpu.sem_alloc : memref<!tpu.dma_semaphore, #tpu.memory_space<semaphore_mem>>
      %dma_start3A_31 = tpu.memref_slice %arg2[%add3A_4] : memref<12288xi32, #tpu.memory_space<hbm>> -> memref<128xi32, #tpu.memory_space<hbm>>
      %dma_start3A_32 = tpu.memref_slice %arg2[%add3A_4] : memref<12288xi32, #tpu.memory_space<hbm>> -> memref<128xi32, #tpu.memory_space<hbm>>
      tpu.enqueue_dma source(%dma_start3A_32 : memref<128xi32, #tpu.memory_space<hbm>>) target(%arg5 : memref<128xi32, #tpu.memory_space<vmem>>) target_semaphore(%run_scoped3A : memref<!tpu.dma_semaphore, #tpu.memory_space<semaphore_mem>>)
      %dma_wait3A_33 = tpu.memref_slice %arg2[%add3A_4] : memref<12288xi32, #tpu.memory_space<hbm>> -> memref<128xi32, #tpu.memory_space<hbm>>
      %dma_wait3A_34 = tpu.memref_slice %arg2[%add3A_4] : memref<12288xi32, #tpu.memory_space<hbm>> -> memref<128xi32, #tpu.memory_space<hbm>>
      tpu.wait_dma2 semaphore(%run_scoped3A : memref<!tpu.dma_semaphore, #tpu.memory_space<semaphore_mem>>) src(%dma_wait3A_34 : memref<128xi32, #tpu.memory_space<hbm>>) dst(%arg5 : memref<128xi32, #tpu.memory_space<vmem>>)
      tpu.yield
    }) : () -> ()
    %add3A_5 = arith.constant 128 : i32
    %add3A_6 = arith.addi %mul3A_2, %add3A_5 : i32
    "tpu.region"() ({
      %run_scoped3A = tpu.sem_alloc : memref<!tpu.dma_semaphore, #tpu.memory_space<semaphore_mem>>
      %dma_start3A_31 = tpu.memref_slice %arg2[%add3A_6] : memref<12288xi32, #tpu.memory_space<hbm>> -> memref<128xi32, #tpu.memory_space<hbm>>
      %dma_start3A_32 = tpu.memref_slice %arg2[%add3A_6] : memref<12288xi32, #tpu.memory_space<hbm>> -> memref<128xi32, #tpu.memory_space<hbm>>
      tpu.enqueue_dma source(%dma_start3A_32 : memref<128xi32, #tpu.memory_space<hbm>>) target(%arg6 : memref<128xi32, #tpu.memory_space<vmem>>) target_semaphore(%run_scoped3A : memref<!tpu.dma_semaphore, #tpu.memory_space<semaphore_mem>>)
      %dma_wait3A_33 = tpu.memref_slice %arg2[%add3A_6] : memref<12288xi32, #tpu.memory_space<hbm>> -> memref<128xi32, #tpu.memory_space<hbm>>
      %dma_wait3A_34 = tpu.memref_slice %arg2[%add3A_6] : memref<12288xi32, #tpu.memory_space<hbm>> -> memref<128xi32, #tpu.memory_space<hbm>>
      tpu.wait_dma2 semaphore(%run_scoped3A : memref<!tpu.dma_semaphore, #tpu.memory_space<semaphore_mem>>) src(%dma_wait3A_34 : memref<128xi32, #tpu.memory_space<hbm>>) dst(%arg6 : memref<128xi32, #tpu.memory_space<vmem>>)
      tpu.yield
    }) : () -> ()
    %add3A_7 = arith.constant 256 : i32
    %add3A_8 = arith.addi %mul3A_2, %add3A_7 : i32
    "tpu.region"() ({
      %run_scoped3A = tpu.sem_alloc : memref<!tpu.dma_semaphore, #tpu.memory_space<semaphore_mem>>
      %dma_start3A_31 = tpu.memref_slice %arg2[%add3A_8] : memref<12288xi32, #tpu.memory_space<hbm>> -> memref<128xi32, #tpu.memory_space<hbm>>
      %dma_start3A_32 = tpu.memref_slice %arg2[%add3A_8] : memref<12288xi32, #tpu.memory_space<hbm>> -> memref<128xi32, #tpu.memory_space<hbm>>
      tpu.enqueue_dma source(%dma_start3A_32 : memref<128xi32, #tpu.memory_space<hbm>>) target(%arg7 : memref<128xi32, #tpu.memory_space<vmem>>) target_semaphore(%run_scoped3A : memref<!tpu.dma_semaphore, #tpu.memory_space<semaphore_mem>>)
      %dma_wait3A_33 = tpu.memref_slice %arg2[%add3A_8] : memref<12288xi32, #tpu.memory_space<hbm>> -> memref<128xi32, #tpu.memory_space<hbm>>
      %dma_wait3A_34 = tpu.memref_slice %arg2[%add3A_8] : memref<12288xi32, #tpu.memory_space<hbm>> -> memref<128xi32, #tpu.memory_space<hbm>>
      tpu.wait_dma2 semaphore(%run_scoped3A : memref<!tpu.dma_semaphore, #tpu.memory_space<semaphore_mem>>) src(%dma_wait3A_34 : memref<128xi32, #tpu.memory_space<hbm>>) dst(%arg7 : memref<128xi32, #tpu.memory_space<vmem>>)
      tpu.yield
    }) : () -> ()
    %dma_start3A = arith.constant 0 : i32
    %dma_start3A_9 = arith.constant 0 : i32
    %dma_start3A_10 = tpu.memref_slice %arg3[%dma_start3A, %dma_start3A_9] : memref<100000x128xf32, #tpu.memory_space<hbm>> -> memref<100000x128xf32, #tpu.memory_space<hbm>>
    tpu.enqueue_indirect_dma source(%dma_start3A_10 : memref<100000x128xf32, #tpu.memory_space<hbm>>) target(%arg8 : memref<128x128xf32, #tpu.memory_space<vmem>>) offsets(%arg5 : memref<128xi32, #tpu.memory_space<vmem>>) semaphore(%arg11 : memref<!tpu.dma_semaphore, #tpu.memory_space<semaphore_mem>>)
    %dma_start3A_11 = arith.constant 0 : i32
    %dma_start3A_12 = arith.constant 0 : i32
    %dma_start3A_13 = tpu.memref_slice %arg3[%dma_start3A_11, %dma_start3A_12] : memref<100000x128xf32, #tpu.memory_space<hbm>> -> memref<100000x128xf32, #tpu.memory_space<hbm>>
    tpu.enqueue_indirect_dma source(%dma_start3A_13 : memref<100000x128xf32, #tpu.memory_space<hbm>>) target(%arg9 : memref<128x128xf32, #tpu.memory_space<vmem>>) offsets(%arg6 : memref<128xi32, #tpu.memory_space<vmem>>) semaphore(%arg11 : memref<!tpu.dma_semaphore, #tpu.memory_space<semaphore_mem>>)
    %dma_start3A_14 = arith.constant 0 : i32
    %dma_start3A_15 = arith.constant 0 : i32
    %dma_start3A_16 = tpu.memref_slice %arg3[%dma_start3A_14, %dma_start3A_15] : memref<100000x128xf32, #tpu.memory_space<hbm>> -> memref<100000x128xf32, #tpu.memory_space<hbm>>
    tpu.enqueue_indirect_dma source(%dma_start3A_16 : memref<100000x128xf32, #tpu.memory_space<hbm>>) target(%arg10 : memref<128x128xf32, #tpu.memory_space<vmem>>) offsets(%arg7 : memref<128xi32, #tpu.memory_space<vmem>>) semaphore(%arg11 : memref<!tpu.dma_semaphore, #tpu.memory_space<semaphore_mem>>)
    %dma_wait3A = arith.constant 0 : i32
    %dma_wait3A_17 = arith.constant 0 : i32
    %dma_wait3A_18 = tpu.memref_slice %arg3[%dma_wait3A, %dma_wait3A_17] : memref<100000x128xf32, #tpu.memory_space<hbm>> -> memref<100000x128xf32, #tpu.memory_space<hbm>>
    tpu.wait_indirect_dma semaphore(%arg11 : memref<!tpu.dma_semaphore, #tpu.memory_space<semaphore_mem>>) src(%dma_wait3A_18 : memref<100000x128xf32, #tpu.memory_space<hbm>>) dst(%arg8 : memref<128x128xf32, #tpu.memory_space<vmem>>)
    %add3A_19 = arith.constant 0 : i32
    %add3A_20 = arith.addi %mul3A_2, %add3A_19 : i32
    "tpu.region"() ({
      %run_scoped3A = tpu.sem_alloc : memref<!tpu.dma_semaphore, #tpu.memory_space<semaphore_mem>>
      %dma_start3A_31 = arith.constant 0 : i32
      %dma_start3A_32 = tpu.memref_slice %arg4[%add3A_20, %dma_start3A_31] : memref<12288x128xf32, #tpu.memory_space<hbm>> -> memref<128x128xf32, #tpu.memory_space<hbm>>
      %dma_start3A_33 = arith.constant 0 : i32
      %dma_start3A_34 = tpu.memref_slice %arg4[%add3A_20, %dma_start3A_33] : memref<12288x128xf32, #tpu.memory_space<hbm>> -> memref<128x128xf32, #tpu.memory_space<hbm>>
      tpu.enqueue_dma source(%arg8 : memref<128x128xf32, #tpu.memory_space<vmem>>) target(%dma_start3A_34 : memref<128x128xf32, #tpu.memory_space<hbm>>) target_semaphore(%run_scoped3A : memref<!tpu.dma_semaphore, #tpu.memory_space<semaphore_mem>>)
      %dma_wait3A_35 = arith.constant 0 : i32
      %dma_wait3A_36 = tpu.memref_slice %arg4[%add3A_20, %dma_wait3A_35] : memref<12288x128xf32, #tpu.memory_space<hbm>> -> memref<128x128xf32, #tpu.memory_space<hbm>>
      %dma_wait3A_37 = arith.constant 0 : i32
      %dma_wait3A_38 = tpu.memref_slice %arg4[%add3A_20, %dma_wait3A_37] : memref<12288x128xf32, #tpu.memory_space<hbm>> -> memref<128x128xf32, #tpu.memory_space<hbm>>
      tpu.wait_dma2 semaphore(%run_scoped3A : memref<!tpu.dma_semaphore, #tpu.memory_space<semaphore_mem>>) src(%arg8 : memref<128x128xf32, #tpu.memory_space<vmem>>) dst(%dma_wait3A_38 : memref<128x128xf32, #tpu.memory_space<hbm>>)
      tpu.yield
    }) : () -> ()
    %dma_wait3A_21 = arith.constant 0 : i32
    %dma_wait3A_22 = arith.constant 0 : i32
    %dma_wait3A_23 = tpu.memref_slice %arg3[%dma_wait3A_21, %dma_wait3A_22] : memref<100000x128xf32, #tpu.memory_space<hbm>> -> memref<100000x128xf32, #tpu.memory_space<hbm>>
    tpu.wait_indirect_dma semaphore(%arg11 : memref<!tpu.dma_semaphore, #tpu.memory_space<semaphore_mem>>) src(%dma_wait3A_23 : memref<100000x128xf32, #tpu.memory_space<hbm>>) dst(%arg9 : memref<128x128xf32, #tpu.memory_space<vmem>>)
    %add3A_24 = arith.constant 128 : i32
    %add3A_25 = arith.addi %mul3A_2, %add3A_24 : i32
    "tpu.region"() ({
      %run_scoped3A = tpu.sem_alloc : memref<!tpu.dma_semaphore, #tpu.memory_space<semaphore_mem>>
      %dma_start3A_31 = arith.constant 0 : i32
      %dma_start3A_32 = tpu.memref_slice %arg4[%add3A_25, %dma_start3A_31] : memref<12288x128xf32, #tpu.memory_space<hbm>> -> memref<128x128xf32, #tpu.memory_space<hbm>>
      %dma_start3A_33 = arith.constant 0 : i32
      %dma_start3A_34 = tpu.memref_slice %arg4[%add3A_25, %dma_start3A_33] : memref<12288x128xf32, #tpu.memory_space<hbm>> -> memref<128x128xf32, #tpu.memory_space<hbm>>
      tpu.enqueue_dma source(%arg9 : memref<128x128xf32, #tpu.memory_space<vmem>>) target(%dma_start3A_34 : memref<128x128xf32, #tpu.memory_space<hbm>>) target_semaphore(%run_scoped3A : memref<!tpu.dma_semaphore, #tpu.memory_space<semaphore_mem>>)
      %dma_wait3A_35 = arith.constant 0 : i32
      %dma_wait3A_36 = tpu.memref_slice %arg4[%add3A_25, %dma_wait3A_35] : memref<12288x128xf32, #tpu.memory_space<hbm>> -> memref<128x128xf32, #tpu.memory_space<hbm>>
      %dma_wait3A_37 = arith.constant 0 : i32
      %dma_wait3A_38 = tpu.memref_slice %arg4[%add3A_25, %dma_wait3A_37] : memref<12288x128xf32, #tpu.memory_space<hbm>> -> memref<128x128xf32, #tpu.memory_space<hbm>>
      tpu.wait_dma2 semaphore(%run_scoped3A : memref<!tpu.dma_semaphore, #tpu.memory_space<semaphore_mem>>) src(%arg9 : memref<128x128xf32, #tpu.memory_space<vmem>>) dst(%dma_wait3A_38 : memref<128x128xf32, #tpu.memory_space<hbm>>)
      tpu.yield
    }) : () -> ()
    %dma_wait3A_26 = arith.constant 0 : i32
    %dma_wait3A_27 = arith.constant 0 : i32
    %dma_wait3A_28 = tpu.memref_slice %arg3[%dma_wait3A_26, %dma_wait3A_27] : memref<100000x128xf32, #tpu.memory_space<hbm>> -> memref<100000x128xf32, #tpu.memory_space<hbm>>
    tpu.wait_indirect_dma semaphore(%arg11 : memref<!tpu.dma_semaphore, #tpu.memory_space<semaphore_mem>>) src(%dma_wait3A_28 : memref<100000x128xf32, #tpu.memory_space<hbm>>) dst(%arg10 : memref<128x128xf32, #tpu.memory_space<vmem>>)
    %add3A_29 = arith.constant 256 : i32
    %add3A_30 = arith.addi %mul3A_2, %add3A_29 : i32
    "tpu.region"() ({
      %run_scoped3A = tpu.sem_alloc : memref<!tpu.dma_semaphore, #tpu.memory_space<semaphore_mem>>
      %dma_start3A_31 = arith.constant 0 : i32
      %dma_start3A_32 = tpu.memref_slice %arg4[%add3A_30, %dma_start3A_31] : memref<12288x128xf32, #tpu.memory_space<hbm>> -> memref<128x128xf32, #tpu.memory_space<hbm>>
      %dma_start3A_33 = arith.constant 0 : i32
      %dma_start3A_34 = tpu.memref_slice %arg4[%add3A_30, %dma_start3A_33] : memref<12288x128xf32, #tpu.memory_space<hbm>> -> memref<128x128xf32, #tpu.memory_space<hbm>>
      tpu.enqueue_dma source(%arg10 : memref<128x128xf32, #tpu.memory_space<vmem>>) target(%dma_start3A_34 : memref<128x128xf32, #tpu.memory_space<hbm>>) target_semaphore(%run_scoped3A : memref<!tpu.dma_semaphore, #tpu.memory_space<semaphore_mem>>)
      %dma_wait3A_35 = arith.constant 0 : i32
      %dma_wait3A_36 = tpu.memref_slice %arg4[%add3A_30, %dma_wait3A_35] : memref<12288x128xf32, #tpu.memory_space<hbm>> -> memref<128x128xf32, #tpu.memory_space<hbm>>
      %dma_wait3A_37 = arith.constant 0 : i32
      %dma_wait3A_38 = tpu.memref_slice %arg4[%add3A_30, %dma_wait3A_37] : memref<12288x128xf32, #tpu.memory_space<hbm>> -> memref<128x128xf32, #tpu.memory_space<hbm>>
      tpu.wait_dma2 semaphore(%run_scoped3A : memref<!tpu.dma_semaphore, #tpu.memory_space<semaphore_mem>>) src(%arg10 : memref<128x128xf32, #tpu.memory_space<vmem>>) dst(%dma_wait3A_38 : memref<128x128xf32, #tpu.memory_space<hbm>>)
      tpu.yield
    }) : () -> ()
    return
  }
}

#map = affine_map<(d0, d1) -> (0)>
#map1 = affine_map<(d0, d1) -> (0, 0)>
#map2 = affine_map<(d0, d1) -> (0, 0, 0)>
module attributes {stable_mosaic.version = 14 : i64} {
  func.func @edge_pass(%arg0: i32, %arg1: i32, %arg2: memref<323584xi32, #tpu.memory_space<hbm>>, %arg3: memref<323584xi32, #tpu.memory_space<hbm>>, %arg4: memref<80000x128xf32, #tpu.memory_space<hbm>>, %arg5: memref<2x10112x128xf32, #tpu.memory_space<hbm>>, %arg6: memref<10256xi32, #tpu.memory_space<vmem>>, %arg7: memref<10256xi32, #tpu.memory_space<vmem>>, %arg8: memref<128xi32, #tpu.memory_space<vmem>>, %arg9: memref<128xi32, #tpu.memory_space<vmem>>, %arg10: memref<128x128xf32, #tpu.memory_space<vmem>>, %arg11: memref<10112x128xf32, #tpu.memory_space<vmem_shared>>, %arg12: memref<!tpu.dma_semaphore, #tpu.memory_space<semaphore_mem>>) attributes {dimension_semantics = [#tpu.dimension_semantics<core_parallel>, #tpu.dimension_semantics<subcore_parallel>], iteration_bounds = array<i64: 2, 16>, scalar_prefetch = 0 : i64, scratch_operands = 7 : i64, tpu.core_type = #tpu.core_type<sc_vector_subcore>, window_params = [{transform_indices = #map}, {transform_indices = #map}, {transform_indices = #map1}, {transform_indices = #map2}]} {
    %mul3A = arith.constant 2 : i32
    %mul3A_0 = arith.muli %arg1, %mul3A : i32
    %add3A = arith.addi %mul3A_0, %arg0 : i32
    %scan3A = arith.constant 0 : i32
    %scan3A_1 = arith.constant 0 : i32
    %scan3A_2 = arith.constant 128 : i32
    %scan3A_3 = arith.addi %scan3A_1, %scan3A_2 : i32
    %scan3A_4 = arith.constant 1 : i32
    %scan3A_5 = scf.for %scan3A_168 = %scan3A_1 to %scan3A_3 step %scan3A_4 iter_args(%scan3A_169 = %scan3A) -> (i32)  : i32 {
      %broadcast_in_dim3A_170 = arith.constant 0.000000e+00 : f32
      %broadcast_in_dim3A_171 = vector.broadcast %broadcast_in_dim3A_170 : f32 to vector<16xf32>
      %swap3A_172 = arith.index_cast %scan3A_168 : i32 to index
      %swap3A_173 = arith.constant 0 : index
      %swap3A_174 = tpu.vector_load %arg10[%swap3A_172, %swap3A_173] {strides = array<i32>} : memref<128x128xf32, #tpu.memory_space<vmem>>, vector<16xf32>,
      tpu.vector_store %arg10[%swap3A_172, %swap3A_173], %broadcast_in_dim3A_171 {strides = array<i32>} : memref<128x128xf32, #tpu.memory_space<vmem>>, vector<16xf32>,
      %broadcast_in_dim3A_175 = arith.constant 0.000000e+00 : f32
      %broadcast_in_dim3A_176 = vector.broadcast %broadcast_in_dim3A_175 : f32 to vector<16xf32>
      %swap3A_177 = arith.index_cast %scan3A_168 : i32 to index
      %swap3A_178 = arith.constant 16 : index
      %swap3A_179 = tpu.vector_load %arg10[%swap3A_177, %swap3A_178] {strides = array<i32>} : memref<128x128xf32, #tpu.memory_space<vmem>>, vector<16xf32>,
      tpu.vector_store %arg10[%swap3A_177, %swap3A_178], %broadcast_in_dim3A_176 {strides = array<i32>} : memref<128x128xf32, #tpu.memory_space<vmem>>, vector<16xf32>,
      %broadcast_in_dim3A_180 = arith.constant 0.000000e+00 : f32
      %broadcast_in_dim3A_181 = vector.broadcast %broadcast_in_dim3A_180 : f32 to vector<16xf32>
      %swap3A_182 = arith.index_cast %scan3A_168 : i32 to index
      %swap3A_183 = arith.constant 32 : index
      %swap3A_184 = tpu.vector_load %arg10[%swap3A_182, %swap3A_183] {strides = array<i32>} : memref<128x128xf32, #tpu.memory_space<vmem>>, vector<16xf32>,
      tpu.vector_store %arg10[%swap3A_182, %swap3A_183], %broadcast_in_dim3A_181 {strides = array<i32>} : memref<128x128xf32, #tpu.memory_space<vmem>>, vector<16xf32>,
      %broadcast_in_dim3A_185 = arith.constant 0.000000e+00 : f32
      %broadcast_in_dim3A_186 = vector.broadcast %broadcast_in_dim3A_185 : f32 to vector<16xf32>
      %swap3A_187 = arith.index_cast %scan3A_168 : i32 to index
      %swap3A_188 = arith.constant 48 : index
      %swap3A_189 = tpu.vector_load %arg10[%swap3A_187, %swap3A_188] {strides = array<i32>} : memref<128x128xf32, #tpu.memory_space<vmem>>, vector<16xf32>,
      tpu.vector_store %arg10[%swap3A_187, %swap3A_188], %broadcast_in_dim3A_186 {strides = array<i32>} : memref<128x128xf32, #tpu.memory_space<vmem>>, vector<16xf32>,
      %broadcast_in_dim3A_190 = arith.constant 0.000000e+00 : f32
      %broadcast_in_dim3A_191 = vector.broadcast %broadcast_in_dim3A_190 : f32 to vector<16xf32>
      %swap3A_192 = arith.index_cast %scan3A_168 : i32 to index
      %swap3A_193 = arith.constant 64 : index
      %swap3A_194 = tpu.vector_load %arg10[%swap3A_192, %swap3A_193] {strides = array<i32>} : memref<128x128xf32, #tpu.memory_space<vmem>>, vector<16xf32>,
      tpu.vector_store %arg10[%swap3A_192, %swap3A_193], %broadcast_in_dim3A_191 {strides = array<i32>} : memref<128x128xf32, #tpu.memory_space<vmem>>, vector<16xf32>,
      %broadcast_in_dim3A_195 = arith.constant 0.000000e+00 : f32
      %broadcast_in_dim3A_196 = vector.broadcast %broadcast_in_dim3A_195 : f32 to vector<16xf32>
      %swap3A_197 = arith.index_cast %scan3A_168 : i32 to index
      %swap3A_198 = arith.constant 80 : index
      %swap3A_199 = tpu.vector_load %arg10[%swap3A_197, %swap3A_198] {strides = array<i32>} : memref<128x128xf32, #tpu.memory_space<vmem>>, vector<16xf32>,
      tpu.vector_store %arg10[%swap3A_197, %swap3A_198], %broadcast_in_dim3A_196 {strides = array<i32>} : memref<128x128xf32, #tpu.memory_space<vmem>>, vector<16xf32>,
      %broadcast_in_dim3A_200 = arith.constant 0.000000e+00 : f32
      %broadcast_in_dim3A_201 = vector.broadcast %broadcast_in_dim3A_200 : f32 to vector<16xf32>
      %swap3A_202 = arith.index_cast %scan3A_168 : i32 to index
      %swap3A_203 = arith.constant 96 : index
      %swap3A_204 = tpu.vector_load %arg10[%swap3A_202, %swap3A_203] {strides = array<i32>} : memref<128x128xf32, #tpu.memory_space<vmem>>, vector<16xf32>,
      tpu.vector_store %arg10[%swap3A_202, %swap3A_203], %broadcast_in_dim3A_201 {strides = array<i32>} : memref<128x128xf32, #tpu.memory_space<vmem>>, vector<16xf32>,
      %broadcast_in_dim3A_205 = arith.constant 0.000000e+00 : f32
      %broadcast_in_dim3A_206 = vector.broadcast %broadcast_in_dim3A_205 : f32 to vector<16xf32>
      %swap3A_207 = arith.index_cast %scan3A_168 : i32 to index
      %swap3A_208 = arith.constant 112 : index
      %swap3A_209 = tpu.vector_load %arg10[%swap3A_207, %swap3A_208] {strides = array<i32>} : memref<128x128xf32, #tpu.memory_space<vmem>>, vector<16xf32>,
      tpu.vector_store %arg10[%swap3A_207, %swap3A_208], %broadcast_in_dim3A_206 {strides = array<i32>} : memref<128x128xf32, #tpu.memory_space<vmem>>, vector<16xf32>,
      %scan3A_210 = arith.constant 0 : i32
      scf.yield %scan3A_210 : i32
    }
    %scan3A_6 = arith.constant 128 : i32
    %mul3A_7 = arith.constant 632 : i32
    %mul3A_8 = arith.muli %arg1, %mul3A_7 : i32
    "tpu.region"() ({
      %run_scoped3A = tpu.sem_alloc : memref<!tpu.dma_semaphore, #tpu.memory_space<semaphore_mem>>
      %dma_start3A = arith.constant 0 : i32
      %dma_start3A_168 = arith.constant 0 : i32
      %dma_start3A_169 = tpu.memref_slice %arg10[%dma_start3A, %dma_start3A_168] : memref<128x128xf32, #tpu.memory_space<vmem>> -> memref<128x128xf32, #tpu.memory_space<vmem>>
      %dma_start3A_170 = arith.constant 0 : i32
      %dma_start3A_171 = tpu.memref_slice %arg11[%mul3A_8, %dma_start3A_170] : memref<10112x128xf32, #tpu.memory_space<vmem_shared>> -> memref<128x128xf32, #tpu.memory_space<vmem_shared>>
      %dma_start3A_172 = arith.constant 0 : i32
      %dma_start3A_173 = tpu.memref_slice %arg11[%mul3A_8, %dma_start3A_172] : memref<10112x128xf32, #tpu.memory_space<vmem_shared>> -> memref<128x128xf32, #tpu.memory_space<vmem_shared>>
      %dma_start3A_174 = arith.constant 0 : i32
      %dma_start3A_175 = arith.constant 0 : i32
      %dma_start3A_176 = tpu.memref_slice %arg10[%dma_start3A_174, %dma_start3A_175] : memref<128x128xf32, #tpu.memory_space<vmem>> -> memref<128x128xf32, #tpu.memory_space<vmem>>
      tpu.enqueue_dma source(%dma_start3A_176 : memref<128x128xf32, #tpu.memory_space<vmem>>) target(%dma_start3A_173 : memref<128x128xf32, #tpu.memory_space<vmem_shared>>) target_semaphore(%run_scoped3A : memref<!tpu.dma_semaphore, #tpu.memory_space<semaphore_mem>>)
      %dma_wait3A = arith.constant 0 : i32
      %dma_wait3A_177 = arith.constant 0 : i32
      %dma_wait3A_178 = tpu.memref_slice %arg10[%dma_wait3A, %dma_wait3A_177] : memref<128x128xf32, #tpu.memory_space<vmem>> -> memref<128x128xf32, #tpu.memory_space<vmem>>
      %dma_wait3A_179 = arith.constant 0 : i32
      %dma_wait3A_180 = tpu.memref_slice %arg11[%mul3A_8, %dma_wait3A_179] : memref<10112x128xf32, #tpu.memory_space<vmem_shared>> -> memref<128x128xf32, #tpu.memory_space<vmem_shared>>
      %dma_wait3A_181 = arith.constant 0 : i32
      %dma_wait3A_182 = tpu.memref_slice %arg11[%mul3A_8, %dma_wait3A_181] : memref<10112x128xf32, #tpu.memory_space<vmem_shared>> -> memref<128x128xf32, #tpu.memory_space<vmem_shared>>
      %dma_wait3A_183 = arith.constant 0 : i32
      %dma_wait3A_184 = arith.constant 0 : i32
      %dma_wait3A_185 = tpu.memref_slice %arg10[%dma_wait3A_183, %dma_wait3A_184] : memref<128x128xf32, #tpu.memory_space<vmem>> -> memref<128x128xf32, #tpu.memory_space<vmem>>
      tpu.wait_dma2 semaphore(%run_scoped3A : memref<!tpu.dma_semaphore, #tpu.memory_space<semaphore_mem>>) src(%dma_wait3A_185 : memref<128x128xf32, #tpu.memory_space<vmem>>) dst(%dma_wait3A_182 : memref<128x128xf32, #tpu.memory_space<vmem_shared>>)
      tpu.yield
    }) : () -> ()
    %add3A_9 = arith.constant 128 : i32
    %add3A_10 = arith.addi %mul3A_8, %add3A_9 : i32
    "tpu.region"() ({
      %run_scoped3A = tpu.sem_alloc : memref<!tpu.dma_semaphore, #tpu.memory_space<semaphore_mem>>
      %dma_start3A = arith.constant 0 : i32
      %dma_start3A_168 = arith.constant 0 : i32
      %dma_start3A_169 = tpu.memref_slice %arg10[%dma_start3A, %dma_start3A_168] : memref<128x128xf32, #tpu.memory_space<vmem>> -> memref<128x128xf32, #tpu.memory_space<vmem>>
      %dma_start3A_170 = arith.constant 0 : i32
      %dma_start3A_171 = tpu.memref_slice %arg11[%add3A_10, %dma_start3A_170] : memref<10112x128xf32, #tpu.memory_space<vmem_shared>> -> memref<128x128xf32, #tpu.memory_space<vmem_shared>>
      %dma_start3A_172 = arith.constant 0 : i32
      %dma_start3A_173 = tpu.memref_slice %arg11[%add3A_10, %dma_start3A_172] : memref<10112x128xf32, #tpu.memory_space<vmem_shared>> -> memref<128x128xf32, #tpu.memory_space<vmem_shared>>
      %dma_start3A_174 = arith.constant 0 : i32
      %dma_start3A_175 = arith.constant 0 : i32
      %dma_start3A_176 = tpu.memref_slice %arg10[%dma_start3A_174, %dma_start3A_175] : memref<128x128xf32, #tpu.memory_space<vmem>> -> memref<128x128xf32, #tpu.memory_space<vmem>>
      tpu.enqueue_dma source(%dma_start3A_176 : memref<128x128xf32, #tpu.memory_space<vmem>>) target(%dma_start3A_173 : memref<128x128xf32, #tpu.memory_space<vmem_shared>>) target_semaphore(%run_scoped3A : memref<!tpu.dma_semaphore, #tpu.memory_space<semaphore_mem>>)
      %dma_wait3A = arith.constant 0 : i32
      %dma_wait3A_177 = arith.constant 0 : i32
      %dma_wait3A_178 = tpu.memref_slice %arg10[%dma_wait3A, %dma_wait3A_177] : memref<128x128xf32, #tpu.memory_space<vmem>> -> memref<128x128xf32, #tpu.memory_space<vmem>>
      %dma_wait3A_179 = arith.constant 0 : i32
      %dma_wait3A_180 = tpu.memref_slice %arg11[%add3A_10, %dma_wait3A_179] : memref<10112x128xf32, #tpu.memory_space<vmem_shared>> -> memref<128x128xf32, #tpu.memory_space<vmem_shared>>
      %dma_wait3A_181 = arith.constant 0 : i32
      %dma_wait3A_182 = tpu.memref_slice %arg11[%add3A_10, %dma_wait3A_181] : memref<10112x128xf32, #tpu.memory_space<vmem_shared>> -> memref<128x128xf32, #tpu.memory_space<vmem_shared>>
      %dma_wait3A_183 = arith.constant 0 : i32
      %dma_wait3A_184 = arith.constant 0 : i32
      %dma_wait3A_185 = tpu.memref_slice %arg10[%dma_wait3A_183, %dma_wait3A_184] : memref<128x128xf32, #tpu.memory_space<vmem>> -> memref<128x128xf32, #tpu.memory_space<vmem>>
      tpu.wait_dma2 semaphore(%run_scoped3A : memref<!tpu.dma_semaphore, #tpu.memory_space<semaphore_mem>>) src(%dma_wait3A_185 : memref<128x128xf32, #tpu.memory_space<vmem>>) dst(%dma_wait3A_182 : memref<128x128xf32, #tpu.memory_space<vmem_shared>>)
      tpu.yield
    }) : () -> ()
    %add3A_11 = arith.constant 128 : i32
    %add3A_12 = arith.addi %add3A_10, %add3A_11 : i32
    "tpu.region"() ({
      %run_scoped3A = tpu.sem_alloc : memref<!tpu.dma_semaphore, #tpu.memory_space<semaphore_mem>>
      %dma_start3A = arith.constant 0 : i32
      %dma_start3A_168 = arith.constant 0 : i32
      %dma_start3A_169 = tpu.memref_slice %arg10[%dma_start3A, %dma_start3A_168] : memref<128x128xf32, #tpu.memory_space<vmem>> -> memref<128x128xf32, #tpu.memory_space<vmem>>
      %dma_start3A_170 = arith.constant 0 : i32
      %dma_start3A_171 = tpu.memref_slice %arg11[%add3A_12, %dma_start3A_170] : memref<10112x128xf32, #tpu.memory_space<vmem_shared>> -> memref<128x128xf32, #tpu.memory_space<vmem_shared>>
      %dma_start3A_172 = arith.constant 0 : i32
      %dma_start3A_173 = tpu.memref_slice %arg11[%add3A_12, %dma_start3A_172] : memref<10112x128xf32, #tpu.memory_space<vmem_shared>> -> memref<128x128xf32, #tpu.memory_space<vmem_shared>>
      %dma_start3A_174 = arith.constant 0 : i32
      %dma_start3A_175 = arith.constant 0 : i32
      %dma_start3A_176 = tpu.memref_slice %arg10[%dma_start3A_174, %dma_start3A_175] : memref<128x128xf32, #tpu.memory_space<vmem>> -> memref<128x128xf32, #tpu.memory_space<vmem>>
      tpu.enqueue_dma source(%dma_start3A_176 : memref<128x128xf32, #tpu.memory_space<vmem>>) target(%dma_start3A_173 : memref<128x128xf32, #tpu.memory_space<vmem_shared>>) target_semaphore(%run_scoped3A : memref<!tpu.dma_semaphore, #tpu.memory_space<semaphore_mem>>)
      %dma_wait3A = arith.constant 0 : i32
      %dma_wait3A_177 = arith.constant 0 : i32
      %dma_wait3A_178 = tpu.memref_slice %arg10[%dma_wait3A, %dma_wait3A_177] : memref<128x128xf32, #tpu.memory_space<vmem>> -> memref<128x128xf32, #tpu.memory_space<vmem>>
      %dma_wait3A_179 = arith.constant 0 : i32
      %dma_wait3A_180 = tpu.memref_slice %arg11[%add3A_12, %dma_wait3A_179] : memref<10112x128xf32, #tpu.memory_space<vmem_shared>> -> memref<128x128xf32, #tpu.memory_space<vmem_shared>>
      %dma_wait3A_181 = arith.constant 0 : i32
      %dma_wait3A_182 = tpu.memref_slice %arg11[%add3A_12, %dma_wait3A_181] : memref<10112x128xf32, #tpu.memory_space<vmem_shared>> -> memref<128x128xf32, #tpu.memory_space<vmem_shared>>
      %dma_wait3A_183 = arith.constant 0 : i32
      %dma_wait3A_184 = arith.constant 0 : i32
      %dma_wait3A_185 = tpu.memref_slice %arg10[%dma_wait3A_183, %dma_wait3A_184] : memref<128x128xf32, #tpu.memory_space<vmem>> -> memref<128x128xf32, #tpu.memory_space<vmem>>
      tpu.wait_dma2 semaphore(%run_scoped3A : memref<!tpu.dma_semaphore, #tpu.memory_space<semaphore_mem>>) src(%dma_wait3A_185 : memref<128x128xf32, #tpu.memory_space<vmem>>) dst(%dma_wait3A_182 : memref<128x128xf32, #tpu.memory_space<vmem_shared>>)
      tpu.yield
    }) : () -> ()
    %add3A_13 = arith.constant 128 : i32
    %add3A_14 = arith.addi %add3A_12, %add3A_13 : i32
    "tpu.region"() ({
      %run_scoped3A = tpu.sem_alloc : memref<!tpu.dma_semaphore, #tpu.memory_space<semaphore_mem>>
      %dma_start3A = arith.constant 0 : i32
      %dma_start3A_168 = arith.constant 0 : i32
      %dma_start3A_169 = tpu.memref_slice %arg10[%dma_start3A, %dma_start3A_168] : memref<128x128xf32, #tpu.memory_space<vmem>> -> memref<128x128xf32, #tpu.memory_space<vmem>>
      %dma_start3A_170 = arith.constant 0 : i32
      %dma_start3A_171 = tpu.memref_slice %arg11[%add3A_14, %dma_start3A_170] : memref<10112x128xf32, #tpu.memory_space<vmem_shared>> -> memref<128x128xf32, #tpu.memory_space<vmem_shared>>
      %dma_start3A_172 = arith.constant 0 : i32
      %dma_start3A_173 = tpu.memref_slice %arg11[%add3A_14, %dma_start3A_172] : memref<10112x128xf32, #tpu.memory_space<vmem_shared>> -> memref<128x128xf32, #tpu.memory_space<vmem_shared>>
      %dma_start3A_174 = arith.constant 0 : i32
      %dma_start3A_175 = arith.constant 0 : i32
      %dma_start3A_176 = tpu.memref_slice %arg10[%dma_start3A_174, %dma_start3A_175] : memref<128x128xf32, #tpu.memory_space<vmem>> -> memref<128x128xf32, #tpu.memory_space<vmem>>
      tpu.enqueue_dma source(%dma_start3A_176 : memref<128x128xf32, #tpu.memory_space<vmem>>) target(%dma_start3A_173 : memref<128x128xf32, #tpu.memory_space<vmem_shared>>) target_semaphore(%run_scoped3A : memref<!tpu.dma_semaphore, #tpu.memory_space<semaphore_mem>>)
      %dma_wait3A = arith.constant 0 : i32
      %dma_wait3A_177 = arith.constant 0 : i32
      %dma_wait3A_178 = tpu.memref_slice %arg10[%dma_wait3A, %dma_wait3A_177] : memref<128x128xf32, #tpu.memory_space<vmem>> -> memref<128x128xf32, #tpu.memory_space<vmem>>
      %dma_wait3A_179 = arith.constant 0 : i32
      %dma_wait3A_180 = tpu.memref_slice %arg11[%add3A_14, %dma_wait3A_179] : memref<10112x128xf32, #tpu.memory_space<vmem_shared>> -> memref<128x128xf32, #tpu.memory_space<vmem_shared>>
      %dma_wait3A_181 = arith.constant 0 : i32
      %dma_wait3A_182 = tpu.memref_slice %arg11[%add3A_14, %dma_wait3A_181] : memref<10112x128xf32, #tpu.memory_space<vmem_shared>> -> memref<128x128xf32, #tpu.memory_space<vmem_shared>>
      %dma_wait3A_183 = arith.constant 0 : i32
      %dma_wait3A_184 = arith.constant 0 : i32
      %dma_wait3A_185 = tpu.memref_slice %arg10[%dma_wait3A_183, %dma_wait3A_184] : memref<128x128xf32, #tpu.memory_space<vmem>> -> memref<128x128xf32, #tpu.memory_space<vmem>>
      tpu.wait_dma2 semaphore(%run_scoped3A : memref<!tpu.dma_semaphore, #tpu.memory_space<semaphore_mem>>) src(%dma_wait3A_185 : memref<128x128xf32, #tpu.memory_space<vmem>>) dst(%dma_wait3A_182 : memref<128x128xf32, #tpu.memory_space<vmem_shared>>)
      tpu.yield
    }) : () -> ()
    %add3A_15 = arith.constant 128 : i32
    %add3A_16 = arith.addi %add3A_14, %add3A_15 : i32
    "tpu.region"() ({
      %run_scoped3A = tpu.sem_alloc : memref<!tpu.dma_semaphore, #tpu.memory_space<semaphore_mem>>
      %dma_start3A = arith.constant 0 : i32
      %dma_start3A_168 = arith.constant 0 : i32
      %dma_start3A_169 = tpu.memref_slice %arg10[%dma_start3A, %dma_start3A_168] : memref<128x128xf32, #tpu.memory_space<vmem>> -> memref<120x128xf32, #tpu.memory_space<vmem>>
      %dma_start3A_170 = arith.constant 0 : i32
      %dma_start3A_171 = tpu.memref_slice %arg11[%add3A_16, %dma_start3A_170] : memref<10112x128xf32, #tpu.memory_space<vmem_shared>> -> memref<120x128xf32, #tpu.memory_space<vmem_shared>>
      %dma_start3A_172 = arith.constant 0 : i32
      %dma_start3A_173 = tpu.memref_slice %arg11[%add3A_16, %dma_start3A_172] : memref<10112x128xf32, #tpu.memory_space<vmem_shared>> -> memref<120x128xf32, #tpu.memory_space<vmem_shared>>
      %dma_start3A_174 = arith.constant 0 : i32
      %dma_start3A_175 = arith.constant 0 : i32
      %dma_start3A_176 = tpu.memref_slice %arg10[%dma_start3A_174, %dma_start3A_175] : memref<128x128xf32, #tpu.memory_space<vmem>> -> memref<120x128xf32, #tpu.memory_space<vmem>>
      tpu.enqueue_dma source(%dma_start3A_176 : memref<120x128xf32, #tpu.memory_space<vmem>>) target(%dma_start3A_173 : memref<120x128xf32, #tpu.memory_space<vmem_shared>>) target_semaphore(%run_scoped3A : memref<!tpu.dma_semaphore, #tpu.memory_space<semaphore_mem>>)
      %dma_wait3A = arith.constant 0 : i32
      %dma_wait3A_177 = arith.constant 0 : i32
      %dma_wait3A_178 = tpu.memref_slice %arg10[%dma_wait3A, %dma_wait3A_177] : memref<128x128xf32, #tpu.memory_space<vmem>> -> memref<120x128xf32, #tpu.memory_space<vmem>>
      %dma_wait3A_179 = arith.constant 0 : i32
      %dma_wait3A_180 = tpu.memref_slice %arg11[%add3A_16, %dma_wait3A_179] : memref<10112x128xf32, #tpu.memory_space<vmem_shared>> -> memref<120x128xf32, #tpu.memory_space<vmem_shared>>
      %dma_wait3A_181 = arith.constant 0 : i32
      %dma_wait3A_182 = tpu.memref_slice %arg11[%add3A_16, %dma_wait3A_181] : memref<10112x128xf32, #tpu.memory_space<vmem_shared>> -> memref<120x128xf32, #tpu.memory_space<vmem_shared>>
      %dma_wait3A_183 = arith.constant 0 : i32
      %dma_wait3A_184 = arith.constant 0 : i32
      %dma_wait3A_185 = tpu.memref_slice %arg10[%dma_wait3A_183, %dma_wait3A_184] : memref<128x128xf32, #tpu.memory_space<vmem>> -> memref<120x128xf32, #tpu.memory_space<vmem>>
      tpu.wait_dma2 semaphore(%run_scoped3A : memref<!tpu.dma_semaphore, #tpu.memory_space<semaphore_mem>>) src(%dma_wait3A_185 : memref<120x128xf32, #tpu.memory_space<vmem>>) dst(%dma_wait3A_182 : memref<120x128xf32, #tpu.memory_space<vmem_shared>>)
      tpu.yield
    }) : () -> ()
    %add3A_17 = arith.constant 120 : i32
    %add3A_18 = arith.addi %add3A_16, %add3A_17 : i32
    %mul3A_19 = arith.constant 10112 : i32
    %mul3A_20 = arith.muli %add3A, %mul3A_19 : i32
    "tpu.region"() ({
      %run_scoped3A = tpu.sem_alloc : memref<!tpu.dma_semaphore, #tpu.memory_space<semaphore_mem>>
      %dma_start3A = arith.constant 0 : i32
      %dma_start3A_168 = tpu.memref_slice %arg6[%dma_start3A] : memref<10256xi32, #tpu.memory_space<vmem>> -> memref<10112xi32, #tpu.memory_space<vmem>>
      %dma_start3A_169 = tpu.memref_slice %arg2[%mul3A_20] : memref<323584xi32, #tpu.memory_space<hbm>> -> memref<10112xi32, #tpu.memory_space<hbm>>
      %dma_start3A_170 = arith.constant 0 : i32
      %dma_start3A_171 = tpu.memref_slice %arg6[%dma_start3A_170] : memref<10256xi32, #tpu.memory_space<vmem>> -> memref<10112xi32, #tpu.memory_space<vmem>>
      %dma_start3A_172 = tpu.memref_slice %arg2[%mul3A_20] : memref<323584xi32, #tpu.memory_space<hbm>> -> memref<10112xi32, #tpu.memory_space<hbm>>
      tpu.enqueue_dma source(%dma_start3A_172 : memref<10112xi32, #tpu.memory_space<hbm>>) target(%dma_start3A_171 : memref<10112xi32, #tpu.memory_space<vmem>>) target_semaphore(%run_scoped3A : memref<!tpu.dma_semaphore, #tpu.memory_space<semaphore_mem>>)
      %dma_wait3A = arith.constant 0 : i32
      %dma_wait3A_173 = tpu.memref_slice %arg6[%dma_wait3A] : memref<10256xi32, #tpu.memory_space<vmem>> -> memref<10112xi32, #tpu.memory_space<vmem>>
      %dma_wait3A_174 = tpu.memref_slice %arg2[%mul3A_20] : memref<323584xi32, #tpu.memory_space<hbm>> -> memref<10112xi32, #tpu.memory_space<hbm>>
      %dma_wait3A_175 = arith.constant 0 : i32
      %dma_wait3A_176 = tpu.memref_slice %arg6[%dma_wait3A_175] : memref<10256xi32, #tpu.memory_space<vmem>> -> memref<10112xi32, #tpu.memory_space<vmem>>
      %dma_wait3A_177 = tpu.memref_slice %arg2[%mul3A_20] : memref<323584xi32, #tpu.memory_space<hbm>> -> memref<10112xi32, #tpu.memory_space<hbm>>
      tpu.wait_dma2 semaphore(%run_scoped3A : memref<!tpu.dma_semaphore, #tpu.memory_space<semaphore_mem>>) src(%dma_wait3A_177 : memref<10112xi32, #tpu.memory_space<hbm>>) dst(%dma_wait3A_176 : memref<10112xi32, #tpu.memory_space<vmem>>)
      tpu.yield
    }) : () -> ()
    %mul3A_21 = arith.constant 10112 : i32
    %mul3A_22 = arith.muli %add3A, %mul3A_21 : i32
    "tpu.region"() ({
      %run_scoped3A = tpu.sem_alloc : memref<!tpu.dma_semaphore, #tpu.memory_space<semaphore_mem>>
      %dma_start3A = arith.constant 0 : i32
      %dma_start3A_168 = tpu.memref_slice %arg7[%dma_start3A] : memref<10256xi32, #tpu.memory_space<vmem>> -> memref<10112xi32, #tpu.memory_space<vmem>>
      %dma_start3A_169 = tpu.memref_slice %arg3[%mul3A_22] : memref<323584xi32, #tpu.memory_space<hbm>> -> memref<10112xi32, #tpu.memory_space<hbm>>
      %dma_start3A_170 = arith.constant 0 : i32
      %dma_start3A_171 = tpu.memref_slice %arg7[%dma_start3A_170] : memref<10256xi32, #tpu.memory_space<vmem>> -> memref<10112xi32, #tpu.memory_space<vmem>>
      %dma_start3A_172 = tpu.memref_slice %arg3[%mul3A_22] : memref<323584xi32, #tpu.memory_space<hbm>> -> memref<10112xi32, #tpu.memory_space<hbm>>
      tpu.enqueue_dma source(%dma_start3A_172 : memref<10112xi32, #tpu.memory_space<hbm>>) target(%dma_start3A_171 : memref<10112xi32, #tpu.memory_space<vmem>>) target_semaphore(%run_scoped3A : memref<!tpu.dma_semaphore, #tpu.memory_space<semaphore_mem>>)
      %dma_wait3A = arith.constant 0 : i32
      %dma_wait3A_173 = tpu.memref_slice %arg7[%dma_wait3A] : memref<10256xi32, #tpu.memory_space<vmem>> -> memref<10112xi32, #tpu.memory_space<vmem>>
      %dma_wait3A_174 = tpu.memref_slice %arg3[%mul3A_22] : memref<323584xi32, #tpu.memory_space<hbm>> -> memref<10112xi32, #tpu.memory_space<hbm>>
      %dma_wait3A_175 = arith.constant 0 : i32
      %dma_wait3A_176 = tpu.memref_slice %arg7[%dma_wait3A_175] : memref<10256xi32, #tpu.memory_space<vmem>> -> memref<10112xi32, #tpu.memory_space<vmem>>
      %dma_wait3A_177 = tpu.memref_slice %arg3[%mul3A_22] : memref<323584xi32, #tpu.memory_space<hbm>> -> memref<10112xi32, #tpu.memory_space<hbm>>
      tpu.wait_dma2 semaphore(%run_scoped3A : memref<!tpu.dma_semaphore, #tpu.memory_space<semaphore_mem>>) src(%dma_wait3A_177 : memref<10112xi32, #tpu.memory_space<hbm>>) dst(%dma_wait3A_176 : memref<10112xi32, #tpu.memory_space<vmem>>)
      tpu.yield
    }) : () -> ()
    %iota3A = tpu.iota {dimensions = array<i32: 0>} : vector<16xi32>
    %scan3A_23 = arith.constant 0 : i32
    %scan3A_24 = arith.constant 0 : i32
    %scan3A_25 = arith.constant 632 : i32
    %scan3A_26 = arith.addi %scan3A_24, %scan3A_25 : i32
    %scan3A_27 = arith.constant 1 : i32
    %scan3A_28 = scf.for %scan3A_168 = %scan3A_24 to %scan3A_26 step %scan3A_27 iter_args(%scan3A_169 = %scan3A_23) -> (i32)  : i32 {
      %mul3A_170 = arith.constant 16 : i32
      %mul3A_171 = arith.muli %scan3A_168, %mul3A_170 : i32
      %get3A = arith.index_cast %mul3A_171 : i32 to index
      %get3A_172 = tpu.vector_load %arg7[%get3A] {strides = array<i32>} : memref<10256xi32, #tpu.memory_space<vmem>>, vector<16xi32>,
      %mul3A_173 = arith.constant 16 : i32
      %mul3A_174 = arith.muli %scan3A_168, %mul3A_173 : i32
      %get3A_175 = arith.index_cast %mul3A_174 : i32 to index
      %get3A_176 = tpu.vector_load %arg6[%get3A_175] {strides = array<i32>} : memref<10256xi32, #tpu.memory_space<vmem>>, vector<16xi32>,
      %lt3A = arith.constant 10000 : i32
      %lt3A_177 = vector.broadcast %lt3A : i32 to vector<16xi32>
      %lt3A_178 = arith.cmpi slt, %get3A_172, %lt3A_177 : vector<16xi32>
      %convert_element_type3A = arith.extui %lt3A_178 : vector<16xi1> to vector<16xi32>
      %broadcast_in_dim3A_179 = arith.constant true
      %broadcast_in_dim3A_180 = vector.broadcast %broadcast_in_dim3A_179 : i1 to vector<16xi1>
      %masked_cumsum3A = tpu.scan <sum>, %convert_element_type3A masked %broadcast_in_dim3A_180 : vector<16xi32>, vector<16xi1> -> vector<16xi32>
      %add3A_181 = vector.broadcast %scan3A_169 : i32 to vector<16xi32>
      %add3A_182 = arith.addi %add3A_181, %masked_cumsum3A : vector<16xi32>
      %sub3A_183 = arith.constant 1 : i32
      %sub3A_184 = vector.broadcast %sub3A_183 : i32 to vector<16xi32>
      %sub3A_185 = arith.subi %add3A_182, %sub3A_184 : vector<16xi32>
      %add3A_186 = arith.constant 10240 : i32
      %add3A_187 = vector.broadcast %add3A_186 : i32 to vector<16xi32>
      %add3A_188 = arith.addi %add3A_187, %iota3A : vector<16xi32>
      %select_n3A_189 = arith.select %lt3A_178, %sub3A_185, %add3A_188 : vector<16xi1>, vector<16xi32>
      tpu.vector_store_idx %arg7[%select_n3A_189], %get3A_172 : memref<10256xi32, #tpu.memory_space<vmem>>[vector<16xi32>], vector<16xi32>,
      tpu.vector_store_idx %arg6[%select_n3A_189], %get3A_176 : memref<10256xi32, #tpu.memory_space<vmem>>[vector<16xi32>], vector<16xi32>,
      %reduce_max3A = arith.constant true
      %reduce_max3A_190 = vector.broadcast %reduce_max3A : i1 to vector<16xi1>
      %reduce_max3A_191 = arith.constant -2147483648 : i32
      %reduce_max3A_192 = vector.broadcast %reduce_max3A_191 : i32 to vector<16xi32>
      %reduce_max3A_193 = arith.xori %masked_cumsum3A, %reduce_max3A_192 : vector<16xi32>
      %reduce_max3A_194 = tpu.scan <max>, %reduce_max3A_193 masked %reduce_max3A_190 : vector<16xi32>, vector<16xi1> -> vector<16xi32>
      %reduce_max3A_195 = arith.xori %reduce_max3A_194, %reduce_max3A_192 : vector<16xi32>
      %reduce_max3A_196 = vector.extract %reduce_max3A_195[15] : i32 from vector<16xi32>
      %add3A_197 = arith.addi %scan3A_169, %reduce_max3A_196 : i32
      scf.yield %add3A_197 : i32
    }
    %scan3A_29 = arith.constant 632 : i32
    %broadcast_in_dim3A = arith.constant 10000 : i32
    %broadcast_in_dim3A_30 = vector.broadcast %broadcast_in_dim3A : i32 to vector<16xi32>
    %add3A_31 = arith.constant 0 : i32
    %add3A_32 = arith.addi %scan3A_28, %add3A_31 : i32
    %swap3A = arith.index_cast %add3A_32 : i32 to index
    %swap3A_33 = tpu.vector_load %arg7[%swap3A] {strides = array<i32>} : memref<10256xi32, #tpu.memory_space<vmem>>, vector<16xi32>,
    tpu.vector_store %arg7[%swap3A], %broadcast_in_dim3A_30 {strides = array<i32>} : memref<10256xi32, #tpu.memory_space<vmem>>, vector<16xi32>,
    %broadcast_in_dim3A_34 = arith.constant 0 : i32
    %broadcast_in_dim3A_35 = vector.broadcast %broadcast_in_dim3A_34 : i32 to vector<16xi32>
    %add3A_36 = arith.constant 0 : i32
    %add3A_37 = arith.addi %scan3A_28, %add3A_36 : i32
    %swap3A_38 = arith.index_cast %add3A_37 : i32 to index
    %swap3A_39 = tpu.vector_load %arg6[%swap3A_38] {strides = array<i32>} : memref<10256xi32, #tpu.memory_space<vmem>>, vector<16xi32>,
    tpu.vector_store %arg6[%swap3A_38], %broadcast_in_dim3A_35 {strides = array<i32>} : memref<10256xi32, #tpu.memory_space<vmem>>, vector<16xi32>,
    %broadcast_in_dim3A_40 = arith.constant 10000 : i32
    %broadcast_in_dim3A_41 = vector.broadcast %broadcast_in_dim3A_40 : i32 to vector<16xi32>
    %add3A_42 = arith.constant 16 : i32
    %add3A_43 = arith.addi %scan3A_28, %add3A_42 : i32
    %swap3A_44 = arith.index_cast %add3A_43 : i32 to index
    %swap3A_45 = tpu.vector_load %arg7[%swap3A_44] {strides = array<i32>} : memref<10256xi32, #tpu.memory_space<vmem>>, vector<16xi32>,
    tpu.vector_store %arg7[%swap3A_44], %broadcast_in_dim3A_41 {strides = array<i32>} : memref<10256xi32, #tpu.memory_space<vmem>>, vector<16xi32>,
    %broadcast_in_dim3A_46 = arith.constant 0 : i32
    %broadcast_in_dim3A_47 = vector.broadcast %broadcast_in_dim3A_46 : i32 to vector<16xi32>
    %add3A_48 = arith.constant 16 : i32
    %add3A_49 = arith.addi %scan3A_28, %add3A_48 : i32
    %swap3A_50 = arith.index_cast %add3A_49 : i32 to index
    %swap3A_51 = tpu.vector_load %arg6[%swap3A_50] {strides = array<i32>} : memref<10256xi32, #tpu.memory_space<vmem>>, vector<16xi32>,
    tpu.vector_store %arg6[%swap3A_50], %broadcast_in_dim3A_47 {strides = array<i32>} : memref<10256xi32, #tpu.memory_space<vmem>>, vector<16xi32>,
    %broadcast_in_dim3A_52 = arith.constant 10000 : i32
    %broadcast_in_dim3A_53 = vector.broadcast %broadcast_in_dim3A_52 : i32 to vector<16xi32>
    %add3A_54 = arith.constant 32 : i32
    %add3A_55 = arith.addi %scan3A_28, %add3A_54 : i32
    %swap3A_56 = arith.index_cast %add3A_55 : i32 to index
    %swap3A_57 = tpu.vector_load %arg7[%swap3A_56] {strides = array<i32>} : memref<10256xi32, #tpu.memory_space<vmem>>, vector<16xi32>,
    tpu.vector_store %arg7[%swap3A_56], %broadcast_in_dim3A_53 {strides = array<i32>} : memref<10256xi32, #tpu.memory_space<vmem>>, vector<16xi32>,
    %broadcast_in_dim3A_58 = arith.constant 0 : i32
    %broadcast_in_dim3A_59 = vector.broadcast %broadcast_in_dim3A_58 : i32 to vector<16xi32>
    %add3A_60 = arith.constant 32 : i32
    %add3A_61 = arith.addi %scan3A_28, %add3A_60 : i32
    %swap3A_62 = arith.index_cast %add3A_61 : i32 to index
    %swap3A_63 = tpu.vector_load %arg6[%swap3A_62] {strides = array<i32>} : memref<10256xi32, #tpu.memory_space<vmem>>, vector<16xi32>,
    tpu.vector_store %arg6[%swap3A_62], %broadcast_in_dim3A_59 {strides = array<i32>} : memref<10256xi32, #tpu.memory_space<vmem>>, vector<16xi32>,
    %broadcast_in_dim3A_64 = arith.constant 10000 : i32
    %broadcast_in_dim3A_65 = vector.broadcast %broadcast_in_dim3A_64 : i32 to vector<16xi32>
    %add3A_66 = arith.constant 48 : i32
    %add3A_67 = arith.addi %scan3A_28, %add3A_66 : i32
    %swap3A_68 = arith.index_cast %add3A_67 : i32 to index
    %swap3A_69 = tpu.vector_load %arg7[%swap3A_68] {strides = array<i32>} : memref<10256xi32, #tpu.memory_space<vmem>>, vector<16xi32>,
    tpu.vector_store %arg7[%swap3A_68], %broadcast_in_dim3A_65 {strides = array<i32>} : memref<10256xi32, #tpu.memory_space<vmem>>, vector<16xi32>,
    %broadcast_in_dim3A_70 = arith.constant 0 : i32
    %broadcast_in_dim3A_71 = vector.broadcast %broadcast_in_dim3A_70 : i32 to vector<16xi32>
    %add3A_72 = arith.constant 48 : i32
    %add3A_73 = arith.addi %scan3A_28, %add3A_72 : i32
    %swap3A_74 = arith.index_cast %add3A_73 : i32 to index
    %swap3A_75 = tpu.vector_load %arg6[%swap3A_74] {strides = array<i32>} : memref<10256xi32, #tpu.memory_space<vmem>>, vector<16xi32>,
    tpu.vector_store %arg6[%swap3A_74], %broadcast_in_dim3A_71 {strides = array<i32>} : memref<10256xi32, #tpu.memory_space<vmem>>, vector<16xi32>,
    %broadcast_in_dim3A_76 = arith.constant 10000 : i32
    %broadcast_in_dim3A_77 = vector.broadcast %broadcast_in_dim3A_76 : i32 to vector<16xi32>
    %add3A_78 = arith.constant 64 : i32
    %add3A_79 = arith.addi %scan3A_28, %add3A_78 : i32
    %swap3A_80 = arith.index_cast %add3A_79 : i32 to index
    %swap3A_81 = tpu.vector_load %arg7[%swap3A_80] {strides = array<i32>} : memref<10256xi32, #tpu.memory_space<vmem>>, vector<16xi32>,
    tpu.vector_store %arg7[%swap3A_80], %broadcast_in_dim3A_77 {strides = array<i32>} : memref<10256xi32, #tpu.memory_space<vmem>>, vector<16xi32>,
    %broadcast_in_dim3A_82 = arith.constant 0 : i32
    %broadcast_in_dim3A_83 = vector.broadcast %broadcast_in_dim3A_82 : i32 to vector<16xi32>
    %add3A_84 = arith.constant 64 : i32
    %add3A_85 = arith.addi %scan3A_28, %add3A_84 : i32
    %swap3A_86 = arith.index_cast %add3A_85 : i32 to index
    %swap3A_87 = tpu.vector_load %arg6[%swap3A_86] {strides = array<i32>} : memref<10256xi32, #tpu.memory_space<vmem>>, vector<16xi32>,
    tpu.vector_store %arg6[%swap3A_86], %broadcast_in_dim3A_83 {strides = array<i32>} : memref<10256xi32, #tpu.memory_space<vmem>>, vector<16xi32>,
    %broadcast_in_dim3A_88 = arith.constant 10000 : i32
    %broadcast_in_dim3A_89 = vector.broadcast %broadcast_in_dim3A_88 : i32 to vector<16xi32>
    %add3A_90 = arith.constant 80 : i32
    %add3A_91 = arith.addi %scan3A_28, %add3A_90 : i32
    %swap3A_92 = arith.index_cast %add3A_91 : i32 to index
    %swap3A_93 = tpu.vector_load %arg7[%swap3A_92] {strides = array<i32>} : memref<10256xi32, #tpu.memory_space<vmem>>, vector<16xi32>,
    tpu.vector_store %arg7[%swap3A_92], %broadcast_in_dim3A_89 {strides = array<i32>} : memref<10256xi32, #tpu.memory_space<vmem>>, vector<16xi32>,
    %broadcast_in_dim3A_94 = arith.constant 0 : i32
    %broadcast_in_dim3A_95 = vector.broadcast %broadcast_in_dim3A_94 : i32 to vector<16xi32>
    %add3A_96 = arith.constant 80 : i32
    %add3A_97 = arith.addi %scan3A_28, %add3A_96 : i32
    %swap3A_98 = arith.index_cast %add3A_97 : i32 to index
    %swap3A_99 = tpu.vector_load %arg6[%swap3A_98] {strides = array<i32>} : memref<10256xi32, #tpu.memory_space<vmem>>, vector<16xi32>,
    tpu.vector_store %arg6[%swap3A_98], %broadcast_in_dim3A_95 {strides = array<i32>} : memref<10256xi32, #tpu.memory_space<vmem>>, vector<16xi32>,
    %broadcast_in_dim3A_100 = arith.constant 10000 : i32
    %broadcast_in_dim3A_101 = vector.broadcast %broadcast_in_dim3A_100 : i32 to vector<16xi32>
    %add3A_102 = arith.constant 96 : i32
    %add3A_103 = arith.addi %scan3A_28, %add3A_102 : i32
    %swap3A_104 = arith.index_cast %add3A_103 : i32 to index
    %swap3A_105 = tpu.vector_load %arg7[%swap3A_104] {strides = array<i32>} : memref<10256xi32, #tpu.memory_space<vmem>>, vector<16xi32>,
    tpu.vector_store %arg7[%swap3A_104], %broadcast_in_dim3A_101 {strides = array<i32>} : memref<10256xi32, #tpu.memory_space<vmem>>, vector<16xi32>,
    %broadcast_in_dim3A_106 = arith.constant 0 : i32
    %broadcast_in_dim3A_107 = vector.broadcast %broadcast_in_dim3A_106 : i32 to vector<16xi32>
    %add3A_108 = arith.constant 96 : i32
    %add3A_109 = arith.addi %scan3A_28, %add3A_108 : i32
    %swap3A_110 = arith.index_cast %add3A_109 : i32 to index
    %swap3A_111 = tpu.vector_load %arg6[%swap3A_110] {strides = array<i32>} : memref<10256xi32, #tpu.memory_space<vmem>>, vector<16xi32>,
    tpu.vector_store %arg6[%swap3A_110], %broadcast_in_dim3A_107 {strides = array<i32>} : memref<10256xi32, #tpu.memory_space<vmem>>, vector<16xi32>,
    %broadcast_in_dim3A_112 = arith.constant 10000 : i32
    %broadcast_in_dim3A_113 = vector.broadcast %broadcast_in_dim3A_112 : i32 to vector<16xi32>
    %add3A_114 = arith.constant 112 : i32
    %add3A_115 = arith.addi %scan3A_28, %add3A_114 : i32
    %swap3A_116 = arith.index_cast %add3A_115 : i32 to index
    %swap3A_117 = tpu.vector_load %arg7[%swap3A_116] {strides = array<i32>} : memref<10256xi32, #tpu.memory_space<vmem>>, vector<16xi32>,
    tpu.vector_store %arg7[%swap3A_116], %broadcast_in_dim3A_113 {strides = array<i32>} : memref<10256xi32, #tpu.memory_space<vmem>>, vector<16xi32>,
    %broadcast_in_dim3A_118 = arith.constant 0 : i32
    %broadcast_in_dim3A_119 = vector.broadcast %broadcast_in_dim3A_118 : i32 to vector<16xi32>
    %add3A_120 = arith.constant 112 : i32
    %add3A_121 = arith.addi %scan3A_28, %add3A_120 : i32
    %swap3A_122 = arith.index_cast %add3A_121 : i32 to index
    %swap3A_123 = tpu.vector_load %arg6[%swap3A_122] {strides = array<i32>} : memref<10256xi32, #tpu.memory_space<vmem>>, vector<16xi32>,
    tpu.vector_store %arg6[%swap3A_122], %broadcast_in_dim3A_119 {strides = array<i32>} : memref<10256xi32, #tpu.memory_space<vmem>>, vector<16xi32>,
    %add3A_124 = arith.constant 128 : i32
    %add3A_125 = arith.addi %scan3A_28, %add3A_124 : i32
    %sub3A = arith.constant 1 : i32
    %sub3A_126 = arith.subi %add3A_125, %sub3A : i32
    %jit3A = arith.constant 128 : i32
    %div3A = arith.divsi %sub3A_126, %jit3A : i32
    %sign3A = arith.constant 0 : i32
    %sign3A_127 = arith.cmpi sgt, %sub3A_126, %sign3A : i32
    %sign3A_128 = arith.extui %sign3A_127 : i1 to i32
    %sign3A_129 = arith.constant 0 : i32
    %sign3A_130 = arith.cmpi slt, %sub3A_126, %sign3A_129 : i32
    %sign3A_131 = arith.extui %sign3A_130 : i1 to i32
    %sign3A_132 = arith.subi %sign3A_128, %sign3A_131 : i32
    %sign3A_133 = arith.constant 0 : i32
    %sign3A_134 = arith.cmpi sgt, %jit3A, %sign3A_133 : i32
    %sign3A_135 = arith.extui %sign3A_134 : i1 to i32
    %sign3A_136 = arith.constant 0 : i32
    %sign3A_137 = arith.cmpi slt, %jit3A, %sign3A_136 : i32
    %sign3A_138 = arith.extui %sign3A_137 : i1 to i32
    %sign3A_139 = arith.subi %sign3A_135, %sign3A_138 : i32
    %ne3A = arith.cmpi ne, %sign3A_132, %sign3A_139 : i32
    %rem3A = arith.remsi %sub3A_126, %jit3A : i32
    %ne3A_140 = arith.constant 0 : i32
    %ne3A_141 = arith.cmpi ne, %rem3A, %ne3A_140 : i32
    %and3A = arith.andi %ne3A, %ne3A_141 : i1
    %sub3A_142 = arith.constant 1 : i32
    %sub3A_143 = arith.subi %div3A, %sub3A_142 : i32
    %select_n3A = arith.select %and3A, %sub3A_143, %div3A : i32
    %barrier3A = arith.constant 0 : index
    tpu.barrier barrier_id(%barrier3A)
    %while3A = arith.constant 0 : i32
    %while3A_144 = arith.constant 0 : i32
    %while3A_145 = arith.subi %select_n3A, %while3A : i32
    %while3A_146 = arith.addi %while3A, %while3A_145 : i32
    %while3A_147 = arith.constant 1 : i32
    %while3A_148 = arith.divsi %while3A_145, %while3A_147 : i32
    %while3A_149 = arith.muli %while3A_148, %while3A_147 : i32
    %while3A_150 = arith.addi %while3A, %while3A_149 : i32
    %while3A_151 = arith.constant 1 : i32
    %while3A_152 = scf.for %while3A_168 = %while3A to %while3A_150 step %while3A_151 iter_args(%while3A_169 = %while3A_144) -> (i32)  : i32 {
      %mul3A_170 = arith.constant 128 : i32
      %mul3A_171 = arith.muli %while3A_168, %mul3A_170 : i32
      %add3A_172 = arith.constant 0 : i32
      %add3A_173 = arith.addi %mul3A_171, %add3A_172 : i32
      %get3A = arith.index_cast %add3A_173 : i32 to index
      %get3A_174 = tpu.vector_load %arg6[%get3A] {strides = array<i32>} : memref<10256xi32, #tpu.memory_space<vmem>>, vector<16xi32>,
      %swap3A_175 = arith.constant 0 : index
      %swap3A_176 = tpu.vector_load %arg8[%swap3A_175] {strides = array<i32>} : memref<128xi32, #tpu.memory_space<vmem>>, vector<16xi32>,
      tpu.vector_store %arg8[%swap3A_175], %get3A_174 {strides = array<i32>} : memref<128xi32, #tpu.memory_space<vmem>>, vector<16xi32>,
      %mul3A_177 = arith.constant 128 : i32
      %mul3A_178 = arith.muli %while3A_168, %mul3A_177 : i32
      %add3A_179 = arith.constant 0 : i32
      %add3A_180 = arith.addi %mul3A_178, %add3A_179 : i32
      %get3A_181 = arith.index_cast %add3A_180 : i32 to index
      %get3A_182 = tpu.vector_load %arg7[%get3A_181] {strides = array<i32>} : memref<10256xi32, #tpu.memory_space<vmem>>, vector<16xi32>,
      %swap3A_183 = arith.constant 0 : index
      %swap3A_184 = tpu.vector_load %arg9[%swap3A_183] {strides = array<i32>} : memref<128xi32, #tpu.memory_space<vmem>>, vector<16xi32>,
      tpu.vector_store %arg9[%swap3A_183], %get3A_182 {strides = array<i32>} : memref<128xi32, #tpu.memory_space<vmem>>, vector<16xi32>,
      %mul3A_185 = arith.constant 128 : i32
      %mul3A_186 = arith.muli %while3A_168, %mul3A_185 : i32
      %add3A_187 = arith.constant 16 : i32
      %add3A_188 = arith.addi %mul3A_186, %add3A_187 : i32
      %get3A_189 = arith.index_cast %add3A_188 : i32 to index
      %get3A_190 = tpu.vector_load %arg6[%get3A_189] {strides = array<i32>} : memref<10256xi32, #tpu.memory_space<vmem>>, vector<16xi32>,
      %swap3A_191 = arith.constant 16 : index
      %swap3A_192 = tpu.vector_load %arg8[%swap3A_191] {strides = array<i32>} : memref<128xi32, #tpu.memory_space<vmem>>, vector<16xi32>,
      tpu.vector_store %arg8[%swap3A_191], %get3A_190 {strides = array<i32>} : memref<128xi32, #tpu.memory_space<vmem>>, vector<16xi32>,
      %mul3A_193 = arith.constant 128 : i32
      %mul3A_194 = arith.muli %while3A_168, %mul3A_193 : i32
      %add3A_195 = arith.constant 16 : i32
      %add3A_196 = arith.addi %mul3A_194, %add3A_195 : i32
      %get3A_197 = arith.index_cast %add3A_196 : i32 to index
      %get3A_198 = tpu.vector_load %arg7[%get3A_197] {strides = array<i32>} : memref<10256xi32, #tpu.memory_space<vmem>>, vector<16xi32>,
      %swap3A_199 = arith.constant 16 : index
      %swap3A_200 = tpu.vector_load %arg9[%swap3A_199] {strides = array<i32>} : memref<128xi32, #tpu.memory_space<vmem>>, vector<16xi32>,
      tpu.vector_store %arg9[%swap3A_199], %get3A_198 {strides = array<i32>} : memref<128xi32, #tpu.memory_space<vmem>>, vector<16xi32>,
      %mul3A_201 = arith.constant 128 : i32
      %mul3A_202 = arith.muli %while3A_168, %mul3A_201 : i32
      %add3A_203 = arith.constant 32 : i32
      %add3A_204 = arith.addi %mul3A_202, %add3A_203 : i32
      %get3A_205 = arith.index_cast %add3A_204 : i32 to index
      %get3A_206 = tpu.vector_load %arg6[%get3A_205] {strides = array<i32>} : memref<10256xi32, #tpu.memory_space<vmem>>, vector<16xi32>,
      %swap3A_207 = arith.constant 32 : index
      %swap3A_208 = tpu.vector_load %arg8[%swap3A_207] {strides = array<i32>} : memref<128xi32, #tpu.memory_space<vmem>>, vector<16xi32>,
      tpu.vector_store %arg8[%swap3A_207], %get3A_206 {strides = array<i32>} : memref<128xi32, #tpu.memory_space<vmem>>, vector<16xi32>,
      %mul3A_209 = arith.constant 128 : i32
      %mul3A_210 = arith.muli %while3A_168, %mul3A_209 : i32
      %add3A_211 = arith.constant 32 : i32
      %add3A_212 = arith.addi %mul3A_210, %add3A_211 : i32
      %get3A_213 = arith.index_cast %add3A_212 : i32 to index
      %get3A_214 = tpu.vector_load %arg7[%get3A_213] {strides = array<i32>} : memref<10256xi32, #tpu.memory_space<vmem>>, vector<16xi32>,
      %swap3A_215 = arith.constant 32 : index
      %swap3A_216 = tpu.vector_load %arg9[%swap3A_215] {strides = array<i32>} : memref<128xi32, #tpu.memory_space<vmem>>, vector<16xi32>,
      tpu.vector_store %arg9[%swap3A_215], %get3A_214 {strides = array<i32>} : memref<128xi32, #tpu.memory_space<vmem>>, vector<16xi32>,
      %mul3A_217 = arith.constant 128 : i32
      %mul3A_218 = arith.muli %while3A_168, %mul3A_217 : i32
      %add3A_219 = arith.constant 48 : i32
      %add3A_220 = arith.addi %mul3A_218, %add3A_219 : i32
      %get3A_221 = arith.index_cast %add3A_220 : i32 to index
      %get3A_222 = tpu.vector_load %arg6[%get3A_221] {strides = array<i32>} : memref<10256xi32, #tpu.memory_space<vmem>>, vector<16xi32>,
      %swap3A_223 = arith.constant 48 : index
      %swap3A_224 = tpu.vector_load %arg8[%swap3A_223] {strides = array<i32>} : memref<128xi32, #tpu.memory_space<vmem>>, vector<16xi32>,
      tpu.vector_store %arg8[%swap3A_223], %get3A_222 {strides = array<i32>} : memref<128xi32, #tpu.memory_space<vmem>>, vector<16xi32>,
      %mul3A_225 = arith.constant 128 : i32
      %mul3A_226 = arith.muli %while3A_168, %mul3A_225 : i32
      %add3A_227 = arith.constant 48 : i32
      %add3A_228 = arith.addi %mul3A_226, %add3A_227 : i32
      %get3A_229 = arith.index_cast %add3A_228 : i32 to index
      %get3A_230 = tpu.vector_load %arg7[%get3A_229] {strides = array<i32>} : memref<10256xi32, #tpu.memory_space<vmem>>, vector<16xi32>,
      %swap3A_231 = arith.constant 48 : index
      %swap3A_232 = tpu.vector_load %arg9[%swap3A_231] {strides = array<i32>} : memref<128xi32, #tpu.memory_space<vmem>>, vector<16xi32>,
      tpu.vector_store %arg9[%swap3A_231], %get3A_230 {strides = array<i32>} : memref<128xi32, #tpu.memory_space<vmem>>, vector<16xi32>,
      %mul3A_233 = arith.constant 128 : i32
      %mul3A_234 = arith.muli %while3A_168, %mul3A_233 : i32
      %add3A_235 = arith.constant 64 : i32
      %add3A_236 = arith.addi %mul3A_234, %add3A_235 : i32
      %get3A_237 = arith.index_cast %add3A_236 : i32 to index
      %get3A_238 = tpu.vector_load %arg6[%get3A_237] {strides = array<i32>} : memref<10256xi32, #tpu.memory_space<vmem>>, vector<16xi32>,
      %swap3A_239 = arith.constant 64 : index
      %swap3A_240 = tpu.vector_load %arg8[%swap3A_239] {strides = array<i32>} : memref<128xi32, #tpu.memory_space<vmem>>, vector<16xi32>,
      tpu.vector_store %arg8[%swap3A_239], %get3A_238 {strides = array<i32>} : memref<128xi32, #tpu.memory_space<vmem>>, vector<16xi32>,
      %mul3A_241 = arith.constant 128 : i32
      %mul3A_242 = arith.muli %while3A_168, %mul3A_241 : i32
      %add3A_243 = arith.constant 64 : i32
      %add3A_244 = arith.addi %mul3A_242, %add3A_243 : i32
      %get3A_245 = arith.index_cast %add3A_244 : i32 to index
      %get3A_246 = tpu.vector_load %arg7[%get3A_245] {strides = array<i32>} : memref<10256xi32, #tpu.memory_space<vmem>>, vector<16xi32>,
      %swap3A_247 = arith.constant 64 : index
      %swap3A_248 = tpu.vector_load %arg9[%swap3A_247] {strides = array<i32>} : memref<128xi32, #tpu.memory_space<vmem>>, vector<16xi32>,
      tpu.vector_store %arg9[%swap3A_247], %get3A_246 {strides = array<i32>} : memref<128xi32, #tpu.memory_space<vmem>>, vector<16xi32>,
      %mul3A_249 = arith.constant 128 : i32
      %mul3A_250 = arith.muli %while3A_168, %mul3A_249 : i32
      %add3A_251 = arith.constant 80 : i32
      %add3A_252 = arith.addi %mul3A_250, %add3A_251 : i32
      %get3A_253 = arith.index_cast %add3A_252 : i32 to index
      %get3A_254 = tpu.vector_load %arg6[%get3A_253] {strides = array<i32>} : memref<10256xi32, #tpu.memory_space<vmem>>, vector<16xi32>,
      %swap3A_255 = arith.constant 80 : index
      %swap3A_256 = tpu.vector_load %arg8[%swap3A_255] {strides = array<i32>} : memref<128xi32, #tpu.memory_space<vmem>>, vector<16xi32>,
      tpu.vector_store %arg8[%swap3A_255], %get3A_254 {strides = array<i32>} : memref<128xi32, #tpu.memory_space<vmem>>, vector<16xi32>,
      %mul3A_257 = arith.constant 128 : i32
      %mul3A_258 = arith.muli %while3A_168, %mul3A_257 : i32
      %add3A_259 = arith.constant 80 : i32
      %add3A_260 = arith.addi %mul3A_258, %add3A_259 : i32
      %get3A_261 = arith.index_cast %add3A_260 : i32 to index
      %get3A_262 = tpu.vector_load %arg7[%get3A_261] {strides = array<i32>} : memref<10256xi32, #tpu.memory_space<vmem>>, vector<16xi32>,
      %swap3A_263 = arith.constant 80 : index
      %swap3A_264 = tpu.vector_load %arg9[%swap3A_263] {strides = array<i32>} : memref<128xi32, #tpu.memory_space<vmem>>, vector<16xi32>,
      tpu.vector_store %arg9[%swap3A_263], %get3A_262 {strides = array<i32>} : memref<128xi32, #tpu.memory_space<vmem>>, vector<16xi32>,
      %mul3A_265 = arith.constant 128 : i32
      %mul3A_266 = arith.muli %while3A_168, %mul3A_265 : i32
      %add3A_267 = arith.constant 96 : i32
      %add3A_268 = arith.addi %mul3A_266, %add3A_267 : i32
      %get3A_269 = arith.index_cast %add3A_268 : i32 to index
      %get3A_270 = tpu.vector_load %arg6[%get3A_269] {strides = array<i32>} : memref<10256xi32, #tpu.memory_space<vmem>>, vector<16xi32>,
      %swap3A_271 = arith.constant 96 : index
      %swap3A_272 = tpu.vector_load %arg8[%swap3A_271] {strides = array<i32>} : memref<128xi32, #tpu.memory_space<vmem>>, vector<16xi32>,
      tpu.vector_store %arg8[%swap3A_271], %get3A_270 {strides = array<i32>} : memref<128xi32, #tpu.memory_space<vmem>>, vector<16xi32>,
      %mul3A_273 = arith.constant 128 : i32
      %mul3A_274 = arith.muli %while3A_168, %mul3A_273 : i32
      %add3A_275 = arith.constant 96 : i32
      %add3A_276 = arith.addi %mul3A_274, %add3A_275 : i32
      %get3A_277 = arith.index_cast %add3A_276 : i32 to index
      %get3A_278 = tpu.vector_load %arg7[%get3A_277] {strides = array<i32>} : memref<10256xi32, #tpu.memory_space<vmem>>, vector<16xi32>,
      %swap3A_279 = arith.constant 96 : index
      %swap3A_280 = tpu.vector_load %arg9[%swap3A_279] {strides = array<i32>} : memref<128xi32, #tpu.memory_space<vmem>>, vector<16xi32>,
      tpu.vector_store %arg9[%swap3A_279], %get3A_278 {strides = array<i32>} : memref<128xi32, #tpu.memory_space<vmem>>, vector<16xi32>,
      %mul3A_281 = arith.constant 128 : i32
      %mul3A_282 = arith.muli %while3A_168, %mul3A_281 : i32
      %add3A_283 = arith.constant 112 : i32
      %add3A_284 = arith.addi %mul3A_282, %add3A_283 : i32
      %get3A_285 = arith.index_cast %add3A_284 : i32 to index
      %get3A_286 = tpu.vector_load %arg6[%get3A_285] {strides = array<i32>} : memref<10256xi32, #tpu.memory_space<vmem>>, vector<16xi32>,
      %swap3A_287 = arith.constant 112 : index
      %swap3A_288 = tpu.vector_load %arg8[%swap3A_287] {strides = array<i32>} : memref<128xi32, #tpu.memory_space<vmem>>, vector<16xi32>,
      tpu.vector_store %arg8[%swap3A_287], %get3A_286 {strides = array<i32>} : memref<128xi32, #tpu.memory_space<vmem>>, vector<16xi32>,
      %mul3A_289 = arith.constant 128 : i32
      %mul3A_290 = arith.muli %while3A_168, %mul3A_289 : i32
      %add3A_291 = arith.constant 112 : i32
      %add3A_292 = arith.addi %mul3A_290, %add3A_291 : i32
      %get3A_293 = arith.index_cast %add3A_292 : i32 to index
      %get3A_294 = tpu.vector_load %arg7[%get3A_293] {strides = array<i32>} : memref<10256xi32, #tpu.memory_space<vmem>>, vector<16xi32>,
      %swap3A_295 = arith.constant 112 : index
      %swap3A_296 = tpu.vector_load %arg9[%swap3A_295] {strides = array<i32>} : memref<128xi32, #tpu.memory_space<vmem>>, vector<16xi32>,
      tpu.vector_store %arg9[%swap3A_295], %get3A_294 {strides = array<i32>} : memref<128xi32, #tpu.memory_space<vmem>>, vector<16xi32>,
      %dma_start3A = arith.constant 0 : i32
      %dma_start3A_297 = arith.constant 0 : i32
      %dma_start3A_298 = tpu.memref_slice %arg4[%dma_start3A, %dma_start3A_297] : memref<80000x128xf32, #tpu.memory_space<hbm>> -> memref<80000x128xf32, #tpu.memory_space<hbm>>
      tpu.enqueue_indirect_dma source(%dma_start3A_298 : memref<80000x128xf32, #tpu.memory_space<hbm>>) target(%arg10 : memref<128x128xf32, #tpu.memory_space<vmem>>) offsets(%arg8 : memref<128xi32, #tpu.memory_space<vmem>>) semaphore(%arg12 : memref<!tpu.dma_semaphore, #tpu.memory_space<semaphore_mem>>)
      %dma_wait3A = arith.constant 0 : i32
      %dma_wait3A_299 = arith.constant 0 : i32
      %dma_wait3A_300 = tpu.memref_slice %arg4[%dma_wait3A, %dma_wait3A_299] : memref<80000x128xf32, #tpu.memory_space<hbm>> -> memref<80000x128xf32, #tpu.memory_space<hbm>>
      tpu.wait_indirect_dma semaphore(%arg12 : memref<!tpu.dma_semaphore, #tpu.memory_space<semaphore_mem>>) src(%dma_wait3A_300 : memref<80000x128xf32, #tpu.memory_space<hbm>>) dst(%arg10 : memref<128x128xf32, #tpu.memory_space<vmem>>)
      "tpu.region"() ({
        %run_scoped3A = tpu.sem_alloc : memref<!tpu.dma_semaphore, #tpu.memory_space<semaphore_mem>>
        %dma_start3A_302 = arith.constant 0 : i32
        %dma_start3A_303 = arith.constant 0 : i32
        %dma_start3A_304 = tpu.memref_slice %arg11[%dma_start3A_302, %dma_start3A_303] : memref<10112x128xf32, #tpu.memory_space<vmem_shared>> -> memref<10112x128xf32, #tpu.memory_space<vmem_shared>>
        tpu.enqueue_indirect_dma source(%arg10 : memref<128x128xf32, #tpu.memory_space<vmem>>) target(%dma_start3A_304 : memref<10112x128xf32, #tpu.memory_space<vmem_shared>>) offsets(%arg9 : memref<128xi32, #tpu.memory_space<vmem>>) semaphore(%run_scoped3A : memref<!tpu.dma_semaphore, #tpu.memory_space<semaphore_mem>>) {add = true}
        %dma_wait3A_305 = arith.constant 0 : i32
        %dma_wait3A_306 = arith.constant 0 : i32
        %dma_wait3A_307 = tpu.memref_slice %arg11[%dma_wait3A_305, %dma_wait3A_306] : memref<10112x128xf32, #tpu.memory_space<vmem_shared>> -> memref<10112x128xf32, #tpu.memory_space<vmem_shared>>
        tpu.wait_indirect_dma semaphore(%run_scoped3A : memref<!tpu.dma_semaphore, #tpu.memory_space<semaphore_mem>>) src(%arg10 : memref<128x128xf32, #tpu.memory_space<vmem>>) dst(%dma_wait3A_307 : memref<10112x128xf32, #tpu.memory_space<vmem_shared>>)
        tpu.yield
      }) : () -> ()
      %while3A_301 = arith.constant 0 : i32
      scf.yield %while3A_301 : i32
    }
    %while3A_153 = arith.constant 1 : i32
    %while3A_154 = scf.for %while3A_168 = %while3A_150 to %while3A_146 step %while3A_153 iter_args(%while3A_169 = %while3A_152) -> (i32)  : i32 {
      %mul3A_170 = arith.constant 128 : i32
      %mul3A_171 = arith.muli %while3A_168, %mul3A_170 : i32
      %add3A_172 = arith.constant 0 : i32
      %add3A_173 = arith.addi %mul3A_171, %add3A_172 : i32
      %get3A = arith.index_cast %add3A_173 : i32 to index
      %get3A_174 = tpu.vector_load %arg6[%get3A] {strides = array<i32>} : memref<10256xi32, #tpu.memory_space<vmem>>, vector<16xi32>,
      %swap3A_175 = arith.constant 0 : index
      %swap3A_176 = tpu.vector_load %arg8[%swap3A_175] {strides = array<i32>} : memref<128xi32, #tpu.memory_space<vmem>>, vector<16xi32>,
      tpu.vector_store %arg8[%swap3A_175], %get3A_174 {strides = array<i32>} : memref<128xi32, #tpu.memory_space<vmem>>, vector<16xi32>,
      %mul3A_177 = arith.constant 128 : i32
      %mul3A_178 = arith.muli %while3A_168, %mul3A_177 : i32
      %add3A_179 = arith.constant 0 : i32
      %add3A_180 = arith.addi %mul3A_178, %add3A_179 : i32
      %get3A_181 = arith.index_cast %add3A_180 : i32 to index
      %get3A_182 = tpu.vector_load %arg7[%get3A_181] {strides = array<i32>} : memref<10256xi32, #tpu.memory_space<vmem>>, vector<16xi32>,
      %swap3A_183 = arith.constant 0 : index
      %swap3A_184 = tpu.vector_load %arg9[%swap3A_183] {strides = array<i32>} : memref<128xi32, #tpu.memory_space<vmem>>, vector<16xi32>,
      tpu.vector_store %arg9[%swap3A_183], %get3A_182 {strides = array<i32>} : memref<128xi32, #tpu.memory_space<vmem>>, vector<16xi32>,
      %mul3A_185 = arith.constant 128 : i32
      %mul3A_186 = arith.muli %while3A_168, %mul3A_185 : i32
      %add3A_187 = arith.constant 16 : i32
      %add3A_188 = arith.addi %mul3A_186, %add3A_187 : i32
      %get3A_189 = arith.index_cast %add3A_188 : i32 to index
      %get3A_190 = tpu.vector_load %arg6[%get3A_189] {strides = array<i32>} : memref<10256xi32, #tpu.memory_space<vmem>>, vector<16xi32>,
      %swap3A_191 = arith.constant 16 : index
      %swap3A_192 = tpu.vector_load %arg8[%swap3A_191] {strides = array<i32>} : memref<128xi32, #tpu.memory_space<vmem>>, vector<16xi32>,
      tpu.vector_store %arg8[%swap3A_191], %get3A_190 {strides = array<i32>} : memref<128xi32, #tpu.memory_space<vmem>>, vector<16xi32>,
      %mul3A_193 = arith.constant 128 : i32
      %mul3A_194 = arith.muli %while3A_168, %mul3A_193 : i32
      %add3A_195 = arith.constant 16 : i32
      %add3A_196 = arith.addi %mul3A_194, %add3A_195 : i32
      %get3A_197 = arith.index_cast %add3A_196 : i32 to index
      %get3A_198 = tpu.vector_load %arg7[%get3A_197] {strides = array<i32>} : memref<10256xi32, #tpu.memory_space<vmem>>, vector<16xi32>,
      %swap3A_199 = arith.constant 16 : index
      %swap3A_200 = tpu.vector_load %arg9[%swap3A_199] {strides = array<i32>} : memref<128xi32, #tpu.memory_space<vmem>>, vector<16xi32>,
      tpu.vector_store %arg9[%swap3A_199], %get3A_198 {strides = array<i32>} : memref<128xi32, #tpu.memory_space<vmem>>, vector<16xi32>,
      %mul3A_201 = arith.constant 128 : i32
      %mul3A_202 = arith.muli %while3A_168, %mul3A_201 : i32
      %add3A_203 = arith.constant 32 : i32
      %add3A_204 = arith.addi %mul3A_202, %add3A_203 : i32
      %get3A_205 = arith.index_cast %add3A_204 : i32 to index
      %get3A_206 = tpu.vector_load %arg6[%get3A_205] {strides = array<i32>} : memref<10256xi32, #tpu.memory_space<vmem>>, vector<16xi32>,
      %swap3A_207 = arith.constant 32 : index
      %swap3A_208 = tpu.vector_load %arg8[%swap3A_207] {strides = array<i32>} : memref<128xi32, #tpu.memory_space<vmem>>, vector<16xi32>,
      tpu.vector_store %arg8[%swap3A_207], %get3A_206 {strides = array<i32>} : memref<128xi32, #tpu.memory_space<vmem>>, vector<16xi32>,
      %mul3A_209 = arith.constant 128 : i32
      %mul3A_210 = arith.muli %while3A_168, %mul3A_209 : i32
      %add3A_211 = arith.constant 32 : i32
      %add3A_212 = arith.addi %mul3A_210, %add3A_211 : i32
      %get3A_213 = arith.index_cast %add3A_212 : i32 to index
      %get3A_214 = tpu.vector_load %arg7[%get3A_213] {strides = array<i32>} : memref<10256xi32, #tpu.memory_space<vmem>>, vector<16xi32>,
      %swap3A_215 = arith.constant 32 : index
      %swap3A_216 = tpu.vector_load %arg9[%swap3A_215] {strides = array<i32>} : memref<128xi32, #tpu.memory_space<vmem>>, vector<16xi32>,
      tpu.vector_store %arg9[%swap3A_215], %get3A_214 {strides = array<i32>} : memref<128xi32, #tpu.memory_space<vmem>>, vector<16xi32>,
      %mul3A_217 = arith.constant 128 : i32
      %mul3A_218 = arith.muli %while3A_168, %mul3A_217 : i32
      %add3A_219 = arith.constant 48 : i32
      %add3A_220 = arith.addi %mul3A_218, %add3A_219 : i32
      %get3A_221 = arith.index_cast %add3A_220 : i32 to index
      %get3A_222 = tpu.vector_load %arg6[%get3A_221] {strides = array<i32>} : memref<10256xi32, #tpu.memory_space<vmem>>, vector<16xi32>,
      %swap3A_223 = arith.constant 48 : index
      %swap3A_224 = tpu.vector_load %arg8[%swap3A_223] {strides = array<i32>} : memref<128xi32, #tpu.memory_space<vmem>>, vector<16xi32>,
      tpu.vector_store %arg8[%swap3A_223], %get3A_222 {strides = array<i32>} : memref<128xi32, #tpu.memory_space<vmem>>, vector<16xi32>,
      %mul3A_225 = arith.constant 128 : i32
      %mul3A_226 = arith.muli %while3A_168, %mul3A_225 : i32
      %add3A_227 = arith.constant 48 : i32
      %add3A_228 = arith.addi %mul3A_226, %add3A_227 : i32
      %get3A_229 = arith.index_cast %add3A_228 : i32 to index
      %get3A_230 = tpu.vector_load %arg7[%get3A_229] {strides = array<i32>} : memref<10256xi32, #tpu.memory_space<vmem>>, vector<16xi32>,
      %swap3A_231 = arith.constant 48 : index
      %swap3A_232 = tpu.vector_load %arg9[%swap3A_231] {strides = array<i32>} : memref<128xi32, #tpu.memory_space<vmem>>, vector<16xi32>,
      tpu.vector_store %arg9[%swap3A_231], %get3A_230 {strides = array<i32>} : memref<128xi32, #tpu.memory_space<vmem>>, vector<16xi32>,
      %mul3A_233 = arith.constant 128 : i32
      %mul3A_234 = arith.muli %while3A_168, %mul3A_233 : i32
      %add3A_235 = arith.constant 64 : i32
      %add3A_236 = arith.addi %mul3A_234, %add3A_235 : i32
      %get3A_237 = arith.index_cast %add3A_236 : i32 to index
      %get3A_238 = tpu.vector_load %arg6[%get3A_237] {strides = array<i32>} : memref<10256xi32, #tpu.memory_space<vmem>>, vector<16xi32>,
      %swap3A_239 = arith.constant 64 : index
      %swap3A_240 = tpu.vector_load %arg8[%swap3A_239] {strides = array<i32>} : memref<128xi32, #tpu.memory_space<vmem>>, vector<16xi32>,
      tpu.vector_store %arg8[%swap3A_239], %get3A_238 {strides = array<i32>} : memref<128xi32, #tpu.memory_space<vmem>>, vector<16xi32>,
      %mul3A_241 = arith.constant 128 : i32
      %mul3A_242 = arith.muli %while3A_168, %mul3A_241 : i32
      %add3A_243 = arith.constant 64 : i32
      %add3A_244 = arith.addi %mul3A_242, %add3A_243 : i32
      %get3A_245 = arith.index_cast %add3A_244 : i32 to index
      %get3A_246 = tpu.vector_load %arg7[%get3A_245] {strides = array<i32>} : memref<10256xi32, #tpu.memory_space<vmem>>, vector<16xi32>,
      %swap3A_247 = arith.constant 64 : index
      %swap3A_248 = tpu.vector_load %arg9[%swap3A_247] {strides = array<i32>} : memref<128xi32, #tpu.memory_space<vmem>>, vector<16xi32>,
      tpu.vector_store %arg9[%swap3A_247], %get3A_246 {strides = array<i32>} : memref<128xi32, #tpu.memory_space<vmem>>, vector<16xi32>,
      %mul3A_249 = arith.constant 128 : i32
      %mul3A_250 = arith.muli %while3A_168, %mul3A_249 : i32
      %add3A_251 = arith.constant 80 : i32
      %add3A_252 = arith.addi %mul3A_250, %add3A_251 : i32
      %get3A_253 = arith.index_cast %add3A_252 : i32 to index
      %get3A_254 = tpu.vector_load %arg6[%get3A_253] {strides = array<i32>} : memref<10256xi32, #tpu.memory_space<vmem>>, vector<16xi32>,
      %swap3A_255 = arith.constant 80 : index
      %swap3A_256 = tpu.vector_load %arg8[%swap3A_255] {strides = array<i32>} : memref<128xi32, #tpu.memory_space<vmem>>, vector<16xi32>,
      tpu.vector_store %arg8[%swap3A_255], %get3A_254 {strides = array<i32>} : memref<128xi32, #tpu.memory_space<vmem>>, vector<16xi32>,
      %mul3A_257 = arith.constant 128 : i32
      %mul3A_258 = arith.muli %while3A_168, %mul3A_257 : i32
      %add3A_259 = arith.constant 80 : i32
      %add3A_260 = arith.addi %mul3A_258, %add3A_259 : i32
      %get3A_261 = arith.index_cast %add3A_260 : i32 to index
      %get3A_262 = tpu.vector_load %arg7[%get3A_261] {strides = array<i32>} : memref<10256xi32, #tpu.memory_space<vmem>>, vector<16xi32>,
      %swap3A_263 = arith.constant 80 : index
      %swap3A_264 = tpu.vector_load %arg9[%swap3A_263] {strides = array<i32>} : memref<128xi32, #tpu.memory_space<vmem>>, vector<16xi32>,
      tpu.vector_store %arg9[%swap3A_263], %get3A_262 {strides = array<i32>} : memref<128xi32, #tpu.memory_space<vmem>>, vector<16xi32>,
      %mul3A_265 = arith.constant 128 : i32
      %mul3A_266 = arith.muli %while3A_168, %mul3A_265 : i32
      %add3A_267 = arith.constant 96 : i32
      %add3A_268 = arith.addi %mul3A_266, %add3A_267 : i32
      %get3A_269 = arith.index_cast %add3A_268 : i32 to index
      %get3A_270 = tpu.vector_load %arg6[%get3A_269] {strides = array<i32>} : memref<10256xi32, #tpu.memory_space<vmem>>, vector<16xi32>,
      %swap3A_271 = arith.constant 96 : index
      %swap3A_272 = tpu.vector_load %arg8[%swap3A_271] {strides = array<i32>} : memref<128xi32, #tpu.memory_space<vmem>>, vector<16xi32>,
      tpu.vector_store %arg8[%swap3A_271], %get3A_270 {strides = array<i32>} : memref<128xi32, #tpu.memory_space<vmem>>, vector<16xi32>,
      %mul3A_273 = arith.constant 128 : i32
      %mul3A_274 = arith.muli %while3A_168, %mul3A_273 : i32
      %add3A_275 = arith.constant 96 : i32
      %add3A_276 = arith.addi %mul3A_274, %add3A_275 : i32
      %get3A_277 = arith.index_cast %add3A_276 : i32 to index
      %get3A_278 = tpu.vector_load %arg7[%get3A_277] {strides = array<i32>} : memref<10256xi32, #tpu.memory_space<vmem>>, vector<16xi32>,
      %swap3A_279 = arith.constant 96 : index
      %swap3A_280 = tpu.vector_load %arg9[%swap3A_279] {strides = array<i32>} : memref<128xi32, #tpu.memory_space<vmem>>, vector<16xi32>,
      tpu.vector_store %arg9[%swap3A_279], %get3A_278 {strides = array<i32>} : memref<128xi32, #tpu.memory_space<vmem>>, vector<16xi32>,
      %mul3A_281 = arith.constant 128 : i32
      %mul3A_282 = arith.muli %while3A_168, %mul3A_281 : i32
      %add3A_283 = arith.constant 112 : i32
      %add3A_284 = arith.addi %mul3A_282, %add3A_283 : i32
      %get3A_285 = arith.index_cast %add3A_284 : i32 to index
      %get3A_286 = tpu.vector_load %arg6[%get3A_285] {strides = array<i32>} : memref<10256xi32, #tpu.memory_space<vmem>>, vector<16xi32>,
      %swap3A_287 = arith.constant 112 : index
      %swap3A_288 = tpu.vector_load %arg8[%swap3A_287] {strides = array<i32>} : memref<128xi32, #tpu.memory_space<vmem>>, vector<16xi32>,
      tpu.vector_store %arg8[%swap3A_287], %get3A_286 {strides = array<i32>} : memref<128xi32, #tpu.memory_space<vmem>>, vector<16xi32>,
      %mul3A_289 = arith.constant 128 : i32
      %mul3A_290 = arith.muli %while3A_168, %mul3A_289 : i32
      %add3A_291 = arith.constant 112 : i32
      %add3A_292 = arith.addi %mul3A_290, %add3A_291 : i32
      %get3A_293 = arith.index_cast %add3A_292 : i32 to index
      %get3A_294 = tpu.vector_load %arg7[%get3A_293] {strides = array<i32>} : memref<10256xi32, #tpu.memory_space<vmem>>, vector<16xi32>,
      %swap3A_295 = arith.constant 112 : index
      %swap3A_296 = tpu.vector_load %arg9[%swap3A_295] {strides = array<i32>} : memref<128xi32, #tpu.memory_space<vmem>>, vector<16xi32>,
      tpu.vector_store %arg9[%swap3A_295], %get3A_294 {strides = array<i32>} : memref<128xi32, #tpu.memory_space<vmem>>, vector<16xi32>,
      %dma_start3A = arith.constant 0 : i32
      %dma_start3A_297 = arith.constant 0 : i32
      %dma_start3A_298 = tpu.memref_slice %arg4[%dma_start3A, %dma_start3A_297] : memref<80000x128xf32, #tpu.memory_space<hbm>> -> memref<80000x128xf32, #tpu.memory_space<hbm>>
      tpu.enqueue_indirect_dma source(%dma_start3A_298 : memref<80000x128xf32, #tpu.memory_space<hbm>>) target(%arg10 : memref<128x128xf32, #tpu.memory_space<vmem>>) offsets(%arg8 : memref<128xi32, #tpu.memory_space<vmem>>) semaphore(%arg12 : memref<!tpu.dma_semaphore, #tpu.memory_space<semaphore_mem>>)
      %dma_wait3A = arith.constant 0 : i32
      %dma_wait3A_299 = arith.constant 0 : i32
      %dma_wait3A_300 = tpu.memref_slice %arg4[%dma_wait3A, %dma_wait3A_299] : memref<80000x128xf32, #tpu.memory_space<hbm>> -> memref<80000x128xf32, #tpu.memory_space<hbm>>
      tpu.wait_indirect_dma semaphore(%arg12 : memref<!tpu.dma_semaphore, #tpu.memory_space<semaphore_mem>>) src(%dma_wait3A_300 : memref<80000x128xf32, #tpu.memory_space<hbm>>) dst(%arg10 : memref<128x128xf32, #tpu.memory_space<vmem>>)
      "tpu.region"() ({
        %run_scoped3A = tpu.sem_alloc : memref<!tpu.dma_semaphore, #tpu.memory_space<semaphore_mem>>
        %dma_start3A_302 = arith.constant 0 : i32
        %dma_start3A_303 = arith.constant 0 : i32
        %dma_start3A_304 = tpu.memref_slice %arg11[%dma_start3A_302, %dma_start3A_303] : memref<10112x128xf32, #tpu.memory_space<vmem_shared>> -> memref<10112x128xf32, #tpu.memory_space<vmem_shared>>
        tpu.enqueue_indirect_dma source(%arg10 : memref<128x128xf32, #tpu.memory_space<vmem>>) target(%dma_start3A_304 : memref<10112x128xf32, #tpu.memory_space<vmem_shared>>) offsets(%arg9 : memref<128xi32, #tpu.memory_space<vmem>>) semaphore(%run_scoped3A : memref<!tpu.dma_semaphore, #tpu.memory_space<semaphore_mem>>) {add = true}
        %dma_wait3A_305 = arith.constant 0 : i32
        %dma_wait3A_306 = arith.constant 0 : i32
        %dma_wait3A_307 = tpu.memref_slice %arg11[%dma_wait3A_305, %dma_wait3A_306] : memref<10112x128xf32, #tpu.memory_space<vmem_shared>> -> memref<10112x128xf32, #tpu.memory_space<vmem_shared>>
        tpu.wait_indirect_dma semaphore(%run_scoped3A : memref<!tpu.dma_semaphore, #tpu.memory_space<semaphore_mem>>) src(%arg10 : memref<128x128xf32, #tpu.memory_space<vmem>>) dst(%dma_wait3A_307 : memref<10112x128xf32, #tpu.memory_space<vmem_shared>>)
        tpu.yield
      }) : () -> ()
      %while3A_301 = arith.constant 0 : i32
      scf.yield %while3A_301 : i32
    }
    %barrier3A_155 = arith.constant 0 : index
    tpu.barrier barrier_id(%barrier3A_155)
    %mul3A_156 = arith.constant 632 : i32
    %mul3A_157 = arith.muli %arg1, %mul3A_156 : i32
    "tpu.region"() ({
      %run_scoped3A = tpu.sem_alloc : memref<!tpu.dma_semaphore, #tpu.memory_space<semaphore_mem>>
      %dma_start3A = arith.constant 0 : i32
      %dma_start3A_168 = tpu.memref_slice %arg5[%arg0, %mul3A_157, %dma_start3A] : memref<2x10112x128xf32, #tpu.memory_space<hbm>> -> memref<1x128x128xf32, #tpu.memory_space<hbm>>
      %dma_start3A_169 = tpu.memref_squeeze %dma_start3A_168 : memref<1x128x128xf32, #tpu.memory_space<hbm>> -> memref<128x128xf32, #tpu.memory_space<hbm>>
      %dma_start3A_170 = arith.constant 0 : i32
      %dma_start3A_171 = tpu.memref_slice %arg11[%mul3A_157, %dma_start3A_170] : memref<10112x128xf32, #tpu.memory_space<vmem_shared>> -> memref<128x128xf32, #tpu.memory_space<vmem_shared>>
      tpu.enqueue_dma source(%dma_start3A_171 : memref<128x128xf32, #tpu.memory_space<vmem_shared>>) target(%dma_start3A_169 : memref<128x128xf32, #tpu.memory_space<hbm>>) target_semaphore(%run_scoped3A : memref<!tpu.dma_semaphore, #tpu.memory_space<semaphore_mem>>)
      %dma_wait3A = arith.constant 0 : i32
      %dma_wait3A_172 = tpu.memref_slice %arg5[%arg0, %mul3A_157, %dma_wait3A] : memref<2x10112x128xf32, #tpu.memory_space<hbm>> -> memref<1x128x128xf32, #tpu.memory_space<hbm>>
      %dma_wait3A_173 = tpu.memref_squeeze %dma_wait3A_172 : memref<1x128x128xf32, #tpu.memory_space<hbm>> -> memref<128x128xf32, #tpu.memory_space<hbm>>
      %dma_wait3A_174 = arith.constant 0 : i32
      %dma_wait3A_175 = tpu.memref_slice %arg11[%mul3A_157, %dma_wait3A_174] : memref<10112x128xf32, #tpu.memory_space<vmem_shared>> -> memref<128x128xf32, #tpu.memory_space<vmem_shared>>
      tpu.wait_dma2 semaphore(%run_scoped3A : memref<!tpu.dma_semaphore, #tpu.memory_space<semaphore_mem>>) src(%dma_wait3A_175 : memref<128x128xf32, #tpu.memory_space<vmem_shared>>) dst(%dma_wait3A_173 : memref<128x128xf32, #tpu.memory_space<hbm>>)
      tpu.yield
    }) : () -> ()
    %add3A_158 = arith.constant 128 : i32
    %add3A_159 = arith.addi %mul3A_157, %add3A_158 : i32
    "tpu.region"() ({
      %run_scoped3A = tpu.sem_alloc : memref<!tpu.dma_semaphore, #tpu.memory_space<semaphore_mem>>
      %dma_start3A = arith.constant 0 : i32
      %dma_start3A_168 = tpu.memref_slice %arg5[%arg0, %add3A_159, %dma_start3A] : memref<2x10112x128xf32, #tpu.memory_space<hbm>> -> memref<1x128x128xf32, #tpu.memory_space<hbm>>
      %dma_start3A_169 = tpu.memref_squeeze %dma_start3A_168 : memref<1x128x128xf32, #tpu.memory_space<hbm>> -> memref<128x128xf32, #tpu.memory_space<hbm>>
      %dma_start3A_170 = arith.constant 0 : i32
      %dma_start3A_171 = tpu.memref_slice %arg11[%add3A_159, %dma_start3A_170] : memref<10112x128xf32, #tpu.memory_space<vmem_shared>> -> memref<128x128xf32, #tpu.memory_space<vmem_shared>>
      tpu.enqueue_dma source(%dma_start3A_171 : memref<128x128xf32, #tpu.memory_space<vmem_shared>>) target(%dma_start3A_169 : memref<128x128xf32, #tpu.memory_space<hbm>>) target_semaphore(%run_scoped3A : memref<!tpu.dma_semaphore, #tpu.memory_space<semaphore_mem>>)
      %dma_wait3A = arith.constant 0 : i32
      %dma_wait3A_172 = tpu.memref_slice %arg5[%arg0, %add3A_159, %dma_wait3A] : memref<2x10112x128xf32, #tpu.memory_space<hbm>> -> memref<1x128x128xf32, #tpu.memory_space<hbm>>
      %dma_wait3A_173 = tpu.memref_squeeze %dma_wait3A_172 : memref<1x128x128xf32, #tpu.memory_space<hbm>> -> memref<128x128xf32, #tpu.memory_space<hbm>>
      %dma_wait3A_174 = arith.constant 0 : i32
      %dma_wait3A_175 = tpu.memref_slice %arg11[%add3A_159, %dma_wait3A_174] : memref<10112x128xf32, #tpu.memory_space<vmem_shared>> -> memref<128x128xf32, #tpu.memory_space<vmem_shared>>
      tpu.wait_dma2 semaphore(%run_scoped3A : memref<!tpu.dma_semaphore, #tpu.memory_space<semaphore_mem>>) src(%dma_wait3A_175 : memref<128x128xf32, #tpu.memory_space<vmem_shared>>) dst(%dma_wait3A_173 : memref<128x128xf32, #tpu.memory_space<hbm>>)
      tpu.yield
    }) : () -> ()
    %add3A_160 = arith.constant 128 : i32
    %add3A_161 = arith.addi %add3A_159, %add3A_160 : i32
    "tpu.region"() ({
      %run_scoped3A = tpu.sem_alloc : memref<!tpu.dma_semaphore, #tpu.memory_space<semaphore_mem>>
      %dma_start3A = arith.constant 0 : i32
      %dma_start3A_168 = tpu.memref_slice %arg5[%arg0, %add3A_161, %dma_start3A] : memref<2x10112x128xf32, #tpu.memory_space<hbm>> -> memref<1x128x128xf32, #tpu.memory_space<hbm>>
      %dma_start3A_169 = tpu.memref_squeeze %dma_start3A_168 : memref<1x128x128xf32, #tpu.memory_space<hbm>> -> memref<128x128xf32, #tpu.memory_space<hbm>>
      %dma_start3A_170 = arith.constant 0 : i32
      %dma_start3A_171 = tpu.memref_slice %arg11[%add3A_161, %dma_start3A_170] : memref<10112x128xf32, #tpu.memory_space<vmem_shared>> -> memref<128x128xf32, #tpu.memory_space<vmem_shared>>
      tpu.enqueue_dma source(%dma_start3A_171 : memref<128x128xf32, #tpu.memory_space<vmem_shared>>) target(%dma_start3A_169 : memref<128x128xf32, #tpu.memory_space<hbm>>) target_semaphore(%run_scoped3A : memref<!tpu.dma_semaphore, #tpu.memory_space<semaphore_mem>>)
      %dma_wait3A = arith.constant 0 : i32
      %dma_wait3A_172 = tpu.memref_slice %arg5[%arg0, %add3A_161, %dma_wait3A] : memref<2x10112x128xf32, #tpu.memory_space<hbm>> -> memref<1x128x128xf32, #tpu.memory_space<hbm>>
      %dma_wait3A_173 = tpu.memref_squeeze %dma_wait3A_172 : memref<1x128x128xf32, #tpu.memory_space<hbm>> -> memref<128x128xf32, #tpu.memory_space<hbm>>
      %dma_wait3A_174 = arith.constant 0 : i32
      %dma_wait3A_175 = tpu.memref_slice %arg11[%add3A_161, %dma_wait3A_174] : memref<10112x128xf32, #tpu.memory_space<vmem_shared>> -> memref<128x128xf32, #tpu.memory_space<vmem_shared>>
      tpu.wait_dma2 semaphore(%run_scoped3A : memref<!tpu.dma_semaphore, #tpu.memory_space<semaphore_mem>>) src(%dma_wait3A_175 : memref<128x128xf32, #tpu.memory_space<vmem_shared>>) dst(%dma_wait3A_173 : memref<128x128xf32, #tpu.memory_space<hbm>>)
      tpu.yield
    }) : () -> ()
    %add3A_162 = arith.constant 128 : i32
    %add3A_163 = arith.addi %add3A_161, %add3A_162 : i32
    "tpu.region"() ({
      %run_scoped3A = tpu.sem_alloc : memref<!tpu.dma_semaphore, #tpu.memory_space<semaphore_mem>>
      %dma_start3A = arith.constant 0 : i32
      %dma_start3A_168 = tpu.memref_slice %arg5[%arg0, %add3A_163, %dma_start3A] : memref<2x10112x128xf32, #tpu.memory_space<hbm>> -> memref<1x128x128xf32, #tpu.memory_space<hbm>>
      %dma_start3A_169 = tpu.memref_squeeze %dma_start3A_168 : memref<1x128x128xf32, #tpu.memory_space<hbm>> -> memref<128x128xf32, #tpu.memory_space<hbm>>
      %dma_start3A_170 = arith.constant 0 : i32
      %dma_start3A_171 = tpu.memref_slice %arg11[%add3A_163, %dma_start3A_170] : memref<10112x128xf32, #tpu.memory_space<vmem_shared>> -> memref<128x128xf32, #tpu.memory_space<vmem_shared>>
      tpu.enqueue_dma source(%dma_start3A_171 : memref<128x128xf32, #tpu.memory_space<vmem_shared>>) target(%dma_start3A_169 : memref<128x128xf32, #tpu.memory_space<hbm>>) target_semaphore(%run_scoped3A : memref<!tpu.dma_semaphore, #tpu.memory_space<semaphore_mem>>)
      %dma_wait3A = arith.constant 0 : i32
      %dma_wait3A_172 = tpu.memref_slice %arg5[%arg0, %add3A_163, %dma_wait3A] : memref<2x10112x128xf32, #tpu.memory_space<hbm>> -> memref<1x128x128xf32, #tpu.memory_space<hbm>>
      %dma_wait3A_173 = tpu.memref_squeeze %dma_wait3A_172 : memref<1x128x128xf32, #tpu.memory_space<hbm>> -> memref<128x128xf32, #tpu.memory_space<hbm>>
      %dma_wait3A_174 = arith.constant 0 : i32
      %dma_wait3A_175 = tpu.memref_slice %arg11[%add3A_163, %dma_wait3A_174] : memref<10112x128xf32, #tpu.memory_space<vmem_shared>> -> memref<128x128xf32, #tpu.memory_space<vmem_shared>>
      tpu.wait_dma2 semaphore(%run_scoped3A : memref<!tpu.dma_semaphore, #tpu.memory_space<semaphore_mem>>) src(%dma_wait3A_175 : memref<128x128xf32, #tpu.memory_space<vmem_shared>>) dst(%dma_wait3A_173 : memref<128x128xf32, #tpu.memory_space<hbm>>)
      tpu.yield
    }) : () -> ()
    %add3A_164 = arith.constant 128 : i32
    %add3A_165 = arith.addi %add3A_163, %add3A_164 : i32
    "tpu.region"() ({
      %run_scoped3A = tpu.sem_alloc : memref<!tpu.dma_semaphore, #tpu.memory_space<semaphore_mem>>
      %dma_start3A = arith.constant 0 : i32
      %dma_start3A_168 = tpu.memref_slice %arg5[%arg0, %add3A_165, %dma_start3A] : memref<2x10112x128xf32, #tpu.memory_space<hbm>> -> memref<1x120x128xf32, #tpu.memory_space<hbm>>
      %dma_start3A_169 = tpu.memref_squeeze %dma_start3A_168 : memref<1x120x128xf32, #tpu.memory_space<hbm>> -> memref<120x128xf32, #tpu.memory_space<hbm>>
      %dma_start3A_170 = arith.constant 0 : i32
      %dma_start3A_171 = tpu.memref_slice %arg11[%add3A_165, %dma_start3A_170] : memref<10112x128xf32, #tpu.memory_space<vmem_shared>> -> memref<120x128xf32, #tpu.memory_space<vmem_shared>>
      tpu.enqueue_dma source(%dma_start3A_171 : memref<120x128xf32, #tpu.memory_space<vmem_shared>>) target(%dma_start3A_169 : memref<120x128xf32, #tpu.memory_space<hbm>>) target_semaphore(%run_scoped3A : memref<!tpu.dma_semaphore, #tpu.memory_space<semaphore_mem>>)
      %dma_wait3A = arith.constant 0 : i32
      %dma_wait3A_172 = tpu.memref_slice %arg5[%arg0, %add3A_165, %dma_wait3A] : memref<2x10112x128xf32, #tpu.memory_space<hbm>> -> memref<1x120x128xf32, #tpu.memory_space<hbm>>
      %dma_wait3A_173 = tpu.memref_squeeze %dma_wait3A_172 : memref<1x120x128xf32, #tpu.memory_space<hbm>> -> memref<120x128xf32, #tpu.memory_space<hbm>>
      %dma_wait3A_174 = arith.constant 0 : i32
      %dma_wait3A_175 = tpu.memref_slice %arg11[%add3A_165, %dma_wait3A_174] : memref<10112x128xf32, #tpu.memory_space<vmem_shared>> -> memref<120x128xf32, #tpu.memory_space<vmem_shared>>
      tpu.wait_dma2 semaphore(%run_scoped3A : memref<!tpu.dma_semaphore, #tpu.memory_space<semaphore_mem>>) src(%dma_wait3A_175 : memref<120x128xf32, #tpu.memory_space<vmem_shared>>) dst(%dma_wait3A_173 : memref<120x128xf32, #tpu.memory_space<hbm>>)
      tpu.yield
    }) : () -> ()
    %add3A_166 = arith.constant 120 : i32
    %add3A_167 = arith.addi %add3A_165, %add3A_166 : i32
    return
  }
}

module attributes {stable_mosaic.version = 14 : i64} {
  func.func @_inproj_body(%arg0: i32, %arg1: memref<400x128xf32, #tpu.memory_space<vmem>>, %arg2: memref<400x1xi32, #tpu.memory_space<vmem>>, %arg3: memref<8x128xf32, #tpu.memory_space<vmem>>, %arg4: memref<128x128xf32, #tpu.memory_space<vmem>>, %arg5: memref<1x128xf32, #tpu.memory_space<vmem>>, %arg6: memref<400x128xf32, #tpu.memory_space<vmem>>) attributes {dimension_semantics = [#tpu.dimension_semantics<arbitrary>], iteration_bounds = array<i64: 25>, scalar_prefetch = 0 : i64, scratch_operands = 0 : i64, tpu.core_type = #tpu.core_type<tc>, window_params = [{transform_indices = @transform_0, window_bounds = array<i64: 400, 128>}, {transform_indices = @transform_1, window_bounds = array<i64: 400, 1>}, {pipeline_mode = #tpu.pipeline_mode<synchronous>, transform_indices = @transform_2, window_bounds = array<i64: 8, 128>}, {pipeline_mode = #tpu.pipeline_mode<synchronous>, transform_indices = @transform_3, window_bounds = array<i64: 128, 128>}, {pipeline_mode = #tpu.pipeline_mode<synchronous>, transform_indices = @transform_4, window_bounds = array<i64: 1, 128>}, {transform_indices = @transform_5, window_bounds = array<i64: 400, 128>}]} {
    %get3A = arith.constant 0 : index
    %get3A_0 = arith.constant 0 : index
    %get3A_1 = vector.load %arg2[%get3A, %get3A_0] : memref<400x1xi32, #tpu.memory_space<vmem>>, vector<400x1xi32>
    %iota3A = tpu.iota {dimensions = array<i32: 1>} : vector<400x8xi32>
    %eq3A = vector.broadcast %get3A_1 : vector<400x1xi32> to vector<400x8xi32>
    %eq3A_2 = arith.cmpi eq, %eq3A, %iota3A : vector<400x8xi32>
    %convert_element_type3A = arith.extui %eq3A_2 : vector<400x8xi1> to vector<400x8xi32>
    %convert_element_type3A_3 = arith.sitofp %convert_element_type3A : vector<400x8xi32> to vector<400x8xf32>
    %get3A_4 = arith.constant 0 : index
    %get3A_5 = arith.constant 0 : index
    %get3A_6 = vector.load %arg3[%get3A_4, %get3A_5] : memref<8x128xf32, #tpu.memory_space<vmem>>, vector<8x128xf32>
    %dot_general3A = arith.constant dense<0.000000e+00> : vector<400x128xf32>
    %dot_general3A_7 = tpu.matmul %convert_element_type3A_3, %get3A_6, %dot_general3A {dimension_numbers = #tpu.dot_dimension_numbers<[1], [0], [0], [1], [0, 0, 1, 1], [], []>, transpose_lhs_hint = false} : vector<400x8xf32>, vector<8x128xf32>, vector<400x128xf32> -> vector<400x128xf32>
    %get3A_8 = arith.constant 0 : index
    %get3A_9 = arith.constant 0 : index
    %get3A_10 = vector.load %arg1[%get3A_8, %get3A_9] : memref<400x128xf32, #tpu.memory_space<vmem>>, vector<400x128xf32>
    %add3A = arith.addf %get3A_10, %dot_general3A_7 : vector<400x128xf32>
    %get3A_11 = arith.constant 0 : index
    %get3A_12 = arith.constant 0 : index
    %get3A_13 = vector.load %arg4[%get3A_11, %get3A_12] : memref<128x128xf32, #tpu.memory_space<vmem>>, vector<128x128xf32>
    %dot_general3A_14 = arith.constant dense<0.000000e+00> : vector<400x128xf32>
    %dot_general3A_15 = tpu.matmul %add3A, %get3A_13, %dot_general3A_14 {dimension_numbers = #tpu.dot_dimension_numbers<[1], [1], [0], [0], [0, 0, 1, 0], [], []>, transpose_lhs_hint = false} : vector<400x128xf32>, vector<128x128xf32>, vector<400x128xf32> -> vector<400x128xf32>
    %get3A_16 = arith.constant 0 : index
    %get3A_17 = arith.constant 0 : index
    %get3A_18 = vector.load %arg5[%get3A_16, %get3A_17] : memref<1x128xf32, #tpu.memory_space<vmem>>, vector<1x128xf32>
    %add3A_19 = vector.broadcast %get3A_18 : vector<1x128xf32> to vector<400x128xf32>
    %add3A_20 = arith.addf %dot_general3A_15, %add3A_19 : vector<400x128xf32>
    %swap3A = arith.constant 0 : index
    %swap3A_21 = arith.constant 0 : index
    %swap3A_22 = vector.load %arg6[%swap3A, %swap3A_21] : memref<400x128xf32, #tpu.memory_space<vmem>>, vector<400x128xf32>
    tpu.vector_store %arg6[%swap3A, %swap3A_21], %add3A_20 {strides = array<i32>} : memref<400x128xf32, #tpu.memory_space<vmem>>, vector<400x128xf32>,
    return
  }
  func.func @transform_0(%arg0: i32) -> (i32, i32) {
    %c0_i32 = arith.constant 0 : i32
    %c0_i32_0 = arith.constant 0 : i32
    return %arg0, %c0_i32 : i32, i32
  }
  func.func @transform_1(%arg0: i32) -> (i32, i32) {
    %c0_i32 = arith.constant 0 : i32
    %c0_i32_0 = arith.constant 0 : i32
    return %arg0, %c0_i32 : i32, i32
  }
  func.func @transform_2(%arg0: i32) -> (i32, i32) {
    %c0_i32 = arith.constant 0 : i32
    %c0_i32_0 = arith.constant 0 : i32
    %c0_i32_1 = arith.constant 0 : i32
    return %c0_i32, %c0_i32_0 : i32, i32
  }
  func.func @transform_3(%arg0: i32) -> (i32, i32) {
    %c0_i32 = arith.constant 0 : i32
    %c0_i32_0 = arith.constant 0 : i32
    %c0_i32_1 = arith.constant 0 : i32
    return %c0_i32, %c0_i32_0 : i32, i32
  }
  func.func @transform_4(%arg0: i32) -> (i32, i32) {
    %c0_i32 = arith.constant 0 : i32
    %c0_i32_0 = arith.constant 0 : i32
    %c0_i32_1 = arith.constant 0 : i32
    return %c0_i32, %c0_i32_0 : i32, i32
  }
  func.func @transform_5(%arg0: i32) -> (i32, i32) {
    %c0_i32 = arith.constant 0 : i32
    %c0_i32_0 = arith.constant 0 : i32
    return %arg0, %c0_i32 : i32, i32
  }
}

module attributes {stable_mosaic.version = 14 : i64} {
  func.func @_relmm_body(%arg0: i32, %arg1: i32, %arg2: memref<400x128xf32, #tpu.memory_space<vmem>>, %arg3: memref<1x128x128xf32, #tpu.memory_space<vmem>>, %arg4: memref<400x128xf32, #tpu.memory_space<vmem>>) attributes {dimension_semantics = [#tpu.dimension_semantics<arbitrary>, #tpu.dimension_semantics<arbitrary>], iteration_bounds = array<i64: 8, 25>, scalar_prefetch = 0 : i64, scratch_operands = 0 : i64, tpu.core_type = #tpu.core_type<tc>, window_params = [{transform_indices = @transform_0, window_bounds = array<i64: 400, 128>}, {transform_indices = @transform_1, window_bounds = array<i64: 1, 128, 128>}, {transform_indices = @transform_2, window_bounds = array<i64: 400, 128>}]} {
    %get3A = arith.constant 0 : index
    %get3A_0 = arith.constant 0 : index
    %get3A_1 = vector.load %arg2[%get3A, %get3A_0] : memref<400x128xf32, #tpu.memory_space<vmem>>, vector<400x128xf32>
    %get3A_2 = arith.constant 0 : index
    %get3A_3 = arith.constant 0 : index
    %get3A_4 = arith.constant 0 : index
    %get3A_5 = vector.load %arg3[%get3A_2, %get3A_3, %get3A_4] : memref<1x128x128xf32, #tpu.memory_space<vmem>>, vector<1x128x128xf32>
    %get3A_6 = vector.shape_cast %get3A_5 : vector<1x128x128xf32> to vector<128x128xf32>
    %dot_general3A = arith.constant dense<0.000000e+00> : vector<400x128xf32>
    %dot_general3A_7 = tpu.matmul %get3A_1, %get3A_6, %dot_general3A {dimension_numbers = #tpu.dot_dimension_numbers<[1], [1], [0], [0], [0, 0, 1, 0], [], []>, transpose_lhs_hint = false} : vector<400x128xf32>, vector<128x128xf32>, vector<400x128xf32> -> vector<400x128xf32>
    %swap3A = arith.constant 0 : index
    %swap3A_8 = arith.constant 0 : index
    %swap3A_9 = vector.load %arg4[%swap3A, %swap3A_8] : memref<400x128xf32, #tpu.memory_space<vmem>>, vector<400x128xf32>
    tpu.vector_store %arg4[%swap3A, %swap3A_8], %dot_general3A_7 {strides = array<i32>} : memref<400x128xf32, #tpu.memory_space<vmem>>, vector<400x128xf32>,
    return
  }
  func.func @transform_0(%arg0: i32, %arg1: i32) -> (i32, i32) {
    %c0_i32 = arith.constant 0 : i32
    %c0_i32_0 = arith.constant 0 : i32
    return %arg1, %c0_i32 : i32, i32
  }
  func.func @transform_1(%arg0: i32, %arg1: i32) -> (i32, i32, i32) {
    %c0_i32 = arith.constant 0 : i32
    %c0_i32_0 = arith.constant 0 : i32
    %c0_i32_1 = arith.constant 0 : i32
    return %arg0, %c0_i32, %c0_i32_0 : i32, i32, i32
  }
  func.func @transform_2(%arg0: i32, %arg1: i32) -> (i32, i32) {
    %mul3A = arith.constant 25 : i32
    %mul3A_0 = arith.muli %arg0, %mul3A : i32
    %add3A = arith.addi %mul3A_0, %arg1 : i32
    %c0_i32 = arith.constant 0 : i32
    %c0_i32_1 = arith.constant 0 : i32
    return %add3A, %c0_i32 : i32, i32
  }
}

module attributes {stable_mosaic.version = 14 : i64} {
  func.func @_post_body(%arg0: i32, %arg1: memref<400x128xf32, #tpu.memory_space<vmem>>, %arg2: memref<400x128xf32, #tpu.memory_space<vmem>>, %arg3: memref<400x128xf32, #tpu.memory_space<vmem>>, %arg4: memref<400x1xf32, #tpu.memory_space<vmem>>, %arg5: memref<128x128xf32, #tpu.memory_space<vmem>>, %arg6: memref<1x128xf32, #tpu.memory_space<vmem>>, %arg7: memref<400x128xf32, #tpu.memory_space<vmem>>) attributes {dimension_semantics = [#tpu.dimension_semantics<arbitrary>], iteration_bounds = array<i64: 25>, scalar_prefetch = 0 : i64, scratch_operands = 0 : i64, tpu.core_type = #tpu.core_type<tc>, window_params = [{transform_indices = @transform_0, window_bounds = array<i64: 400, 128>}, {transform_indices = @transform_1, window_bounds = array<i64: 400, 128>}, {transform_indices = @transform_2, window_bounds = array<i64: 400, 128>}, {transform_indices = @transform_3, window_bounds = array<i64: 400, 1>}, {pipeline_mode = #tpu.pipeline_mode<synchronous>, transform_indices = @transform_4, window_bounds = array<i64: 128, 128>}, {pipeline_mode = #tpu.pipeline_mode<synchronous>, transform_indices = @transform_5, window_bounds = array<i64: 1, 128>}, {transform_indices = @transform_6, window_bounds = array<i64: 400, 128>}]} {
    %get3A = arith.constant 0 : index
    %get3A_0 = arith.constant 0 : index
    %get3A_1 = vector.load %arg2[%get3A, %get3A_0] : memref<400x128xf32, #tpu.memory_space<vmem>>, vector<400x128xf32>
    %get3A_2 = arith.constant 0 : index
    %get3A_3 = arith.constant 0 : index
    %get3A_4 = vector.load %arg3[%get3A_2, %get3A_3] : memref<400x128xf32, #tpu.memory_space<vmem>>, vector<400x128xf32>
    %add3A = arith.addf %get3A_1, %get3A_4 : vector<400x128xf32>
    %get3A_5 = arith.constant 0 : index
    %get3A_6 = arith.constant 0 : index
    %get3A_7 = vector.load %arg4[%get3A_5, %get3A_6] : memref<400x1xf32, #tpu.memory_space<vmem>>, vector<400x1xf32>
    %mul3A = vector.broadcast %get3A_7 : vector<400x1xf32> to vector<400x128xf32>
    %mul3A_8 = arith.mulf %add3A, %mul3A : vector<400x128xf32>
    %get3A_9 = arith.constant 0 : index
    %get3A_10 = arith.constant 0 : index
    %get3A_11 = vector.load %arg1[%get3A_9, %get3A_10] : memref<400x128xf32, #tpu.memory_space<vmem>>, vector<400x128xf32>
    %get3A_12 = arith.constant 0 : index
    %get3A_13 = arith.constant 0 : index
    %get3A_14 = vector.load %arg5[%get3A_12, %get3A_13] : memref<128x128xf32, #tpu.memory_space<vmem>>, vector<128x128xf32>
    %dot_general3A = arith.constant dense<0.000000e+00> : vector<400x128xf32>
    %dot_general3A_15 = tpu.matmul %get3A_11, %get3A_14, %dot_general3A {dimension_numbers = #tpu.dot_dimension_numbers<[1], [1], [0], [0], [0, 0, 1, 0], [], []>, transpose_lhs_hint = false} : vector<400x128xf32>, vector<128x128xf32>, vector<400x128xf32> -> vector<400x128xf32>
    %get3A_16 = arith.constant 0 : index
    %get3A_17 = arith.constant 0 : index
    %get3A_18 = vector.load %arg6[%get3A_16, %get3A_17] : memref<1x128xf32, #tpu.memory_space<vmem>>, vector<1x128xf32>
    %add3A_19 = vector.broadcast %get3A_18 : vector<1x128xf32> to vector<400x128xf32>
    %add3A_20 = arith.addf %dot_general3A_15, %add3A_19 : vector<400x128xf32>
    %add3A_21 = arith.addf %add3A_20, %mul3A_8 : vector<400x128xf32>
    %max3A = arith.constant 0.000000e+00 : f32
    %max3A_22 = vector.broadcast %max3A : f32 to vector<400x128xf32>
    %max3A_23 = arith.maximumf %add3A_21, %max3A_22 : vector<400x128xf32>
    %swap3A = arith.constant 0 : index
    %swap3A_24 = arith.constant 0 : index
    %swap3A_25 = vector.load %arg7[%swap3A, %swap3A_24] : memref<400x128xf32, #tpu.memory_space<vmem>>, vector<400x128xf32>
    tpu.vector_store %arg7[%swap3A, %swap3A_24], %max3A_23 {strides = array<i32>} : memref<400x128xf32, #tpu.memory_space<vmem>>, vector<400x128xf32>,
    return
  }
  func.func @transform_0(%arg0: i32) -> (i32, i32) {
    %c0_i32 = arith.constant 0 : i32
    %c0_i32_0 = arith.constant 0 : i32
    return %arg0, %c0_i32 : i32, i32
  }
  func.func @transform_1(%arg0: i32) -> (i32, i32) {
    %c0_i32 = arith.constant 0 : i32
    %c0_i32_0 = arith.constant 0 : i32
    return %arg0, %c0_i32 : i32, i32
  }
  func.func @transform_2(%arg0: i32) -> (i32, i32) {
    %c0_i32 = arith.constant 0 : i32
    %c0_i32_0 = arith.constant 0 : i32
    return %arg0, %c0_i32 : i32, i32
  }
  func.func @transform_3(%arg0: i32) -> (i32, i32) {
    %c0_i32 = arith.constant 0 : i32
    %c0_i32_0 = arith.constant 0 : i32
    return %arg0, %c0_i32 : i32, i32
  }
  func.func @transform_4(%arg0: i32) -> (i32, i32) {
    %c0_i32 = arith.constant 0 : i32
    %c0_i32_0 = arith.constant 0 : i32
    %c0_i32_1 = arith.constant 0 : i32
    return %c0_i32, %c0_i32_0 : i32, i32
  }
  func.func @transform_5(%arg0: i32) -> (i32, i32) {
    %c0_i32 = arith.constant 0 : i32
    %c0_i32_0 = arith.constant 0 : i32
    %c0_i32_1 = arith.constant 0 : i32
    return %c0_i32, %c0_i32_0 : i32, i32
  }
  func.func @transform_6(%arg0: i32) -> (i32, i32) {
    %c0_i32 = arith.constant 0 : i32
    %c0_i32_0 = arith.constant 0 : i32
    return %arg0, %c0_i32 : i32, i32
  }
}

</mosaic_0001>

<sc_bundles>
// kernel: kernel.11.cloned.1.call-start
scs
__scs_entry_jumppad:
0x0: {  	(pc) =	sbr.rel $0x88, $3  }
0x1: {  	(tag) =	ssettag $0x0;
	lr =	simm.s32 $0x1  }
0x2: {  	[smem:$0x3F96] =	sst lr;
	_ =	strace $0xD0000000  }
0x3: {  	_ = 	snop  }
0x4: {  	_ = 	snop  }
0x5: {  	_ = 	snop  }
0x6: {  	_ = 	snop  }
0x7: {  	_ = 	snop  }
__scs_overlays_trampoline_lowered:
0x8: {  	[smem:$0x3FA5] =	sst s0  }
0x9: {  	[smem:$0x3FA6] =	sst s1  }
0xa: {  	[smem:$0x3FA7] =	sst s2  }
0xb: {  	[smem:$0x3FA8] =	sst s3  }
0xc: {  	[smem:$0x3FA9] =	sst s4  }
0xd: {  	[smem:$0x3FAA] =	sst s5  }
0xe: {  	[smem:$0x3FAB] =	sst s6  }
0xf: {  	[smem:$0x3FAC] =	sst s7  }
0x10: {  	[smem:$0x3FAD] =	sst s8  }
0x11: {  	[smem:$0x3FAE] =	sst s9;
	s0 =	simm.s32 @!p0 $0x0  }
0x12: {  	s1 =	sld [smem:$0x3F94];
	s0 =	simm.s32 @p0 $0x1  }
0x13: {  	[smem:$0x3FAF] =	sst s0;
	s0 =	simm.s32 @!p1 $0x0  }
0x14: {  	s2 =	sld [smem:$0x3F93];
	s0 =	simm.s32 @p1 $0x1  }
0x15: {  	[smem:$0x3FB0] =	sst s0;
	s0 =	simm.s32 @!p2 $0x0  }
0x16: {  	s3 =	sld [smem:$0x3FDB];
	s0 =	simm.s32 @p2 $0x1  }
0x17: {  	s4 =	simm.s32 $0x1BF5;
	[smem:$0x3FB2] =	sst s0  }
0x18: {  	s0 =	sld [smem:$0x3F95];
	_ =	swait.ge [sflag:s4], $0x0  }
0x19: {  	s7 =	sld [smem:$0x3F96]  }
0x1a: {  	s8 =	sadd.s32 $0xFFFFE003, lr  }
0x1b: {  	s9 =	sadd.s32 $0xFFFFFEF7, lr;
	s5 =	simm.s32 $0xFFFFFFFF;
	p2 =	slt.u32 s8, $0xFFFFF086  }
0x1c: {  	p1 =	slt.u32 s9, $0xF7A;
	s5 =	simm.s32 @!p2 $0x0  }
0x1d: {  	s5 =	simm.s32 @p1 $0x1;
	p0 =	seq.s32 s7, s2  }
0x1e: {  	s7 =	smul.u32 @!p0 $0xF7A, s2;
	p2 =	seq.s32 @!p0 s5, $0x0  }
0x1f: {  	s9 =	smul.u32 $0xF7A, s1;
	s8 =	simm.s32 @!p0 $0x1BF5;
	p2 =	por !p2, p0  }
0x20: {  	[sflag:s8] =	ssyncset.s32 @!p0 $0xFFFFF086;
	s6 =	sadd.s32 @!p0 s3, s7;
	s7 =	simm.s32 @!p0 $0x108  }
0x21: {  	s3 =	sadd.s32 s3, s9;
	s6 =	sadd.s32 @!p0 $0x88, s6;
	s7 =	simm.s32 @p2 $0x1082  }
0x22: {  	[simem:s7], [sflag:s8] =	dma.local @!p0 [hbm:s6], $0xF7A  }
0x23: {  	s9 =	sor.u32 $0xD0000000, s2;
	s6 =	simm.s32 $0x108;
	_ =	swait.ge @!p0 [sflag:s8], $0x0  }
0x24: {  	s3 =	sadd.s32 $0x88, s3;
	s6 =	simm.s32 @!p1 $0x1082;
	[sflag:s4] =	ssyncset.s32 $0xFFFFF086  }
0x25: {  	[simem:s6], [sflag:s4] =	dma.local [hbm:s3], $0xF7A  }
0x26: {  	[smem:$0x3F96] =	sst s1;
	(tag) =	ssettag s2;
	_ =	strace s9  }
0x27: {  	s1 =	sld [smem:$0x3FA6]  }
0x28: {  	s2 =	sld [smem:$0x3FA7]  }
0x29: {  	s4 =	sld [smem:$0x3FA9]  }
0x2a: {  	p0 =	seq.s32 s5, $0x0;
	s5 =	sld [smem:$0x3FAA]  }
0x2b: {  	s6 =	sld [smem:$0x3FAB]  }
0x2c: {  	s7 =	sld [smem:$0x3FAC]  }
0x2d: {  	s3 =	simm.s32 $0x108;
	s8 =	sld [smem:$0x3FAD]  }
0x2e: {  	s3 =	simm.s32 @!p0 $0x1082;
	s9 =	sld [smem:$0x3FAE]  }
0x2f: {  	lr =	sadd.s32 s0, s3;
	s0 =	sld [smem:$0x3FA5]  }
0x30: {  	s3 =	sld [smem:$0x3FA8]  }
0x31: {  	[smem:$0x3FB1] =	sst s10  }
0x32: {  	s10 =	sld [smem:$0x3FAF];
	_ =	sdelay $0x3  }
0x33: {  	p0 =	seq.s32 s10, $0x1;
	s10 =	sld [smem:$0x3FB1];
	_ =	sdelay $0x3  }
0x34: {  	[smem:$0x3FB1] =	sst s10  }
0x35: {  	s10 =	sld [smem:$0x3FB0];
	_ =	sdelay $0x3  }
0x36: {  	p1 =	seq.s32 s10, $0x1;
	s10 =	sld [smem:$0x3FB1];
	_ =	sdelay $0x3  }
0x37: {  	[smem:$0x3FB1] =	sst s10  }
0x38: {  	s10 =	sld [smem:$0x3FB2]  }
0x39: {  	_ = 	snop;
	(pc) =	sbr.ind lr, $3  }
0x3a: {  	_ = 	snop  }
0x3b: {  	_ = 	snop  }
0x3c: {  	p2 =	seq.s32 s10, $0x1;
	s10 =	sld [smem:$0x3FB1]  }
0x3d: {  	_ =	shalt  }
0x3e: {  	_ =	shalt  }
0x3f: {  	_ =	shalt  }
0x40: {  	_ =	shalt  }
0x41: {  	_ =	shalt  }
0x42: {  	_ =	shalt  }
0x43: {  	_ =	shalt  }
0x44: {  	_ =	shalt  }
0x45: {  	_ =	shalt  }
0x46: {  	_ =	shalt  }
0x47: {  	_ =	shalt  }
0x48: {  	_ =	shalt  }
0x49: {  	_ =	shalt  }
0x4a: {  	_ =	shalt  }
0x4b: {  	_ =	shalt  }
0x4c: {  	_ =	shalt  }
0x4d: {  	_ =	shalt  }
0x4e: {  	_ =	shalt  }
0x4f: {  	_ =	shalt  }
0x50: {  	_ =	shalt  }
0x51: {  	_ =	shalt  }
0x52: {  	_ =	shalt  }
0x53: {  	_ =	shalt  }
0x54: {  	_ =	shalt  }
0x55: {  	_ =	shalt  }
0x56: {  	_ =	shalt  }
0x57: {  	_ =	shalt  }
0x58: {  	_ =	shalt  }
0x59: {  	_ =	shalt  }
0x5a: {  	_ =	shalt  }
0x5b: {  	_ =	shalt  }
0x5c: {  	_ =	shalt  }
0x5d: {  	_ =	shalt  }
0x5e: {  	_ =	shalt  }
0x5f: {  	_ =	shalt  }
0x60: {  	_ =	shalt  }
0x61: {  	_ =	shalt  }
0x62: {  	_ =	shalt  }
0x63: {  	_ =	shalt  }
0x64: {  	_ =	shalt  }
0x65: {  	_ =	shalt  }
0x66: {  	_ =	shalt  }
0x67: {  	_ =	shalt  }
0x68: {  	_ =	shalt  }
0x69: {  	_ =	shalt  }
0x6a: {  	_ =	shalt  }
0x6b: {  	_ =	shalt  }
0x6c: {  	_ =	shalt  }
0x6d: {  	_ =	shalt  }
0x6e: {  	_ =	shalt  }
0x6f: {  	_ =	shalt  }
0x70: {  	_ =	shalt  }
0x71: {  	_ =	shalt  }
0x72: {  	_ =	shalt  }
0x73: {  	_ =	shalt  }
0x74: {  	_ =	shalt  }
0x75: {  	_ =	shalt  }
0x76: {  	_ =	shalt  }
0x77: {  	_ =	shalt  }
0x78: {  	_ =	shalt  }
0x79: {  	_ =	shalt  }
0x7a: {  	_ =	shalt  }
0x7b: {  	_ =	shalt  }
0x7c: {  	_ =	shalt  }
0x7d: {  	_ =	shalt  }
0x7e: {  	_ =	shalt  }
0x7f: {  	_ =	shalt  }
0x80: {  	_ =	shalt  }
0x81: {  	_ =	shalt  }
0x82: {  	_ =	shalt  }
0x83: {  	_ =	shalt  }
0x84: {  	_ =	shalt  }
0x85: {  	_ =	shalt  }
0x86: {  	_ =	shalt  }
0x87: {  	_ =	shalt  }
.Lfunc_end0:
.L_simem_size_0:
called_computation_lowered:
.L_overlay_start_0:
0x88: {  	s2 =	sld [smem:$0x3FD9]  }
0x89: {  	s3 =	sld [smem:$0x3FFE];
	_ =	sdelay $0x1  }
0x8a: {  	s1 =	srdreg.scid  }
0x8b: {  	s0 =	sand.u32 $0x1, s1  }
0x8c: {  	s17 =	sshll.u32 s0, $0xA;
	s2 =	sadd.s32 s3, s2  }
0x8d: {  	s2 =	sadd.s32 s2, s17  }
0x8e: {  	[smem:$0x3FBD] =	sst s2  }
0x8f: {  	_ = 	snop  }
0x90: {  	s2 =	sld [smem:$0x3FC5]  }
0x91: {  	s18 =	sld [smem:$0x3FD0];
	(tm) =	ssettm $0x1  }
0x92: {  	s4 =	sld [smem:$0x3FFB];
	_ =	sdelay $0x3  }
0x93: {  	_ =	strace s4  }
0x94: {  	s4 =	sld [smem:$0x3FFC];
	_ =	sdelay $0x3  }
0x95: {  	_ =	strace s4  }
0x96: {  	s4 =	sld [smem:$0x3FFD];
	_ =	sdelay $0x3  }
0x97: {  	_ =	strace s4  }
0x98: {  	_ =	strace $0x8FFFFFFF  }
0x99: {  	s19 =	sld [smem:$0x3FDB];
	_ =	sdelay $0x1  }
0x9a: {  	s5 =	simm.s32 $_scs_section_size  }
0x9b: {  	s6 =	simm.s32 $_size__tile_overlayer_lowered;
	s7 =	simm.s32 $_tile_overlayer_lowered  }
0x9c: {  	s22 =	simm.s32 $0x1BFF;
	s21 =	sshll.u32 s7, $0x1;
	s4 =	sadd.s32 s5, s19  }
0x9d: {  	s8 =	simm.s32 $0x0;
	s20 =	sshll.u32 s6, $0x1;
	s6 =	sadd.s32 s21, s4  }
0x9e: {  	[timem:s8], [sflag:s22] =	dma.local [hbm:s6], s20  }
0x9f: {  	_ =	swait.ge [sflag:s22], s20  }
0xa0: {  	s5 =	ssub.s32 $0x0, s20;
	[sflag:s22] =	ssyncset.done $0x0  }
0xa1: {  	[sflag:s22] =	ssyncadd.s32 s5;
	_ =	sdelay $0x1  }
0xa2: {  	s23 =	simm.s32 $0x1B8B  }
0xa3: {  	_ =	swait.ge [sflag:s23], $0x1  }
0xa4: {  	[sflag:s23] =	ssyncset.done $0x0  }
0xa5: {  	s25 =	simm.s32 $0x1B8E;
	s24 =	sld [smem:$0x3FFE];
	[sflag:s23] =	ssyncadd.s32 $0xFFFFFFFF  }
0xa6: {  	s26 =	simm.s32 $execute0_lowered;
	[smem:$0x3FD2] =	sst s25  }
0xa7: {  	s6 =	sshll.u32 s26, $0x1;
	_ =	strace $0x80000046;
	[dreg:$0x1] =	wrdreg $0xFFFFFFFF  }
0xa8: {  	s28 =	simm.s32 $_size_execute0_lowered;
	s4 =	sadd.s32 s4, s6;
	[dreg:$0x0] =	wrdreg $0x0  }
0xa9: {  	s6 =	sshll.u32 s28, $0x1;
	[dreg:$0x2] =	wrdreg s4  }
0xaa: {  	[dreg:$0x3] =	wrdreg s6  }
0xab: {  	[dreg:$0x4] =	wrdreg $0xC0  }
0xac: {  	_ =	task [dreg:s8], $0x5FFFF  }
0xad: {  	[dreg:$0x1] =	wrdreg $0xFFFFFFFF  }
0xae: {  	[dreg:$0x0] =	wrdreg $0x60  }
0xaf: {  	[dreg:$0x2] =	wrdreg s18  }
0xb0: {  	[dreg:$0x3] =	wrdreg s2  }
0xb1: {  	[dreg:$0x4] =	wrdreg s24  }
0xb2: {  	[dreg:$0x5] =	wrdreg $0xA  }
0xb3: {  	_ =	task.clear_ibuf [dreg:s8], $0x6FFFF;
	_ =	strace $0x90000046  }
0xb4: {  	s29 =	simm.s32 $0xA;
	_ =	strace $0x80000048  }
0xb5: {  	_ =	swait.ge [sflag:s29], $0x1  }
0xb6: {  	[sflag:s29] =	ssyncadd.s32 $0xFFFFFFFF  }
0xb7: {  	_ =	strace $0x90000048  }
0xb8: {  	_ =	sfence  }
0xb9: {  	s30 =	sld [smem:$0x0];
	_ =	sdelay $0x2  }
0xba: {  	s31 =	sshll.u32 s1, $0xD;
	s1 =	sshrl.u32 s1, $0x2  }
0xbb: {  	s3 =	sand.u32 $0x4000, s31;
	s1 =	sadd.s32 s1, s30  }
0xbc: {  	s0 =	sor.u32 s3, s0;
	s1 =	sshll.u32 s1, $0x11  }
0xbd: {  	s0 =	sor.u32 s1, s0  }
0xbe: {  	s0 =	sadd.s32 $0x8F2B, s0  }
0xbf: {  	[sflag:s0] =	ssyncadd.remote.s32 $0x1  }
0xc0: {  	_ =	sfence.sel $0xFFFF  }
0xc1: {  	[dreg:$0x0] =	wrdreg $0xFFFFFFFF;
	(pc) =	sbr.abs _section_cstart, $3  }
0xc2: {  	[dreg:$0x1] =	wrdreg $0xFFFFFFFF  }
0xc3: {  	_ =	task.clear_ibuf [dreg:s8], $0x2FFFF;
	_ =	strace $0x9FFFFFFF  }
0xc4: {  	(tm) =	ssettm $0x7FFFFFFF  }
0xc5: {  	_ =	shalt  }
tec
execute0_lowered:
.L_overlay_start_1:
0x0: {  	(tag) =	ssettag $0x1  }
0x1: {  	s1 =	srdreg.scid;
	s0 =	stileid.u32  }
0x2: {  	s8 =	rddreg [dreg:$0x0];
	s16 =	sand.u32 $0x1, s1;
	s28 =	sshll.u32 s0, $0x1  }
0x3: {  	s2 =	rddreg [dreg:$0x1];
	s14 =	sor.u32 s16, s28  }
0x4: {  	s15 =	rddreg [dreg:$0x2];
	s9 =	smul.u32 $0x180, s14  }
0x5: {  	s3 =	simm.s32 $0x0;
	s1 =	rddreg [dreg:$0x3]  }
0x6: {  	[smem:$0x7FF] =	sst s3;
	s4 =	sshrl.u32 s9, $0x3  }
0x7: {  	_ =	strace $0x80000047;
	s5 =	sadd.s32 s8, s4;
	s4 =	simm.s32 $0x2  }
0x8: {  	[tilespmem:s3], [sflag:$0x2] =	stream.linear.gather [hbm4b:s5+s3], $0x80, $0x38;
	[tilespmem:$0xC180] =	vst v63  }
0x9: {  	s17 =	sadd.s32 $0x80, s9;
	_ =	swait.ge [sflag:s4], $0x80  }
0xa: {  	s6 =	sshrl.u32 s17, $0x3;
	[sflag:s4] =	ssyncset.done $0x0  }
0xb: {  	s7 =	simm.s32 $0x80;
	s6 =	sadd.s32 s8, s6;
	[sflag:s4] =	ssyncadd.s32 $0xFFFFFF80  }
0xc: {  	[tilespmem:s7], [sflag:$0x2] =	stream.linear.gather [hbm4b:s6+s3], $0x80, $0x38;
	[tilespmem:$0xC180] =	vst v63  }
0xd: {  	s18 =	sadd.s32 $0x100, s9;
	_ =	swait.ge [sflag:s4], $0x80  }
0xe: {  	s9 =	sshrl.u32 s18, $0x3;
	[sflag:s4] =	ssyncset.done $0x0  }
0xf: {  	s8 =	sadd.s32 s8, s9;
	s9 =	simm.s32 $0x100;
	[sflag:s4] =	ssyncadd.s32 $0xFFFFFF80  }
0x10: {  	[tilespmem:s9], [sflag:$0x2] =	stream.linear.gather [hbm4b:s8+s3], $0x80, $0x38;
	[tilespmem:$0xC180] =	vst v63  }
0x11: {  	_ =	swait.ge [sflag:s4], $0x80  }
0x12: {  	[sflag:s4] =	ssyncset.done $0x0  }
0x13: {  	s10 =	simm.s32 $0x180;
	[sflag:s4] =	ssyncadd.s32 $0xFFFFFF80  }
0x14: {  	[tilespmem:s10], [sflag:$0x1] =	stream.indirect.gather [hbm4b:s2+s7], $0x80, s3, s7, $0xb8;
	[tilespmem:$0xC180] =	vst v63  }
0x15: {  	s11 =	simm.s32 $0x4180  }
0x16: {  	[tilespmem:s11], [sflag:$0x1] =	stream.indirect.gather [hbm4b:s2+s7], $0x80, s7, s7, $0xb8;
	[tilespmem:$0xC180] =	vst v63  }
0x17: {  	s12 =	simm.s32 $0x8180;
	s13 =	simm.s32 $0x1  }
0x18: {  	[tilespmem:s12], [sflag:$0x1] =	stream.indirect.gather [hbm4b:s2+s7], $0x80, s9, s7, $0xb8;
	[tilespmem:$0xC180] =	vst v63  }
0x19: {  	s14 =	smul.u32 $0x1800, s14;
	_ =	swait.ge [sflag:s13], $0x4000  }
0x1a: {  	s19 =	sadd.s32 $0x2600, s15;
	[sflag:s13] =	ssyncset.done $0x0  }
0x1b: {  	s14 =	sadd.s32 s19, s14;
	[sflag:s13] =	ssyncadd.s32 $0xFFFFC000  }
0x1c: {  	[hbm4b:s14+s3] =	stream.linear.scatter [tilespmem:s10], [sflag:$0x2], $0x4000, $0x38;
	[tilespmem:$0xC180] =	vst v63  }
0x1d: {  	_ =	swait.ge [sflag:s4], $0x4000  }
0x1e: {  	[sflag:s4] =	ssyncset.done $0x0  }
0x1f: {  	[sflag:s4] =	ssyncadd.s32 $0xFFFFC000  }
0x20: {  	_ =	swait.ge [sflag:s13], $0x4000  }
0x21: {  	s29 =	sshll.u32 s17, $0x4;
	[sflag:s13] =	ssyncset.done $0x0  }
0x22: {  	s16 =	ssub.s32 $0x2, s16;
	s15 =	sadd.s32 s19, s29;
	[sflag:s13] =	ssyncadd.s32 $0xFFFFC000  }
0x23: {  	[hbm4b:s15+s3] =	stream.linear.scatter [tilespmem:s11], [sflag:$0x2], $0x4000, $0x38;
	[tilespmem:$0xC180] =	vst v63  }
0x24: {  	s30 =	sshrl.u32 s16, $0x1;
	_ =	swait.ge [sflag:s4], $0x4000  }
0x25: {  	s17 =	ssub.s32 s16, s30;
	[sflag:s4] =	ssyncset.done $0x0  }
0x26: {  	s17 =	smax.u32 s17, $0x1;
	[sflag:s4] =	ssyncadd.s32 $0xFFFFC000  }
0x27: {  	p0 =	sne.s32 s17, $0x1;
	_ =	swait.ge [sflag:s13], $0x4000  }
.Ltmp0:
0x28: {  	s31 =	sshll.u32 s18, $0x4;
	[sflag:s13] =	ssyncset.done $0x0;
	(pc) =	sbr.rel @!p0 .LBB2_2-.Ltmp0, $4  }
0x29: {  	s16 =	sadd.s32 s19, s31;
	[sflag:s13] =	ssyncadd.s32 $0xFFFFC000  }
0x2a: {  	[hbm4b:s16+s3] =	stream.linear.scatter [tilespmem:s12], [sflag:$0x2], $0x4000, $0x38;
	[tilespmem:$0xC180] =	vst v63  }
0x2b: {  	_ =	swait.ge [sflag:s4], $0x4000  }
0x2c: {  	s17 =	sadd.s32 $0xFFFFFFFF, s17;
	[sflag:s4] =	ssyncset.done $0x0  }
.LBB2_1:
0x2d: {  	p0 =	sne.s32 s17, $0x1;
	s17 =	sadd.s32 $0xFFFFFFFF, s17;
	[sflag:s4] =	ssyncadd.s32 $0xFFFFC000  }
0x2e: {  	[tilespmem:s3], [sflag:$0x2] =	stream.linear.gather [hbm4b:s5+s3], $0x80, $0x38;
	[tilespmem:$0xC180] =	vst v63  }
0x2f: {  	_ =	swait.ge [sflag:s4], $0x80  }
0x30: {  	[sflag:s4] =	ssyncset.done $0x0  }
0x31: {  	[sflag:s4] =	ssyncadd.s32 $0xFFFFFF80  }
0x32: {  	[tilespmem:s7], [sflag:$0x2] =	stream.linear.gather [hbm4b:s6+s3], $0x80, $0x38;
	[tilespmem:$0xC180] =	vst v63  }
0x33: {  	_ =	swait.ge [sflag:s4], $0x80  }
0x34: {  	[sflag:s4] =	ssyncset.done $0x0  }
0x35: {  	[sflag:s4] =	ssyncadd.s32 $0xFFFFFF80  }
0x36: {  	[tilespmem:s9], [sflag:$0x2] =	stream.linear.gather [hbm4b:s8+s3], $0x80, $0x38;
	[tilespmem:$0xC180] =	vst v63  }
0x37: {  	_ =	swait.ge [sflag:s4], $0x80  }
0x38: {  	[sflag:s4] =	ssyncset.done $0x0  }
0x39: {  	[sflag:s4] =	ssyncadd.s32 $0xFFFFFF80  }
0x3a: {  	[tilespmem:s10], [sflag:$0x1] =	stream.indirect.gather [hbm4b:s2+s7], $0x80, s3, s7, $0xb8;
	[tilespmem:$0xC180] =	vst v63  }
0x3b: {  	_ = 	snop  }
0x3c: {  	[tilespmem:s11], [sflag:$0x1] =	stream.indirect.gather [hbm4b:s2+s7], $0x80, s7, s7, $0xb8;
	[tilespmem:$0xC180] =	vst v63  }
0x3d: {  	_ = 	snop  }
0x3e: {  	[tilespmem:s12], [sflag:$0x1] =	stream.indirect.gather [hbm4b:s2+s7], $0x80, s9, s7, $0xb8;
	[tilespmem:$0xC180] =	vst v63  }
0x3f: {  	_ =	swait.ge [sflag:s13], $0x4000  }
0x40: {  	[sflag:s13] =	ssyncset.done $0x0  }
0x41: {  	[sflag:s13] =	ssyncadd.s32 $0xFFFFC000  }
0x42: {  	[hbm4b:s14+s3] =	stream.linear.scatter [tilespmem:s10], [sflag:$0x2], $0x4000, $0x38;
	[tilespmem:$0xC180] =	vst v63  }
0x43: {  	_ =	swait.ge [sflag:s4], $0x4000  }
0x44: {  	[sflag:s4] =	ssyncset.done $0x0  }
0x45: {  	[sflag:s4] =	ssyncadd.s32 $0xFFFFC000  }
0x46: {  	_ =	swait.ge [sflag:s13], $0x4000  }
0x47: {  	[sflag:s13] =	ssyncset.done $0x0  }
0x48: {  	[sflag:s13] =	ssyncadd.s32 $0xFFFFC000  }
0x49: {  	[hbm4b:s15+s3] =	stream.linear.scatter [tilespmem:s11], [sflag:$0x2], $0x4000, $0x38;
	[tilespmem:$0xC180] =	vst v63  }
0x4a: {  	_ =	swait.ge [sflag:s4], $0x4000  }
0x4b: {  	[sflag:s4] =	ssyncset.done $0x0  }
0x4c: {  	[sflag:s4] =	ssyncadd.s32 $0xFFFFC000  }
0x4d: {  	_ =	swait.ge [sflag:s13], $0x4000  }
.Ltmp1:
0x4e: {  	[sflag:s13] =	ssyncset.done $0x0;
	(pc) =	sbr.rel @p0 .LBB2_1-.Ltmp1, $4  }
0x4f: {  	[sflag:s13] =	ssyncadd.s32 $0xFFFFC000  }
0x50: {  	[hbm4b:s16+s3] =	stream.linear.scatter [tilespmem:s12], [sflag:$0x2], $0x4000, $0x38;
	[tilespmem:$0xC180] =	vst v63  }
0x51: {  	_ =	swait.ge [sflag:s4], $0x4000  }
0x52: {  	[sflag:s4] =	ssyncset.done $0x0  }
.LBB2_2:
0x53: {  	[sflag:s4] =	ssyncadd.s32 $0xFFFFC000  }
0x54: {  	_ =	sfence.sel $0x180000  }
0x55: {  	[bflag:$0x0] =	sbarrier.arrive $0xFFFF  }
0x56: {  	p0 =	sne.s32 s0, $0x0;
	_ =	strace $0x90000047  }
0x57: {  	s0 =	sadd.s32 @!p0 $0x100000, s1;
	[bflag:$0x2] =	sbarrier.arrive $0xFFFF  }
0x58: {  	[sflag:s0] =	ssyncadd.tile.s32 @!p0 $0x1;
	_ =	shalt  }
.Lfunc_end2:
_tile_overlayer_lowered:
.L_overlay_start_2:
0x59: {  	(tag) =	ssettag $0x2  }
0x5a: {  	s0 =	rddreg [dreg:$0x0];
	s2 =	stileid.u32  }
0x5b: {  	s1 =	rddreg [dreg:$0x1];
	p0 =	sne.s32 s2, $0x0  }
0x5c: {  	s3 =	rddreg [dreg:$0x2];
	[bflag:$0x3] =	sbarrier.arrive $0xFFFF;
	s2 =	simm.s32 @!p0 $0x1C02  }
0x5d: {  	[timem:s3], [sflag:s2] =	dma.local @!p0 [hbm:s0], s1  }
0x5e: {  	s0 =	simm.s32 @!p0 $0x2  }
0x5f: {  	_ =	swait.ge @!p0 [sflag:s0], s1  }
0x60: {  	s1 =	ssub.s32 @!p0 $0x0, s1;
	[sflag:s0] =	ssyncset.done @!p0 $0x0  }
0x61: {  	[sflag:s0] =	ssyncadd.s32 @!p0 s1  }
0x62: {  	[bflag:$0x3] =	sbarrier.arrive $0xFFFF  }
0x63: {  	_ =	shalt  }

// kernel: kernel.14.cloned.1.call-start
scs
__scs_entry_jumppad:
0x0: {  	(pc) =	sbr.rel $0x88, $3  }
0x1: {  	(tag) =	ssettag $0x0;
	lr =	simm.s32 $0x1  }
0x2: {  	[smem:$0x3F96] =	sst lr;
	_ =	strace $0xD0000000  }
0x3: {  	_ = 	snop  }
0x4: {  	_ = 	snop  }
0x5: {  	_ = 	snop  }
0x6: {  	_ = 	snop  }
0x7: {  	_ = 	snop  }
__scs_overlays_trampoline_lowered:
0x8: {  	[smem:$0x3FA5] =	sst s0  }
0x9: {  	[smem:$0x3FA6] =	sst s1  }
0xa: {  	[smem:$0x3FA7] =	sst s2  }
0xb: {  	[smem:$0x3FA8] =	sst s3  }
0xc: {  	[smem:$0x3FA9] =	sst s4  }
0xd: {  	[smem:$0x3FAA] =	sst s5  }
0xe: {  	[smem:$0x3FAB] =	sst s6  }
0xf: {  	[smem:$0x3FAC] =	sst s7  }
0x10: {  	[smem:$0x3FAD] =	sst s8  }
0x11: {  	[smem:$0x3FAE] =	sst s9;
	s0 =	simm.s32 @!p0 $0x0  }
0x12: {  	s1 =	sld [smem:$0x3F94];
	s0 =	simm.s32 @p0 $0x1  }
0x13: {  	[smem:$0x3FAF] =	sst s0;
	s0 =	simm.s32 @!p1 $0x0  }
0x14: {  	s2 =	sld [smem:$0x3F93];
	s0 =	simm.s32 @p1 $0x1  }
0x15: {  	[smem:$0x3FB0] =	sst s0;
	s0 =	simm.s32 @!p2 $0x0  }
0x16: {  	s3 =	sld [smem:$0x3FDB];
	s0 =	simm.s32 @p2 $0x1  }
0x17: {  	s4 =	simm.s32 $0x1BF5;
	[smem:$0x3FB2] =	sst s0  }
0x18: {  	s0 =	sld [smem:$0x3F95];
	_ =	swait.ge [sflag:s4], $0x0  }
0x19: {  	s7 =	sld [smem:$0x3F96]  }
0x1a: {  	s8 =	sadd.s32 $0xFFFFE003, lr  }
0x1b: {  	s9 =	sadd.s32 $0xFFFFFEF7, lr;
	s5 =	simm.s32 $0xFFFFFFFF;
	p2 =	slt.u32 s8, $0xFFFFF086  }
0x1c: {  	p1 =	slt.u32 s9, $0xF7A;
	s5 =	simm.s32 @!p2 $0x0  }
0x1d: {  	s5 =	simm.s32 @p1 $0x1;
	p0 =	seq.s32 s7, s2  }
0x1e: {  	s7 =	smul.u32 @!p0 $0xF7A, s2;
	p2 =	seq.s32 @!p0 s5, $0x0  }
0x1f: {  	s9 =	smul.u32 $0xF7A, s1;
	s8 =	simm.s32 @!p0 $0x1BF5;
	p2 =	por !p2, p0  }
0x20: {  	[sflag:s8] =	ssyncset.s32 @!p0 $0xFFFFF086;
	s6 =	sadd.s32 @!p0 s3, s7;
	s7 =	simm.s32 @!p0 $0x108  }
0x21: {  	s3 =	sadd.s32 s3, s9;
	s6 =	sadd.s32 @!p0 $0x88, s6;
	s7 =	simm.s32 @p2 $0x1082  }
0x22: {  	[simem:s7], [sflag:s8] =	dma.local @!p0 [hbm:s6], $0xF7A  }
0x23: {  	s9 =	sor.u32 $0xD0000000, s2;
	s6 =	simm.s32 $0x108;
	_ =	swait.ge @!p0 [sflag:s8], $0x0  }
0x24: {  	s3 =	sadd.s32 $0x88, s3;
	s6 =	simm.s32 @!p1 $0x1082;
	[sflag:s4] =	ssyncset.s32 $0xFFFFF086  }
0x25: {  	[simem:s6], [sflag:s4] =	dma.local [hbm:s3], $0xF7A  }
0x26: {  	[smem:$0x3F96] =	sst s1;
	(tag) =	ssettag s2;
	_ =	strace s9  }
0x27: {  	s1 =	sld [smem:$0x3FA6]  }
0x28: {  	s2 =	sld [smem:$0x3FA7]  }
0x29: {  	s4 =	sld [smem:$0x3FA9]  }
0x2a: {  	p0 =	seq.s32 s5, $0x0;
	s5 =	sld [smem:$0x3FAA]  }
0x2b: {  	s6 =	sld [smem:$0x3FAB]  }
0x2c: {  	s7 =	sld [smem:$0x3FAC]  }
0x2d: {  	s3 =	simm.s32 $0x108;
	s8 =	sld [smem:$0x3FAD]  }
0x2e: {  	s3 =	simm.s32 @!p0 $0x1082;
	s9 =	sld [smem:$0x3FAE]  }
0x2f: {  	lr =	sadd.s32 s0, s3;
	s0 =	sld [smem:$0x3FA5]  }
0x30: {  	s3 =	sld [smem:$0x3FA8]  }
0x31: {  	[smem:$0x3FB1] =	sst s10  }
0x32: {  	s10 =	sld [smem:$0x3FAF];
	_ =	sdelay $0x3  }
0x33: {  	p0 =	seq.s32 s10, $0x1;
	s10 =	sld [smem:$0x3FB1];
	_ =	sdelay $0x3  }
0x34: {  	[smem:$0x3FB1] =	sst s10  }
0x35: {  	s10 =	sld [smem:$0x3FB0];
	_ =	sdelay $0x3  }
0x36: {  	p1 =	seq.s32 s10, $0x1;
	s10 =	sld [smem:$0x3FB1];
	_ =	sdelay $0x3  }
0x37: {  	[smem:$0x3FB1] =	sst s10  }
0x38: {  	s10 =	sld [smem:$0x3FB2]  }
0x39: {  	_ = 	snop;
	(pc) =	sbr.ind lr, $3  }
0x3a: {  	_ = 	snop  }
0x3b: {  	_ = 	snop  }
0x3c: {  	p2 =	seq.s32 s10, $0x1;
	s10 =	sld [smem:$0x3FB1]  }
0x3d: {  	_ =	shalt  }
0x3e: {  	_ =	shalt  }
0x3f: {  	_ =	shalt  }
0x40: {  	_ =	shalt  }
0x41: {  	_ =	shalt  }
0x42: {  	_ =	shalt  }
0x43: {  	_ =	shalt  }
0x44: {  	_ =	shalt  }
0x45: {  	_ =	shalt  }
0x46: {  	_ =	shalt  }
0x47: {  	_ =	shalt  }
0x48: {  	_ =	shalt  }
0x49: {  	_ =	shalt  }
0x4a: {  	_ =	shalt  }
0x4b: {  	_ =	shalt  }
0x4c: {  	_ =	shalt  }
0x4d: {  	_ =	shalt  }
0x4e: {  	_ =	shalt  }
0x4f: {  	_ =	shalt  }
0x50: {  	_ =	shalt  }
0x51: {  	_ =	shalt  }
0x52: {  	_ =	shalt  }
0x53: {  	_ =	shalt  }
0x54: {  	_ =	shalt  }
0x55: {  	_ =	shalt  }
0x56: {  	_ =	shalt  }
0x57: {  	_ =	shalt  }
0x58: {  	_ =	shalt  }
0x59: {  	_ =	shalt  }
0x5a: {  	_ =	shalt  }
0x5b: {  	_ =	shalt  }
0x5c: {  	_ =	shalt  }
0x5d: {  	_ =	shalt  }
0x5e: {  	_ =	shalt  }
0x5f: {  	_ =	shalt  }
0x60: {  	_ =	shalt  }
0x61: {  	_ =	shalt  }
0x62: {  	_ =	shalt  }
0x63: {  	_ =	shalt  }
0x64: {  	_ =	shalt  }
0x65: {  	_ =	shalt  }
0x66: {  	_ =	shalt  }
0x67: {  	_ =	shalt  }
0x68: {  	_ =	shalt  }
0x69: {  	_ =	shalt  }
0x6a: {  	_ =	shalt  }
0x6b: {  	_ =	shalt  }
0x6c: {  	_ =	shalt  }
0x6d: {  	_ =	shalt  }
0x6e: {  	_ =	shalt  }
0x6f: {  	_ =	shalt  }
0x70: {  	_ =	shalt  }
0x71: {  	_ =	shalt  }
0x72: {  	_ =	shalt  }
0x73: {  	_ =	shalt  }
0x74: {  	_ =	shalt  }
0x75: {  	_ =	shalt  }
0x76: {  	_ =	shalt  }
0x77: {  	_ =	shalt  }
0x78: {  	_ =	shalt  }
0x79: {  	_ =	shalt  }
0x7a: {  	_ =	shalt  }
0x7b: {  	_ =	shalt  }
0x7c: {  	_ =	shalt  }
0x7d: {  	_ =	shalt  }
0x7e: {  	_ =	shalt  }
0x7f: {  	_ =	shalt  }
0x80: {  	_ =	shalt  }
0x81: {  	_ =	shalt  }
0x82: {  	_ =	shalt  }
0x83: {  	_ =	shalt  }
0x84: {  	_ =	shalt  }
0x85: {  	_ =	shalt  }
0x86: {  	_ =	shalt  }
0x87: {  	_ =	shalt  }
.Lfunc_end0:
.L_simem_size_0:
called_computation.1_lowered:
.L_overlay_start_0:
0x88: {  	s2 =	sld [smem:$0x3FD9]  }
0x89: {  	s3 =	sld [smem:$0x3FFE];
	_ =	sdelay $0x1  }
0x8a: {  	s1 =	srdreg.scid  }
0x8b: {  	s0 =	sand.u32 $0x1, s1  }
0x8c: {  	s17 =	sshll.u32 s0, $0xA;
	s2 =	sadd.s32 s3, s2  }
0x8d: {  	s2 =	sadd.s32 s2, s17  }
0x8e: {  	[smem:$0x3FBD] =	sst s2  }
0x8f: {  	_ = 	snop  }
0x90: {  	(tm) =	ssettm $0x1  }
0x91: {  	s18 =	sld [smem:$0x3FFB];
	_ =	sdelay $0x3  }
0x92: {  	_ =	strace s18  }
0x93: {  	s2 =	sld [smem:$0x3FFC];
	_ =	sdelay $0x3  }
0x94: {  	_ =	strace s2  }
0x95: {  	s2 =	sld [smem:$0x3FFD];
	_ =	sdelay $0x3  }
0x96: {  	_ =	strace s2  }
0x97: {  	_ =	strace $0x8FFFFFFF  }
0x98: {  	s19 =	sld [smem:$0x3FDB];
	_ =	sdelay $0x1  }
0x99: {  	s20 =	simm.s32 $_scs_section_size  }
0x9a: {  	s4 =	simm.s32 $_size__tile_overlayer_lowered;
	s5 =	simm.s32 $_tile_overlayer_lowered  }
0x9b: {  	s6 =	simm.s32 $0x1BFF;
	s21 =	sshll.u32 s5, $0x1;
	s3 =	sadd.s32 s20, s19  }
0x9c: {  	s22 =	simm.s32 $0x0;
	s4 =	sshll.u32 s4, $0x1;
	s5 =	sadd.s32 s21, s3  }
0x9d: {  	[timem:s22], [sflag:s6] =	dma.local [hbm:s5], s4  }
0x9e: {  	_ =	swait.ge [sflag:s6], s4  }
0x9f: {  	s4 =	ssub.s32 $0x0, s4;
	[sflag:s6] =	ssyncset.done $0x0  }
0xa0: {  	[sflag:s6] =	ssyncadd.s32 s4;
	_ =	sdelay $0x1  }
0xa1: {  	s23 =	simm.s32 $0x1B8B  }
0xa2: {  	_ =	swait.ge [sflag:s23], $0x1  }
0xa3: {  	[sflag:s23] =	ssyncset.done $0x0  }
0xa4: {  	[sflag:s23] =	ssyncadd.s32 $0xFFFFFFFF  }
0xa5: {  	s4 =	sld [smem:$0x0]  }
0xa6: {  	s5 =	sand.u32 $0xFFFFFFFE, s1  }
0xa7: {  	p0 =	sne.s32 s1, s5  }
0xa8: {  	s5 =	sshll.u32 @p0 s5, $0xE  }
0xa9: {  	s5 =	sadd.s32 @p0 $0x11B8D, s5;
	s6 =	sshll.u32 @p0 s4, $0x11  }
0xaa: {  	s5 =	sor.u32 @p0 s6, s5  }
0xab: {  	[sflag:s5] =	ssyncadd.remote.s32 @p0 $0x1;
	_ =	sdelay $0x1  }
0xac: {  	s5 =	simm.s32 @p0 $0x1B8D  }
0xad: {  	_ =	swait.eq @p0 [sflag:s5], $0x1  }
0xae: {  	[sflag:s5] =	ssyncadd.s32 @p0 $0xFFFFFFFF  }
0xaf: {  	s6 =	sshll.u32 @!p0 s1, $0xE  }
0xb0: {  	s6 =	sor.u32 @!p0 $0x4000, s6;
	s5 =	simm.s32 @!p0 $0x1B8D  }
0xb1: {  	s4 =	sshll.u32 @!p0 s4, $0x11;
	s6 =	sadd.s32 @!p0 $0x11B8D, s6;
	_ =	swait.eq @!p0 [sflag:s5], $0x1  }
0xb2: {  	s4 =	sor.u32 @!p0 s4, s6;
	[sflag:s5] =	ssyncadd.s32 @!p0 $0xFFFFFFFF  }
0xb3: {  	s25 =	simm.s32 $0x1B8E;
	s24 =	sld [smem:$0x3FFE];
	[sflag:s4] =	ssyncadd.remote.s32 @!p0 $0x1  }
0xb4: {  	s26 =	simm.s32 $execute0_lowered;
	[smem:$0x3FD2] =	sst s25  }
0xb5: {  	s5 =	sshll.u32 s26, $0x1;
	_ =	strace $0x80000049;
	[dreg:$0x1] =	wrdreg $0xFFFFFFFF  }
0xb6: {  	s28 =	simm.s32 $_size_execute0_lowered;
	s3 =	sadd.s32 s3, s5;
	[dreg:$0x0] =	wrdreg $0x0  }
0xb7: {  	s5 =	sshll.u32 s28, $0x1;
	[dreg:$0x2] =	wrdreg s3  }
0xb8: {  	[dreg:$0x3] =	wrdreg s5  }
0xb9: {  	[dreg:$0x4] =	wrdreg $0xC0  }
0xba: {  	_ =	task [dreg:s22], $0x5FFFF  }
0xbb: {  	[dreg:$0x1] =	wrdreg $0xFFFFFFFF  }
0xbc: {  	[dreg:$0x0] =	wrdreg $0x60  }
0xbd: {  	[dreg:$0x2] =	wrdreg s24  }
0xbe: {  	[dreg:$0x3] =	wrdreg $0x69000  }
0xbf: {  	[dreg:$0x4] =	wrdreg $0x9  }
0xc0: {  	_ =	task.clear_ibuf [dreg:s22], $0x5FFFF;
	_ =	strace $0x90000049  }
0xc1: {  	s29 =	simm.s32 $0x9;
	_ =	strace $0x8000004B  }
0xc2: {  	_ =	swait.ge [sflag:s29], $0x1  }
0xc3: {  	[sflag:s29] =	ssyncadd.s32 $0xFFFFFFFF  }
0xc4: {  	_ =	strace $0x9000004B  }
0xc5: {  	_ =	sfence  }
0xc6: {  	s30 =	sld [smem:$0x0];
	_ =	sdelay $0x2  }
0xc7: {  	s31 =	sshll.u32 s1, $0xD;
	s1 =	sshrl.u32 s1, $0x2  }
0xc8: {  	s4 =	sand.u32 $0x4000, s31;
	s1 =	sadd.s32 s1, s30  }
0xc9: {  	s0 =	sor.u32 s4, s0;
	s1 =	sshll.u32 s1, $0x11  }
0xca: {  	s0 =	sor.u32 s1, s0  }
0xcb: {  	s0 =	sadd.s32 $0x8F2B, s0  }
0xcc: {  	[sflag:s0] =	ssyncadd.remote.s32 $0x1  }
0xcd: {  	_ =	sfence.sel $0xFFFF  }
0xce: {  	[dreg:$0x0] =	wrdreg $0xFFFFFFFF;
	(pc) =	sbr.abs _section_cstart, $3  }
0xcf: {  	[dreg:$0x1] =	wrdreg $0xFFFFFFFF  }
0xd0: {  	_ =	task.clear_ibuf [dreg:s22], $0x2FFFF;
	_ =	strace $0x9FFFFFFF  }
0xd1: {  	(tm) =	ssettm $0x7FFFFFFF  }
tec
execute0_lowered:
.L_overlay_start_1:
0x0: {  	(tag) =	ssettag $0x1  }
0x1: {  	s4 =	rddreg [dreg:$0x0];
	s1 =	srdreg.scid  }
0x2: {  	s0 =	stileid.u32;
	s2 =	rddreg [dreg:$0x1];
	s3 =	simm.s32 $0x0  }
0x3: {  	s19 =	simm.s32 $0x2880;
	s20 =	simm.s32 $0x0;
	s5 =	sand.u32 $0x1, s1  }
0x4: {  	s6 =	sshll.u32 s0, $0x1;
	s1 =	rddreg [dreg:$0x2];
	s7 =	smul.u32 $0x4F000, s0  }
0x5: {  	[smem:$0x7FF] =	sst s3;
	s8 =	smul.u32 $0x13C00, s0;
	s14 =	sadd.s32 $0x3C400, s4  }
0x6: {  	s6 =	sor.u32 s5, s6;
	s30 =	ssub.s32 $0x2, s5;
	s16 =	smul.u32 $0x13C000, s5  }
0x7: {  	_ =	strace $0x8000004A;
	s6 =	smul.u32 $0x4F0, s6;
	s31 =	sshrl.u32 s30, $0x1  }
0x8: {  	s7 =	sshrl.u32 s7, $0x2;
	s10 =	sadd.s32 $0x4000, s8;
	s12 =	sadd.s32 $0x8000, s8  }
0x9: {  	s13 =	sadd.s32 $0xC000, s8;
	s17 =	sadd.s32 $0x10000, s8;
	s15 =	ssub.s32 s30, s31  }
0xa: {  	s5 =	sadd.s32 s10, s2;
	s11 =	sadd.s32 s8, s16;
	s10 =	sadd.s32 s16, s10  }
0xb: {  	s8 =	sadd.s32 s17, s2;
	s9 =	sadd.s32 s6, s4;
	s4 =	sadd.s32 s7, s2  }
0xc: {  	s6 =	sadd.s32 s12, s2;
	s7 =	sadd.s32 s13, s2;
	s11 =	sshrl.u32 s11, $0x3  }
0xd: {  	s18 =	sshrl.u32 s10, $0x3;
	s12 =	sadd.s32 s16, s12;
	s13 =	sadd.s32 s16, s13  }
.Ltmp0:
0xe: {  	s16 =	sadd.s32 s16, s17;
	s15 =	smax.u32 s15, $0x1;
	(pc) =	sbr.rel .LBB2_1-.Ltmp0, $4  }
0xf: {  	s17 =	simm.s32 $0x1;
	s9 =	sadd.s32 $0x32600, s9;
	s10 =	sadd.s32 s14, s11  }
0x10: {  	s11 =	sadd.s32 s14, s18;
	s12 =	sshrl.u32 s12, $0x3;
	s13 =	sshrl.u32 s13, $0x3  }
0x11: {  	v0 =	vimm.f32 $0.0e+00;
	v1 =	vimm.f32 $1.000000000e+00;
	v3 =	vlaneseq.u32;
	s16 =	sshrl.u32 s16, $0x3;
	s18 =	simm.s32 $0x80;
	s12 =	sadd.s32 s14, s12  }
0x12: {  	v2 =	vimm.s32 $0x0;
	v4 =	vimm.s32 $0x2710;
	v3 =	vor.u32 $0x2800, v3;
	s13 =	sadd.s32 s14, s13;
	s14 =	sadd.s32 s14, s16;
	s16 =	simm.s32 $0x2900  }
.LBB2_10:
0x13: {  	[sflag:s17] =	ssyncadd.s32 $0xFFFFC000  }
.LBB2_11:
0x14: {  	s21 =	sshll.u32 s0, $0x6  }
0x15: {  	[bflag:$0x0] =	sbarrier.arrive $0xFFFF;
	s22 =	sshrl.u32 s4, $0x3;
	s21 =	sor.u32 $0x1C01, s21  }
0x16: {  	[hbm:s10], [sflag:s21] =	dma.local [spmem:s22], $0x800  }
0x17: {  	_ =	swait.ge [sflag:s17], $0x800  }
0x18: {  	[sflag:s17] =	ssyncset.done $0x0  }
0x19: {  	s28 =	sshrl.u32 s5, $0x3;
	[sflag:s17] =	ssyncadd.s32 $0xFFFFF800  }
0x1a: {  	[hbm:s11], [sflag:s21] =	dma.local [spmem:s28], $0x800  }
0x1b: {  	_ =	swait.ge [sflag:s17], $0x800  }
0x1c: {  	[sflag:s17] =	ssyncset.done $0x0  }
0x1d: {  	s29 =	sshrl.u32 s6, $0x3;
	[sflag:s17] =	ssyncadd.s32 $0xFFFFF800  }
0x1e: {  	[hbm:s12], [sflag:s21] =	dma.local [spmem:s29], $0x800  }
0x1f: {  	_ =	swait.ge [sflag:s17], $0x800  }
0x20: {  	[sflag:s17] =	ssyncset.done $0x0  }
0x21: {  	s30 =	sshrl.u32 s7, $0x3;
	[sflag:s17] =	ssyncadd.s32 $0xFFFFF800  }
0x22: {  	[hbm:s13], [sflag:s21] =	dma.local [spmem:s30], $0x800  }
0x23: {  	s20 =	sadd.s32 $0x1, s20;
	_ =	swait.ge [sflag:s17], $0x800  }
0x24: {  	p0 =	sne.s32 s20, s15;
	[sflag:s17] =	ssyncset.done $0x0  }
.Ltmp1:
0x25: {  	s31 =	sshrl.u32 s8, $0x3;
	[sflag:s17] =	ssyncadd.s32 $0xFFFFF800;
	(pc) =	sbr.rel @!p0 .LBB2_12-.Ltmp1, $4  }
0x26: {  	[hbm:s14], [sflag:s21] =	dma.local [spmem:s31], $0x780  }
0x27: {  	_ =	swait.ge [sflag:s17], $0x780  }
0x28: {  	[sflag:s17] =	ssyncset.done $0x0  }
0x29: {  	[sflag:s17] =	ssyncadd.s32 $0xFFFFF880  }
.LBB2_1:
0x2a: {  	s21 =	simm.s32 $0x0;
	s22 =	simm.s32 $0x200  }
.LBB2_2:
0x2b: {  	p0 =	sne.s32 s22, $0xFE00;
	[tilespmem:s21+$0x2970] =	vst v0  }
0x2c: {  	[tilespmem:s21+$0x2900] =	vst v0  }
0x2d: {  	[tilespmem:s21+$0x2910] =	vst v0  }
.Ltmp2:
0x2e: {  	[tilespmem:s21+$0x2920] =	vst v0;
	(pc) =	sbr.rel @p0 .LBB2_2-.Ltmp2, $4  }
0x2f: {  	[tilespmem:s21+$0x2930] =	vst v0  }
0x30: {  	[tilespmem:s21+$0x2940] =	vst v0  }
0x31: {  	[tilespmem:s21+$0x2950] =	vst v0  }
0x32: {  	[tilespmem:s21+$0x2960] =	vst v0;
	s21 =	sshra.s32 s22, $0x2;
	s22 =	sadd.s32 $0x200, s22  }
0x33: {  	[tilespmem:s21+$0x2970] =	vst v0  }
0x34: {  	[tilespmem:s21+$0x2900] =	vst v0  }
0x35: {  	[tilespmem:s21+$0x2910] =	vst v0  }
0x36: {  	[tilespmem:s21+$0x2920] =	vst v0  }
0x37: {  	[tilespmem:s21+$0x2930] =	vst v0  }
0x38: {  	[tilespmem:s21+$0x2940] =	vst v0  }
0x39: {  	[tilespmem:s21+$0x2950] =	vst v0  }
0x3a: {  	[tilespmem:s21+$0x2960] =	vst v0  }
0x3b: {  	[spmem:s4] =	stream.linear.scatter [tilespmem:s16], [sflag:$0x1], $0x4000, $0x38;
	[tilespmem:$0x1A500] =	vst v63  }
0x3c: {  	_ =	swait.ge [sflag:s17], $0x4000  }
0x3d: {  	[sflag:s17] =	ssyncset.done $0x0  }
0x3e: {  	[sflag:s17] =	ssyncadd.s32 $0xFFFFC000  }
0x3f: {  	[spmem:s5] =	stream.linear.scatter [tilespmem:s16], [sflag:$0x1], $0x4000, $0x38;
	[tilespmem:$0x1A500] =	vst v63  }
0x40: {  	_ =	swait.ge [sflag:s17], $0x4000  }
0x41: {  	[sflag:s17] =	ssyncset.done $0x0  }
0x42: {  	[sflag:s17] =	ssyncadd.s32 $0xFFFFC000  }
0x43: {  	[spmem:s6] =	stream.linear.scatter [tilespmem:s16], [sflag:$0x1], $0x4000, $0x38;
	[tilespmem:$0x1A500] =	vst v63  }
0x44: {  	_ =	swait.ge [sflag:s17], $0x4000  }
0x45: {  	[sflag:s17] =	ssyncset.done $0x0  }
0x46: {  	[sflag:s17] =	ssyncadd.s32 $0xFFFFC000  }
0x47: {  	[spmem:s7] =	stream.linear.scatter [tilespmem:s16], [sflag:$0x1], $0x4000, $0x38;
	[tilespmem:$0x1A500] =	vst v63  }
0x48: {  	_ =	swait.ge [sflag:s17], $0x4000  }
0x49: {  	[sflag:s17] =	ssyncset.done $0x0  }
0x4a: {  	[sflag:s17] =	ssyncadd.s32 $0xFFFFC000  }
0x4b: {  	[spmem:s8] =	stream.linear.scatter [tilespmem:s16], [sflag:$0x1], $0x3C00, $0x38;
	[tilespmem:$0x1A500] =	vst v63  }
0x4c: {  	_ =	swait.ge [sflag:s17], $0x3C00  }
0x4d: {  	[sflag:s17] =	ssyncset.done $0x0  }
0x4e: {  	s21 =	simm.s32 $0x0;
	s22 =	simm.s32 $0x200;
	[sflag:s17] =	ssyncadd.s32 $0xFFFFC400  }
.LBB2_4:
0x4f: {  	p0 =	sne.s32 s22, $0xFE00;
	[tilespmem:s21+$0x2970] =	vst v1  }
0x50: {  	[tilespmem:s21+$0x2900] =	vst v1  }
0x51: {  	[tilespmem:s21+$0x2910] =	vst v1  }
.Ltmp3:
0x52: {  	[tilespmem:s21+$0x2920] =	vst v1;
	(pc) =	sbr.rel @p0 .LBB2_4-.Ltmp3, $4  }
0x53: {  	[tilespmem:s21+$0x2930] =	vst v1  }
0x54: {  	[tilespmem:s21+$0x2940] =	vst v1  }
0x55: {  	[tilespmem:s21+$0x2950] =	vst v1  }
0x56: {  	[tilespmem:s21+$0x2960] =	vst v1;
	s21 =	sshra.s32 s22, $0x2;
	s22 =	sadd.s32 $0x200, s22  }
0x57: {  	[tilespmem:s21+$0x2970] =	vst v1  }
0x58: {  	[tilespmem:s21+$0x2900] =	vst v1  }
0x59: {  	[tilespmem:s21+$0x2910] =	vst v1  }
0x5a: {  	[tilespmem:s21+$0x2920] =	vst v1  }
0x5b: {  	[tilespmem:s21+$0x2930] =	vst v1  }
0x5c: {  	[tilespmem:s21+$0x2940] =	vst v1  }
0x5d: {  	[tilespmem:s21+$0x2950] =	vst v1  }
0x5e: {  	[tilespmem:s21+$0x2960] =	vst v1;
	s21 =	simm.s32 $0x0  }
0x5f: {  	[tilespmem:s21], [sflag:$0x1] =	stream.linear.gather [hbm4b:s9+s21], $0x2780, $0x38;
	[tilespmem:$0x1A500] =	vst v63  }
0x60: {  	_ =	swait.ge [sflag:s17], $0x2780  }
0x61: {  	[sflag:s17] =	ssyncset.done $0x0  }
0x62: {  	s22 =	simm.s32 $0x0;
	[sflag:s17] =	ssyncadd.s32 $0xFFFFD880  }
0x63: {  	v5 =	vld [tilespmem:s22+$0x0];
	_ =	sdelay $0x4  }
0x64: {  	vm0 =	vlt.s32 v5, $0x2710  }
0x65: {  	v6 =	vsel vm0, $0x1, v2  }
0x66: {  	(xrf0) =	vadd.scan.msk.s32 $0xffff, v6;
	_ =	sdelay $0x5  }
0x67: {  	v7, _, _ =	vpop (xrf0)  }
0x68: {  	v8 =	vxor.u32 $0x80000000, v7  }
0x69: {  	v6 =	vmov s21;
	(xrf0) =	vmax.scan.msk.u32 $0xffff, v8  }
0x6a: {  	v6 =	vadd.s32 $0xFFFFFFFF, v6  }
0x6b: {  	v6 =	vbroadcast v6, $0x0;
	_ =	sdelay $0x1  }
0x6c: {  	v6 =	vadd.s32 v7, v6  }
0x6d: {  	v6 =	vsel vm0, v6, v3  }
0x6e: {  	v7, _, _ =	vpop (xrf0)  }
0x6f: {  	(v2sf) =	vpush v7, $0xF;
	_ =	sdelay $0x2  }
0x70: {  	s23 =	simm.s32 $0x10;
	s22 =	simm.s32 $0x80;
	[tilespmem:v6+s3+$0x0] =	vst.idx.msk $0xffff, v5  }
.LBB2_6:
0x71: {  	p0 =	sne.s32 s22, $0x9DC0;
	v5 =	vld [tilespmem:s23+$0x0];
	_ =	sdelay $0x4  }
0x72: {  	vm0 =	vlt.s32 v5, $0x2710  }
0x73: {  	v6 =	vsel vm0, $0x1, v2  }
0x74: {  	(xrf0) =	vadd.scan.msk.s32 $0xffff, v6;
	_ =	sdelay $0x3  }
0x75: {  	s23 =	spop (v2sf)  }
0x76: {  	s21 =	sadd.s32 s23, s21  }
0x77: {  	v6, _, _ =	vpop (xrf0);
	s21 =	sadd.s32 $0x80000000, s21  }
0x78: {  	v7 =	vmov s21;
	v8 =	vxor.u32 $0x80000000, v6  }
0x79: {  	v7 =	vadd.s32 $0xFFFFFFFF, v7;
	(xrf0) =	vmax.scan.msk.u32 $0xffff, v8  }
0x7a: {  	v7 =	vbroadcast v7, $0x0;
	_ =	sdelay $0x1  }
0x7b: {  	v6 =	vadd.s32 v6, v7  }
0x7c: {  	v6 =	vsel vm0, v6, v3;
	_ =	sdelay $0x1  }
.Ltmp4:
0x7d: {  	v7, _, _ =	vpop (xrf0);
	(pc) =	sbr.rel @p0 .LBB2_6-.Ltmp4, $3  }
0x7e: {  	(v2sf) =	vpush v7, $0xF;
	_ =	sdelay $0x1  }
0x7f: {  	[tilespmem:v6+s3+$0x0] =	vst.idx.msk $0xffff, v5  }
0x80: {  	s23 =	sshra.s32 s22, $0x2;
	s22 =	sadd.s32 $0x40, s22  }
0x81: {  	v5 =	vld [tilespmem:s23+$0x0];
	_ =	sdelay $0x4  }
0x82: {  	vm0 =	vlt.s32 v5, $0x2710  }
0x83: {  	v6 =	vsel vm0, $0x1, v2  }
0x84: {  	(xrf0) =	vadd.scan.msk.s32 $0xffff, v6;
	_ =	sdelay $0x5  }
0x85: {  	v6, _, _ =	vpop (xrf0)  }
0x86: {  	v7 =	vxor.u32 $0x80000000, v6  }
0x87: {  	(xrf0) =	vmax.scan.msk.u32 $0xffff, v7;
	_ =	sdelay $0x5  }
0x88: {  	v7, _, _ =	vpop (xrf0)  }
0x89: {  	(v2sf) =	vpush v7, $0xF;
	_ =	sdelay $0x6  }
0x8a: {  	s22 =	spop (v2sf)  }
0x8b: {  	s21 =	sadd.s32 s22, s21  }
0x8c: {  	s21 =	sadd.s32 $0x80000000, s21  }
0x8d: {  	v7 =	vmov s21  }
0x8e: {  	v7 =	vadd.s32 $0xFFFFFFFF, v7  }
0x8f: {  	v7 =	vbroadcast v7, $0x0;
	_ =	sdelay $0x1  }
0x90: {  	v6 =	vadd.s32 v6, v7  }
0x91: {  	v6 =	vsel vm0, v6, v3;
	s28 =	spop (v2sf)  }
0x92: {  	s21 =	sadd.s32 s28, s21  }
0x93: {  	s21 =	sadd.s32 $0x80000000, s21  }
0x94: {  	s29 =	sadd.s32 $0x7F, s21  }
0x95: {  	s30 =	sand.u32 $0x7F, s29  }
0x96: {  	[tilespmem:v6+s3+$0x0] =	vst.idx.msk $0xffff, v5;
	s31 =	sshra.s32 s29, $0x1F;
	p1 =	slt.s32 s29, $0x1;
	p0 =	sne.s32 s30, $0x0  }
0x97: {  	[tilespmem:s21+$0x0] =	vst v4;
	s23 =	sshrl.u32 s31, $0x19;
	p0 =	por !p1, !p0  }
0x98: {  	[tilespmem:s21+$0x10] =	vst v4;
	s22 =	sadd.s32 s23, s29;
	s23 =	simm.s32 $0x1;
	p0 =	por !p0, !p0  }
0x99: {  	[tilespmem:s21+$0x20] =	vst v4;
	s22 =	sshra.s32 s22, $0x7;
	s23 =	simm.s32 @!p0 $0x0  }
0x9a: {  	[tilespmem:s21+$0x30] =	vst v4;
	s22 =	ssub.s32 s22, s23  }
0x9b: {  	[tilespmem:s21+$0x40] =	vst v4;
	p0 =	slt.s32 s22, $0x1  }
.Ltmp5:
0x9c: {  	[tilespmem:s21+$0x50] =	vst v4;
	(pc) =	sbr.rel @p0 .LBB2_11-.Ltmp5, $4  }
0x9d: {  	[tilespmem:s21+$0x60] =	vst v4  }
0x9e: {  	[tilespmem:s21+$0x70] =	vst v4  }
0x9f: {  	[bflag:$0x0] =	sbarrier.arrive $0xFFFF  }
0xa0: {  	s21 =	simm.s32 $0x40  }
0xa1: {  	v5 =	vld [tilespmem:s21+$0xFFFFFFC0];
	_ =	sdelay $0x4  }
0xa2: {  	[tilespmem:$0x2880] =	vst v5  }
0xa3: {  	v5 =	vld [tilespmem:s21+$0xFFFFFFD0];
	_ =	sdelay $0x4  }
0xa4: {  	[tilespmem:$0x2890] =	vst v5  }
0xa5: {  	v5 =	vld [tilespmem:s21+$0xFFFFFFE0];
	_ =	sdelay $0x4  }
0xa6: {  	[tilespmem:$0x28A0] =	vst v5  }
0xa7: {  	v5 =	vld [tilespmem:s21+$0xFFFFFFF0];
	_ =	sdelay $0x4  }
0xa8: {  	[tilespmem:$0x28B0] =	vst v5  }
0xa9: {  	v5 =	vld [tilespmem:s21+$0x0];
	_ =	sdelay $0x4  }
0xaa: {  	[tilespmem:$0x28C0] =	vst v5  }
0xab: {  	v5 =	vld [tilespmem:s21+$0x10];
	_ =	sdelay $0x4  }
0xac: {  	[tilespmem:$0x28D0] =	vst v5  }
0xad: {  	v5 =	vld [tilespmem:s21+$0x20];
	_ =	sdelay $0x4  }
0xae: {  	[tilespmem:$0x28E0] =	vst v5  }
0xaf: {  	v5 =	vld [tilespmem:s21+$0x30];
	_ =	sdelay $0x2  }
0xb0: {  	p0 =	sne.s32 s22, $0x1  }
.Ltmp6:
0xb1: {  	_ = 	snop;
	(pc) =	sbr.rel @!p0 .LBB2_10-.Ltmp6, $4  }
0xb2: {  	[tilespmem:$0x28F0] =	vst v5  }
0xb3: {  	[spmem:s2] =	stream.indirect.scatter.add.f32 [tilespmem:s16], [sflag:$0x1], $0x80, s19, s18, $0xb8;
	[tilespmem:$0x1A500] =	vst v63  }
0xb4: {  	_ =	swait.ge [sflag:s17], $0x4000  }
0xb5: {  	s22 =	sadd.s32 $0xFFFFFFFF, s22;
	[sflag:s17] =	ssyncset.done $0x0  }
.LBB2_9:
0xb6: {  	p0 =	sne.s32 s22, $0x1;
	[sflag:s17] =	ssyncadd.s32 $0xFFFFC000;
	s21 =	sadd.s32 $0x80, s21  }
0xb7: {  	s22 =	sadd.s32 $0xFFFFFFFF, s22;
	v5 =	vld [tilespmem:s21+$0xFFFFFFC0];
	_ =	sdelay $0x4  }
0xb8: {  	[tilespmem:$0x2880] =	vst v5  }
0xb9: {  	v5 =	vld [tilespmem:s21+$0xFFFFFFD0];
	_ =	sdelay $0x4  }
0xba: {  	[tilespmem:$0x2890] =	vst v5  }
0xbb: {  	v5 =	vld [tilespmem:s21+$0xFFFFFFE0];
	_ =	sdelay $0x4  }
0xbc: {  	[tilespmem:$0x28A0] =	vst v5  }
0xbd: {  	v5 =	vld [tilespmem:s21+$0xFFFFFFF0];
	_ =	sdelay $0x4  }
0xbe: {  	[tilespmem:$0x28B0] =	vst v5  }
0xbf: {  	v5 =	vld [tilespmem:s21+$0x0];
	_ =	sdelay $0x4  }
0xc0: {  	[tilespmem:$0x28C0] =	vst v5  }
0xc1: {  	v5 =	vld [tilespmem:s21+$0x10];
	_ =	sdelay $0x4  }
0xc2: {  	[tilespmem:$0x28D0] =	vst v5  }
0xc3: {  	v5 =	vld [tilespmem:s21+$0x20];
	_ =	sdelay $0x4  }
0xc4: {  	[tilespmem:$0x28E0] =	vst v5  }
0xc5: {  	v5 =	vld [tilespmem:s21+$0x30];
	_ =	sdelay $0x3  }
.Ltmp7:
0xc6: {  	(pc) =	sbr.rel @p0 .LBB2_9-.Ltmp7, $4  }
0xc7: {  	[tilespmem:$0x28F0] =	vst v5  }
0xc8: {  	[spmem:s2] =	stream.indirect.scatter.add.f32 [tilespmem:s16], [sflag:$0x1], $0x80, s19, s18, $0xb8;
	[tilespmem:$0x1A500] =	vst v63  }
0xc9: {  	_ =	swait.ge [sflag:s17], $0x4000  }
0xca: {  	[sflag:s17] =	ssyncset.done $0x0  }
.Ltmp8:
0xcb: {  	_ = 	snop;
	(pc) =	sbr.rel .LBB2_10-.Ltmp8, $1  }
0xcc: {  	_ =	sdelay $0x3  }
.LBB2_12:
0xcd: {  	_ =	sfence.sel $0x180000  }
0xce: {  	[bflag:$0x0] =	sbarrier.arrive $0xFFFF  }
0xcf: {  	p0 =	sne.s32 s0, $0x0;
	_ =	strace $0x9000004A  }
0xd0: {  	s0 =	sadd.s32 @!p0 $0x100000, s1;
	[bflag:$0x2] =	sbarrier.arrive $0xFFFF  }
0xd1: {  	[sflag:s0] =	ssyncadd.tile.s32 @!p0 $0x1;
	_ =	shalt  }
.Lfunc_end2:
_tile_overlayer_lowered:
.L_overlay_start_2:
0xd2: {  	(tag) =	ssettag $0x2  }
0xd3: {  	s0 =	rddreg [dreg:$0x0];
	s2 =	stileid.u32  }
0xd4: {  	s1 =	rddreg [dreg:$0x1];
	p0 =	sne.s32 s2, $0x0  }
0xd5: {  	s3 =	rddreg [dreg:$0x2];
	[bflag:$0x3] =	sbarrier.arrive $0xFFFF;
	s2 =	simm.s32 @!p0 $0x1C01  }
0xd6: {  	[timem:s3], [sflag:s2] =	dma.local @!p0 [hbm:s0], s1  }
0xd7: {  	s0 =	simm.s32 @!p0 $0x1  }
0xd8: {  	_ =	swait.ge @!p0 [sflag:s0], s1  }
0xd9: {  	s1 =	ssub.s32 @!p0 $0x0, s1;
	[sflag:s0] =	ssyncset.done @!p0 $0x0  }
0xda: {  	[sflag:s0] =	ssyncadd.s32 @!p0 s1  }
0xdb: {  	[bflag:$0x3] =	sbarrier.arrive $0xFFFF  }
0xdc: {  	_ =	shalt  }

// kernel: kernel.17.cloned.1.call-start
scs
__scs_entry_jumppad:
0x0: {  	(pc) =	sbr.rel $0x88, $3  }
0x1: {  	(tag) =	ssettag $0x0;
	lr =	simm.s32 $0x1  }
0x2: {  	[smem:$0x3F96] =	sst lr;
	_ =	strace $0xD0000000  }
0x3: {  	_ = 	snop  }
0x4: {  	_ = 	snop  }
0x5: {  	_ = 	snop  }
0x6: {  	_ = 	snop  }
0x7: {  	_ = 	snop  }
__scs_overlays_trampoline_lowered:
0x8: {  	[smem:$0x3FA5] =	sst s0  }
0x9: {  	[smem:$0x3FA6] =	sst s1  }
0xa: {  	[smem:$0x3FA7] =	sst s2  }
0xb: {  	[smem:$0x3FA8] =	sst s3  }
0xc: {  	[smem:$0x3FA9] =	sst s4  }
0xd: {  	[smem:$0x3FAA] =	sst s5  }
0xe: {  	[smem:$0x3FAB] =	sst s6  }
0xf: {  	[smem:$0x3FAC] =	sst s7  }
0x10: {  	[smem:$0x3FAD] =	sst s8  }
0x11: {  	[smem:$0x3FAE] =	sst s9;
	s0 =	simm.s32 @!p0 $0x0  }
0x12: {  	s1 =	sld [smem:$0x3F94];
	s0 =	simm.s32 @p0 $0x1  }
0x13: {  	[smem:$0x3FAF] =	sst s0;
	s0 =	simm.s32 @!p1 $0x0  }
0x14: {  	s2 =	sld [smem:$0x3F93];
	s0 =	simm.s32 @p1 $0x1  }
0x15: {  	[smem:$0x3FB0] =	sst s0;
	s0 =	simm.s32 @!p2 $0x0  }
0x16: {  	s3 =	sld [smem:$0x3FDB];
	s0 =	simm.s32 @p2 $0x1  }
0x17: {  	s4 =	simm.s32 $0x1BF5;
	[smem:$0x3FB2] =	sst s0  }
0x18: {  	s0 =	sld [smem:$0x3F95];
	_ =	swait.ge [sflag:s4], $0x0  }
0x19: {  	s7 =	sld [smem:$0x3F96]  }
0x1a: {  	s8 =	sadd.s32 $0xFFFFE003, lr  }
0x1b: {  	s9 =	sadd.s32 $0xFFFFFEF7, lr;
	s5 =	simm.s32 $0xFFFFFFFF;
	p2 =	slt.u32 s8, $0xFFFFF086  }
0x1c: {  	p1 =	slt.u32 s9, $0xF7A;
	s5 =	simm.s32 @!p2 $0x0  }
0x1d: {  	s5 =	simm.s32 @p1 $0x1;
	p0 =	seq.s32 s7, s2  }
0x1e: {  	s7 =	smul.u32 @!p0 $0xF7A, s2;
	p2 =	seq.s32 @!p0 s5, $0x0  }
0x1f: {  	s9 =	smul.u32 $0xF7A, s1;
	s8 =	simm.s32 @!p0 $0x1BF5;
	p2 =	por !p2, p0  }
0x20: {  	[sflag:s8] =	ssyncset.s32 @!p0 $0xFFFFF086;
	s6 =	sadd.s32 @!p0 s3, s7;
	s7 =	simm.s32 @!p0 $0x108  }
0x21: {  	s3 =	sadd.s32 s3, s9;
	s6 =	sadd.s32 @!p0 $0x88, s6;
	s7 =	simm.s32 @p2 $0x1082  }
0x22: {  	[simem:s7], [sflag:s8] =	dma.local @!p0 [hbm:s6], $0xF7A  }
0x23: {  	s9 =	sor.u32 $0xD0000000, s2;
	s6 =	simm.s32 $0x108;
	_ =	swait.ge @!p0 [sflag:s8], $0x0  }
0x24: {  	s3 =	sadd.s32 $0x88, s3;
	s6 =	simm.s32 @!p1 $0x1082;
	[sflag:s4] =	ssyncset.s32 $0xFFFFF086  }
0x25: {  	[simem:s6], [sflag:s4] =	dma.local [hbm:s3], $0xF7A  }
0x26: {  	[smem:$0x3F96] =	sst s1;
	(tag) =	ssettag s2;
	_ =	strace s9  }
0x27: {  	s1 =	sld [smem:$0x3FA6]  }
0x28: {  	s2 =	sld [smem:$0x3FA7]  }
0x29: {  	s4 =	sld [smem:$0x3FA9]  }
0x2a: {  	p0 =	seq.s32 s5, $0x0;
	s5 =	sld [smem:$0x3FAA]  }
0x2b: {  	s6 =	sld [smem:$0x3FAB]  }
0x2c: {  	s7 =	sld [smem:$0x3FAC]  }
0x2d: {  	s3 =	simm.s32 $0x108;
	s8 =	sld [smem:$0x3FAD]  }
0x2e: {  	s3 =	simm.s32 @!p0 $0x1082;
	s9 =	sld [smem:$0x3FAE]  }
0x2f: {  	lr =	sadd.s32 s0, s3;
	s0 =	sld [smem:$0x3FA5]  }
0x30: {  	s3 =	sld [smem:$0x3FA8]  }
0x31: {  	[smem:$0x3FB1] =	sst s10  }
0x32: {  	s10 =	sld [smem:$0x3FAF];
	_ =	sdelay $0x3  }
0x33: {  	p0 =	seq.s32 s10, $0x1;
	s10 =	sld [smem:$0x3FB1];
	_ =	sdelay $0x3  }
0x34: {  	[smem:$0x3FB1] =	sst s10  }
0x35: {  	s10 =	sld [smem:$0x3FB0];
	_ =	sdelay $0x3  }
0x36: {  	p1 =	seq.s32 s10, $0x1;
	s10 =	sld [smem:$0x3FB1];
	_ =	sdelay $0x3  }
0x37: {  	[smem:$0x3FB1] =	sst s10  }
0x38: {  	s10 =	sld [smem:$0x3FB2]  }
0x39: {  	_ = 	snop;
	(pc) =	sbr.ind lr, $3  }
0x3a: {  	_ = 	snop  }
0x3b: {  	_ = 	snop  }
0x3c: {  	p2 =	seq.s32 s10, $0x1;
	s10 =	sld [smem:$0x3FB1]  }
0x3d: {  	_ =	shalt  }
0x3e: {  	_ =	shalt  }
0x3f: {  	_ =	shalt  }
0x40: {  	_ =	shalt  }
0x41: {  	_ =	shalt  }
0x42: {  	_ =	shalt  }
0x43: {  	_ =	shalt  }
0x44: {  	_ =	shalt  }
0x45: {  	_ =	shalt  }
0x46: {  	_ =	shalt  }
0x47: {  	_ =	shalt  }
0x48: {  	_ =	shalt  }
0x49: {  	_ =	shalt  }
0x4a: {  	_ =	shalt  }
0x4b: {  	_ =	shalt  }
0x4c: {  	_ =	shalt  }
0x4d: {  	_ =	shalt  }
0x4e: {  	_ =	shalt  }
0x4f: {  	_ =	shalt  }
0x50: {  	_ =	shalt  }
0x51: {  	_ =	shalt  }
0x52: {  	_ =	shalt  }
0x53: {  	_ =	shalt  }
0x54: {  	_ =	shalt  }
0x55: {  	_ =	shalt  }
0x56: {  	_ =	shalt  }
0x57: {  	_ =	shalt  }
0x58: {  	_ =	shalt  }
0x59: {  	_ =	shalt  }
0x5a: {  	_ =	shalt  }
0x5b: {  	_ =	shalt  }
0x5c: {  	_ =	shalt  }
0x5d: {  	_ =	shalt  }
0x5e: {  	_ =	shalt  }
0x5f: {  	_ =	shalt  }
0x60: {  	_ =	shalt  }
0x61: {  	_ =	shalt  }
0x62: {  	_ =	shalt  }
0x63: {  	_ =	shalt  }
0x64: {  	_ =	shalt  }
0x65: {  	_ =	shalt  }
0x66: {  	_ =	shalt  }
0x67: {  	_ =	shalt  }
0x68: {  	_ =	shalt  }
0x69: {  	_ =	shalt  }
0x6a: {  	_ =	shalt  }
0x6b: {  	_ =	shalt  }
0x6c: {  	_ =	shalt  }
0x6d: {  	_ =	shalt  }
0x6e: {  	_ =	shalt  }
0x6f: {  	_ =	shalt  }
0x70: {  	_ =	shalt  }
0x71: {  	_ =	shalt  }
0x72: {  	_ =	shalt  }
0x73: {  	_ =	shalt  }
0x74: {  	_ =	shalt  }
0x75: {  	_ =	shalt  }
0x76: {  	_ =	shalt  }
0x77: {  	_ =	shalt  }
0x78: {  	_ =	shalt  }
0x79: {  	_ =	shalt  }
0x7a: {  	_ =	shalt  }
0x7b: {  	_ =	shalt  }
0x7c: {  	_ =	shalt  }
0x7d: {  	_ =	shalt  }
0x7e: {  	_ =	shalt  }
0x7f: {  	_ =	shalt  }
0x80: {  	_ =	shalt  }
0x81: {  	_ =	shalt  }
0x82: {  	_ =	shalt  }
0x83: {  	_ =	shalt  }
0x84: {  	_ =	shalt  }
0x85: {  	_ =	shalt  }
0x86: {  	_ =	shalt  }
0x87: {  	_ =	shalt  }
.Lfunc_end0:
.L_simem_size_0:
called_computation.2_lowered:
.L_overlay_start_0:
0x88: {  	s2 =	sld [smem:$0x3FD9]  }
0x89: {  	s3 =	sld [smem:$0x3FFE];
	_ =	sdelay $0x1  }
0x8a: {  	s1 =	srdreg.scid  }
0x8b: {  	s0 =	sand.u32 $0x1, s1  }
0x8c: {  	s17 =	sshll.u32 s0, $0xA;
	s2 =	sadd.s32 s3, s2  }
0x8d: {  	s2 =	sadd.s32 s2, s17  }
0x8e: {  	[smem:$0x3FBD] =	sst s2  }
0x8f: {  	_ = 	snop  }
0x90: {  	(tm) =	ssettm $0x1  }
0x91: {  	s18 =	sld [smem:$0x3FFB];
	_ =	sdelay $0x3  }
0x92: {  	_ =	strace s18  }
0x93: {  	s2 =	sld [smem:$0x3FFC];
	_ =	sdelay $0x3  }
0x94: {  	_ =	strace s2  }
0x95: {  	s2 =	sld [smem:$0x3FFD];
	_ =	sdelay $0x3  }
0x96: {  	_ =	strace s2  }
0x97: {  	_ =	strace $0x8FFFFFFF  }
0x98: {  	s19 =	sld [smem:$0x3FDB];
	_ =	sdelay $0x1  }
0x99: {  	s20 =	simm.s32 $_scs_section_size  }
0x9a: {  	s4 =	simm.s32 $_size__tile_overlayer_lowered;
	s5 =	simm.s32 $_tile_overlayer_lowered  }
0x9b: {  	s6 =	simm.s32 $0x1BFF;
	s21 =	sshll.u32 s5, $0x1;
	s3 =	sadd.s32 s20, s19  }
0x9c: {  	s22 =	simm.s32 $0x0;
	s4 =	sshll.u32 s4, $0x1;
	s5 =	sadd.s32 s21, s3  }
0x9d: {  	[timem:s22], [sflag:s6] =	dma.local [hbm:s5], s4  }
0x9e: {  	_ =	swait.ge [sflag:s6], s4  }
0x9f: {  	s4 =	ssub.s32 $0x0, s4;
	[sflag:s6] =	ssyncset.done $0x0  }
0xa0: {  	[sflag:s6] =	ssyncadd.s32 s4;
	_ =	sdelay $0x1  }
0xa1: {  	s23 =	simm.s32 $0x1B8B  }
0xa2: {  	_ =	swait.ge [sflag:s23], $0x1  }
0xa3: {  	[sflag:s23] =	ssyncset.done $0x0  }
0xa4: {  	[sflag:s23] =	ssyncadd.s32 $0xFFFFFFFF  }
0xa5: {  	s4 =	sld [smem:$0x0]  }
0xa6: {  	s5 =	sand.u32 $0xFFFFFFFE, s1  }
0xa7: {  	p0 =	sne.s32 s1, s5  }
0xa8: {  	s5 =	sshll.u32 @p0 s5, $0xE  }
0xa9: {  	s5 =	sadd.s32 @p0 $0x11B8D, s5;
	s6 =	sshll.u32 @p0 s4, $0x11  }
0xaa: {  	s5 =	sor.u32 @p0 s6, s5  }
0xab: {  	[sflag:s5] =	ssyncadd.remote.s32 @p0 $0x1;
	_ =	sdelay $0x1  }
0xac: {  	s5 =	simm.s32 @p0 $0x1B8D  }
0xad: {  	_ =	swait.eq @p0 [sflag:s5], $0x1  }
0xae: {  	[sflag:s5] =	ssyncadd.s32 @p0 $0xFFFFFFFF  }
0xaf: {  	s6 =	sshll.u32 @!p0 s1, $0xE  }
0xb0: {  	s6 =	sor.u32 @!p0 $0x4000, s6;
	s5 =	simm.s32 @!p0 $0x1B8D  }
0xb1: {  	s4 =	sshll.u32 @!p0 s4, $0x11;
	s6 =	sadd.s32 @!p0 $0x11B8D, s6;
	_ =	swait.eq @!p0 [sflag:s5], $0x1  }
0xb2: {  	s4 =	sor.u32 @!p0 s4, s6;
	[sflag:s5] =	ssyncadd.s32 @!p0 $0xFFFFFFFF  }
0xb3: {  	s25 =	simm.s32 $0x1B8E;
	s24 =	sld [smem:$0x3FFE];
	[sflag:s4] =	ssyncadd.remote.s32 @!p0 $0x1  }
0xb4: {  	s26 =	simm.s32 $execute0_lowered;
	[smem:$0x3FD2] =	sst s25  }
0xb5: {  	s5 =	sshll.u32 s26, $0x1;
	_ =	strace $0x8000004C;
	[dreg:$0x1] =	wrdreg $0xFFFFFFFF  }
0xb6: {  	s28 =	simm.s32 $_size_execute0_lowered;
	s3 =	sadd.s32 s3, s5;
	[dreg:$0x0] =	wrdreg $0x0  }
0xb7: {  	s5 =	sshll.u32 s28, $0x1;
	[dreg:$0x2] =	wrdreg s3  }
0xb8: {  	[dreg:$0x3] =	wrdreg s5  }
0xb9: {  	[dreg:$0x4] =	wrdreg $0xC0  }
0xba: {  	_ =	task [dreg:s22], $0x5FFFF  }
0xbb: {  	[dreg:$0x1] =	wrdreg $0xFFFFFFFF  }
0xbc: {  	[dreg:$0x0] =	wrdreg $0x60  }
0xbd: {  	[dreg:$0x2] =	wrdreg s24  }
0xbe: {  	[dreg:$0x3] =	wrdreg $0x92000  }
0xbf: {  	[dreg:$0x4] =	wrdreg $0xA  }
0xc0: {  	_ =	task.clear_ibuf [dreg:s22], $0x5FFFF;
	_ =	strace $0x9000004C  }
0xc1: {  	s29 =	simm.s32 $0xA;
	_ =	strace $0x8000004E  }
0xc2: {  	_ =	swait.ge [sflag:s29], $0x1  }
0xc3: {  	[sflag:s29] =	ssyncadd.s32 $0xFFFFFFFF  }
0xc4: {  	_ =	strace $0x9000004E  }
0xc5: {  	_ =	sfence  }
0xc6: {  	s30 =	sld [smem:$0x0];
	_ =	sdelay $0x2  }
0xc7: {  	s31 =	sshll.u32 s1, $0xD;
	s1 =	sshrl.u32 s1, $0x2  }
0xc8: {  	s4 =	sand.u32 $0x4000, s31;
	s1 =	sadd.s32 s1, s30  }
0xc9: {  	s0 =	sor.u32 s4, s0;
	s1 =	sshll.u32 s1, $0x11  }
0xca: {  	s0 =	sor.u32 s1, s0  }
0xcb: {  	s0 =	sadd.s32 $0x8F2B, s0  }
0xcc: {  	[sflag:s0] =	ssyncadd.remote.s32 $0x1  }
0xcd: {  	_ =	sfence.sel $0xFFFF  }
0xce: {  	[dreg:$0x0] =	wrdreg $0xFFFFFFFF;
	(pc) =	sbr.abs _section_cstart, $3  }
0xcf: {  	[dreg:$0x1] =	wrdreg $0xFFFFFFFF  }
0xd0: {  	_ =	task.clear_ibuf [dreg:s22], $0x2FFFF;
	_ =	strace $0x9FFFFFFF  }
0xd1: {  	(tm) =	ssettm $0x7FFFFFFF  }
tec
execute0_lowered:
.L_overlay_start_1:
0x0: {  	(tag) =	ssettag $0x1  }
0x1: {  	s1 =	srdreg.scid;
	s5 =	rddreg [dreg:$0x0]  }
0x2: {  	s0 =	stileid.u32;
	s2 =	rddreg [dreg:$0x1]  }
0x3: {  	s3 =	simm.s32 $0x0;
	s21 =	simm.s32 $0x1;
	s22 =	simm.s32 $0x80  }
0x4: {  	s23 =	simm.s32 $0x5100;
	s24 =	simm.s32 $0x5180;
	s25 =	simm.s32 $0x0  }
0x5: {  	s7 =	sand.u32 $0x1, s1;
	s1 =	rddreg [dreg:$0x2];
	s6 =	smul.u32 $0x4F000, s0  }
0x6: {  	s30 =	sshll.u32 s0, $0x1;
	[smem:$0x7FF] =	sst s3;
	s10 =	smul.u32 $0x13C00, s0  }
0x7: {  	s16 =	sadd.s32 $0x1CDA00, s5;
	s4 =	sor.u32 s7, s30;
	s18 =	smul.u32 $0x13C000, s7  }
0x8: {  	_ =	strace $0x8000004D;
	s31 =	ssub.s32 $0x2, s7;
	s4 =	smul.u32 $0x4F0, s4  }
0x9: {  	s8 =	sshrl.u32 s31, $0x1;
	s6 =	sshrl.u32 s6, $0x2;
	s12 =	sadd.s32 $0x4000, s10  }
0xa: {  	s14 =	sadd.s32 $0x8000, s10;
	s15 =	sadd.s32 $0xC000, s10;
	s19 =	sadd.s32 $0x10000, s10  }
0xb: {  	s17 =	ssub.s32 s31, s8;
	s7 =	sadd.s32 s14, s2;
	s8 =	sadd.s32 s15, s2  }
0xc: {  	s9 =	sadd.s32 s19, s2;
	s13 =	sadd.s32 s10, s18;
	s14 =	sadd.s32 s18, s14  }
0xd: {  	s15 =	sadd.s32 s18, s15;
	s11 =	sadd.s32 s4, s5;
	s4 =	sadd.s32 $0x95200, s5  }
0xe: {  	s5 =	sadd.s32 s6, s2;
	s6 =	sadd.s32 s12, s2;
	s12 =	sadd.s32 s18, s12  }
0xf: {  	s13 =	sshrl.u32 s13, $0x3;
	s18 =	sadd.s32 s18, s19;
	s14 =	sshrl.u32 s14, $0x3  }
.Ltmp0:
0x10: {  	s15 =	sshrl.u32 s15, $0x3;
	s17 =	smax.u32 s17, $0x1;
	(pc) =	sbr.rel .LBB2_1-.Ltmp0, $4  }
0x11: {  	s19 =	simm.s32 $0x2;
	s10 =	sadd.s32 $0x8B400, s11;
	s20 =	sshrl.u32 s12, $0x3  }
0x12: {  	s11 =	sadd.s32 $0x32600, s11;
	s12 =	sadd.s32 s16, s13;
	s18 =	sshrl.u32 s18, $0x3  }
0x13: {  	v0 =	vimm.f32 $0.0e+00;
	v2 =	vlaneseq.u32;
	s14 =	sadd.s32 s16, s14;
	s15 =	sadd.s32 s16, s15;
	s13 =	sadd.s32 s16, s20  }
0x14: {  	v1 =	vimm.s32 $0x0;
	v3 =	vimm.s32 $0x2710;
	v2 =	vor.u32 $0x2800, v2;
	s16 =	sadd.s32 s16, s18;
	s18 =	simm.s32 $0x5200;
	s20 =	simm.s32 $0x2880  }
.LBB2_8:
0x15: {  	[sflag:s19] =	ssyncadd.s32 $0xFFFFC000  }
.LBB2_9:
0x16: {  	s26 =	sshll.u32 s0, $0x6  }
0x17: {  	[bflag:$0x0] =	sbarrier.arrive $0xFFFF;
	s28 =	sshrl.u32 s5, $0x3;
	s26 =	sor.u32 $0x1C02, s26  }
0x18: {  	[hbm:s12], [sflag:s26] =	dma.local [spmem:s28], $0x800  }
0x19: {  	_ =	swait.ge [sflag:s19], $0x800  }
0x1a: {  	[sflag:s19] =	ssyncset.done $0x0  }
0x1b: {  	s31 =	sshrl.u32 s6, $0x3;
	[sflag:s19] =	ssyncadd.s32 $0xFFFFF800  }
0x1c: {  	[hbm:s13], [sflag:s26] =	dma.local [spmem:s31], $0x800  }
0x1d: {  	_ =	swait.ge [sflag:s19], $0x800  }
0x1e: {  	[sflag:s19] =	ssyncset.done $0x0  }
0x1f: {  	s29 =	sshrl.u32 s7, $0x3;
	[sflag:s19] =	ssyncadd.s32 $0xFFFFF800  }
0x20: {  	[hbm:s14], [sflag:s26] =	dma.local [spmem:s29], $0x800  }
0x21: {  	_ =	swait.ge [sflag:s19], $0x800  }
0x22: {  	[sflag:s19] =	ssyncset.done $0x0  }
0x23: {  	s30 =	sshrl.u32 s8, $0x3;
	[sflag:s19] =	ssyncadd.s32 $0xFFFFF800  }
0x24: {  	[hbm:s15], [sflag:s26] =	dma.local [spmem:s30], $0x800  }
0x25: {  	s25 =	sadd.s32 $0x1, s25;
	_ =	swait.ge [sflag:s19], $0x800  }
0x26: {  	p0 =	sne.s32 s25, s17;
	[sflag:s19] =	ssyncset.done $0x0  }
.Ltmp1:
0x27: {  	s31 =	sshrl.u32 s9, $0x3;
	[sflag:s19] =	ssyncadd.s32 $0xFFFFF800;
	(pc) =	sbr.rel @!p0 .LBB2_10-.Ltmp1, $4  }
0x28: {  	[hbm:s16], [sflag:s26] =	dma.local [spmem:s31], $0x780  }
0x29: {  	_ =	swait.ge [sflag:s19], $0x780  }
0x2a: {  	[sflag:s19] =	ssyncset.done $0x0  }
0x2b: {  	[sflag:s19] =	ssyncadd.s32 $0xFFFFF880  }
.LBB2_1:
0x2c: {  	s26 =	simm.s32 $0x0;
	s28 =	simm.s32 $0x200  }
.LBB2_2:
0x2d: {  	p0 =	sne.s32 s28, $0xFE00;
	[tilespmem:s26+$0x5270] =	vst v0  }
0x2e: {  	[tilespmem:s26+$0x5200] =	vst v0  }
0x2f: {  	[tilespmem:s26+$0x5210] =	vst v0  }
.Ltmp2:
0x30: {  	[tilespmem:s26+$0x5220] =	vst v0;
	(pc) =	sbr.rel @p0 .LBB2_2-.Ltmp2, $4  }
0x31: {  	[tilespmem:s26+$0x5230] =	vst v0  }
0x32: {  	[tilespmem:s26+$0x5240] =	vst v0  }
0x33: {  	[tilespmem:s26+$0x5250] =	vst v0  }
0x34: {  	[tilespmem:s26+$0x5260] =	vst v0;
	s26 =	sshra.s32 s28, $0x2;
	s28 =	sadd.s32 $0x200, s28  }
0x35: {  	[tilespmem:s26+$0x5270] =	vst v0  }
0x36: {  	[tilespmem:s26+$0x5200] =	vst v0  }
0x37: {  	[tilespmem:s26+$0x5210] =	vst v0  }
0x38: {  	[tilespmem:s26+$0x5220] =	vst v0  }
0x39: {  	[tilespmem:s26+$0x5230] =	vst v0  }
0x3a: {  	[tilespmem:s26+$0x5240] =	vst v0  }
0x3b: {  	[tilespmem:s26+$0x5250] =	vst v0  }
0x3c: {  	[tilespmem:s26+$0x5260] =	vst v0  }
0x3d: {  	[spmem:s5] =	stream.linear.scatter [tilespmem:s18], [sflag:$0x2], $0x4000, $0x38;
	[tilespmem:$0x1CE00] =	vst v63  }
0x3e: {  	_ =	swait.ge [sflag:s19], $0x4000  }
0x3f: {  	[sflag:s19] =	ssyncset.done $0x0  }
0x40: {  	[sflag:s19] =	ssyncadd.s32 $0xFFFFC000  }
0x41: {  	[spmem:s6] =	stream.linear.scatter [tilespmem:s18], [sflag:$0x2], $0x4000, $0x38;
	[tilespmem:$0x1CE00] =	vst v63  }
0x42: {  	_ =	swait.ge [sflag:s19], $0x4000  }
0x43: {  	[sflag:s19] =	ssyncset.done $0x0  }
0x44: {  	[sflag:s19] =	ssyncadd.s32 $0xFFFFC000  }
0x45: {  	[spmem:s7] =	stream.linear.scatter [tilespmem:s18], [sflag:$0x2], $0x4000, $0x38;
	[tilespmem:$0x1CE00] =	vst v63  }
0x46: {  	_ =	swait.ge [sflag:s19], $0x4000  }
0x47: {  	[sflag:s19] =	ssyncset.done $0x0  }
0x48: {  	[sflag:s19] =	ssyncadd.s32 $0xFFFFC000  }
0x49: {  	[spmem:s8] =	stream.linear.scatter [tilespmem:s18], [sflag:$0x2], $0x4000, $0x38;
	[tilespmem:$0x1CE00] =	vst v63  }
0x4a: {  	_ =	swait.ge [sflag:s19], $0x4000  }
0x4b: {  	[sflag:s19] =	ssyncset.done $0x0  }
0x4c: {  	[sflag:s19] =	ssyncadd.s32 $0xFFFFC000  }
0x4d: {  	[spmem:s9] =	stream.linear.scatter [tilespmem:s18], [sflag:$0x2], $0x3C00, $0x38;
	[tilespmem:$0x1CE00] =	vst v63  }
0x4e: {  	_ =	swait.ge [sflag:s19], $0x3C00  }
0x4f: {  	[sflag:s19] =	ssyncset.done $0x0  }
0x50: {  	s26 =	simm.s32 $0x0;
	[sflag:s19] =	ssyncadd.s32 $0xFFFFC400  }
0x51: {  	[tilespmem:s26], [sflag:$0x2] =	stream.linear.gather [hbm4b:s10+s26], $0x2780, $0x38;
	[tilespmem:$0x1CE00] =	vst v63  }
0x52: {  	_ =	swait.ge [sflag:s19], $0x2780  }
0x53: {  	[sflag:s19] =	ssyncset.done $0x0  }
0x54: {  	[sflag:s19] =	ssyncadd.s32 $0xFFFFD880  }
0x55: {  	[tilespmem:s20], [sflag:$0x2] =	stream.linear.gather [hbm4b:s11+s26], $0x2780, $0x38;
	[tilespmem:$0x1CE00] =	vst v63  }
0x56: {  	_ =	swait.ge [sflag:s19], $0x2780  }
0x57: {  	[sflag:s19] =	ssyncset.done $0x0  }
0x58: {  	s28 =	simm.s32 $0x0;
	[sflag:s19] =	ssyncadd.s32 $0xFFFFD880  }
0x59: {  	v4 =	vld [tilespmem:s28+$0x2880];
	_ =	sdelay $0x4  }
0x5a: {  	vm0 =	vlt.s32 v4, $0x2710  }
0x5b: {  	v5 =	vsel vm0, $0x1, v1  }
0x5c: {  	(xrf0) =	vadd.scan.msk.s32 $0xffff, v5;
	_ =	sdelay $0x5  }
0x5d: {  	v6, _, _ =	vpop (xrf0)  }
0x5e: {  	v5 =	vmov s26;
	v7 =	vxor.u32 $0x80000000, v6  }
0x5f: {  	v5 =	vadd.s32 $0xFFFFFFFF, v5;
	(xrf0) =	vmax.scan.msk.u32 $0xffff, v7  }
0x60: {  	v5 =	vbroadcast v5, $0x0;
	_ =	sdelay $0x1  }
0x61: {  	v5 =	vadd.s32 v6, v5  }
0x62: {  	v5 =	vsel vm0, v5, v2  }
0x63: {  	v63 =	vld [tilespmem:s28+$0x0]  }
0x64: {  	v7, _, _ =	vpop (xrf0)  }
0x65: {  	(v2sf) =	vpush v7, $0xF;
	_ =	sdelay $0x1  }
0x66: {  	[tilespmem:v5+s20+$0x0] =	vst.idx.msk $0xffff, v4  }
0x67: {  	s29 =	simm.s32 $0x80;
	s28 =	simm.s32 $0x10;
	[tilespmem:v5+s3+$0x0] =	vst.idx.msk $0xffff, v63  }
.LBB2_4:
0x68: {  	p0 =	sne.s32 s29, $0x9DC0;
	v4 =	vld [tilespmem:s28+$0x2880];
	_ =	sdelay $0x4  }
0x69: {  	vm0 =	vlt.s32 v4, $0x2710  }
0x6a: {  	v5 =	vsel vm0, $0x1, v1  }
0x6b: {  	(xrf0) =	vadd.scan.msk.s32 $0xffff, v5;
	_ =	sdelay $0x3  }
0x6c: {  	s30 =	spop (v2sf)  }
0x6d: {  	s26 =	sadd.s32 s30, s26  }
0x6e: {  	v5, _, _ =	vpop (xrf0);
	s26 =	sadd.s32 $0x80000000, s26  }
0x6f: {  	v6 =	vmov s26;
	v7 =	vxor.u32 $0x80000000, v5  }
0x70: {  	v6 =	vadd.s32 $0xFFFFFFFF, v6;
	(xrf0) =	vmax.scan.msk.u32 $0xffff, v7  }
0x71: {  	v6 =	vbroadcast v6, $0x0;
	_ =	sdelay $0x1  }
0x72: {  	v5 =	vadd.s32 v5, v6  }
0x73: {  	v5 =	vsel vm0, v5, v2  }
0x74: {  	v6 =	vld [tilespmem:s28+$0x0]  }
.Ltmp3:
0x75: {  	v7, _, _ =	vpop (xrf0);
	(pc) =	sbr.rel @p0 .LBB2_4-.Ltmp3, $3  }
0x76: {  	(v2sf) =	vpush v7, $0xF;
	_ =	sdelay $0x1  }
0x77: {  	[tilespmem:v5+s20+$0x0] =	vst.idx.msk $0xffff, v4  }
0x78: {  	s28 =	sshra.s32 s29, $0x2;
	s29 =	sadd.s32 $0x40, s29;
	[tilespmem:v5+s3+$0x0] =	vst.idx.msk $0xffff, v6  }
0x79: {  	v4 =	vld [tilespmem:s28+$0x2880];
	_ =	sdelay $0x4  }
0x7a: {  	vm0 =	vlt.s32 v4, $0x2710  }
0x7b: {  	v5 =	vsel vm0, $0x1, v1  }
0x7c: {  	(xrf0) =	vadd.scan.msk.s32 $0xffff, v5;
	_ =	sdelay $0x5  }
0x7d: {  	v5, _, _ =	vpop (xrf0)  }
0x7e: {  	v6 =	vxor.u32 $0x80000000, v5  }
0x7f: {  	(xrf0) =	vmax.scan.msk.u32 $0xffff, v6;
	_ =	sdelay $0x5  }
0x80: {  	v6, _, _ =	vpop (xrf0)  }
0x81: {  	(v2sf) =	vpush v6, $0xF;
	_ =	sdelay $0x2  }
0x82: {  	s29 =	spop (v2sf)  }
0x83: {  	s26 =	sadd.s32 s29, s26  }
0x84: {  	s26 =	sadd.s32 $0x80000000, s26  }
0x85: {  	v62 =	vmov s26  }
0x86: {  	v6 =	vadd.s32 $0xFFFFFFFF, v62  }
0x87: {  	v6 =	vbroadcast v6, $0x0;
	_ =	sdelay $0x1  }
0x88: {  	v5 =	vadd.s32 v5, v6  }
0x89: {  	v5 =	vsel vm0, v5, v2  }
0x8a: {  	v63 =	vld [tilespmem:s28+$0x0];
	_ =	sdelay $0x2  }
0x8b: {  	s30 =	spop (v2sf)  }
0x8c: {  	[tilespmem:v5+s20+$0x0] =	vst.idx.msk $0xffff, v4;
	s26 =	sadd.s32 s30, s26  }
0x8d: {  	[tilespmem:v5+s3+$0x0] =	vst.idx.msk $0xffff, v63;
	s26 =	sadd.s32 $0x80000000, s26  }
0x8e: {  	[tilespmem:s26+$0x2880] =	vst v3  }
0x8f: {  	[tilespmem:s26+$0x0] =	vst v1  }
0x90: {  	[tilespmem:s26+$0x2890] =	vst v3  }
0x91: {  	[tilespmem:s26+$0x10] =	vst v1  }
0x92: {  	[tilespmem:s26+$0x28A0] =	vst v3  }
0x93: {  	[tilespmem:s26+$0x20] =	vst v1;
	s31 =	sadd.s32 $0x7F, s26  }
0x94: {  	[tilespmem:s26+$0x28B0] =	vst v3;
	s29 =	sand.u32 $0x7F, s31  }
0x95: {  	[tilespmem:s26+$0x30] =	vst v1;
	p1 =	slt.s32 s31, $0x1;
	p0 =	sne.s32 s29, $0x0;
	s29 =	sshra.s32 s31, $0x1F  }
0x96: {  	[tilespmem:s26+$0x28C0] =	vst v3;
	s29 =	sshrl.u32 s29, $0x19;
	p0 =	por !p1, !p0  }
0x97: {  	[tilespmem:s26+$0x40] =	vst v1;
	s28 =	sadd.s32 s29, s31;
	p0 =	por !p0, !p0;
	s29 =	simm.s32 $0x1  }
0x98: {  	[tilespmem:s26+$0x28D0] =	vst v3;
	s28 =	sshra.s32 s28, $0x7;
	s29 =	simm.s32 @!p0 $0x0  }
0x99: {  	[tilespmem:s26+$0x50] =	vst v1;
	s29 =	ssub.s32 s28, s29  }
0x9a: {  	[tilespmem:s26+$0x28E0] =	vst v3;
	p0 =	slt.s32 s29, $0x1  }
.Ltmp4:
0x9b: {  	[tilespmem:s26+$0x60] =	vst v1;
	(pc) =	sbr.rel @p0 .LBB2_9-.Ltmp4, $3  }
0x9c: {  	[tilespmem:s26+$0x28F0] =	vst v3  }
0x9d: {  	[tilespmem:s26+$0x70] =	vst v1  }
0x9e: {  	[bflag:$0x0] =	sbarrier.arrive $0xFFFF;
	_ =	sdelay $0x1  }
0x9f: {  	s26 =	simm.s32 $0x40  }
0xa0: {  	v4 =	vld [tilespmem:s26+$0xFFFFFFC0];
	_ =	sdelay $0x4  }
0xa1: {  	s28 =	simm.s32 $0x28C0;
	[tilespmem:$0x5100] =	vst v4  }
0xa2: {  	v4 =	vld [tilespmem:s28+$0xFFFFFFC0];
	_ =	sdelay $0x4  }
0xa3: {  	[tilespmem:$0x5180] =	vst v4  }
0xa4: {  	v4 =	vld [tilespmem:s26+$0xFFFFFFD0];
	_ =	sdelay $0x4  }
0xa5: {  	[tilespmem:$0x5110] =	vst v4  }
0xa6: {  	v4 =	vld [tilespmem:s28+$0xFFFFFFD0];
	_ =	sdelay $0x4  }
0xa7: {  	[tilespmem:$0x5190] =	vst v4  }
0xa8: {  	v4 =	vld [tilespmem:s26+$0xFFFFFFE0];
	_ =	sdelay $0x4  }
0xa9: {  	[tilespmem:$0x5120] =	vst v4  }
0xaa: {  	v4 =	vld [tilespmem:s28+$0xFFFFFFE0];
	_ =	sdelay $0x4  }
0xab: {  	[tilespmem:$0x51A0] =	vst v4  }
0xac: {  	v4 =	vld [tilespmem:s26+$0xFFFFFFF0];
	_ =	sdelay $0x4  }
0xad: {  	[tilespmem:$0x5130] =	vst v4  }
0xae: {  	v4 =	vld [tilespmem:s28+$0xFFFFFFF0];
	_ =	sdelay $0x4  }
0xaf: {  	[tilespmem:$0x51B0] =	vst v4  }
0xb0: {  	v4 =	vld [tilespmem:s26+$0x0];
	_ =	sdelay $0x4  }
0xb1: {  	[tilespmem:$0x5140] =	vst v4  }
0xb2: {  	v4 =	vld [tilespmem:s28+$0x0];
	_ =	sdelay $0x4  }
0xb3: {  	[tilespmem:$0x51C0] =	vst v4  }
0xb4: {  	v4 =	vld [tilespmem:s26+$0x10];
	_ =	sdelay $0x4  }
0xb5: {  	[tilespmem:$0x5150] =	vst v4  }
0xb6: {  	v4 =	vld [tilespmem:s28+$0x10];
	_ =	sdelay $0x4  }
0xb7: {  	[tilespmem:$0x51D0] =	vst v4  }
0xb8: {  	v4 =	vld [tilespmem:s26+$0x20];
	_ =	sdelay $0x4  }
0xb9: {  	[tilespmem:$0x5160] =	vst v4  }
0xba: {  	v4 =	vld [tilespmem:s28+$0x20];
	_ =	sdelay $0x4  }
0xbb: {  	[tilespmem:$0x51E0] =	vst v4  }
0xbc: {  	v4 =	vld [tilespmem:s26+$0x30];
	_ =	sdelay $0x4  }
0xbd: {  	[tilespmem:$0x5170] =	vst v4  }
0xbe: {  	v4 =	vld [tilespmem:s28+$0x30];
	_ =	sdelay $0x4  }
0xbf: {  	[tilespmem:$0x51F0] =	vst v4  }
0xc0: {  	[tilespmem:s18], [sflag:$0x1] =	stream.indirect.gather [hbm4b:s4+s22], $0x80, s23, s22, $0xb8;
	[tilespmem:$0x1CE00] =	vst v63  }
0xc1: {  	p0 =	sne.s32 s29, $0x1;
	_ =	swait.ge [sflag:s21], $0x4000  }
.Ltmp5:
0xc2: {  	[sflag:s21] =	ssyncset.done $0x0;
	(pc) =	sbr.rel @!p0 .LBB2_8-.Ltmp5, $4  }
0xc3: {  	[sflag:s21] =	ssyncadd.s32 $0xFFFFC000  }
0xc4: {  	[spmem:s2] =	stream.indirect.scatter.add.f32 [tilespmem:s18], [sflag:$0x2], $0x80, s24, s22, $0xb8;
	[tilespmem:$0x1CE00] =	vst v63  }
0xc5: {  	_ =	swait.ge [sflag:s19], $0x4000  }
0xc6: {  	s29 =	sadd.s32 $0xFFFFFFFF, s29;
	[sflag:s19] =	ssyncset.done $0x0  }
.LBB2_7:
0xc7: {  	[sflag:s19] =	ssyncadd.s32 $0xFFFFC000;
	s26 =	sadd.s32 $0x80, s26;
	s28 =	sadd.s32 $0x80, s28  }
0xc8: {  	p0 =	sne.s32 s29, $0x1;
	s29 =	sadd.s32 $0xFFFFFFFF, s29;
	v4 =	vld [tilespmem:s26+$0xFFFFFFC0];
	_ =	sdelay $0x4  }
0xc9: {  	[tilespmem:$0x5100] =	vst v4  }
0xca: {  	v4 =	vld [tilespmem:s28+$0xFFFFFFC0];
	_ =	sdelay $0x4  }
0xcb: {  	[tilespmem:$0x5180] =	vst v4  }
0xcc: {  	v4 =	vld [tilespmem:s26+$0xFFFFFFD0];
	_ =	sdelay $0x4  }
0xcd: {  	[tilespmem:$0x5110] =	vst v4  }
0xce: {  	v4 =	vld [tilespmem:s28+$0xFFFFFFD0];
	_ =	sdelay $0x4  }
0xcf: {  	[tilespmem:$0x5190] =	vst v4  }
0xd0: {  	v4 =	vld [tilespmem:s26+$0xFFFFFFE0];
	_ =	sdelay $0x4  }
0xd1: {  	[tilespmem:$0x5120] =	vst v4  }
0xd2: {  	v4 =	vld [tilespmem:s28+$0xFFFFFFE0];
	_ =	sdelay $0x4  }
0xd3: {  	[tilespmem:$0x51A0] =	vst v4  }
0xd4: {  	v4 =	vld [tilespmem:s26+$0xFFFFFFF0];
	_ =	sdelay $0x4  }
0xd5: {  	[tilespmem:$0x5130] =	vst v4  }
0xd6: {  	v4 =	vld [tilespmem:s28+$0xFFFFFFF0];
	_ =	sdelay $0x4  }
0xd7: {  	[tilespmem:$0x51B0] =	vst v4  }
0xd8: {  	v4 =	vld [tilespmem:s26+$0x0];
	_ =	sdelay $0x4  }
0xd9: {  	[tilespmem:$0x5140] =	vst v4  }
0xda: {  	v4 =	vld [tilespmem:s28+$0x0];
	_ =	sdelay $0x4  }
0xdb: {  	[tilespmem:$0x51C0] =	vst v4  }
0xdc: {  	v4 =	vld [tilespmem:s26+$0x10];
	_ =	sdelay $0x4  }
0xdd: {  	[tilespmem:$0x5150] =	vst v4  }
0xde: {  	v4 =	vld [tilespmem:s28+$0x10];
	_ =	sdelay $0x4  }
0xdf: {  	[tilespmem:$0x51D0] =	vst v4  }
0xe0: {  	v4 =	vld [tilespmem:s26+$0x20];
	_ =	sdelay $0x4  }
0xe1: {  	[tilespmem:$0x5160] =	vst v4  }
0xe2: {  	v4 =	vld [tilespmem:s28+$0x20];
	_ =	sdelay $0x4  }
0xe3: {  	[tilespmem:$0x51E0] =	vst v4  }
0xe4: {  	v4 =	vld [tilespmem:s26+$0x30];
	_ =	sdelay $0x4  }
0xe5: {  	[tilespmem:$0x5170] =	vst v4  }
0xe6: {  	v4 =	vld [tilespmem:s28+$0x30];
	_ =	sdelay $0x4  }
0xe7: {  	[tilespmem:$0x51F0] =	vst v4  }
0xe8: {  	[tilespmem:s18], [sflag:$0x1] =	stream.indirect.gather [hbm4b:s4+s22], $0x80, s23, s22, $0xb8;
	[tilespmem:$0x1CE00] =	vst v63  }
0xe9: {  	_ =	swait.ge [sflag:s21], $0x4000  }
.Ltmp6:
0xea: {  	[sflag:s21] =	ssyncset.done $0x0;
	(pc) =	sbr.rel @p0 .LBB2_7-.Ltmp6, $4  }
0xeb: {  	[sflag:s21] =	ssyncadd.s32 $0xFFFFC000  }
0xec: {  	[spmem:s2] =	stream.indirect.scatter.add.f32 [tilespmem:s18], [sflag:$0x2], $0x80, s24, s22, $0xb8;
	[tilespmem:$0x1CE00] =	vst v63  }
0xed: {  	_ =	swait.ge [sflag:s19], $0x4000  }
0xee: {  	[sflag:s19] =	ssyncset.done $0x0  }
.Ltmp7:
0xef: {  	_ = 	snop;
	(pc) =	sbr.rel .LBB2_8-.Ltmp7, $1  }
0xf0: {  	_ =	sdelay $0x3  }
.LBB2_10:
0xf1: {  	_ =	sfence.sel $0x180000  }
0xf2: {  	[bflag:$0x0] =	sbarrier.arrive $0xFFFF  }
0xf3: {  	p0 =	sne.s32 s0, $0x0;
	_ =	strace $0x9000004D  }
0xf4: {  	s0 =	sadd.s32 @!p0 $0x100000, s1;
	[bflag:$0x2] =	sbarrier.arrive $0xFFFF  }
0xf5: {  	[sflag:s0] =	ssyncadd.tile.s32 @!p0 $0x1;
	_ =	shalt  }
.Lfunc_end2:
_tile_overlayer_lowered:
.L_overlay_start_2:
0xf6: {  	(tag) =	ssettag $0x2  }
0xf7: {  	s0 =	rddreg [dreg:$0x0];
	s2 =	stileid.u32  }
0xf8: {  	s1 =	rddreg [dreg:$0x1];
	p0 =	sne.s32 s2, $0x0  }
0xf9: {  	s3 =	rddreg [dreg:$0x2];
	[bflag:$0x3] =	sbarrier.arrive $0xFFFF;
	s2 =	simm.s32 @!p0 $0x1C02  }
0xfa: {  	[timem:s3], [sflag:s2] =	dma.local @!p0 [hbm:s0], s1  }
0xfb: {  	s0 =	simm.s32 @!p0 $0x2  }
0xfc: {  	_ =	swait.ge @!p0 [sflag:s0], s1  }
0xfd: {  	s1 =	ssub.s32 @!p0 $0x0, s1;
	[sflag:s0] =	ssyncset.done @!p0 $0x0  }
0xfe: {  	[sflag:s0] =	ssyncadd.s32 @!p0 s1  }
0xff: {  	[bflag:$0x3] =	sbarrier.arrive $0xFFFF  }
0x100: {  	_ =	shalt  }

// kernel: kernel.20.cloned.1.call-start
scs
__scs_entry_jumppad:
0x0: {  	(pc) =	sbr.rel $0x88, $3  }
0x1: {  	(tag) =	ssettag $0x0;
	lr =	simm.s32 $0x1  }
0x2: {  	[smem:$0x3F96] =	sst lr;
	_ =	strace $0xD0000000  }
0x3: {  	_ = 	snop  }
0x4: {  	_ = 	snop  }
0x5: {  	_ = 	snop  }
0x6: {  	_ = 	snop  }
0x7: {  	_ = 	snop  }
__scs_overlays_trampoline_lowered:
0x8: {  	[smem:$0x3FA5] =	sst s0  }
0x9: {  	[smem:$0x3FA6] =	sst s1  }
0xa: {  	[smem:$0x3FA7] =	sst s2  }
0xb: {  	[smem:$0x3FA8] =	sst s3  }
0xc: {  	[smem:$0x3FA9] =	sst s4  }
0xd: {  	[smem:$0x3FAA] =	sst s5  }
0xe: {  	[smem:$0x3FAB] =	sst s6  }
0xf: {  	[smem:$0x3FAC] =	sst s7  }
0x10: {  	[smem:$0x3FAD] =	sst s8  }
0x11: {  	[smem:$0x3FAE] =	sst s9;
	s0 =	simm.s32 @!p0 $0x0  }
0x12: {  	s1 =	sld [smem:$0x3F94];
	s0 =	simm.s32 @p0 $0x1  }
0x13: {  	[smem:$0x3FAF] =	sst s0;
	s0 =	simm.s32 @!p1 $0x0  }
0x14: {  	s2 =	sld [smem:$0x3F93];
	s0 =	simm.s32 @p1 $0x1  }
0x15: {  	[smem:$0x3FB0] =	sst s0;
	s0 =	simm.s32 @!p2 $0x0  }
0x16: {  	s3 =	sld [smem:$0x3FDB];
	s0 =	simm.s32 @p2 $0x1  }
0x17: {  	s4 =	simm.s32 $0x1BF5;
	[smem:$0x3FB2] =	sst s0  }
0x18: {  	s0 =	sld [smem:$0x3F95];
	_ =	swait.ge [sflag:s4], $0x0  }
0x19: {  	s7 =	sld [smem:$0x3F96]  }
0x1a: {  	s8 =	sadd.s32 $0xFFFFE003, lr  }
0x1b: {  	s9 =	sadd.s32 $0xFFFFFEF7, lr;
	s5 =	simm.s32 $0xFFFFFFFF;
	p2 =	slt.u32 s8, $0xFFFFF086  }
0x1c: {  	p1 =	slt.u32 s9, $0xF7A;
	s5 =	simm.s32 @!p2 $0x0  }
0x1d: {  	s5 =	simm.s32 @p1 $0x1;
	p0 =	seq.s32 s7, s2  }
0x1e: {  	s7 =	smul.u32 @!p0 $0xF7A, s2;
	p2 =	seq.s32 @!p0 s5, $0x0  }
0x1f: {  	s9 =	smul.u32 $0xF7A, s1;
	s8 =	simm.s32 @!p0 $0x1BF5;
	p2 =	por !p2, p0  }
0x20: {  	[sflag:s8] =	ssyncset.s32 @!p0 $0xFFFFF086;
	s6 =	sadd.s32 @!p0 s3, s7;
	s7 =	simm.s32 @!p0 $0x108  }
0x21: {  	s3 =	sadd.s32 s3, s9;
	s6 =	sadd.s32 @!p0 $0x88, s6;
	s7 =	simm.s32 @p2 $0x1082  }
0x22: {  	[simem:s7], [sflag:s8] =	dma.local @!p0 [hbm:s6], $0xF7A  }
0x23: {  	s9 =	sor.u32 $0xD0000000, s2;
	s6 =	simm.s32 $0x108;
	_ =	swait.ge @!p0 [sflag:s8], $0x0  }
0x24: {  	s3 =	sadd.s32 $0x88, s3;
	s6 =	simm.s32 @!p1 $0x1082;
	[sflag:s4] =	ssyncset.s32 $0xFFFFF086  }
0x25: {  	[simem:s6], [sflag:s4] =	dma.local [hbm:s3], $0xF7A  }
0x26: {  	[smem:$0x3F96] =	sst s1;
	(tag) =	ssettag s2;
	_ =	strace s9  }
0x27: {  	s1 =	sld [smem:$0x3FA6]  }
0x28: {  	s2 =	sld [smem:$0x3FA7]  }
0x29: {  	s4 =	sld [smem:$0x3FA9]  }
0x2a: {  	p0 =	seq.s32 s5, $0x0;
	s5 =	sld [smem:$0x3FAA]  }
0x2b: {  	s6 =	sld [smem:$0x3FAB]  }
0x2c: {  	s7 =	sld [smem:$0x3FAC]  }
0x2d: {  	s3 =	simm.s32 $0x108;
	s8 =	sld [smem:$0x3FAD]  }
0x2e: {  	s3 =	simm.s32 @!p0 $0x1082;
	s9 =	sld [smem:$0x3FAE]  }
0x2f: {  	lr =	sadd.s32 s0, s3;
	s0 =	sld [smem:$0x3FA5]  }
0x30: {  	s3 =	sld [smem:$0x3FA8]  }
0x31: {  	[smem:$0x3FB1] =	sst s10  }
0x32: {  	s10 =	sld [smem:$0x3FAF];
	_ =	sdelay $0x3  }
0x33: {  	p0 =	seq.s32 s10, $0x1;
	s10 =	sld [smem:$0x3FB1];
	_ =	sdelay $0x3  }
0x34: {  	[smem:$0x3FB1] =	sst s10  }
0x35: {  	s10 =	sld [smem:$0x3FB0];
	_ =	sdelay $0x3  }
0x36: {  	p1 =	seq.s32 s10, $0x1;
	s10 =	sld [smem:$0x3FB1];
	_ =	sdelay $0x3  }
0x37: {  	[smem:$0x3FB1] =	sst s10  }
0x38: {  	s10 =	sld [smem:$0x3FB2]  }
0x39: {  	_ = 	snop;
	(pc) =	sbr.ind lr, $3  }
0x3a: {  	_ = 	snop  }
0x3b: {  	_ = 	snop  }
0x3c: {  	p2 =	seq.s32 s10, $0x1;
	s10 =	sld [smem:$0x3FB1]  }
0x3d: {  	_ =	shalt  }
0x3e: {  	_ =	shalt  }
0x3f: {  	_ =	shalt  }
0x40: {  	_ =	shalt  }
0x41: {  	_ =	shalt  }
0x42: {  	_ =	shalt  }
0x43: {  	_ =	shalt  }
0x44: {  	_ =	shalt  }
0x45: {  	_ =	shalt  }
0x46: {  	_ =	shalt  }
0x47: {  	_ =	shalt  }
0x48: {  	_ =	shalt  }
0x49: {  	_ =	shalt  }
0x4a: {  	_ =	shalt  }
0x4b: {  	_ =	shalt  }
0x4c: {  	_ =	shalt  }
0x4d: {  	_ =	shalt  }
0x4e: {  	_ =	shalt  }
0x4f: {  	_ =	shalt  }
0x50: {  	_ =	shalt  }
0x51: {  	_ =	shalt  }
0x52: {  	_ =	shalt  }
0x53: {  	_ =	shalt  }
0x54: {  	_ =	shalt  }
0x55: {  	_ =	shalt  }
0x56: {  	_ =	shalt  }
0x57: {  	_ =	shalt  }
0x58: {  	_ =	shalt  }
0x59: {  	_ =	shalt  }
0x5a: {  	_ =	shalt  }
0x5b: {  	_ =	shalt  }
0x5c: {  	_ =	shalt  }
0x5d: {  	_ =	shalt  }
0x5e: {  	_ =	shalt  }
0x5f: {  	_ =	shalt  }
0x60: {  	_ =	shalt  }
0x61: {  	_ =	shalt  }
0x62: {  	_ =	shalt  }
0x63: {  	_ =	shalt  }
0x64: {  	_ =	shalt  }
0x65: {  	_ =	shalt  }
0x66: {  	_ =	shalt  }
0x67: {  	_ =	shalt  }
0x68: {  	_ =	shalt  }
0x69: {  	_ =	shalt  }
0x6a: {  	_ =	shalt  }
0x6b: {  	_ =	shalt  }
0x6c: {  	_ =	shalt  }
0x6d: {  	_ =	shalt  }
0x6e: {  	_ =	shalt  }
0x6f: {  	_ =	shalt  }
0x70: {  	_ =	shalt  }
0x71: {  	_ =	shalt  }
0x72: {  	_ =	shalt  }
0x73: {  	_ =	shalt  }
0x74: {  	_ =	shalt  }
0x75: {  	_ =	shalt  }
0x76: {  	_ =	shalt  }
0x77: {  	_ =	shalt  }
0x78: {  	_ =	shalt  }
0x79: {  	_ =	shalt  }
0x7a: {  	_ =	shalt  }
0x7b: {  	_ =	shalt  }
0x7c: {  	_ =	shalt  }
0x7d: {  	_ =	shalt  }
0x7e: {  	_ =	shalt  }
0x7f: {  	_ =	shalt  }
0x80: {  	_ =	shalt  }
0x81: {  	_ =	shalt  }
0x82: {  	_ =	shalt  }
0x83: {  	_ =	shalt  }
0x84: {  	_ =	shalt  }
0x85: {  	_ =	shalt  }
0x86: {  	_ =	shalt  }
0x87: {  	_ =	shalt  }
.Lfunc_end0:
.L_simem_size_0:
called_computation.3_lowered:
.L_overlay_start_0:
0x88: {  	s2 =	sld [smem:$0x3FD9]  }
0x89: {  	s3 =	sld [smem:$0x3FFE];
	_ =	sdelay $0x1  }
0x8a: {  	s1 =	srdreg.scid  }
0x8b: {  	s0 =	sand.u32 $0x1, s1  }
0x8c: {  	s16 =	sshll.u32 s0, $0xA;
	s2 =	sadd.s32 s3, s2  }
0x8d: {  	s2 =	sadd.s32 s2, s16  }
0x8e: {  	[smem:$0x3FBD] =	sst s2  }
0x8f: {  	_ = 	snop  }
0x90: {  	(tm) =	ssettm $0x1  }
0x91: {  	s17 =	sld [smem:$0x3FFB];
	_ =	sdelay $0x3  }
0x92: {  	_ =	strace s17  }
0x93: {  	s2 =	sld [smem:$0x3FFC];
	_ =	sdelay $0x3  }
0x94: {  	_ =	strace s2  }
0x95: {  	s2 =	sld [smem:$0x3FFD];
	_ =	sdelay $0x3  }
0x96: {  	_ =	strace s2  }
0x97: {  	_ =	strace $0x8FFFFFFF  }
0x98: {  	s18 =	sld [smem:$0x3FDB];
	_ =	sdelay $0x1  }
0x99: {  	s19 =	simm.s32 $_scs_section_size  }
0x9a: {  	s4 =	simm.s32 $_size__tile_overlayer_lowered;
	s5 =	simm.s32 $_tile_overlayer_lowered  }
0x9b: {  	s22 =	simm.s32 $0x1BFF;
	s21 =	sshll.u32 s5, $0x1;
	s2 =	sadd.s32 s19, s18  }
0x9c: {  	s6 =	simm.s32 $0x0;
	s20 =	sshll.u32 s4, $0x1;
	s4 =	sadd.s32 s21, s2  }
0x9d: {  	[timem:s6], [sflag:s22] =	dma.local [hbm:s4], s20  }
0x9e: {  	_ =	swait.ge [sflag:s22], s20  }
0x9f: {  	s3 =	ssub.s32 $0x0, s20;
	[sflag:s22] =	ssyncset.done $0x0  }
0xa0: {  	[sflag:s22] =	ssyncadd.s32 s3;
	_ =	sdelay $0x1  }
0xa1: {  	s23 =	simm.s32 $0x1B8B  }
0xa2: {  	_ =	swait.ge [sflag:s23], $0x1  }
0xa3: {  	[sflag:s23] =	ssyncset.done $0x0  }
0xa4: {  	s25 =	simm.s32 $0x1B8E;
	s24 =	sld [smem:$0x3FFE];
	[sflag:s23] =	ssyncadd.s32 $0xFFFFFFFF  }
0xa5: {  	s26 =	simm.s32 $execute0_lowered;
	[smem:$0x3FD2] =	sst s25  }
0xa6: {  	s4 =	sshll.u32 s26, $0x1;
	_ =	strace $0x8000004F;
	[dreg:$0x1] =	wrdreg $0xFFFFFFFF  }
0xa7: {  	s28 =	simm.s32 $_size_execute0_lowered;
	s2 =	sadd.s32 s2, s4;
	[dreg:$0x0] =	wrdreg $0x0  }
0xa8: {  	s4 =	sshll.u32 s28, $0x1;
	[dreg:$0x2] =	wrdreg s2  }
0xa9: {  	[dreg:$0x3] =	wrdreg s4  }
0xaa: {  	[dreg:$0x4] =	wrdreg $0xC0  }
0xab: {  	_ =	task [dreg:s6], $0x5FFFF  }
0xac: {  	[dreg:$0x1] =	wrdreg $0xFFFFFFFF  }
0xad: {  	[dreg:$0x0] =	wrdreg $0x60  }
0xae: {  	[dreg:$0x2] =	wrdreg s24  }
0xaf: {  	[dreg:$0x3] =	wrdreg $0x92000  }
0xb0: {  	[dreg:$0x4] =	wrdreg $0x9  }
0xb1: {  	_ =	task.clear_ibuf [dreg:s6], $0x5FFFF;
	_ =	strace $0x9000004F  }
0xb2: {  	s29 =	simm.s32 $0x9;
	_ =	strace $0x80000051  }
0xb3: {  	_ =	swait.ge [sflag:s29], $0x1  }
0xb4: {  	[sflag:s29] =	ssyncadd.s32 $0xFFFFFFFF  }
0xb5: {  	_ =	strace $0x90000051  }
0xb6: {  	_ =	sfence  }
0xb7: {  	s30 =	sld [smem:$0x0];
	_ =	sdelay $0x2  }
0xb8: {  	s31 =	sshll.u32 s1, $0xD;
	s1 =	sshrl.u32 s1, $0x2  }
0xb9: {  	s3 =	sand.u32 $0x4000, s31;
	s1 =	sadd.s32 s1, s30  }
0xba: {  	s0 =	sor.u32 s3, s0;
	s1 =	sshll.u32 s1, $0x11  }
0xbb: {  	s0 =	sor.u32 s1, s0  }
0xbc: {  	s0 =	sadd.s32 $0x8F2B, s0  }
0xbd: {  	[sflag:s0] =	ssyncadd.remote.s32 $0x1  }
0xbe: {  	_ =	sfence.sel $0xFFFF  }
0xbf: {  	[dreg:$0x0] =	wrdreg $0xFFFFFFFF;
	(pc) =	sbr.abs _section_cstart, $3  }
0xc0: {  	[dreg:$0x1] =	wrdreg $0xFFFFFFFF  }
0xc1: {  	_ =	task.clear_ibuf [dreg:s6], $0x2FFFF;
	_ =	strace $0x9FFFFFFF  }
0xc2: {  	(tm) =	ssettm $0x7FFFFFFF  }
0xc3: {  	_ =	shalt  }
tec
execute0_lowered:
.L_overlay_start_1:
0x0: {  	(tag) =	ssettag $0x1  }
0x1: {  	s1 =	srdreg.scid;
	s5 =	rddreg [dreg:$0x0]  }
0x2: {  	s0 =	stileid.u32;
	s2 =	rddreg [dreg:$0x1]  }
0x3: {  	s3 =	simm.s32 $0x0;
	s21 =	simm.s32 $0x1;
	s22 =	simm.s32 $0x80  }
0x4: {  	s23 =	simm.s32 $0x5100;
	s24 =	simm.s32 $0x5180;
	s25 =	simm.s32 $0x0  }
0x5: {  	s7 =	sand.u32 $0x1, s1;
	s1 =	rddreg [dreg:$0x2];
	s6 =	smul.u32 $0x4F000, s0  }
0x6: {  	s30 =	sshll.u32 s0, $0x1;
	[smem:$0x7FF] =	sst s3;
	s10 =	smul.u32 $0x13C00, s0  }
0x7: {  	s16 =	sadd.s32 $0x3C400, s5;
	s4 =	sor.u32 s7, s30;
	s18 =	smul.u32 $0x13C000, s7  }
0x8: {  	_ =	strace $0x80000050;
	s31 =	ssub.s32 $0x2, s7;
	s4 =	smul.u32 $0x4F0, s4  }
0x9: {  	s8 =	sshrl.u32 s31, $0x1;
	s6 =	sshrl.u32 s6, $0x2;
	s12 =	sadd.s32 $0x4000, s10  }
0xa: {  	s14 =	sadd.s32 $0x8000, s10;
	s15 =	sadd.s32 $0xC000, s10;
	s19 =	sadd.s32 $0x10000, s10  }
0xb: {  	s17 =	ssub.s32 s31, s8;
	s7 =	sadd.s32 s14, s2;
	s8 =	sadd.s32 s15, s2  }
0xc: {  	s9 =	sadd.s32 s19, s2;
	s13 =	sadd.s32 s10, s18;
	s14 =	sadd.s32 s18, s14  }
0xd: {  	s15 =	sadd.s32 s18, s15;
	s11 =	sadd.s32 s4, s5;
	s4 =	sadd.s32 $0x95200, s5  }
0xe: {  	s5 =	sadd.s32 s6, s2;
	s6 =	sadd.s32 s12, s2;
	s12 =	sadd.s32 s18, s12  }
0xf: {  	s13 =	sshrl.u32 s13, $0x3;
	s18 =	sadd.s32 s18, s19;
	s14 =	sshrl.u32 s14, $0x3  }
.Ltmp0:
0x10: {  	s15 =	sshrl.u32 s15, $0x3;
	s17 =	smax.u32 s17, $0x1;
	(pc) =	sbr.rel .LBB2_1-.Ltmp0, $4  }
0x11: {  	s19 =	simm.s32 $0x2;
	s10 =	sadd.s32 $0x8B400, s11;
	s20 =	sshrl.u32 s12, $0x3  }
0x12: {  	s11 =	sadd.s32 $0x32600, s11;
	s12 =	sadd.s32 s16, s13;
	s18 =	sshrl.u32 s18, $0x3  }
0x13: {  	v0 =	vimm.f32 $0.0e+00;
	v2 =	vlaneseq.u32;
	s14 =	sadd.s32 s16, s14;
	s15 =	sadd.s32 s16, s15;
	s13 =	sadd.s32 s16, s20  }
0x14: {  	v1 =	vimm.s32 $0x0;
	v3 =	vimm.s32 $0x2710;
	v2 =	vor.u32 $0x2800, v2;
	s16 =	sadd.s32 s16, s18;
	s18 =	simm.s32 $0x5200;
	s20 =	simm.s32 $0x2880  }
.LBB2_8:
0x15: {  	[sflag:s19] =	ssyncadd.s32 $0xFFFFC000  }
.LBB2_9:
0x16: {  	s26 =	sshll.u32 s0, $0x6  }
0x17: {  	[bflag:$0x0] =	sbarrier.arrive $0xFFFF;
	s28 =	sshrl.u32 s5, $0x3;
	s26 =	sor.u32 $0x1C02, s26  }
0x18: {  	[hbm:s12], [sflag:s26] =	dma.local [spmem:s28], $0x800  }
0x19: {  	_ =	swait.ge [sflag:s19], $0x800  }
0x1a: {  	[sflag:s19] =	ssyncset.done $0x0  }
0x1b: {  	s31 =	sshrl.u32 s6, $0x3;
	[sflag:s19] =	ssyncadd.s32 $0xFFFFF800  }
0x1c: {  	[hbm:s13], [sflag:s26] =	dma.local [spmem:s31], $0x800  }
0x1d: {  	_ =	swait.ge [sflag:s19], $0x800  }
0x1e: {  	[sflag:s19] =	ssyncset.done $0x0  }
0x1f: {  	s29 =	sshrl.u32 s7, $0x3;
	[sflag:s19] =	ssyncadd.s32 $0xFFFFF800  }
0x20: {  	[hbm:s14], [sflag:s26] =	dma.local [spmem:s29], $0x800  }
0x21: {  	_ =	swait.ge [sflag:s19], $0x800  }
0x22: {  	[sflag:s19] =	ssyncset.done $0x0  }
0x23: {  	s30 =	sshrl.u32 s8, $0x3;
	[sflag:s19] =	ssyncadd.s32 $0xFFFFF800  }
0x24: {  	[hbm:s15], [sflag:s26] =	dma.local [spmem:s30], $0x800  }
0x25: {  	s25 =	sadd.s32 $0x1, s25;
	_ =	swait.ge [sflag:s19], $0x800  }
0x26: {  	p0 =	sne.s32 s25, s17;
	[sflag:s19] =	ssyncset.done $0x0  }
.Ltmp1:
0x27: {  	s31 =	sshrl.u32 s9, $0x3;
	[sflag:s19] =	ssyncadd.s32 $0xFFFFF800;
	(pc) =	sbr.rel @!p0 .LBB2_10-.Ltmp1, $4  }
0x28: {  	[hbm:s16], [sflag:s26] =	dma.local [spmem:s31], $0x780  }
0x29: {  	_ =	swait.ge [sflag:s19], $0x780  }
0x2a: {  	[sflag:s19] =	ssyncset.done $0x0  }
0x2b: {  	[sflag:s19] =	ssyncadd.s32 $0xFFFFF880  }
.LBB2_1:
0x2c: {  	s26 =	simm.s32 $0x0;
	s28 =	simm.s32 $0x200  }
.LBB2_2:
0x2d: {  	p0 =	sne.s32 s28, $0xFE00;
	[tilespmem:s26+$0x5270] =	vst v0  }
0x2e: {  	[tilespmem:s26+$0x5200] =	vst v0  }
0x2f: {  	[tilespmem:s26+$0x5210] =	vst v0  }
.Ltmp2:
0x30: {  	[tilespmem:s26+$0x5220] =	vst v0;
	(pc) =	sbr.rel @p0 .LBB2_2-.Ltmp2, $4  }
0x31: {  	[tilespmem:s26+$0x5230] =	vst v0  }
0x32: {  	[tilespmem:s26+$0x5240] =	vst v0  }
0x33: {  	[tilespmem:s26+$0x5250] =	vst v0  }
0x34: {  	[tilespmem:s26+$0x5260] =	vst v0;
	s26 =	sshra.s32 s28, $0x2;
	s28 =	sadd.s32 $0x200, s28  }
0x35: {  	[tilespmem:s26+$0x5270] =	vst v0  }
0x36: {  	[tilespmem:s26+$0x5200] =	vst v0  }
0x37: {  	[tilespmem:s26+$0x5210] =	vst v0  }
0x38: {  	[tilespmem:s26+$0x5220] =	vst v0  }
0x39: {  	[tilespmem:s26+$0x5230] =	vst v0  }
0x3a: {  	[tilespmem:s26+$0x5240] =	vst v0  }
0x3b: {  	[tilespmem:s26+$0x5250] =	vst v0  }
0x3c: {  	[tilespmem:s26+$0x5260] =	vst v0  }
0x3d: {  	[spmem:s5] =	stream.linear.scatter [tilespmem:s18], [sflag:$0x2], $0x4000, $0x38;
	[tilespmem:$0x1CE00] =	vst v63  }
0x3e: {  	_ =	swait.ge [sflag:s19], $0x4000  }
0x3f: {  	[sflag:s19] =	ssyncset.done $0x0  }
0x40: {  	[sflag:s19] =	ssyncadd.s32 $0xFFFFC000  }
0x41: {  	[spmem:s6] =	stream.linear.scatter [tilespmem:s18], [sflag:$0x2], $0x4000, $0x38;
	[tilespmem:$0x1CE00] =	vst v63  }
0x42: {  	_ =	swait.ge [sflag:s19], $0x4000  }
0x43: {  	[sflag:s19] =	ssyncset.done $0x0  }
0x44: {  	[sflag:s19] =	ssyncadd.s32 $0xFFFFC000  }
0x45: {  	[spmem:s7] =	stream.linear.scatter [tilespmem:s18], [sflag:$0x2], $0x4000, $0x38;
	[tilespmem:$0x1CE00] =	vst v63  }
0x46: {  	_ =	swait.ge [sflag:s19], $0x4000  }
0x47: {  	[sflag:s19] =	ssyncset.done $0x0  }
0x48: {  	[sflag:s19] =	ssyncadd.s32 $0xFFFFC000  }
0x49: {  	[spmem:s8] =	stream.linear.scatter [tilespmem:s18], [sflag:$0x2], $0x4000, $0x38;
	[tilespmem:$0x1CE00] =	vst v63  }
0x4a: {  	_ =	swait.ge [sflag:s19], $0x4000  }
0x4b: {  	[sflag:s19] =	ssyncset.done $0x0  }
0x4c: {  	[sflag:s19] =	ssyncadd.s32 $0xFFFFC000  }
0x4d: {  	[spmem:s9] =	stream.linear.scatter [tilespmem:s18], [sflag:$0x2], $0x3C00, $0x38;
	[tilespmem:$0x1CE00] =	vst v63  }
0x4e: {  	_ =	swait.ge [sflag:s19], $0x3C00  }
0x4f: {  	[sflag:s19] =	ssyncset.done $0x0  }
0x50: {  	s26 =	simm.s32 $0x0;
	[sflag:s19] =	ssyncadd.s32 $0xFFFFC400  }
0x51: {  	[tilespmem:s26], [sflag:$0x2] =	stream.linear.gather [hbm4b:s10+s26], $0x2780, $0x38;
	[tilespmem:$0x1CE00] =	vst v63  }
0x52: {  	_ =	swait.ge [sflag:s19], $0x2780  }
0x53: {  	[sflag:s19] =	ssyncset.done $0x0  }
0x54: {  	[sflag:s19] =	ssyncadd.s32 $0xFFFFD880  }
0x55: {  	[tilespmem:s20], [sflag:$0x2] =	stream.linear.gather [hbm4b:s11+s26], $0x2780, $0x38;
	[tilespmem:$0x1CE00] =	vst v63  }
0x56: {  	_ =	swait.ge [sflag:s19], $0x2780  }
0x57: {  	[sflag:s19] =	ssyncset.done $0x0  }
0x58: {  	s28 =	simm.s32 $0x0;
	[sflag:s19] =	ssyncadd.s32 $0xFFFFD880  }
0x59: {  	v4 =	vld [tilespmem:s28+$0x2880];
	_ =	sdelay $0x4  }
0x5a: {  	vm0 =	vlt.s32 v4, $0x2710  }
0x5b: {  	v5 =	vsel vm0, $0x1, v1  }
0x5c: {  	(xrf0) =	vadd.scan.msk.s32 $0xffff, v5;
	_ =	sdelay $0x5  }
0x5d: {  	v6, _, _ =	vpop (xrf0)  }
0x5e: {  	v5 =	vmov s26;
	v7 =	vxor.u32 $0x80000000, v6  }
0x5f: {  	v5 =	vadd.s32 $0xFFFFFFFF, v5;
	(xrf0) =	vmax.scan.msk.u32 $0xffff, v7  }
0x60: {  	v5 =	vbroadcast v5, $0x0;
	_ =	sdelay $0x1  }
0x61: {  	v5 =	vadd.s32 v6, v5  }
0x62: {  	v5 =	vsel vm0, v5, v2  }
0x63: {  	v63 =	vld [tilespmem:s28+$0x0]  }
0x64: {  	v7, _, _ =	vpop (xrf0)  }
0x65: {  	(v2sf) =	vpush v7, $0xF;
	_ =	sdelay $0x1  }
0x66: {  	[tilespmem:v5+s20+$0x0] =	vst.idx.msk $0xffff, v4  }
0x67: {  	s29 =	simm.s32 $0x80;
	s28 =	simm.s32 $0x10;
	[tilespmem:v5+s3+$0x0] =	vst.idx.msk $0xffff, v63  }
.LBB2_4:
0x68: {  	p0 =	sne.s32 s29, $0x9DC0;
	v4 =	vld [tilespmem:s28+$0x2880];
	_ =	sdelay $0x4  }
0x69: {  	vm0 =	vlt.s32 v4, $0x2710  }
0x6a: {  	v5 =	vsel vm0, $0x1, v1  }
0x6b: {  	(xrf0) =	vadd.scan.msk.s32 $0xffff, v5;
	_ =	sdelay $0x3  }
0x6c: {  	s30 =	spop (v2sf)  }
0x6d: {  	s26 =	sadd.s32 s30, s26  }
0x6e: {  	v5, _, _ =	vpop (xrf0);
	s26 =	sadd.s32 $0x80000000, s26  }
0x6f: {  	v6 =	vmov s26;
	v7 =	vxor.u32 $0x80000000, v5  }
0x70: {  	v6 =	vadd.s32 $0xFFFFFFFF, v6;
	(xrf0) =	vmax.scan.msk.u32 $0xffff, v7  }
0x71: {  	v6 =	vbroadcast v6, $0x0;
	_ =	sdelay $0x1  }
0x72: {  	v5 =	vadd.s32 v5, v6  }
0x73: {  	v5 =	vsel vm0, v5, v2  }
0x74: {  	v6 =	vld [tilespmem:s28+$0x0]  }
.Ltmp3:
0x75: {  	v7, _, _ =	vpop (xrf0);
	(pc) =	sbr.rel @p0 .LBB2_4-.Ltmp3, $3  }
0x76: {  	(v2sf) =	vpush v7, $0xF;
	_ =	sdelay $0x1  }
0x77: {  	[tilespmem:v5+s20+$0x0] =	vst.idx.msk $0xffff, v4  }
0x78: {  	s28 =	sshra.s32 s29, $0x2;
	s29 =	sadd.s32 $0x40, s29;
	[tilespmem:v5+s3+$0x0] =	vst.idx.msk $0xffff, v6  }
0x79: {  	v4 =	vld [tilespmem:s28+$0x2880];
	_ =	sdelay $0x4  }
0x7a: {  	vm0 =	vlt.s32 v4, $0x2710  }
0x7b: {  	v5 =	vsel vm0, $0x1, v1  }
0x7c: {  	(xrf0) =	vadd.scan.msk.s32 $0xffff, v5;
	_ =	sdelay $0x5  }
0x7d: {  	v5, _, _ =	vpop (xrf0)  }
0x7e: {  	v6 =	vxor.u32 $0x80000000, v5  }
0x7f: {  	(xrf0) =	vmax.scan.msk.u32 $0xffff, v6;
	_ =	sdelay $0x5  }
0x80: {  	v6, _, _ =	vpop (xrf0)  }
0x81: {  	(v2sf) =	vpush v6, $0xF;
	_ =	sdelay $0x2  }
0x82: {  	s29 =	spop (v2sf)  }
0x83: {  	s26 =	sadd.s32 s29, s26  }
0x84: {  	s26 =	sadd.s32 $0x80000000, s26  }
0x85: {  	v62 =	vmov s26  }
0x86: {  	v6 =	vadd.s32 $0xFFFFFFFF, v62  }
0x87: {  	v6 =	vbroadcast v6, $0x0;
	_ =	sdelay $0x1  }
0x88: {  	v5 =	vadd.s32 v5, v6  }
0x89: {  	v5 =	vsel vm0, v5, v2  }
0x8a: {  	v63 =	vld [tilespmem:s28+$0x0];
	_ =	sdelay $0x2  }
0x8b: {  	s30 =	spop (v2sf)  }
0x8c: {  	[tilespmem:v5+s20+$0x0] =	vst.idx.msk $0xffff, v4;
	s26 =	sadd.s32 s30, s26  }
0x8d: {  	[tilespmem:v5+s3+$0x0] =	vst.idx.msk $0xffff, v63;
	s26 =	sadd.s32 $0x80000000, s26  }
0x8e: {  	[tilespmem:s26+$0x2880] =	vst v3  }
0x8f: {  	[tilespmem:s26+$0x0] =	vst v1  }
0x90: {  	[tilespmem:s26+$0x2890] =	vst v3  }
0x91: {  	[tilespmem:s26+$0x10] =	vst v1  }
0x92: {  	[tilespmem:s26+$0x28A0] =	vst v3  }
0x93: {  	[tilespmem:s26+$0x20] =	vst v1;
	s31 =	sadd.s32 $0x7F, s26  }
0x94: {  	[tilespmem:s26+$0x28B0] =	vst v3;
	s29 =	sand.u32 $0x7F, s31  }
0x95: {  	[tilespmem:s26+$0x30] =	vst v1;
	p1 =	slt.s32 s31, $0x1;
	p0 =	sne.s32 s29, $0x0;
	s29 =	sshra.s32 s31, $0x1F  }
0x96: {  	[tilespmem:s26+$0x28C0] =	vst v3;
	s29 =	sshrl.u32 s29, $0x19;
	p0 =	por !p1, !p0  }
0x97: {  	[tilespmem:s26+$0x40] =	vst v1;
	s28 =	sadd.s32 s29, s31;
	p0 =	por !p0, !p0;
	s29 =	simm.s32 $0x1  }
0x98: {  	[tilespmem:s26+$0x28D0] =	vst v3;
	s28 =	sshra.s32 s28, $0x7;
	s29 =	simm.s32 @!p0 $0x0  }
0x99: {  	[tilespmem:s26+$0x50] =	vst v1;
	s29 =	ssub.s32 s28, s29  }
0x9a: {  	[tilespmem:s26+$0x28E0] =	vst v3;
	p0 =	slt.s32 s29, $0x1  }
.Ltmp4:
0x9b: {  	[tilespmem:s26+$0x60] =	vst v1;
	(pc) =	sbr.rel @p0 .LBB2_9-.Ltmp4, $3  }
0x9c: {  	[tilespmem:s26+$0x28F0] =	vst v3  }
0x9d: {  	[tilespmem:s26+$0x70] =	vst v1  }
0x9e: {  	[bflag:$0x0] =	sbarrier.arrive $0xFFFF;
	_ =	sdelay $0x1  }
0x9f: {  	s26 =	simm.s32 $0x40  }
0xa0: {  	v4 =	vld [tilespmem:s26+$0xFFFFFFC0];
	_ =	sdelay $0x4  }
0xa1: {  	s28 =	simm.s32 $0x28C0;
	[tilespmem:$0x5100] =	vst v4  }
0xa2: {  	v4 =	vld [tilespmem:s28+$0xFFFFFFC0];
	_ =	sdelay $0x4  }
0xa3: {  	[tilespmem:$0x5180] =	vst v4  }
0xa4: {  	v4 =	vld [tilespmem:s26+$0xFFFFFFD0];
	_ =	sdelay $0x4  }
0xa5: {  	[tilespmem:$0x5110] =	vst v4  }
0xa6: {  	v4 =	vld [tilespmem:s28+$0xFFFFFFD0];
	_ =	sdelay $0x4  }
0xa7: {  	[tilespmem:$0x5190] =	vst v4  }
0xa8: {  	v4 =	vld [tilespmem:s26+$0xFFFFFFE0];
	_ =	sdelay $0x4  }
0xa9: {  	[tilespmem:$0x5120] =	vst v4  }
0xaa: {  	v4 =	vld [tilespmem:s28+$0xFFFFFFE0];
	_ =	sdelay $0x4  }
0xab: {  	[tilespmem:$0x51A0] =	vst v4  }
0xac: {  	v4 =	vld [tilespmem:s26+$0xFFFFFFF0];
	_ =	sdelay $0x4  }
0xad: {  	[tilespmem:$0x5130] =	vst v4  }
0xae: {  	v4 =	vld [tilespmem:s28+$0xFFFFFFF0];
	_ =	sdelay $0x4  }
0xaf: {  	[tilespmem:$0x51B0] =	vst v4  }
0xb0: {  	v4 =	vld [tilespmem:s26+$0x0];
	_ =	sdelay $0x4  }
0xb1: {  	[tilespmem:$0x5140] =	vst v4  }
0xb2: {  	v4 =	vld [tilespmem:s28+$0x0];
	_ =	sdelay $0x4  }
0xb3: {  	[tilespmem:$0x51C0] =	vst v4  }
0xb4: {  	v4 =	vld [tilespmem:s26+$0x10];
	_ =	sdelay $0x4  }
0xb5: {  	[tilespmem:$0x5150] =	vst v4  }
0xb6: {  	v4 =	vld [tilespmem:s28+$0x10];
	_ =	sdelay $0x4  }
0xb7: {  	[tilespmem:$0x51D0] =	vst v4  }
0xb8: {  	v4 =	vld [tilespmem:s26+$0x20];
	_ =	sdelay $0x4  }
0xb9: {  	[tilespmem:$0x5160] =	vst v4  }
0xba: {  	v4 =	vld [tilespmem:s28+$0x20];
	_ =	sdelay $0x4  }
0xbb: {  	[tilespmem:$0x51E0] =	vst v4  }
0xbc: {  	v4 =	vld [tilespmem:s26+$0x30];
	_ =	sdelay $0x4  }
0xbd: {  	[tilespmem:$0x5170] =	vst v4  }
0xbe: {  	v4 =	vld [tilespmem:s28+$0x30];
	_ =	sdelay $0x4  }
0xbf: {  	[tilespmem:$0x51F0] =	vst v4  }
0xc0: {  	[tilespmem:s18], [sflag:$0x1] =	stream.indirect.gather [hbm4b:s4+s22], $0x80, s23, s22, $0xb8;
	[tilespmem:$0x1CE00] =	vst v63  }
0xc1: {  	p0 =	sne.s32 s29, $0x1;
	_ =	swait.ge [sflag:s21], $0x4000  }
.Ltmp5:
0xc2: {  	[sflag:s21] =	ssyncset.done $0x0;
	(pc) =	sbr.rel @!p0 .LBB2_8-.Ltmp5, $4  }
0xc3: {  	[sflag:s21] =	ssyncadd.s32 $0xFFFFC000  }
0xc4: {  	[spmem:s2] =	stream.indirect.scatter.add.f32 [tilespmem:s18], [sflag:$0x2], $0x80, s24, s22, $0xb8;
	[tilespmem:$0x1CE00] =	vst v63  }
0xc5: {  	_ =	swait.ge [sflag:s19], $0x4000  }
0xc6: {  	s29 =	sadd.s32 $0xFFFFFFFF, s29;
	[sflag:s19] =	ssyncset.done $0x0  }
.LBB2_7:
0xc7: {  	[sflag:s19] =	ssyncadd.s32 $0xFFFFC000;
	s26 =	sadd.s32 $0x80, s26;
	s28 =	sadd.s32 $0x80, s28  }
0xc8: {  	p0 =	sne.s32 s29, $0x1;
	s29 =	sadd.s32 $0xFFFFFFFF, s29;
	v4 =	vld [tilespmem:s26+$0xFFFFFFC0];
	_ =	sdelay $0x4  }
0xc9: {  	[tilespmem:$0x5100] =	vst v4  }
0xca: {  	v4 =	vld [tilespmem:s28+$0xFFFFFFC0];
	_ =	sdelay $0x4  }
0xcb: {  	[tilespmem:$0x5180] =	vst v4  }
0xcc: {  	v4 =	vld [tilespmem:s26+$0xFFFFFFD0];
	_ =	sdelay $0x4  }
0xcd: {  	[tilespmem:$0x5110] =	vst v4  }
0xce: {  	v4 =	vld [tilespmem:s28+$0xFFFFFFD0];
	_ =	sdelay $0x4  }
0xcf: {  	[tilespmem:$0x5190] =	vst v4  }
0xd0: {  	v4 =	vld [tilespmem:s26+$0xFFFFFFE0];
	_ =	sdelay $0x4  }
0xd1: {  	[tilespmem:$0x5120] =	vst v4  }
0xd2: {  	v4 =	vld [tilespmem:s28+$0xFFFFFFE0];
	_ =	sdelay $0x4  }
0xd3: {  	[tilespmem:$0x51A0] =	vst v4  }
0xd4: {  	v4 =	vld [tilespmem:s26+$0xFFFFFFF0];
	_ =	sdelay $0x4  }
0xd5: {  	[tilespmem:$0x5130] =	vst v4  }
0xd6: {  	v4 =	vld [tilespmem:s28+$0xFFFFFFF0];
	_ =	sdelay $0x4  }
0xd7: {  	[tilespmem:$0x51B0] =	vst v4  }
0xd8: {  	v4 =	vld [tilespmem:s26+$0x0];
	_ =	sdelay $0x4  }
0xd9: {  	[tilespmem:$0x5140] =	vst v4  }
0xda: {  	v4 =	vld [tilespmem:s28+$0x0];
	_ =	sdelay $0x4  }
0xdb: {  	[tilespmem:$0x51C0] =	vst v4  }
0xdc: {  	v4 =	vld [tilespmem:s26+$0x10];
	_ =	sdelay $0x4  }
0xdd: {  	[tilespmem:$0x5150] =	vst v4  }
0xde: {  	v4 =	vld [tilespmem:s28+$0x10];
	_ =	sdelay $0x4  }
0xdf: {  	[tilespmem:$0x51D0] =	vst v4  }
0xe0: {  	v4 =	vld [tilespmem:s26+$0x20];
	_ =	sdelay $0x4  }
0xe1: {  	[tilespmem:$0x5160] =	vst v4  }
0xe2: {  	v4 =	vld [tilespmem:s28+$0x20];
	_ =	sdelay $0x4  }
0xe3: {  	[tilespmem:$0x51E0] =	vst v4  }
0xe4: {  	v4 =	vld [tilespmem:s26+$0x30];
	_ =	sdelay $0x4  }
0xe5: {  	[tilespmem:$0x5170] =	vst v4  }
0xe6: {  	v4 =	vld [tilespmem:s28+$0x30];
	_ =	sdelay $0x4  }
0xe7: {  	[tilespmem:$0x51F0] =	vst v4  }
0xe8: {  	[tilespmem:s18], [sflag:$0x1] =	stream.indirect.gather [hbm4b:s4+s22], $0x80, s23, s22, $0xb8;
	[tilespmem:$0x1CE00] =	vst v63  }
0xe9: {  	_ =	swait.ge [sflag:s21], $0x4000  }
.Ltmp6:
0xea: {  	[sflag:s21] =	ssyncset.done $0x0;
	(pc) =	sbr.rel @p0 .LBB2_7-.Ltmp6, $4  }
0xeb: {  	[sflag:s21] =	ssyncadd.s32 $0xFFFFC000  }
0xec: {  	[spmem:s2] =	stream.indirect.scatter.add.f32 [tilespmem:s18], [sflag:$0x2], $0x80, s24, s22, $0xb8;
	[tilespmem:$0x1CE00] =	vst v63  }
0xed: {  	_ =	swait.ge [sflag:s19], $0x4000  }
0xee: {  	[sflag:s19] =	ssyncset.done $0x0  }
.Ltmp7:
0xef: {  	_ = 	snop;
	(pc) =	sbr.rel .LBB2_8-.Ltmp7, $1  }
0xf0: {  	_ =	sdelay $0x3  }
.LBB2_10:
0xf1: {  	_ =	sfence.sel $0x180000  }
0xf2: {  	[bflag:$0x0] =	sbarrier.arrive $0xFFFF  }
0xf3: {  	p0 =	sne.s32 s0, $0x0;
	_ =	strace $0x90000050  }
0xf4: {  	s0 =	sadd.s32 @!p0 $0x100000, s1;
	[bflag:$0x2] =	sbarrier.arrive $0xFFFF  }
0xf5: {  	[sflag:s0] =	ssyncadd.tile.s32 @!p0 $0x1;
	_ =	shalt  }
.Lfunc_end2:
_tile_overlayer_lowered:
.L_overlay_start_2:
0xf6: {  	(tag) =	ssettag $0x2  }
0xf7: {  	s0 =	rddreg [dreg:$0x0];
	s2 =	stileid.u32  }
0xf8: {  	s1 =	rddreg [dreg:$0x1];
	p0 =	sne.s32 s2, $0x0  }
0xf9: {  	s3 =	rddreg [dreg:$0x2];
	[bflag:$0x3] =	sbarrier.arrive $0xFFFF;
	s2 =	simm.s32 @!p0 $0x1C02  }
0xfa: {  	[timem:s3], [sflag:s2] =	dma.local @!p0 [hbm:s0], s1  }
0xfb: {  	s0 =	simm.s32 @!p0 $0x2  }
0xfc: {  	_ =	swait.ge @!p0 [sflag:s0], s1  }
0xfd: {  	s1 =	ssub.s32 @!p0 $0x0, s1;
	[sflag:s0] =	ssyncset.done @!p0 $0x0  }
0xfe: {  	[sflag:s0] =	ssyncadd.s32 @!p0 s1  }
0xff: {  	[bflag:$0x3] =	sbarrier.arrive $0xFFFF  }
0x100: {  	_ =	shalt  }

</sc_bundles>
